<compile_context>
chip_gen: v7x
topology: tpu7x:2x2x1
jax: 0.10.2.dev20260603
libtpu: 0.0.44.dev20260713+nightly
codegen_flags: <defaults>
</compile_context>

<pallas_src>
import functools

import jax
import jax.numpy as jnp
from jax import lax
from jax.experimental import pallas as pl
from jax.experimental.pallas import tpu as pltpu
from jax.experimental.pallas import tpu_sc as plsc

N = 100000
D = 128
S = 512
L = 16
KS = D // L
NW = 32
SPW = S // NW
C = 128
NEG_INF = float("-inf")


def _sqrt(y):
    i = plsc.bitcast(y, jnp.int32)
    i = 0x5F3759DF - lax.shift_right_logical(i, 1)
    r = plsc.bitcast(i, jnp.float32)
    for _ in range(4):
        r = r * (1.5 - 0.5 * y * r * r)
    return y * r


def _sc_body(x_hbm, batch_hbm, out_hbm,
             idx_a, val_a, idx_b, val_b, bnd, xbuf, obuf, sem_a, sem_b):
    wid = lax.axis_index("s") * 2 + lax.axis_index("c")
    lane = lax.iota(jnp.int32, L)

    tgt_a = wid * SPW + lane
    tgt_b = jnp.full((L,), SPW, jnp.int32) + wid * SPW
    lo_a = jnp.zeros((L,), jnp.int32)
    hi_a = jnp.full((L,), N, jnp.int32)
    lo_b = jnp.zeros((L,), jnp.int32)
    hi_b = jnp.full((L,), N, jnp.int32)
    for _ in range(17):
        mid_a = lax.shift_right_logical(lo_a + hi_a, 1)
        mid_b = lax.shift_right_logical(lo_b + hi_b, 1)
        idx_a[...] = jnp.minimum(mid_a, N - 1)
        idx_b[...] = jnp.minimum(mid_b, N - 1)
        cp_a = pltpu.async_copy(batch_hbm.at[idx_a], val_a, sem_a)
        cp_b = pltpu.async_copy(batch_hbm.at[idx_b], val_b, sem_b)
        cp_a.wait()
        cp_b.wait()
        act_a = lo_a < hi_a
        act_b = lo_b < hi_b
        dn_a = act_a & (val_a[...] < tgt_a)
        dn_b = act_b & (val_b[...] < tgt_b)
        lo_a = jnp.where(dn_a, mid_a + 1, lo_a)
        hi_a = jnp.where(act_a & (~dn_a), mid_a, hi_a)
        lo_b = jnp.where(dn_b, mid_b + 1, lo_b)
        hi_b = jnp.where(act_b & (~dn_b), mid_b, hi_b)
    bnd[pl.ds(0, L)] = lo_a
    bnd[pl.ds(L, L)] = lo_b

    def seg_body(s_local, _):
        rs = bnd[pl.ds(s_local, L)][0]
        re = bnd[pl.ds(s_local + 1, L)][0]

        zero = jnp.zeros((L,), jnp.float32)
        ninf = jnp.full((L,), NEG_INF, jnp.float32)
        acc0 = (tuple(zero for _ in range(KS)),
                tuple(zero for _ in range(KS)),
                tuple(ninf for _ in range(KS)))

        rs_al = jnp.bitwise_and(rs, -8)
        nch = lax.shift_right_logical(re - rs_al + (C - 1), 7)

        def p_of(c):
            return pl.multiple_of(jnp.minimum(rs_al + c * C, N - C), 8)

        def start_dma(c):
            p = p_of(c)

            @pl.when(jnp.bitwise_and(c, 1) == 0)
            def _():
                pltpu.async_copy(x_hbm.at[pl.ds(p, C)], xbuf.at[0], sem_a)

            @pl.when(jnp.bitwise_and(c, 1) == 1)
            def _():
                pltpu.async_copy(x_hbm.at[pl.ds(p, C)], xbuf.at[1], sem_b)

        def wait_dma(c):
            p = p_of(c)

            @pl.when(jnp.bitwise_and(c, 1) == 0)
            def _():
                pltpu.make_async_copy(
                    x_hbm.at[pl.ds(p, C)], xbuf.at[0], sem_a).wait()

            @pl.when(jnp.bitwise_and(c, 1) == 1)
            def _():
                pltpu.make_async_copy(
                    x_hbm.at[pl.ds(p, C)], xbuf.at[1], sem_b).wait()

        @pl.when(nch > 0)
        def _():
            start_dma(jnp.int32(0))

        def chunk_body(c, carry):
            p0 = rs_al + c * C
            p = p_of(c)
            lo_r = jnp.maximum(rs, p0) - p
            hi_r = jnp.minimum(re, p0 + C) - p
            par = jnp.bitwise_and(c, 1)
            wait_dma(c)

            @pl.when(c + 1 < nch)
            def _():
                start_dma(c + 1)

            def acc_row(r, rc):
                sums, sqs, mxs = rc
                ns, nq, nm = [], [], []
                for k in range(KS):
                    v = xbuf[par, r, pl.ds(k * L, L)]
                    ns.append(sums[k] + v)
                    nq.append(sqs[k] + v * v)
                    nm.append(jnp.maximum(mxs[k], v))
                return (tuple(ns), tuple(nq), tuple(nm))

            n4 = lax.shift_right_logical(hi_r - lo_r, 2)

            def row_body4(i, rc):
                r = lo_r + i * 4
                for u in range(4):
                    rc = acc_row(r + u, rc)
                return rc

            carry = lax.fori_loop(0, n4, row_body4, carry)
            return lax.fori_loop(lo_r + n4 * 4, hi_r, acc_row, carry)

        sums, sqs, mxs = lax.fori_loop(0, nch, chunk_body, acc0)

        cntf = (re - rs).astype(jnp.float32)
        cnt_v = jnp.zeros((L,), jnp.float32) + cntf
        inv = 1.0 / jnp.maximum(cnt_v, 1.0)
        ob = s_local * (4 * D)
        for k in range(KS):
            mean = sums[k] * inv
            var = jnp.maximum(sqs[k] * inv - mean * mean, 0.0)
            std = _sqrt(var + 1e-6)
            obuf[pl.ds(ob + k * L, L)] = mean
            obuf[pl.ds(ob + D + k * L, L)] = mxs[k]
            obuf[pl.ds(ob + 2 * D + k * L, L)] = sums[k]
            obuf[pl.ds(ob + 3 * D + k * L, L)] = std
        return 0

    lax.fori_loop(0, SPW, seg_body, 0)
    pltpu.sync_copy(obuf, out_hbm.at[pl.ds(wid * SPW * 4 * D, SPW * 4 * D)])


@jax.jit
def kernel(x, batch):
    batch_i32 = batch.astype(jnp.int32)
    mesh = plsc.VectorSubcoreMesh(core_axis_name="c", subcore_axis_name="s")
    f = pl.kernel(
        _sc_body,
        out_type=jax.ShapeDtypeStruct((S * 4 * D,), jnp.float32),
        mesh=mesh,
        compiler_params=pltpu.CompilerParams(needs_layout_passes=False),
        scratch_types=[
            pltpu.VMEM((L,), jnp.int32),
            pltpu.VMEM((L,), jnp.int32),
            pltpu.VMEM((L,), jnp.int32),
            pltpu.VMEM((L,), jnp.int32),
            pltpu.VMEM((2 * L,), jnp.int32),
            pltpu.VMEM((2, C, D), jnp.float32),
            pltpu.VMEM((SPW * 4 * D,), jnp.float32),
            pltpu.SemaphoreType.DMA,
            pltpu.SemaphoreType.DMA,
        ],
    )
    return f(x, batch_i32).reshape(S, 4 * D)

# --- scband reference (transcript-rebuilt; emitter-appended) ---
"""Pipeline reference for scband-graph-readout-4939212391076 (READ-ONLY COPY).

The authoritative reference and input builder live on the scoring server;
editing this copy changes nothing except your own understanding.
"""

import jax, jax.numpy as jnp
import numpy as np

NUM_SEGMENTS = 512

def setup_inputs(seed: int = 0) -> dict:
    key = jax.random.key(seed)
    k1, k2 = jax.random.split(key)
    x = jax.random.normal(k1, (100000, 128), dtype=jnp.float32)
    batch = jnp.sort(jax.random.randint(k2, (100000,), 0, NUM_SEGMENTS)).astype(jnp.int64)
    return {"x": x, "batch": batch}

def reference(x, batch):
    add = jax.ops.segment_sum(x, batch, num_segments=NUM_SEGMENTS)
    counts = jax.ops.segment_sum(jnp.ones((x.shape[0],), dtype=x.dtype), batch, num_segments=NUM_SEGMENTS)
    counts = jnp.maximum(counts, 1.0)
    mean = add / counts[:, None]
    max_ = jax.ops.segment_max(x, batch, num_segments=NUM_SEGMENTS)
    mean_centered = x - mean[batch]
    var = jax.ops.segment_sum(mean_centered ** 2, batch, num_segments=NUM_SEGMENTS) / counts[:, None]
    std = jnp.sqrt(var + 1e-06)
    return jnp.concatenate([mean, max_, add, std], axis=-1)

if __name__ == "__main__":
    import jax
    _d = setup_inputs()
    print(jax.jit(kernel)(*tuple(_d.values())))

</pallas_src>

<mosaic_0001>
#map = affine_map<(d0, d1) -> (0, 0)>
#map1 = affine_map<(d0, d1) -> (0)>
module attributes {stable_mosaic.version = 14 : i64} {
  func.func @_sc_body(%arg0: i32, %arg1: i32, %arg2: memref<100000x128xf32, #tpu.memory_space<hbm>>, %arg3: memref<100000xi32, #tpu.memory_space<hbm>>, %arg4: memref<262144xf32, #tpu.memory_space<hbm>>, %arg5: memref<16xi32, #tpu.memory_space<vmem>>, %arg6: memref<16xi32, #tpu.memory_space<vmem>>, %arg7: memref<16xi32, #tpu.memory_space<vmem>>, %arg8: memref<16xi32, #tpu.memory_space<vmem>>, %arg9: memref<32xi32, #tpu.memory_space<vmem>>, %arg10: memref<2x128x128xf32, #tpu.memory_space<vmem>>, %arg11: memref<8192xf32, #tpu.memory_space<vmem>>, %arg12: memref<!tpu.dma_semaphore, #tpu.memory_space<semaphore_mem>>, %arg13: memref<!tpu.dma_semaphore, #tpu.memory_space<semaphore_mem>>) attributes {dimension_semantics = [#tpu.dimension_semantics<core_parallel>, #tpu.dimension_semantics<subcore_parallel>], iteration_bounds = array<i64: 2, 16>, scalar_prefetch = 0 : i64, scratch_operands = 9 : i64, tpu.core_type = #tpu.core_type<sc_vector_subcore>, window_params = [{transform_indices = #map}, {transform_indices = #map1}, {transform_indices = #map1}]} {
    %mul3A = arith.constant 2 : i32
    %mul3A_0 = arith.muli %arg1, %mul3A : i32
    %add3A = arith.addi %mul3A_0, %arg0 : i32
    %iota3A = tpu.iota {dimensions = array<i32: 0>} : vector<16xi32>
    %mul3A_1 = arith.constant 16 : i32
    %mul3A_2 = arith.muli %add3A, %mul3A_1 : i32
    %add3A_3 = vector.broadcast %mul3A_2 : i32 to vector<16xi32>
    %add3A_4 = arith.addi %add3A_3, %iota3A : vector<16xi32>
    %broadcast_in_dim3A = arith.constant 16 : i32
    %broadcast_in_dim3A_5 = vector.broadcast %broadcast_in_dim3A : i32 to vector<16xi32>
    %mul3A_6 = arith.constant 16 : i32
    %mul3A_7 = arith.muli %add3A, %mul3A_6 : i32
    %add3A_8 = vector.broadcast %mul3A_7 : i32 to vector<16xi32>
    %add3A_9 = arith.addi %broadcast_in_dim3A_5, %add3A_8 : vector<16xi32>
    %broadcast_in_dim3A_10 = arith.constant 0 : i32
    %broadcast_in_dim3A_11 = vector.broadcast %broadcast_in_dim3A_10 : i32 to vector<16xi32>
    %broadcast_in_dim3A_12 = arith.constant 100000 : i32
    %broadcast_in_dim3A_13 = vector.broadcast %broadcast_in_dim3A_12 : i32 to vector<16xi32>
    %broadcast_in_dim3A_14 = arith.constant 0 : i32
    %broadcast_in_dim3A_15 = vector.broadcast %broadcast_in_dim3A_14 : i32 to vector<16xi32>
    %broadcast_in_dim3A_16 = arith.constant 100000 : i32
    %broadcast_in_dim3A_17 = vector.broadcast %broadcast_in_dim3A_16 : i32 to vector<16xi32>
    %add3A_18 = arith.addi %broadcast_in_dim3A_11, %broadcast_in_dim3A_13 : vector<16xi32>
    %shift_right_logical3A = arith.constant 1 : i32
    %shift_right_logical3A_19 = vector.broadcast %shift_right_logical3A : i32 to vector<16xi32>
    %shift_right_logical3A_20 = arith.shrui %add3A_18, %shift_right_logical3A_19 : vector<16xi32>
    %add3A_21 = arith.addi %broadcast_in_dim3A_15, %broadcast_in_dim3A_17 : vector<16xi32>
    %shift_right_logical3A_22 = arith.constant 1 : i32
    %shift_right_logical3A_23 = vector.broadcast %shift_right_logical3A_22 : i32 to vector<16xi32>
    %shift_right_logical3A_24 = arith.shrui %add3A_21, %shift_right_logical3A_23 : vector<16xi32>
    %min3A = arith.constant 99999 : i32
    %min3A_25 = vector.broadcast %min3A : i32 to vector<16xi32>
    %min3A_26 = arith.minsi %shift_right_logical3A_20, %min3A_25 : vector<16xi32>
    %swap3A = arith.constant 0 : index
    %swap3A_27 = tpu.vector_load %arg5[%swap3A] {strides = array<i32>} : memref<16xi32, #tpu.memory_space<vmem>>, vector<16xi32>,
    tpu.vector_store %arg5[%swap3A], %min3A_26 {strides = array<i32>} : memref<16xi32, #tpu.memory_space<vmem>>, vector<16xi32>,
    %min3A_28 = arith.constant 99999 : i32
    %min3A_29 = vector.broadcast %min3A_28 : i32 to vector<16xi32>
    %min3A_30 = arith.minsi %shift_right_logical3A_24, %min3A_29 : vector<16xi32>
    %swap3A_31 = arith.constant 0 : index
    %swap3A_32 = tpu.vector_load %arg7[%swap3A_31] {strides = array<i32>} : memref<16xi32, #tpu.memory_space<vmem>>, vector<16xi32>,
    tpu.vector_store %arg7[%swap3A_31], %min3A_30 {strides = array<i32>} : memref<16xi32, #tpu.memory_space<vmem>>, vector<16xi32>,
    %dma_start3A = arith.constant 0 : i32
    %dma_start3A_33 = tpu.memref_slice %arg3[%dma_start3A] : memref<100000xi32, #tpu.memory_space<hbm>> -> memref<100000xi32, #tpu.memory_space<hbm>>
    tpu.enqueue_indirect_dma source(%dma_start3A_33 : memref<100000xi32, #tpu.memory_space<hbm>>) target(%arg6 : memref<16xi32, #tpu.memory_space<vmem>>) offsets(%arg5 : memref<16xi32, #tpu.memory_space<vmem>>) semaphore(%arg12 : memref<!tpu.dma_semaphore, #tpu.memory_space<semaphore_mem>>)
    %dma_start3A_34 = arith.constant 0 : i32
    %dma_start3A_35 = tpu.memref_slice %arg3[%dma_start3A_34] : memref<100000xi32, #tpu.memory_space<hbm>> -> memref<100000xi32, #tpu.memory_space<hbm>>
    tpu.enqueue_indirect_dma source(%dma_start3A_35 : memref<100000xi32, #tpu.memory_space<hbm>>) target(%arg8 : memref<16xi32, #tpu.memory_space<vmem>>) offsets(%arg7 : memref<16xi32, #tpu.memory_space<vmem>>) semaphore(%arg13 : memref<!tpu.dma_semaphore, #tpu.memory_space<semaphore_mem>>)
    %dma_wait3A = arith.constant 0 : i32
    %dma_wait3A_36 = tpu.memref_slice %arg3[%dma_wait3A] : memref<100000xi32, #tpu.memory_space<hbm>> -> memref<100000xi32, #tpu.memory_space<hbm>>
    tpu.wait_indirect_dma semaphore(%arg12 : memref<!tpu.dma_semaphore, #tpu.memory_space<semaphore_mem>>) src(%dma_wait3A_36 : memref<100000xi32, #tpu.memory_space<hbm>>) dst(%arg6 : memref<16xi32, #tpu.memory_space<vmem>>)
    %dma_wait3A_37 = arith.constant 0 : i32
    %dma_wait3A_38 = tpu.memref_slice %arg3[%dma_wait3A_37] : memref<100000xi32, #tpu.memory_space<hbm>> -> memref<100000xi32, #tpu.memory_space<hbm>>
    tpu.wait_indirect_dma semaphore(%arg13 : memref<!tpu.dma_semaphore, #tpu.memory_space<semaphore_mem>>) src(%dma_wait3A_38 : memref<100000xi32, #tpu.memory_space<hbm>>) dst(%arg8 : memref<16xi32, #tpu.memory_space<vmem>>)
    %lt3A = arith.cmpi slt, %broadcast_in_dim3A_11, %broadcast_in_dim3A_13 : vector<16xi32>
    %lt3A_39 = arith.cmpi slt, %broadcast_in_dim3A_15, %broadcast_in_dim3A_17 : vector<16xi32>
    %get3A = arith.constant 0 : index
    %get3A_40 = tpu.vector_load %arg6[%get3A] {strides = array<i32>} : memref<16xi32, #tpu.memory_space<vmem>>, vector<16xi32>,
    %lt3A_41 = arith.cmpi slt, %get3A_40, %add3A_4 : vector<16xi32>
    %and3A = arith.andi %lt3A, %lt3A_41 : vector<16xi1>
    %get3A_42 = arith.constant 0 : index
    %get3A_43 = tpu.vector_load %arg8[%get3A_42] {strides = array<i32>} : memref<16xi32, #tpu.memory_space<vmem>>, vector<16xi32>,
    %lt3A_44 = arith.cmpi slt, %get3A_43, %add3A_9 : vector<16xi32>
    %and3A_45 = arith.andi %lt3A_39, %lt3A_44 : vector<16xi1>
    %add3A_46 = arith.constant 1 : i32
    %add3A_47 = vector.broadcast %add3A_46 : i32 to vector<16xi32>
    %add3A_48 = arith.addi %shift_right_logical3A_20, %add3A_47 : vector<16xi32>
    %select_n3A = arith.select %and3A, %add3A_48, %broadcast_in_dim3A_11 : vector<16xi1>, vector<16xi32>
    %not3A = arith.constant dense<true> : vector<16xi1>
    %not3A_49 = arith.xori %and3A, %not3A : vector<16xi1>
    %and3A_50 = arith.andi %lt3A, %not3A_49 : vector<16xi1>
    %select_n3A_51 = arith.select %and3A_50, %shift_right_logical3A_20, %broadcast_in_dim3A_13 : vector<16xi1>, vector<16xi32>
    %add3A_52 = arith.constant 1 : i32
    %add3A_53 = vector.broadcast %add3A_52 : i32 to vector<16xi32>
    %add3A_54 = arith.addi %shift_right_logical3A_24, %add3A_53 : vector<16xi32>
    %select_n3A_55 = arith.select %and3A_45, %add3A_54, %broadcast_in_dim3A_15 : vector<16xi1>, vector<16xi32>
    %not3A_56 = arith.constant dense<true> : vector<16xi1>
    %not3A_57 = arith.xori %and3A_45, %not3A_56 : vector<16xi1>
    %and3A_58 = arith.andi %lt3A_39, %not3A_57 : vector<16xi1>
    %select_n3A_59 = arith.select %and3A_58, %shift_right_logical3A_24, %broadcast_in_dim3A_17 : vector<16xi1>, vector<16xi32>
    %add3A_60 = arith.addi %select_n3A, %select_n3A_51 : vector<16xi32>
    %shift_right_logical3A_61 = arith.constant 1 : i32
    %shift_right_logical3A_62 = vector.broadcast %shift_right_logical3A_61 : i32 to vector<16xi32>
    %shift_right_logical3A_63 = arith.shrui %add3A_60, %shift_right_logical3A_62 : vector<16xi32>
    %add3A_64 = arith.addi %select_n3A_55, %select_n3A_59 : vector<16xi32>
    %shift_right_logical3A_65 = arith.constant 1 : i32
    %shift_right_logical3A_66 = vector.broadcast %shift_right_logical3A_65 : i32 to vector<16xi32>
    %shift_right_logical3A_67 = arith.shrui %add3A_64, %shift_right_logical3A_66 : vector<16xi32>
    %min3A_68 = arith.constant 99999 : i32
    %min3A_69 = vector.broadcast %min3A_68 : i32 to vector<16xi32>
    %min3A_70 = arith.minsi %shift_right_logical3A_63, %min3A_69 : vector<16xi32>
    %swap3A_71 = arith.constant 0 : index
    %swap3A_72 = tpu.vector_load %arg5[%swap3A_71] {strides = array<i32>} : memref<16xi32, #tpu.memory_space<vmem>>, vector<16xi32>,
    tpu.vector_store %arg5[%swap3A_71], %min3A_70 {strides = array<i32>} : memref<16xi32, #tpu.memory_space<vmem>>, vector<16xi32>,
    %min3A_73 = arith.constant 99999 : i32
    %min3A_74 = vector.broadcast %min3A_73 : i32 to vector<16xi32>
    %min3A_75 = arith.minsi %shift_right_logical3A_67, %min3A_74 : vector<16xi32>
    %swap3A_76 = arith.constant 0 : index
    %swap3A_77 = tpu.vector_load %arg7[%swap3A_76] {strides = array<i32>} : memref<16xi32, #tpu.memory_space<vmem>>, vector<16xi32>,
    tpu.vector_store %arg7[%swap3A_76], %min3A_75 {strides = array<i32>} : memref<16xi32, #tpu.memory_space<vmem>>, vector<16xi32>,
    %dma_start3A_78 = arith.constant 0 : i32
    %dma_start3A_79 = tpu.memref_slice %arg3[%dma_start3A_78] : memref<100000xi32, #tpu.memory_space<hbm>> -> memref<100000xi32, #tpu.memory_space<hbm>>
    tpu.enqueue_indirect_dma source(%dma_start3A_79 : memref<100000xi32, #tpu.memory_space<hbm>>) target(%arg6 : memref<16xi32, #tpu.memory_space<vmem>>) offsets(%arg5 : memref<16xi32, #tpu.memory_space<vmem>>) semaphore(%arg12 : memref<!tpu.dma_semaphore, #tpu.memory_space<semaphore_mem>>)
    %dma_start3A_80 = arith.constant 0 : i32
    %dma_start3A_81 = tpu.memref_slice %arg3[%dma_start3A_80] : memref<100000xi32, #tpu.memory_space<hbm>> -> memref<100000xi32, #tpu.memory_space<hbm>>
    tpu.enqueue_indirect_dma source(%dma_start3A_81 : memref<100000xi32, #tpu.memory_space<hbm>>) target(%arg8 : memref<16xi32, #tpu.memory_space<vmem>>) offsets(%arg7 : memref<16xi32, #tpu.memory_space<vmem>>) semaphore(%arg13 : memref<!tpu.dma_semaphore, #tpu.memory_space<semaphore_mem>>)
    %dma_wait3A_82 = arith.constant 0 : i32
    %dma_wait3A_83 = tpu.memref_slice %arg3[%dma_wait3A_82] : memref<100000xi32, #tpu.memory_space<hbm>> -> memref<100000xi32, #tpu.memory_space<hbm>>
    tpu.wait_indirect_dma semaphore(%arg12 : memref<!tpu.dma_semaphore, #tpu.memory_space<semaphore_mem>>) src(%dma_wait3A_83 : memref<100000xi32, #tpu.memory_space<hbm>>) dst(%arg6 : memref<16xi32, #tpu.memory_space<vmem>>)
    %dma_wait3A_84 = arith.constant 0 : i32
    %dma_wait3A_85 = tpu.memref_slice %arg3[%dma_wait3A_84] : memref<100000xi32, #tpu.memory_space<hbm>> -> memref<100000xi32, #tpu.memory_space<hbm>>
    tpu.wait_indirect_dma semaphore(%arg13 : memref<!tpu.dma_semaphore, #tpu.memory_space<semaphore_mem>>) src(%dma_wait3A_85 : memref<100000xi32, #tpu.memory_space<hbm>>) dst(%arg8 : memref<16xi32, #tpu.memory_space<vmem>>)
    %lt3A_86 = arith.cmpi slt, %select_n3A, %select_n3A_51 : vector<16xi32>
    %lt3A_87 = arith.cmpi slt, %select_n3A_55, %select_n3A_59 : vector<16xi32>
    %get3A_88 = arith.constant 0 : index
    %get3A_89 = tpu.vector_load %arg6[%get3A_88] {strides = array<i32>} : memref<16xi32, #tpu.memory_space<vmem>>, vector<16xi32>,
    %lt3A_90 = arith.cmpi slt, %get3A_89, %add3A_4 : vector<16xi32>
    %and3A_91 = arith.andi %lt3A_86, %lt3A_90 : vector<16xi1>
    %get3A_92 = arith.constant 0 : index
    %get3A_93 = tpu.vector_load %arg8[%get3A_92] {strides = array<i32>} : memref<16xi32, #tpu.memory_space<vmem>>, vector<16xi32>,
    %lt3A_94 = arith.cmpi slt, %get3A_93, %add3A_9 : vector<16xi32>
    %and3A_95 = arith.andi %lt3A_87, %lt3A_94 : vector<16xi1>
    %add3A_96 = arith.constant 1 : i32
    %add3A_97 = vector.broadcast %add3A_96 : i32 to vector<16xi32>
    %add3A_98 = arith.addi %shift_right_logical3A_63, %add3A_97 : vector<16xi32>
    %select_n3A_99 = arith.select %and3A_91, %add3A_98, %select_n3A : vector<16xi1>, vector<16xi32>
    %not3A_100 = arith.constant dense<true> : vector<16xi1>
    %not3A_101 = arith.xori %and3A_91, %not3A_100 : vector<16xi1>
    %and3A_102 = arith.andi %lt3A_86, %not3A_101 : vector<16xi1>
    %select_n3A_103 = arith.select %and3A_102, %shift_right_logical3A_63, %select_n3A_51 : vector<16xi1>, vector<16xi32>
    %add3A_104 = arith.constant 1 : i32
    %add3A_105 = vector.broadcast %add3A_104 : i32 to vector<16xi32>
    %add3A_106 = arith.addi %shift_right_logical3A_67, %add3A_105 : vector<16xi32>
    %select_n3A_107 = arith.select %and3A_95, %add3A_106, %select_n3A_55 : vector<16xi1>, vector<16xi32>
    %not3A_108 = arith.constant dense<true> : vector<16xi1>
    %not3A_109 = arith.xori %and3A_95, %not3A_108 : vector<16xi1>
    %and3A_110 = arith.andi %lt3A_87, %not3A_109 : vector<16xi1>
    %select_n3A_111 = arith.select %and3A_110, %shift_right_logical3A_67, %select_n3A_59 : vector<16xi1>, vector<16xi32>
    %add3A_112 = arith.addi %select_n3A_99, %select_n3A_103 : vector<16xi32>
    %shift_right_logical3A_113 = arith.constant 1 : i32
    %shift_right_logical3A_114 = vector.broadcast %shift_right_logical3A_113 : i32 to vector<16xi32>
    %shift_right_logical3A_115 = arith.shrui %add3A_112, %shift_right_logical3A_114 : vector<16xi32>
    %add3A_116 = arith.addi %select_n3A_107, %select_n3A_111 : vector<16xi32>
    %shift_right_logical3A_117 = arith.constant 1 : i32
    %shift_right_logical3A_118 = vector.broadcast %shift_right_logical3A_117 : i32 to vector<16xi32>
    %shift_right_logical3A_119 = arith.shrui %add3A_116, %shift_right_logical3A_118 : vector<16xi32>
    %min3A_120 = arith.constant 99999 : i32
    %min3A_121 = vector.broadcast %min3A_120 : i32 to vector<16xi32>
    %min3A_122 = arith.minsi %shift_right_logical3A_115, %min3A_121 : vector<16xi32>
    %swap3A_123 = arith.constant 0 : index
    %swap3A_124 = tpu.vector_load %arg5[%swap3A_123] {strides = array<i32>} : memref<16xi32, #tpu.memory_space<vmem>>, vector<16xi32>,
    tpu.vector_store %arg5[%swap3A_123], %min3A_122 {strides = array<i32>} : memref<16xi32, #tpu.memory_space<vmem>>, vector<16xi32>,
    %min3A_125 = arith.constant 99999 : i32
    %min3A_126 = vector.broadcast %min3A_125 : i32 to vector<16xi32>
    %min3A_127 = arith.minsi %shift_right_logical3A_119, %min3A_126 : vector<16xi32>
    %swap3A_128 = arith.constant 0 : index
    %swap3A_129 = tpu.vector_load %arg7[%swap3A_128] {strides = array<i32>} : memref<16xi32, #tpu.memory_space<vmem>>, vector<16xi32>,
    tpu.vector_store %arg7[%swap3A_128], %min3A_127 {strides = array<i32>} : memref<16xi32, #tpu.memory_space<vmem>>, vector<16xi32>,
    %dma_start3A_130 = arith.constant 0 : i32
    %dma_start3A_131 = tpu.memref_slice %arg3[%dma_start3A_130] : memref<100000xi32, #tpu.memory_space<hbm>> -> memref<100000xi32, #tpu.memory_space<hbm>>
    tpu.enqueue_indirect_dma source(%dma_start3A_131 : memref<100000xi32, #tpu.memory_space<hbm>>) target(%arg6 : memref<16xi32, #tpu.memory_space<vmem>>) offsets(%arg5 : memref<16xi32, #tpu.memory_space<vmem>>) semaphore(%arg12 : memref<!tpu.dma_semaphore, #tpu.memory_space<semaphore_mem>>)
    %dma_start3A_132 = arith.constant 0 : i32
    %dma_start3A_133 = tpu.memref_slice %arg3[%dma_start3A_132] : memref<100000xi32, #tpu.memory_space<hbm>> -> memref<100000xi32, #tpu.memory_space<hbm>>
    tpu.enqueue_indirect_dma source(%dma_start3A_133 : memref<100000xi32, #tpu.memory_space<hbm>>) target(%arg8 : memref<16xi32, #tpu.memory_space<vmem>>) offsets(%arg7 : memref<16xi32, #tpu.memory_space<vmem>>) semaphore(%arg13 : memref<!tpu.dma_semaphore, #tpu.memory_space<semaphore_mem>>)
    %dma_wait3A_134 = arith.constant 0 : i32
    %dma_wait3A_135 = tpu.memref_slice %arg3[%dma_wait3A_134] : memref<100000xi32, #tpu.memory_space<hbm>> -> memref<100000xi32, #tpu.memory_space<hbm>>
    tpu.wait_indirect_dma semaphore(%arg12 : memref<!tpu.dma_semaphore, #tpu.memory_space<semaphore_mem>>) src(%dma_wait3A_135 : memref<100000xi32, #tpu.memory_space<hbm>>) dst(%arg6 : memref<16xi32, #tpu.memory_space<vmem>>)
    %dma_wait3A_136 = arith.constant 0 : i32
    %dma_wait3A_137 = tpu.memref_slice %arg3[%dma_wait3A_136] : memref<100000xi32, #tpu.memory_space<hbm>> -> memref<100000xi32, #tpu.memory_space<hbm>>
    tpu.wait_indirect_dma semaphore(%arg13 : memref<!tpu.dma_semaphore, #tpu.memory_space<semaphore_mem>>) src(%dma_wait3A_137 : memref<100000xi32, #tpu.memory_space<hbm>>) dst(%arg8 : memref<16xi32, #tpu.memory_space<vmem>>)
    %lt3A_138 = arith.cmpi slt, %select_n3A_99, %select_n3A_103 : vector<16xi32>
    %lt3A_139 = arith.cmpi slt, %select_n3A_107, %select_n3A_111 : vector<16xi32>
    %get3A_140 = arith.constant 0 : index
    %get3A_141 = tpu.vector_load %arg6[%get3A_140] {strides = array<i32>} : memref<16xi32, #tpu.memory_space<vmem>>, vector<16xi32>,
    %lt3A_142 = arith.cmpi slt, %get3A_141, %add3A_4 : vector<16xi32>
    %and3A_143 = arith.andi %lt3A_138, %lt3A_142 : vector<16xi1>
    %get3A_144 = arith.constant 0 : index
    %get3A_145 = tpu.vector_load %arg8[%get3A_144] {strides = array<i32>} : memref<16xi32, #tpu.memory_space<vmem>>, vector<16xi32>,
    %lt3A_146 = arith.cmpi slt, %get3A_145, %add3A_9 : vector<16xi32>
    %and3A_147 = arith.andi %lt3A_139, %lt3A_146 : vector<16xi1>
    %add3A_148 = arith.constant 1 : i32
    %add3A_149 = vector.broadcast %add3A_148 : i32 to vector<16xi32>
    %add3A_150 = arith.addi %shift_right_logical3A_115, %add3A_149 : vector<16xi32>
    %select_n3A_151 = arith.select %and3A_143, %add3A_150, %select_n3A_99 : vector<16xi1>, vector<16xi32>
    %not3A_152 = arith.constant dense<true> : vector<16xi1>
    %not3A_153 = arith.xori %and3A_143, %not3A_152 : vector<16xi1>
    %and3A_154 = arith.andi %lt3A_138, %not3A_153 : vector<16xi1>
    %select_n3A_155 = arith.select %and3A_154, %shift_right_logical3A_115, %select_n3A_103 : vector<16xi1>, vector<16xi32>
    %add3A_156 = arith.constant 1 : i32
    %add3A_157 = vector.broadcast %add3A_156 : i32 to vector<16xi32>
    %add3A_158 = arith.addi %shift_right_logical3A_119, %add3A_157 : vector<16xi32>
    %select_n3A_159 = arith.select %and3A_147, %add3A_158, %select_n3A_107 : vector<16xi1>, vector<16xi32>
    %not3A_160 = arith.constant dense<true> : vector<16xi1>
    %not3A_161 = arith.xori %and3A_147, %not3A_160 : vector<16xi1>
    %and3A_162 = arith.andi %lt3A_139, %not3A_161 : vector<16xi1>
    %select_n3A_163 = arith.select %and3A_162, %shift_right_logical3A_119, %select_n3A_111 : vector<16xi1>, vector<16xi32>
    %add3A_164 = arith.addi %select_n3A_151, %select_n3A_155 : vector<16xi32>
    %shift_right_logical3A_165 = arith.constant 1 : i32
    %shift_right_logical3A_166 = vector.broadcast %shift_right_logical3A_165 : i32 to vector<16xi32>
    %shift_right_logical3A_167 = arith.shrui %add3A_164, %shift_right_logical3A_166 : vector<16xi32>
    %add3A_168 = arith.addi %select_n3A_159, %select_n3A_163 : vector<16xi32>
    %shift_right_logical3A_169 = arith.constant 1 : i32
    %shift_right_logical3A_170 = vector.broadcast %shift_right_logical3A_169 : i32 to vector<16xi32>
    %shift_right_logical3A_171 = arith.shrui %add3A_168, %shift_right_logical3A_170 : vector<16xi32>
    %min3A_172 = arith.constant 99999 : i32
    %min3A_173 = vector.broadcast %min3A_172 : i32 to vector<16xi32>
    %min3A_174 = arith.minsi %shift_right_logical3A_167, %min3A_173 : vector<16xi32>
    %swap3A_175 = arith.constant 0 : index
    %swap3A_176 = tpu.vector_load %arg5[%swap3A_175] {strides = array<i32>} : memref<16xi32, #tpu.memory_space<vmem>>, vector<16xi32>,
    tpu.vector_store %arg5[%swap3A_175], %min3A_174 {strides = array<i32>} : memref<16xi32, #tpu.memory_space<vmem>>, vector<16xi32>,
    %min3A_177 = arith.constant 99999 : i32
    %min3A_178 = vector.broadcast %min3A_177 : i32 to vector<16xi32>
    %min3A_179 = arith.minsi %shift_right_logical3A_171, %min3A_178 : vector<16xi32>
    %swap3A_180 = arith.constant 0 : index
    %swap3A_181 = tpu.vector_load %arg7[%swap3A_180] {strides = array<i32>} : memref<16xi32, #tpu.memory_space<vmem>>, vector<16xi32>,
    tpu.vector_store %arg7[%swap3A_180], %min3A_179 {strides = array<i32>} : memref<16xi32, #tpu.memory_space<vmem>>, vector<16xi32>,
    %dma_start3A_182 = arith.constant 0 : i32
    %dma_start3A_183 = tpu.memref_slice %arg3[%dma_start3A_182] : memref<100000xi32, #tpu.memory_space<hbm>> -> memref<100000xi32, #tpu.memory_space<hbm>>
    tpu.enqueue_indirect_dma source(%dma_start3A_183 : memref<100000xi32, #tpu.memory_space<hbm>>) target(%arg6 : memref<16xi32, #tpu.memory_space<vmem>>) offsets(%arg5 : memref<16xi32, #tpu.memory_space<vmem>>) semaphore(%arg12 : memref<!tpu.dma_semaphore, #tpu.memory_space<semaphore_mem>>)
    %dma_start3A_184 = arith.constant 0 : i32
    %dma_start3A_185 = tpu.memref_slice %arg3[%dma_start3A_184] : memref<100000xi32, #tpu.memory_space<hbm>> -> memref<100000xi32, #tpu.memory_space<hbm>>
    tpu.enqueue_indirect_dma source(%dma_start3A_185 : memref<100000xi32, #tpu.memory_space<hbm>>) target(%arg8 : memref<16xi32, #tpu.memory_space<vmem>>) offsets(%arg7 : memref<16xi32, #tpu.memory_space<vmem>>) semaphore(%arg13 : memref<!tpu.dma_semaphore, #tpu.memory_space<semaphore_mem>>)
    %dma_wait3A_186 = arith.constant 0 : i32
    %dma_wait3A_187 = tpu.memref_slice %arg3[%dma_wait3A_186] : memref<100000xi32, #tpu.memory_space<hbm>> -> memref<100000xi32, #tpu.memory_space<hbm>>
    tpu.wait_indirect_dma semaphore(%arg12 : memref<!tpu.dma_semaphore, #tpu.memory_space<semaphore_mem>>) src(%dma_wait3A_187 : memref<100000xi32, #tpu.memory_space<hbm>>) dst(%arg6 : memref<16xi32, #tpu.memory_space<vmem>>)
    %dma_wait3A_188 = arith.constant 0 : i32
    %dma_wait3A_189 = tpu.memref_slice %arg3[%dma_wait3A_188] : memref<100000xi32, #tpu.memory_space<hbm>> -> memref<100000xi32, #tpu.memory_space<hbm>>
    tpu.wait_indirect_dma semaphore(%arg13 : memref<!tpu.dma_semaphore, #tpu.memory_space<semaphore_mem>>) src(%dma_wait3A_189 : memref<100000xi32, #tpu.memory_space<hbm>>) dst(%arg8 : memref<16xi32, #tpu.memory_space<vmem>>)
    %lt3A_190 = arith.cmpi slt, %select_n3A_151, %select_n3A_155 : vector<16xi32>
    %lt3A_191 = arith.cmpi slt, %select_n3A_159, %select_n3A_163 : vector<16xi32>
    %get3A_192 = arith.constant 0 : index
    %get3A_193 = tpu.vector_load %arg6[%get3A_192] {strides = array<i32>} : memref<16xi32, #tpu.memory_space<vmem>>, vector<16xi32>,
    %lt3A_194 = arith.cmpi slt, %get3A_193, %add3A_4 : vector<16xi32>
    %and3A_195 = arith.andi %lt3A_190, %lt3A_194 : vector<16xi1>
    %get3A_196 = arith.constant 0 : index
    %get3A_197 = tpu.vector_load %arg8[%get3A_196] {strides = array<i32>} : memref<16xi32, #tpu.memory_space<vmem>>, vector<16xi32>,
    %lt3A_198 = arith.cmpi slt, %get3A_197, %add3A_9 : vector<16xi32>
    %and3A_199 = arith.andi %lt3A_191, %lt3A_198 : vector<16xi1>
    %add3A_200 = arith.constant 1 : i32
    %add3A_201 = vector.broadcast %add3A_200 : i32 to vector<16xi32>
    %add3A_202 = arith.addi %shift_right_logical3A_167, %add3A_201 : vector<16xi32>
    %select_n3A_203 = arith.select %and3A_195, %add3A_202, %select_n3A_151 : vector<16xi1>, vector<16xi32>
    %not3A_204 = arith.constant dense<true> : vector<16xi1>
    %not3A_205 = arith.xori %and3A_195, %not3A_204 : vector<16xi1>
    %and3A_206 = arith.andi %lt3A_190, %not3A_205 : vector<16xi1>
    %select_n3A_207 = arith.select %and3A_206, %shift_right_logical3A_167, %select_n3A_155 : vector<16xi1>, vector<16xi32>
    %add3A_208 = arith.constant 1 : i32
    %add3A_209 = vector.broadcast %add3A_208 : i32 to vector<16xi32>
    %add3A_210 = arith.addi %shift_right_logical3A_171, %add3A_209 : vector<16xi32>
    %select_n3A_211 = arith.select %and3A_199, %add3A_210, %select_n3A_159 : vector<16xi1>, vector<16xi32>
    %not3A_212 = arith.constant dense<true> : vector<16xi1>
    %not3A_213 = arith.xori %and3A_199, %not3A_212 : vector<16xi1>
    %and3A_214 = arith.andi %lt3A_191, %not3A_213 : vector<16xi1>
    %select_n3A_215 = arith.select %and3A_214, %shift_right_logical3A_171, %select_n3A_163 : vector<16xi1>, vector<16xi32>
    %add3A_216 = arith.addi %select_n3A_203, %select_n3A_207 : vector<16xi32>
    %shift_right_logical3A_217 = arith.constant 1 : i32
    %shift_right_logical3A_218 = vector.broadcast %shift_right_logical3A_217 : i32 to vector<16xi32>
    %shift_right_logical3A_219 = arith.shrui %add3A_216, %shift_right_logical3A_218 : vector<16xi32>
    %add3A_220 = arith.addi %select_n3A_211, %select_n3A_215 : vector<16xi32>
    %shift_right_logical3A_221 = arith.constant 1 : i32
    %shift_right_logical3A_222 = vector.broadcast %shift_right_logical3A_221 : i32 to vector<16xi32>
    %shift_right_logical3A_223 = arith.shrui %add3A_220, %shift_right_logical3A_222 : vector<16xi32>
    %min3A_224 = arith.constant 99999 : i32
    %min3A_225 = vector.broadcast %min3A_224 : i32 to vector<16xi32>
    %min3A_226 = arith.minsi %shift_right_logical3A_219, %min3A_225 : vector<16xi32>
    %swap3A_227 = arith.constant 0 : index
    %swap3A_228 = tpu.vector_load %arg5[%swap3A_227] {strides = array<i32>} : memref<16xi32, #tpu.memory_space<vmem>>, vector<16xi32>,
    tpu.vector_store %arg5[%swap3A_227], %min3A_226 {strides = array<i32>} : memref<16xi32, #tpu.memory_space<vmem>>, vector<16xi32>,
    %min3A_229 = arith.constant 99999 : i32
    %min3A_230 = vector.broadcast %min3A_229 : i32 to vector<16xi32>
    %min3A_231 = arith.minsi %shift_right_logical3A_223, %min3A_230 : vector<16xi32>
    %swap3A_232 = arith.constant 0 : index
    %swap3A_233 = tpu.vector_load %arg7[%swap3A_232] {strides = array<i32>} : memref<16xi32, #tpu.memory_space<vmem>>, vector<16xi32>,
    tpu.vector_store %arg7[%swap3A_232], %min3A_231 {strides = array<i32>} : memref<16xi32, #tpu.memory_space<vmem>>, vector<16xi32>,
    %dma_start3A_234 = arith.constant 0 : i32
    %dma_start3A_235 = tpu.memref_slice %arg3[%dma_start3A_234] : memref<100000xi32, #tpu.memory_space<hbm>> -> memref<100000xi32, #tpu.memory_space<hbm>>
    tpu.enqueue_indirect_dma source(%dma_start3A_235 : memref<100000xi32, #tpu.memory_space<hbm>>) target(%arg6 : memref<16xi32, #tpu.memory_space<vmem>>) offsets(%arg5 : memref<16xi32, #tpu.memory_space<vmem>>) semaphore(%arg12 : memref<!tpu.dma_semaphore, #tpu.memory_space<semaphore_mem>>)
    %dma_start3A_236 = arith.constant 0 : i32
    %dma_start3A_237 = tpu.memref_slice %arg3[%dma_start3A_236] : memref<100000xi32, #tpu.memory_space<hbm>> -> memref<100000xi32, #tpu.memory_space<hbm>>
    tpu.enqueue_indirect_dma source(%dma_start3A_237 : memref<100000xi32, #tpu.memory_space<hbm>>) target(%arg8 : memref<16xi32, #tpu.memory_space<vmem>>) offsets(%arg7 : memref<16xi32, #tpu.memory_space<vmem>>) semaphore(%arg13 : memref<!tpu.dma_semaphore, #tpu.memory_space<semaphore_mem>>)
    %dma_wait3A_238 = arith.constant 0 : i32
    %dma_wait3A_239 = tpu.memref_slice %arg3[%dma_wait3A_238] : memref<100000xi32, #tpu.memory_space<hbm>> -> memref<100000xi32, #tpu.memory_space<hbm>>
    tpu.wait_indirect_dma semaphore(%arg12 : memref<!tpu.dma_semaphore, #tpu.memory_space<semaphore_mem>>) src(%dma_wait3A_239 : memref<100000xi32, #tpu.memory_space<hbm>>) dst(%arg6 : memref<16xi32, #tpu.memory_space<vmem>>)
    %dma_wait3A_240 = arith.constant 0 : i32
    %dma_wait3A_241 = tpu.memref_slice %arg3[%dma_wait3A_240] : memref<100000xi32, #tpu.memory_space<hbm>> -> memref<100000xi32, #tpu.memory_space<hbm>>
    tpu.wait_indirect_dma semaphore(%arg13 : memref<!tpu.dma_semaphore, #tpu.memory_space<semaphore_mem>>) src(%dma_wait3A_241 : memref<100000xi32, #tpu.memory_space<hbm>>) dst(%arg8 : memref<16xi32, #tpu.memory_space<vmem>>)
    %lt3A_242 = arith.cmpi slt, %select_n3A_203, %select_n3A_207 : vector<16xi32>
    %lt3A_243 = arith.cmpi slt, %select_n3A_211, %select_n3A_215 : vector<16xi32>
    %get3A_244 = arith.constant 0 : index
    %get3A_245 = tpu.vector_load %arg6[%get3A_244] {strides = array<i32>} : memref<16xi32, #tpu.memory_space<vmem>>, vector<16xi32>,
    %lt3A_246 = arith.cmpi slt, %get3A_245, %add3A_4 : vector<16xi32>
    %and3A_247 = arith.andi %lt3A_242, %lt3A_246 : vector<16xi1>
    %get3A_248 = arith.constant 0 : index
    %get3A_249 = tpu.vector_load %arg8[%get3A_248] {strides = array<i32>} : memref<16xi32, #tpu.memory_space<vmem>>, vector<16xi32>,
    %lt3A_250 = arith.cmpi slt, %get3A_249, %add3A_9 : vector<16xi32>
    %and3A_251 = arith.andi %lt3A_243, %lt3A_250 : vector<16xi1>
    %add3A_252 = arith.constant 1 : i32
    %add3A_253 = vector.broadcast %add3A_252 : i32 to vector<16xi32>
    %add3A_254 = arith.addi %shift_right_logical3A_219, %add3A_253 : vector<16xi32>
    %select_n3A_255 = arith.select %and3A_247, %add3A_254, %select_n3A_203 : vector<16xi1>, vector<16xi32>
    %not3A_256 = arith.constant dense<true> : vector<16xi1>
    %not3A_257 = arith.xori %and3A_247, %not3A_256 : vector<16xi1>
    %and3A_258 = arith.andi %lt3A_242, %not3A_257 : vector<16xi1>
    %select_n3A_259 = arith.select %and3A_258, %shift_right_logical3A_219, %select_n3A_207 : vector<16xi1>, vector<16xi32>
    %add3A_260 = arith.constant 1 : i32
    %add3A_261 = vector.broadcast %add3A_260 : i32 to vector<16xi32>
    %add3A_262 = arith.addi %shift_right_logical3A_223, %add3A_261 : vector<16xi32>
    %select_n3A_263 = arith.select %and3A_251, %add3A_262, %select_n3A_211 : vector<16xi1>, vector<16xi32>
    %not3A_264 = arith.constant dense<true> : vector<16xi1>
    %not3A_265 = arith.xori %and3A_251, %not3A_264 : vector<16xi1>
    %and3A_266 = arith.andi %lt3A_243, %not3A_265 : vector<16xi1>
    %select_n3A_267 = arith.select %and3A_266, %shift_right_logical3A_223, %select_n3A_215 : vector<16xi1>, vector<16xi32>
    %add3A_268 = arith.addi %select_n3A_255, %select_n3A_259 : vector<16xi32>
    %shift_right_logical3A_269 = arith.constant 1 : i32
    %shift_right_logical3A_270 = vector.broadcast %shift_right_logical3A_269 : i32 to vector<16xi32>
    %shift_right_logical3A_271 = arith.shrui %add3A_268, %shift_right_logical3A_270 : vector<16xi32>
    %add3A_272 = arith.addi %select_n3A_263, %select_n3A_267 : vector<16xi32>
    %shift_right_logical3A_273 = arith.constant 1 : i32
    %shift_right_logical3A_274 = vector.broadcast %shift_right_logical3A_273 : i32 to vector<16xi32>
    %shift_right_logical3A_275 = arith.shrui %add3A_272, %shift_right_logical3A_274 : vector<16xi32>
    %min3A_276 = arith.constant 99999 : i32
    %min3A_277 = vector.broadcast %min3A_276 : i32 to vector<16xi32>
    %min3A_278 = arith.minsi %shift_right_logical3A_271, %min3A_277 : vector<16xi32>
    %swap3A_279 = arith.constant 0 : index
    %swap3A_280 = tpu.vector_load %arg5[%swap3A_279] {strides = array<i32>} : memref<16xi32, #tpu.memory_space<vmem>>, vector<16xi32>,
    tpu.vector_store %arg5[%swap3A_279], %min3A_278 {strides = array<i32>} : memref<16xi32, #tpu.memory_space<vmem>>, vector<16xi32>,
    %min3A_281 = arith.constant 99999 : i32
    %min3A_282 = vector.broadcast %min3A_281 : i32 to vector<16xi32>
    %min3A_283 = arith.minsi %shift_right_logical3A_275, %min3A_282 : vector<16xi32>
    %swap3A_284 = arith.constant 0 : index
    %swap3A_285 = tpu.vector_load %arg7[%swap3A_284] {strides = array<i32>} : memref<16xi32, #tpu.memory_space<vmem>>, vector<16xi32>,
    tpu.vector_store %arg7[%swap3A_284], %min3A_283 {strides = array<i32>} : memref<16xi32, #tpu.memory_space<vmem>>, vector<16xi32>,
    %dma_start3A_286 = arith.constant 0 : i32
    %dma_start3A_287 = tpu.memref_slice %arg3[%dma_start3A_286] : memref<100000xi32, #tpu.memory_space<hbm>> -> memref<100000xi32, #tpu.memory_space<hbm>>
    tpu.enqueue_indirect_dma source(%dma_start3A_287 : memref<100000xi32, #tpu.memory_space<hbm>>) target(%arg6 : memref<16xi32, #tpu.memory_space<vmem>>) offsets(%arg5 : memref<16xi32, #tpu.memory_space<vmem>>) semaphore(%arg12 : memref<!tpu.dma_semaphore, #tpu.memory_space<semaphore_mem>>)
    %dma_start3A_288 = arith.constant 0 : i32
    %dma_start3A_289 = tpu.memref_slice %arg3[%dma_start3A_288] : memref<100000xi32, #tpu.memory_space<hbm>> -> memref<100000xi32, #tpu.memory_space<hbm>>
    tpu.enqueue_indirect_dma source(%dma_start3A_289 : memref<100000xi32, #tpu.memory_space<hbm>>) target(%arg8 : memref<16xi32, #tpu.memory_space<vmem>>) offsets(%arg7 : memref<16xi32, #tpu.memory_space<vmem>>) semaphore(%arg13 : memref<!tpu.dma_semaphore, #tpu.memory_space<semaphore_mem>>)
    %dma_wait3A_290 = arith.constant 0 : i32
    %dma_wait3A_291 = tpu.memref_slice %arg3[%dma_wait3A_290] : memref<100000xi32, #tpu.memory_space<hbm>> -> memref<100000xi32, #tpu.memory_space<hbm>>
    tpu.wait_indirect_dma semaphore(%arg12 : memref<!tpu.dma_semaphore, #tpu.memory_space<semaphore_mem>>) src(%dma_wait3A_291 : memref<100000xi32, #tpu.memory_space<hbm>>) dst(%arg6 : memref<16xi32, #tpu.memory_space<vmem>>)
    %dma_wait3A_292 = arith.constant 0 : i32
    %dma_wait3A_293 = tpu.memref_slice %arg3[%dma_wait3A_292] : memref<100000xi32, #tpu.memory_space<hbm>> -> memref<100000xi32, #tpu.memory_space<hbm>>
    tpu.wait_indirect_dma semaphore(%arg13 : memref<!tpu.dma_semaphore, #tpu.memory_space<semaphore_mem>>) src(%dma_wait3A_293 : memref<100000xi32, #tpu.memory_space<hbm>>) dst(%arg8 : memref<16xi32, #tpu.memory_space<vmem>>)
    %lt3A_294 = arith.cmpi slt, %select_n3A_255, %select_n3A_259 : vector<16xi32>
    %lt3A_295 = arith.cmpi slt, %select_n3A_263, %select_n3A_267 : vector<16xi32>
    %get3A_296 = arith.constant 0 : index
    %get3A_297 = tpu.vector_load %arg6[%get3A_296] {strides = array<i32>} : memref<16xi32, #tpu.memory_space<vmem>>, vector<16xi32>,
    %lt3A_298 = arith.cmpi slt, %get3A_297, %add3A_4 : vector<16xi32>
    %and3A_299 = arith.andi %lt3A_294, %lt3A_298 : vector<16xi1>
    %get3A_300 = arith.constant 0 : index
    %get3A_301 = tpu.vector_load %arg8[%get3A_300] {strides = array<i32>} : memref<16xi32, #tpu.memory_space<vmem>>, vector<16xi32>,
    %lt3A_302 = arith.cmpi slt, %get3A_301, %add3A_9 : vector<16xi32>
    %and3A_303 = arith.andi %lt3A_295, %lt3A_302 : vector<16xi1>
    %add3A_304 = arith.constant 1 : i32
    %add3A_305 = vector.broadcast %add3A_304 : i32 to vector<16xi32>
    %add3A_306 = arith.addi %shift_right_logical3A_271, %add3A_305 : vector<16xi32>
    %select_n3A_307 = arith.select %and3A_299, %add3A_306, %select_n3A_255 : vector<16xi1>, vector<16xi32>
    %not3A_308 = arith.constant dense<true> : vector<16xi1>
    %not3A_309 = arith.xori %and3A_299, %not3A_308 : vector<16xi1>
    %and3A_310 = arith.andi %lt3A_294, %not3A_309 : vector<16xi1>
    %select_n3A_311 = arith.select %and3A_310, %shift_right_logical3A_271, %select_n3A_259 : vector<16xi1>, vector<16xi32>
    %add3A_312 = arith.constant 1 : i32
    %add3A_313 = vector.broadcast %add3A_312 : i32 to vector<16xi32>
    %add3A_314 = arith.addi %shift_right_logical3A_275, %add3A_313 : vector<16xi32>
    %select_n3A_315 = arith.select %and3A_303, %add3A_314, %select_n3A_263 : vector<16xi1>, vector<16xi32>
    %not3A_316 = arith.constant dense<true> : vector<16xi1>
    %not3A_317 = arith.xori %and3A_303, %not3A_316 : vector<16xi1>
    %and3A_318 = arith.andi %lt3A_295, %not3A_317 : vector<16xi1>
    %select_n3A_319 = arith.select %and3A_318, %shift_right_logical3A_275, %select_n3A_267 : vector<16xi1>, vector<16xi32>
    %add3A_320 = arith.addi %select_n3A_307, %select_n3A_311 : vector<16xi32>
    %shift_right_logical3A_321 = arith.constant 1 : i32
    %shift_right_logical3A_322 = vector.broadcast %shift_right_logical3A_321 : i32 to vector<16xi32>
    %shift_right_logical3A_323 = arith.shrui %add3A_320, %shift_right_logical3A_322 : vector<16xi32>
    %add3A_324 = arith.addi %select_n3A_315, %select_n3A_319 : vector<16xi32>
    %shift_right_logical3A_325 = arith.constant 1 : i32
    %shift_right_logical3A_326 = vector.broadcast %shift_right_logical3A_325 : i32 to vector<16xi32>
    %shift_right_logical3A_327 = arith.shrui %add3A_324, %shift_right_logical3A_326 : vector<16xi32>
    %min3A_328 = arith.constant 99999 : i32
    %min3A_329 = vector.broadcast %min3A_328 : i32 to vector<16xi32>
    %min3A_330 = arith.minsi %shift_right_logical3A_323, %min3A_329 : vector<16xi32>
    %swap3A_331 = arith.constant 0 : index
    %swap3A_332 = tpu.vector_load %arg5[%swap3A_331] {strides = array<i32>} : memref<16xi32, #tpu.memory_space<vmem>>, vector<16xi32>,
    tpu.vector_store %arg5[%swap3A_331], %min3A_330 {strides = array<i32>} : memref<16xi32, #tpu.memory_space<vmem>>, vector<16xi32>,
    %min3A_333 = arith.constant 99999 : i32
    %min3A_334 = vector.broadcast %min3A_333 : i32 to vector<16xi32>
    %min3A_335 = arith.minsi %shift_right_logical3A_327, %min3A_334 : vector<16xi32>
    %swap3A_336 = arith.constant 0 : index
    %swap3A_337 = tpu.vector_load %arg7[%swap3A_336] {strides = array<i32>} : memref<16xi32, #tpu.memory_space<vmem>>, vector<16xi32>,
    tpu.vector_store %arg7[%swap3A_336], %min3A_335 {strides = array<i32>} : memref<16xi32, #tpu.memory_space<vmem>>, vector<16xi32>,
    %dma_start3A_338 = arith.constant 0 : i32
    %dma_start3A_339 = tpu.memref_slice %arg3[%dma_start3A_338] : memref<100000xi32, #tpu.memory_space<hbm>> -> memref<100000xi32, #tpu.memory_space<hbm>>
    tpu.enqueue_indirect_dma source(%dma_start3A_339 : memref<100000xi32, #tpu.memory_space<hbm>>) target(%arg6 : memref<16xi32, #tpu.memory_space<vmem>>) offsets(%arg5 : memref<16xi32, #tpu.memory_space<vmem>>) semaphore(%arg12 : memref<!tpu.dma_semaphore, #tpu.memory_space<semaphore_mem>>)
    %dma_start3A_340 = arith.constant 0 : i32
    %dma_start3A_341 = tpu.memref_slice %arg3[%dma_start3A_340] : memref<100000xi32, #tpu.memory_space<hbm>> -> memref<100000xi32, #tpu.memory_space<hbm>>
    tpu.enqueue_indirect_dma source(%dma_start3A_341 : memref<100000xi32, #tpu.memory_space<hbm>>) target(%arg8 : memref<16xi32, #tpu.memory_space<vmem>>) offsets(%arg7 : memref<16xi32, #tpu.memory_space<vmem>>) semaphore(%arg13 : memref<!tpu.dma_semaphore, #tpu.memory_space<semaphore_mem>>)
    %dma_wait3A_342 = arith.constant 0 : i32
    %dma_wait3A_343 = tpu.memref_slice %arg3[%dma_wait3A_342] : memref<100000xi32, #tpu.memory_space<hbm>> -> memref<100000xi32, #tpu.memory_space<hbm>>
    tpu.wait_indirect_dma semaphore(%arg12 : memref<!tpu.dma_semaphore, #tpu.memory_space<semaphore_mem>>) src(%dma_wait3A_343 : memref<100000xi32, #tpu.memory_space<hbm>>) dst(%arg6 : memref<16xi32, #tpu.memory_space<vmem>>)
    %dma_wait3A_344 = arith.constant 0 : i32
    %dma_wait3A_345 = tpu.memref_slice %arg3[%dma_wait3A_344] : memref<100000xi32, #tpu.memory_space<hbm>> -> memref<100000xi32, #tpu.memory_space<hbm>>
    tpu.wait_indirect_dma semaphore(%arg13 : memref<!tpu.dma_semaphore, #tpu.memory_space<semaphore_mem>>) src(%dma_wait3A_345 : memref<100000xi32, #tpu.memory_space<hbm>>) dst(%arg8 : memref<16xi32, #tpu.memory_space<vmem>>)
    %lt3A_346 = arith.cmpi slt, %select_n3A_307, %select_n3A_311 : vector<16xi32>
    %lt3A_347 = arith.cmpi slt, %select_n3A_315, %select_n3A_319 : vector<16xi32>
    %get3A_348 = arith.constant 0 : index
    %get3A_349 = tpu.vector_load %arg6[%get3A_348] {strides = array<i32>} : memref<16xi32, #tpu.memory_space<vmem>>, vector<16xi32>,
    %lt3A_350 = arith.cmpi slt, %get3A_349, %add3A_4 : vector<16xi32>
    %and3A_351 = arith.andi %lt3A_346, %lt3A_350 : vector<16xi1>
    %get3A_352 = arith.constant 0 : index
    %get3A_353 = tpu.vector_load %arg8[%get3A_352] {strides = array<i32>} : memref<16xi32, #tpu.memory_space<vmem>>, vector<16xi32>,
    %lt3A_354 = arith.cmpi slt, %get3A_353, %add3A_9 : vector<16xi32>
    %and3A_355 = arith.andi %lt3A_347, %lt3A_354 : vector<16xi1>
    %add3A_356 = arith.constant 1 : i32
    %add3A_357 = vector.broadcast %add3A_356 : i32 to vector<16xi32>
    %add3A_358 = arith.addi %shift_right_logical3A_323, %add3A_357 : vector<16xi32>
    %select_n3A_359 = arith.select %and3A_351, %add3A_358, %select_n3A_307 : vector<16xi1>, vector<16xi32>
    %not3A_360 = arith.constant dense<true> : vector<16xi1>
    %not3A_361 = arith.xori %and3A_351, %not3A_360 : vector<16xi1>
    %and3A_362 = arith.andi %lt3A_346, %not3A_361 : vector<16xi1>
    %select_n3A_363 = arith.select %and3A_362, %shift_right_logical3A_323, %select_n3A_311 : vector<16xi1>, vector<16xi32>
    %add3A_364 = arith.constant 1 : i32
    %add3A_365 = vector.broadcast %add3A_364 : i32 to vector<16xi32>
    %add3A_366 = arith.addi %shift_right_logical3A_327, %add3A_365 : vector<16xi32>
    %select_n3A_367 = arith.select %and3A_355, %add3A_366, %select_n3A_315 : vector<16xi1>, vector<16xi32>
    %not3A_368 = arith.constant dense<true> : vector<16xi1>
    %not3A_369 = arith.xori %and3A_355, %not3A_368 : vector<16xi1>
    %and3A_370 = arith.andi %lt3A_347, %not3A_369 : vector<16xi1>
    %select_n3A_371 = arith.select %and3A_370, %shift_right_logical3A_327, %select_n3A_319 : vector<16xi1>, vector<16xi32>
    %add3A_372 = arith.addi %select_n3A_359, %select_n3A_363 : vector<16xi32>
    %shift_right_logical3A_373 = arith.constant 1 : i32
    %shift_right_logical3A_374 = vector.broadcast %shift_right_logical3A_373 : i32 to vector<16xi32>
    %shift_right_logical3A_375 = arith.shrui %add3A_372, %shift_right_logical3A_374 : vector<16xi32>
    %add3A_376 = arith.addi %select_n3A_367, %select_n3A_371 : vector<16xi32>
    %shift_right_logical3A_377 = arith.constant 1 : i32
    %shift_right_logical3A_378 = vector.broadcast %shift_right_logical3A_377 : i32 to vector<16xi32>
    %shift_right_logical3A_379 = arith.shrui %add3A_376, %shift_right_logical3A_378 : vector<16xi32>
    %min3A_380 = arith.constant 99999 : i32
    %min3A_381 = vector.broadcast %min3A_380 : i32 to vector<16xi32>
    %min3A_382 = arith.minsi %shift_right_logical3A_375, %min3A_381 : vector<16xi32>
    %swap3A_383 = arith.constant 0 : index
    %swap3A_384 = tpu.vector_load %arg5[%swap3A_383] {strides = array<i32>} : memref<16xi32, #tpu.memory_space<vmem>>, vector<16xi32>,
    tpu.vector_store %arg5[%swap3A_383], %min3A_382 {strides = array<i32>} : memref<16xi32, #tpu.memory_space<vmem>>, vector<16xi32>,
    %min3A_385 = arith.constant 99999 : i32
    %min3A_386 = vector.broadcast %min3A_385 : i32 to vector<16xi32>
    %min3A_387 = arith.minsi %shift_right_logical3A_379, %min3A_386 : vector<16xi32>
    %swap3A_388 = arith.constant 0 : index
    %swap3A_389 = tpu.vector_load %arg7[%swap3A_388] {strides = array<i32>} : memref<16xi32, #tpu.memory_space<vmem>>, vector<16xi32>,
    tpu.vector_store %arg7[%swap3A_388], %min3A_387 {strides = array<i32>} : memref<16xi32, #tpu.memory_space<vmem>>, vector<16xi32>,
    %dma_start3A_390 = arith.constant 0 : i32
    %dma_start3A_391 = tpu.memref_slice %arg3[%dma_start3A_390] : memref<100000xi32, #tpu.memory_space<hbm>> -> memref<100000xi32, #tpu.memory_space<hbm>>
    tpu.enqueue_indirect_dma source(%dma_start3A_391 : memref<100000xi32, #tpu.memory_space<hbm>>) target(%arg6 : memref<16xi32, #tpu.memory_space<vmem>>) offsets(%arg5 : memref<16xi32, #tpu.memory_space<vmem>>) semaphore(%arg12 : memref<!tpu.dma_semaphore, #tpu.memory_space<semaphore_mem>>)
    %dma_start3A_392 = arith.constant 0 : i32
    %dma_start3A_393 = tpu.memref_slice %arg3[%dma_start3A_392] : memref<100000xi32, #tpu.memory_space<hbm>> -> memref<100000xi32, #tpu.memory_space<hbm>>
    tpu.enqueue_indirect_dma source(%dma_start3A_393 : memref<100000xi32, #tpu.memory_space<hbm>>) target(%arg8 : memref<16xi32, #tpu.memory_space<vmem>>) offsets(%arg7 : memref<16xi32, #tpu.memory_space<vmem>>) semaphore(%arg13 : memref<!tpu.dma_semaphore, #tpu.memory_space<semaphore_mem>>)
    %dma_wait3A_394 = arith.constant 0 : i32
    %dma_wait3A_395 = tpu.memref_slice %arg3[%dma_wait3A_394] : memref<100000xi32, #tpu.memory_space<hbm>> -> memref<100000xi32, #tpu.memory_space<hbm>>
    tpu.wait_indirect_dma semaphore(%arg12 : memref<!tpu.dma_semaphore, #tpu.memory_space<semaphore_mem>>) src(%dma_wait3A_395 : memref<100000xi32, #tpu.memory_space<hbm>>) dst(%arg6 : memref<16xi32, #tpu.memory_space<vmem>>)
    %dma_wait3A_396 = arith.constant 0 : i32
    %dma_wait3A_397 = tpu.memref_slice %arg3[%dma_wait3A_396] : memref<100000xi32, #tpu.memory_space<hbm>> -> memref<100000xi32, #tpu.memory_space<hbm>>
    tpu.wait_indirect_dma semaphore(%arg13 : memref<!tpu.dma_semaphore, #tpu.memory_space<semaphore_mem>>) src(%dma_wait3A_397 : memref<100000xi32, #tpu.memory_space<hbm>>) dst(%arg8 : memref<16xi32, #tpu.memory_space<vmem>>)
    %lt3A_398 = arith.cmpi slt, %select_n3A_359, %select_n3A_363 : vector<16xi32>
    %lt3A_399 = arith.cmpi slt, %select_n3A_367, %select_n3A_371 : vector<16xi32>
    %get3A_400 = arith.constant 0 : index
    %get3A_401 = tpu.vector_load %arg6[%get3A_400] {strides = array<i32>} : memref<16xi32, #tpu.memory_space<vmem>>, vector<16xi32>,
    %lt3A_402 = arith.cmpi slt, %get3A_401, %add3A_4 : vector<16xi32>
    %and3A_403 = arith.andi %lt3A_398, %lt3A_402 : vector<16xi1>
    %get3A_404 = arith.constant 0 : index
    %get3A_405 = tpu.vector_load %arg8[%get3A_404] {strides = array<i32>} : memref<16xi32, #tpu.memory_space<vmem>>, vector<16xi32>,
    %lt3A_406 = arith.cmpi slt, %get3A_405, %add3A_9 : vector<16xi32>
    %and3A_407 = arith.andi %lt3A_399, %lt3A_406 : vector<16xi1>
    %add3A_408 = arith.constant 1 : i32
    %add3A_409 = vector.broadcast %add3A_408 : i32 to vector<16xi32>
    %add3A_410 = arith.addi %shift_right_logical3A_375, %add3A_409 : vector<16xi32>
    %select_n3A_411 = arith.select %and3A_403, %add3A_410, %select_n3A_359 : vector<16xi1>, vector<16xi32>
    %not3A_412 = arith.constant dense<true> : vector<16xi1>
    %not3A_413 = arith.xori %and3A_403, %not3A_412 : vector<16xi1>
    %and3A_414 = arith.andi %lt3A_398, %not3A_413 : vector<16xi1>
    %select_n3A_415 = arith.select %and3A_414, %shift_right_logical3A_375, %select_n3A_363 : vector<16xi1>, vector<16xi32>
    %add3A_416 = arith.constant 1 : i32
    %add3A_417 = vector.broadcast %add3A_416 : i32 to vector<16xi32>
    %add3A_418 = arith.addi %shift_right_logical3A_379, %add3A_417 : vector<16xi32>
    %select_n3A_419 = arith.select %and3A_407, %add3A_418, %select_n3A_367 : vector<16xi1>, vector<16xi32>
    %not3A_420 = arith.constant dense<true> : vector<16xi1>
    %not3A_421 = arith.xori %and3A_407, %not3A_420 : vector<16xi1>
    %and3A_422 = arith.andi %lt3A_399, %not3A_421 : vector<16xi1>
    %select_n3A_423 = arith.select %and3A_422, %shift_right_logical3A_379, %select_n3A_371 : vector<16xi1>, vector<16xi32>
    %add3A_424 = arith.addi %select_n3A_411, %select_n3A_415 : vector<16xi32>
    %shift_right_logical3A_425 = arith.constant 1 : i32
    %shift_right_logical3A_426 = vector.broadcast %shift_right_logical3A_425 : i32 to vector<16xi32>
    %shift_right_logical3A_427 = arith.shrui %add3A_424, %shift_right_logical3A_426 : vector<16xi32>
    %add3A_428 = arith.addi %select_n3A_419, %select_n3A_423 : vector<16xi32>
    %shift_right_logical3A_429 = arith.constant 1 : i32
    %shift_right_logical3A_430 = vector.broadcast %shift_right_logical3A_429 : i32 to vector<16xi32>
    %shift_right_logical3A_431 = arith.shrui %add3A_428, %shift_right_logical3A_430 : vector<16xi32>
    %min3A_432 = arith.constant 99999 : i32
    %min3A_433 = vector.broadcast %min3A_432 : i32 to vector<16xi32>
    %min3A_434 = arith.minsi %shift_right_logical3A_427, %min3A_433 : vector<16xi32>
    %swap3A_435 = arith.constant 0 : index
    %swap3A_436 = tpu.vector_load %arg5[%swap3A_435] {strides = array<i32>} : memref<16xi32, #tpu.memory_space<vmem>>, vector<16xi32>,
    tpu.vector_store %arg5[%swap3A_435], %min3A_434 {strides = array<i32>} : memref<16xi32, #tpu.memory_space<vmem>>, vector<16xi32>,
    %min3A_437 = arith.constant 99999 : i32
    %min3A_438 = vector.broadcast %min3A_437 : i32 to vector<16xi32>
    %min3A_439 = arith.minsi %shift_right_logical3A_431, %min3A_438 : vector<16xi32>
    %swap3A_440 = arith.constant 0 : index
    %swap3A_441 = tpu.vector_load %arg7[%swap3A_440] {strides = array<i32>} : memref<16xi32, #tpu.memory_space<vmem>>, vector<16xi32>,
    tpu.vector_store %arg7[%swap3A_440], %min3A_439 {strides = array<i32>} : memref<16xi32, #tpu.memory_space<vmem>>, vector<16xi32>,
    %dma_start3A_442 = arith.constant 0 : i32
    %dma_start3A_443 = tpu.memref_slice %arg3[%dma_start3A_442] : memref<100000xi32, #tpu.memory_space<hbm>> -> memref<100000xi32, #tpu.memory_space<hbm>>
    tpu.enqueue_indirect_dma source(%dma_start3A_443 : memref<100000xi32, #tpu.memory_space<hbm>>) target(%arg6 : memref<16xi32, #tpu.memory_space<vmem>>) offsets(%arg5 : memref<16xi32, #tpu.memory_space<vmem>>) semaphore(%arg12 : memref<!tpu.dma_semaphore, #tpu.memory_space<semaphore_mem>>)
    %dma_start3A_444 = arith.constant 0 : i32
    %dma_start3A_445 = tpu.memref_slice %arg3[%dma_start3A_444] : memref<100000xi32, #tpu.memory_space<hbm>> -> memref<100000xi32, #tpu.memory_space<hbm>>
    tpu.enqueue_indirect_dma source(%dma_start3A_445 : memref<100000xi32, #tpu.memory_space<hbm>>) target(%arg8 : memref<16xi32, #tpu.memory_space<vmem>>) offsets(%arg7 : memref<16xi32, #tpu.memory_space<vmem>>) semaphore(%arg13 : memref<!tpu.dma_semaphore, #tpu.memory_space<semaphore_mem>>)
    %dma_wait3A_446 = arith.constant 0 : i32
    %dma_wait3A_447 = tpu.memref_slice %arg3[%dma_wait3A_446] : memref<100000xi32, #tpu.memory_space<hbm>> -> memref<100000xi32, #tpu.memory_space<hbm>>
    tpu.wait_indirect_dma semaphore(%arg12 : memref<!tpu.dma_semaphore, #tpu.memory_space<semaphore_mem>>) src(%dma_wait3A_447 : memref<100000xi32, #tpu.memory_space<hbm>>) dst(%arg6 : memref<16xi32, #tpu.memory_space<vmem>>)
    %dma_wait3A_448 = arith.constant 0 : i32
    %dma_wait3A_449 = tpu.memref_slice %arg3[%dma_wait3A_448] : memref<100000xi32, #tpu.memory_space<hbm>> -> memref<100000xi32, #tpu.memory_space<hbm>>
    tpu.wait_indirect_dma semaphore(%arg13 : memref<!tpu.dma_semaphore, #tpu.memory_space<semaphore_mem>>) src(%dma_wait3A_449 : memref<100000xi32, #tpu.memory_space<hbm>>) dst(%arg8 : memref<16xi32, #tpu.memory_space<vmem>>)
    %lt3A_450 = arith.cmpi slt, %select_n3A_411, %select_n3A_415 : vector<16xi32>
    %lt3A_451 = arith.cmpi slt, %select_n3A_419, %select_n3A_423 : vector<16xi32>
    %get3A_452 = arith.constant 0 : index
    %get3A_453 = tpu.vector_load %arg6[%get3A_452] {strides = array<i32>} : memref<16xi32, #tpu.memory_space<vmem>>, vector<16xi32>,
    %lt3A_454 = arith.cmpi slt, %get3A_453, %add3A_4 : vector<16xi32>
    %and3A_455 = arith.andi %lt3A_450, %lt3A_454 : vector<16xi1>
    %get3A_456 = arith.constant 0 : index
    %get3A_457 = tpu.vector_load %arg8[%get3A_456] {strides = array<i32>} : memref<16xi32, #tpu.memory_space<vmem>>, vector<16xi32>,
    %lt3A_458 = arith.cmpi slt, %get3A_457, %add3A_9 : vector<16xi32>
    %and3A_459 = arith.andi %lt3A_451, %lt3A_458 : vector<16xi1>
    %add3A_460 = arith.constant 1 : i32
    %add3A_461 = vector.broadcast %add3A_460 : i32 to vector<16xi32>
    %add3A_462 = arith.addi %shift_right_logical3A_427, %add3A_461 : vector<16xi32>
    %select_n3A_463 = arith.select %and3A_455, %add3A_462, %select_n3A_411 : vector<16xi1>, vector<16xi32>
    %not3A_464 = arith.constant dense<true> : vector<16xi1>
    %not3A_465 = arith.xori %and3A_455, %not3A_464 : vector<16xi1>
    %and3A_466 = arith.andi %lt3A_450, %not3A_465 : vector<16xi1>
    %select_n3A_467 = arith.select %and3A_466, %shift_right_logical3A_427, %select_n3A_415 : vector<16xi1>, vector<16xi32>
    %add3A_468 = arith.constant 1 : i32
    %add3A_469 = vector.broadcast %add3A_468 : i32 to vector<16xi32>
    %add3A_470 = arith.addi %shift_right_logical3A_431, %add3A_469 : vector<16xi32>
    %select_n3A_471 = arith.select %and3A_459, %add3A_470, %select_n3A_419 : vector<16xi1>, vector<16xi32>
    %not3A_472 = arith.constant dense<true> : vector<16xi1>
    %not3A_473 = arith.xori %and3A_459, %not3A_472 : vector<16xi1>
    %and3A_474 = arith.andi %lt3A_451, %not3A_473 : vector<16xi1>
    %select_n3A_475 = arith.select %and3A_474, %shift_right_logical3A_431, %select_n3A_423 : vector<16xi1>, vector<16xi32>
    %add3A_476 = arith.addi %select_n3A_463, %select_n3A_467 : vector<16xi32>
    %shift_right_logical3A_477 = arith.constant 1 : i32
    %shift_right_logical3A_478 = vector.broadcast %shift_right_logical3A_477 : i32 to vector<16xi32>
    %shift_right_logical3A_479 = arith.shrui %add3A_476, %shift_right_logical3A_478 : vector<16xi32>
    %add3A_480 = arith.addi %select_n3A_471, %select_n3A_475 : vector<16xi32>
    %shift_right_logical3A_481 = arith.constant 1 : i32
    %shift_right_logical3A_482 = vector.broadcast %shift_right_logical3A_481 : i32 to vector<16xi32>
    %shift_right_logical3A_483 = arith.shrui %add3A_480, %shift_right_logical3A_482 : vector<16xi32>
    %min3A_484 = arith.constant 99999 : i32
    %min3A_485 = vector.broadcast %min3A_484 : i32 to vector<16xi32>
    %min3A_486 = arith.minsi %shift_right_logical3A_479, %min3A_485 : vector<16xi32>
    %swap3A_487 = arith.constant 0 : index
    %swap3A_488 = tpu.vector_load %arg5[%swap3A_487] {strides = array<i32>} : memref<16xi32, #tpu.memory_space<vmem>>, vector<16xi32>,
    tpu.vector_store %arg5[%swap3A_487], %min3A_486 {strides = array<i32>} : memref<16xi32, #tpu.memory_space<vmem>>, vector<16xi32>,
    %min3A_489 = arith.constant 99999 : i32
    %min3A_490 = vector.broadcast %min3A_489 : i32 to vector<16xi32>
    %min3A_491 = arith.minsi %shift_right_logical3A_483, %min3A_490 : vector<16xi32>
    %swap3A_492 = arith.constant 0 : index
    %swap3A_493 = tpu.vector_load %arg7[%swap3A_492] {strides = array<i32>} : memref<16xi32, #tpu.memory_space<vmem>>, vector<16xi32>,
    tpu.vector_store %arg7[%swap3A_492], %min3A_491 {strides = array<i32>} : memref<16xi32, #tpu.memory_space<vmem>>, vector<16xi32>,
    %dma_start3A_494 = arith.constant 0 : i32
    %dma_start3A_495 = tpu.memref_slice %arg3[%dma_start3A_494] : memref<100000xi32, #tpu.memory_space<hbm>> -> memref<100000xi32, #tpu.memory_space<hbm>>
    tpu.enqueue_indirect_dma source(%dma_start3A_495 : memref<100000xi32, #tpu.memory_space<hbm>>) target(%arg6 : memref<16xi32, #tpu.memory_space<vmem>>) offsets(%arg5 : memref<16xi32, #tpu.memory_space<vmem>>) semaphore(%arg12 : memref<!tpu.dma_semaphore, #tpu.memory_space<semaphore_mem>>)
    %dma_start3A_496 = arith.constant 0 : i32
    %dma_start3A_497 = tpu.memref_slice %arg3[%dma_start3A_496] : memref<100000xi32, #tpu.memory_space<hbm>> -> memref<100000xi32, #tpu.memory_space<hbm>>
    tpu.enqueue_indirect_dma source(%dma_start3A_497 : memref<100000xi32, #tpu.memory_space<hbm>>) target(%arg8 : memref<16xi32, #tpu.memory_space<vmem>>) offsets(%arg7 : memref<16xi32, #tpu.memory_space<vmem>>) semaphore(%arg13 : memref<!tpu.dma_semaphore, #tpu.memory_space<semaphore_mem>>)
    %dma_wait3A_498 = arith.constant 0 : i32
    %dma_wait3A_499 = tpu.memref_slice %arg3[%dma_wait3A_498] : memref<100000xi32, #tpu.memory_space<hbm>> -> memref<100000xi32, #tpu.memory_space<hbm>>
    tpu.wait_indirect_dma semaphore(%arg12 : memref<!tpu.dma_semaphore, #tpu.memory_space<semaphore_mem>>) src(%dma_wait3A_499 : memref<100000xi32, #tpu.memory_space<hbm>>) dst(%arg6 : memref<16xi32, #tpu.memory_space<vmem>>)
    %dma_wait3A_500 = arith.constant 0 : i32
    %dma_wait3A_501 = tpu.memref_slice %arg3[%dma_wait3A_500] : memref<100000xi32, #tpu.memory_space<hbm>> -> memref<100000xi32, #tpu.memory_space<hbm>>
    tpu.wait_indirect_dma semaphore(%arg13 : memref<!tpu.dma_semaphore, #tpu.memory_space<semaphore_mem>>) src(%dma_wait3A_501 : memref<100000xi32, #tpu.memory_space<hbm>>) dst(%arg8 : memref<16xi32, #tpu.memory_space<vmem>>)
    %lt3A_502 = arith.cmpi slt, %select_n3A_463, %select_n3A_467 : vector<16xi32>
    %lt3A_503 = arith.cmpi slt, %select_n3A_471, %select_n3A_475 : vector<16xi32>
    %get3A_504 = arith.constant 0 : index
    %get3A_505 = tpu.vector_load %arg6[%get3A_504] {strides = array<i32>} : memref<16xi32, #tpu.memory_space<vmem>>, vector<16xi32>,
    %lt3A_506 = arith.cmpi slt, %get3A_505, %add3A_4 : vector<16xi32>
    %and3A_507 = arith.andi %lt3A_502, %lt3A_506 : vector<16xi1>
    %get3A_508 = arith.constant 0 : index
    %get3A_509 = tpu.vector_load %arg8[%get3A_508] {strides = array<i32>} : memref<16xi32, #tpu.memory_space<vmem>>, vector<16xi32>,
    %lt3A_510 = arith.cmpi slt, %get3A_509, %add3A_9 : vector<16xi32>
    %and3A_511 = arith.andi %lt3A_503, %lt3A_510 : vector<16xi1>
    %add3A_512 = arith.constant 1 : i32
    %add3A_513 = vector.broadcast %add3A_512 : i32 to vector<16xi32>
    %add3A_514 = arith.addi %shift_right_logical3A_479, %add3A_513 : vector<16xi32>
    %select_n3A_515 = arith.select %and3A_507, %add3A_514, %select_n3A_463 : vector<16xi1>, vector<16xi32>
    %not3A_516 = arith.constant dense<true> : vector<16xi1>
    %not3A_517 = arith.xori %and3A_507, %not3A_516 : vector<16xi1>
    %and3A_518 = arith.andi %lt3A_502, %not3A_517 : vector<16xi1>
    %select_n3A_519 = arith.select %and3A_518, %shift_right_logical3A_479, %select_n3A_467 : vector<16xi1>, vector<16xi32>
    %add3A_520 = arith.constant 1 : i32
    %add3A_521 = vector.broadcast %add3A_520 : i32 to vector<16xi32>
    %add3A_522 = arith.addi %shift_right_logical3A_483, %add3A_521 : vector<16xi32>
    %select_n3A_523 = arith.select %and3A_511, %add3A_522, %select_n3A_471 : vector<16xi1>, vector<16xi32>
    %not3A_524 = arith.constant dense<true> : vector<16xi1>
    %not3A_525 = arith.xori %and3A_511, %not3A_524 : vector<16xi1>
    %and3A_526 = arith.andi %lt3A_503, %not3A_525 : vector<16xi1>
    %select_n3A_527 = arith.select %and3A_526, %shift_right_logical3A_483, %select_n3A_475 : vector<16xi1>, vector<16xi32>
    %add3A_528 = arith.addi %select_n3A_515, %select_n3A_519 : vector<16xi32>
    %shift_right_logical3A_529 = arith.constant 1 : i32
    %shift_right_logical3A_530 = vector.broadcast %shift_right_logical3A_529 : i32 to vector<16xi32>
    %shift_right_logical3A_531 = arith.shrui %add3A_528, %shift_right_logical3A_530 : vector<16xi32>
    %add3A_532 = arith.addi %select_n3A_523, %select_n3A_527 : vector<16xi32>
    %shift_right_logical3A_533 = arith.constant 1 : i32
    %shift_right_logical3A_534 = vector.broadcast %shift_right_logical3A_533 : i32 to vector<16xi32>
    %shift_right_logical3A_535 = arith.shrui %add3A_532, %shift_right_logical3A_534 : vector<16xi32>
    %min3A_536 = arith.constant 99999 : i32
    %min3A_537 = vector.broadcast %min3A_536 : i32 to vector<16xi32>
    %min3A_538 = arith.minsi %shift_right_logical3A_531, %min3A_537 : vector<16xi32>
    %swap3A_539 = arith.constant 0 : index
    %swap3A_540 = tpu.vector_load %arg5[%swap3A_539] {strides = array<i32>} : memref<16xi32, #tpu.memory_space<vmem>>, vector<16xi32>,
    tpu.vector_store %arg5[%swap3A_539], %min3A_538 {strides = array<i32>} : memref<16xi32, #tpu.memory_space<vmem>>, vector<16xi32>,
    %min3A_541 = arith.constant 99999 : i32
    %min3A_542 = vector.broadcast %min3A_541 : i32 to vector<16xi32>
    %min3A_543 = arith.minsi %shift_right_logical3A_535, %min3A_542 : vector<16xi32>
    %swap3A_544 = arith.constant 0 : index
    %swap3A_545 = tpu.vector_load %arg7[%swap3A_544] {strides = array<i32>} : memref<16xi32, #tpu.memory_space<vmem>>, vector<16xi32>,
    tpu.vector_store %arg7[%swap3A_544], %min3A_543 {strides = array<i32>} : memref<16xi32, #tpu.memory_space<vmem>>, vector<16xi32>,
    %dma_start3A_546 = arith.constant 0 : i32
    %dma_start3A_547 = tpu.memref_slice %arg3[%dma_start3A_546] : memref<100000xi32, #tpu.memory_space<hbm>> -> memref<100000xi32, #tpu.memory_space<hbm>>
    tpu.enqueue_indirect_dma source(%dma_start3A_547 : memref<100000xi32, #tpu.memory_space<hbm>>) target(%arg6 : memref<16xi32, #tpu.memory_space<vmem>>) offsets(%arg5 : memref<16xi32, #tpu.memory_space<vmem>>) semaphore(%arg12 : memref<!tpu.dma_semaphore, #tpu.memory_space<semaphore_mem>>)
    %dma_start3A_548 = arith.constant 0 : i32
    %dma_start3A_549 = tpu.memref_slice %arg3[%dma_start3A_548] : memref<100000xi32, #tpu.memory_space<hbm>> -> memref<100000xi32, #tpu.memory_space<hbm>>
    tpu.enqueue_indirect_dma source(%dma_start3A_549 : memref<100000xi32, #tpu.memory_space<hbm>>) target(%arg8 : memref<16xi32, #tpu.memory_space<vmem>>) offsets(%arg7 : memref<16xi32, #tpu.memory_space<vmem>>) semaphore(%arg13 : memref<!tpu.dma_semaphore, #tpu.memory_space<semaphore_mem>>)
    %dma_wait3A_550 = arith.constant 0 : i32
    %dma_wait3A_551 = tpu.memref_slice %arg3[%dma_wait3A_550] : memref<100000xi32, #tpu.memory_space<hbm>> -> memref<100000xi32, #tpu.memory_space<hbm>>
    tpu.wait_indirect_dma semaphore(%arg12 : memref<!tpu.dma_semaphore, #tpu.memory_space<semaphore_mem>>) src(%dma_wait3A_551 : memref<100000xi32, #tpu.memory_space<hbm>>) dst(%arg6 : memref<16xi32, #tpu.memory_space<vmem>>)
    %dma_wait3A_552 = arith.constant 0 : i32
    %dma_wait3A_553 = tpu.memref_slice %arg3[%dma_wait3A_552] : memref<100000xi32, #tpu.memory_space<hbm>> -> memref<100000xi32, #tpu.memory_space<hbm>>
    tpu.wait_indirect_dma semaphore(%arg13 : memref<!tpu.dma_semaphore, #tpu.memory_space<semaphore_mem>>) src(%dma_wait3A_553 : memref<100000xi32, #tpu.memory_space<hbm>>) dst(%arg8 : memref<16xi32, #tpu.memory_space<vmem>>)
    %lt3A_554 = arith.cmpi slt, %select_n3A_515, %select_n3A_519 : vector<16xi32>
    %lt3A_555 = arith.cmpi slt, %select_n3A_523, %select_n3A_527 : vector<16xi32>
    %get3A_556 = arith.constant 0 : index
    %get3A_557 = tpu.vector_load %arg6[%get3A_556] {strides = array<i32>} : memref<16xi32, #tpu.memory_space<vmem>>, vector<16xi32>,
    %lt3A_558 = arith.cmpi slt, %get3A_557, %add3A_4 : vector<16xi32>
    %and3A_559 = arith.andi %lt3A_554, %lt3A_558 : vector<16xi1>
    %get3A_560 = arith.constant 0 : index
    %get3A_561 = tpu.vector_load %arg8[%get3A_560] {strides = array<i32>} : memref<16xi32, #tpu.memory_space<vmem>>, vector<16xi32>,
    %lt3A_562 = arith.cmpi slt, %get3A_561, %add3A_9 : vector<16xi32>
    %and3A_563 = arith.andi %lt3A_555, %lt3A_562 : vector<16xi1>
    %add3A_564 = arith.constant 1 : i32
    %add3A_565 = vector.broadcast %add3A_564 : i32 to vector<16xi32>
    %add3A_566 = arith.addi %shift_right_logical3A_531, %add3A_565 : vector<16xi32>
    %select_n3A_567 = arith.select %and3A_559, %add3A_566, %select_n3A_515 : vector<16xi1>, vector<16xi32>
    %not3A_568 = arith.constant dense<true> : vector<16xi1>
    %not3A_569 = arith.xori %and3A_559, %not3A_568 : vector<16xi1>
    %and3A_570 = arith.andi %lt3A_554, %not3A_569 : vector<16xi1>
    %select_n3A_571 = arith.select %and3A_570, %shift_right_logical3A_531, %select_n3A_519 : vector<16xi1>, vector<16xi32>
    %add3A_572 = arith.constant 1 : i32
    %add3A_573 = vector.broadcast %add3A_572 : i32 to vector<16xi32>
    %add3A_574 = arith.addi %shift_right_logical3A_535, %add3A_573 : vector<16xi32>
    %select_n3A_575 = arith.select %and3A_563, %add3A_574, %select_n3A_523 : vector<16xi1>, vector<16xi32>
    %not3A_576 = arith.constant dense<true> : vector<16xi1>
    %not3A_577 = arith.xori %and3A_563, %not3A_576 : vector<16xi1>
    %and3A_578 = arith.andi %lt3A_555, %not3A_577 : vector<16xi1>
    %select_n3A_579 = arith.select %and3A_578, %shift_right_logical3A_535, %select_n3A_527 : vector<16xi1>, vector<16xi32>
    %add3A_580 = arith.addi %select_n3A_567, %select_n3A_571 : vector<16xi32>
    %shift_right_logical3A_581 = arith.constant 1 : i32
    %shift_right_logical3A_582 = vector.broadcast %shift_right_logical3A_581 : i32 to vector<16xi32>
    %shift_right_logical3A_583 = arith.shrui %add3A_580, %shift_right_logical3A_582 : vector<16xi32>
    %add3A_584 = arith.addi %select_n3A_575, %select_n3A_579 : vector<16xi32>
    %shift_right_logical3A_585 = arith.constant 1 : i32
    %shift_right_logical3A_586 = vector.broadcast %shift_right_logical3A_585 : i32 to vector<16xi32>
    %shift_right_logical3A_587 = arith.shrui %add3A_584, %shift_right_logical3A_586 : vector<16xi32>
    %min3A_588 = arith.constant 99999 : i32
    %min3A_589 = vector.broadcast %min3A_588 : i32 to vector<16xi32>
    %min3A_590 = arith.minsi %shift_right_logical3A_583, %min3A_589 : vector<16xi32>
    %swap3A_591 = arith.constant 0 : index
    %swap3A_592 = tpu.vector_load %arg5[%swap3A_591] {strides = array<i32>} : memref<16xi32, #tpu.memory_space<vmem>>, vector<16xi32>,
    tpu.vector_store %arg5[%swap3A_591], %min3A_590 {strides = array<i32>} : memref<16xi32, #tpu.memory_space<vmem>>, vector<16xi32>,
    %min3A_593 = arith.constant 99999 : i32
    %min3A_594 = vector.broadcast %min3A_593 : i32 to vector<16xi32>
    %min3A_595 = arith.minsi %shift_right_logical3A_587, %min3A_594 : vector<16xi32>
    %swap3A_596 = arith.constant 0 : index
    %swap3A_597 = tpu.vector_load %arg7[%swap3A_596] {strides = array<i32>} : memref<16xi32, #tpu.memory_space<vmem>>, vector<16xi32>,
    tpu.vector_store %arg7[%swap3A_596], %min3A_595 {strides = array<i32>} : memref<16xi32, #tpu.memory_space<vmem>>, vector<16xi32>,
    %dma_start3A_598 = arith.constant 0 : i32
    %dma_start3A_599 = tpu.memref_slice %arg3[%dma_start3A_598] : memref<100000xi32, #tpu.memory_space<hbm>> -> memref<100000xi32, #tpu.memory_space<hbm>>
    tpu.enqueue_indirect_dma source(%dma_start3A_599 : memref<100000xi32, #tpu.memory_space<hbm>>) target(%arg6 : memref<16xi32, #tpu.memory_space<vmem>>) offsets(%arg5 : memref<16xi32, #tpu.memory_space<vmem>>) semaphore(%arg12 : memref<!tpu.dma_semaphore, #tpu.memory_space<semaphore_mem>>)
    %dma_start3A_600 = arith.constant 0 : i32
    %dma_start3A_601 = tpu.memref_slice %arg3[%dma_start3A_600] : memref<100000xi32, #tpu.memory_space<hbm>> -> memref<100000xi32, #tpu.memory_space<hbm>>
    tpu.enqueue_indirect_dma source(%dma_start3A_601 : memref<100000xi32, #tpu.memory_space<hbm>>) target(%arg8 : memref<16xi32, #tpu.memory_space<vmem>>) offsets(%arg7 : memref<16xi32, #tpu.memory_space<vmem>>) semaphore(%arg13 : memref<!tpu.dma_semaphore, #tpu.memory_space<semaphore_mem>>)
    %dma_wait3A_602 = arith.constant 0 : i32
    %dma_wait3A_603 = tpu.memref_slice %arg3[%dma_wait3A_602] : memref<100000xi32, #tpu.memory_space<hbm>> -> memref<100000xi32, #tpu.memory_space<hbm>>
    tpu.wait_indirect_dma semaphore(%arg12 : memref<!tpu.dma_semaphore, #tpu.memory_space<semaphore_mem>>) src(%dma_wait3A_603 : memref<100000xi32, #tpu.memory_space<hbm>>) dst(%arg6 : memref<16xi32, #tpu.memory_space<vmem>>)
    %dma_wait3A_604 = arith.constant 0 : i32
    %dma_wait3A_605 = tpu.memref_slice %arg3[%dma_wait3A_604] : memref<100000xi32, #tpu.memory_space<hbm>> -> memref<100000xi32, #tpu.memory_space<hbm>>
    tpu.wait_indirect_dma semaphore(%arg13 : memref<!tpu.dma_semaphore, #tpu.memory_space<semaphore_mem>>) src(%dma_wait3A_605 : memref<100000xi32, #tpu.memory_space<hbm>>) dst(%arg8 : memref<16xi32, #tpu.memory_space<vmem>>)
    %lt3A_606 = arith.cmpi slt, %select_n3A_567, %select_n3A_571 : vector<16xi32>
    %lt3A_607 = arith.cmpi slt, %select_n3A_575, %select_n3A_579 : vector<16xi32>
    %get3A_608 = arith.constant 0 : index
    %get3A_609 = tpu.vector_load %arg6[%get3A_608] {strides = array<i32>} : memref<16xi32, #tpu.memory_space<vmem>>, vector<16xi32>,
    %lt3A_610 = arith.cmpi slt, %get3A_609, %add3A_4 : vector<16xi32>
    %and3A_611 = arith.andi %lt3A_606, %lt3A_610 : vector<16xi1>
    %get3A_612 = arith.constant 0 : index
    %get3A_613 = tpu.vector_load %arg8[%get3A_612] {strides = array<i32>} : memref<16xi32, #tpu.memory_space<vmem>>, vector<16xi32>,
    %lt3A_614 = arith.cmpi slt, %get3A_613, %add3A_9 : vector<16xi32>
    %and3A_615 = arith.andi %lt3A_607, %lt3A_614 : vector<16xi1>
    %add3A_616 = arith.constant 1 : i32
    %add3A_617 = vector.broadcast %add3A_616 : i32 to vector<16xi32>
    %add3A_618 = arith.addi %shift_right_logical3A_583, %add3A_617 : vector<16xi32>
    %select_n3A_619 = arith.select %and3A_611, %add3A_618, %select_n3A_567 : vector<16xi1>, vector<16xi32>
    %not3A_620 = arith.constant dense<true> : vector<16xi1>
    %not3A_621 = arith.xori %and3A_611, %not3A_620 : vector<16xi1>
    %and3A_622 = arith.andi %lt3A_606, %not3A_621 : vector<16xi1>
    %select_n3A_623 = arith.select %and3A_622, %shift_right_logical3A_583, %select_n3A_571 : vector<16xi1>, vector<16xi32>
    %add3A_624 = arith.constant 1 : i32
    %add3A_625 = vector.broadcast %add3A_624 : i32 to vector<16xi32>
    %add3A_626 = arith.addi %shift_right_logical3A_587, %add3A_625 : vector<16xi32>
    %select_n3A_627 = arith.select %and3A_615, %add3A_626, %select_n3A_575 : vector<16xi1>, vector<16xi32>
    %not3A_628 = arith.constant dense<true> : vector<16xi1>
    %not3A_629 = arith.xori %and3A_615, %not3A_628 : vector<16xi1>
    %and3A_630 = arith.andi %lt3A_607, %not3A_629 : vector<16xi1>
    %select_n3A_631 = arith.select %and3A_630, %shift_right_logical3A_587, %select_n3A_579 : vector<16xi1>, vector<16xi32>
    %add3A_632 = arith.addi %select_n3A_619, %select_n3A_623 : vector<16xi32>
    %shift_right_logical3A_633 = arith.constant 1 : i32
    %shift_right_logical3A_634 = vector.broadcast %shift_right_logical3A_633 : i32 to vector<16xi32>
    %shift_right_logical3A_635 = arith.shrui %add3A_632, %shift_right_logical3A_634 : vector<16xi32>
    %add3A_636 = arith.addi %select_n3A_627, %select_n3A_631 : vector<16xi32>
    %shift_right_logical3A_637 = arith.constant 1 : i32
    %shift_right_logical3A_638 = vector.broadcast %shift_right_logical3A_637 : i32 to vector<16xi32>
    %shift_right_logical3A_639 = arith.shrui %add3A_636, %shift_right_logical3A_638 : vector<16xi32>
    %min3A_640 = arith.constant 99999 : i32
    %min3A_641 = vector.broadcast %min3A_640 : i32 to vector<16xi32>
    %min3A_642 = arith.minsi %shift_right_logical3A_635, %min3A_641 : vector<16xi32>
    %swap3A_643 = arith.constant 0 : index
    %swap3A_644 = tpu.vector_load %arg5[%swap3A_643] {strides = array<i32>} : memref<16xi32, #tpu.memory_space<vmem>>, vector<16xi32>,
    tpu.vector_store %arg5[%swap3A_643], %min3A_642 {strides = array<i32>} : memref<16xi32, #tpu.memory_space<vmem>>, vector<16xi32>,
    %min3A_645 = arith.constant 99999 : i32
    %min3A_646 = vector.broadcast %min3A_645 : i32 to vector<16xi32>
    %min3A_647 = arith.minsi %shift_right_logical3A_639, %min3A_646 : vector<16xi32>
    %swap3A_648 = arith.constant 0 : index
    %swap3A_649 = tpu.vector_load %arg7[%swap3A_648] {strides = array<i32>} : memref<16xi32, #tpu.memory_space<vmem>>, vector<16xi32>,
    tpu.vector_store %arg7[%swap3A_648], %min3A_647 {strides = array<i32>} : memref<16xi32, #tpu.memory_space<vmem>>, vector<16xi32>,
    %dma_start3A_650 = arith.constant 0 : i32
    %dma_start3A_651 = tpu.memref_slice %arg3[%dma_start3A_650] : memref<100000xi32, #tpu.memory_space<hbm>> -> memref<100000xi32, #tpu.memory_space<hbm>>
    tpu.enqueue_indirect_dma source(%dma_start3A_651 : memref<100000xi32, #tpu.memory_space<hbm>>) target(%arg6 : memref<16xi32, #tpu.memory_space<vmem>>) offsets(%arg5 : memref<16xi32, #tpu.memory_space<vmem>>) semaphore(%arg12 : memref<!tpu.dma_semaphore, #tpu.memory_space<semaphore_mem>>)
    %dma_start3A_652 = arith.constant 0 : i32
    %dma_start3A_653 = tpu.memref_slice %arg3[%dma_start3A_652] : memref<100000xi32, #tpu.memory_space<hbm>> -> memref<100000xi32, #tpu.memory_space<hbm>>
    tpu.enqueue_indirect_dma source(%dma_start3A_653 : memref<100000xi32, #tpu.memory_space<hbm>>) target(%arg8 : memref<16xi32, #tpu.memory_space<vmem>>) offsets(%arg7 : memref<16xi32, #tpu.memory_space<vmem>>) semaphore(%arg13 : memref<!tpu.dma_semaphore, #tpu.memory_space<semaphore_mem>>)
    %dma_wait3A_654 = arith.constant 0 : i32
    %dma_wait3A_655 = tpu.memref_slice %arg3[%dma_wait3A_654] : memref<100000xi32, #tpu.memory_space<hbm>> -> memref<100000xi32, #tpu.memory_space<hbm>>
    tpu.wait_indirect_dma semaphore(%arg12 : memref<!tpu.dma_semaphore, #tpu.memory_space<semaphore_mem>>) src(%dma_wait3A_655 : memref<100000xi32, #tpu.memory_space<hbm>>) dst(%arg6 : memref<16xi32, #tpu.memory_space<vmem>>)
    %dma_wait3A_656 = arith.constant 0 : i32
    %dma_wait3A_657 = tpu.memref_slice %arg3[%dma_wait3A_656] : memref<100000xi32, #tpu.memory_space<hbm>> -> memref<100000xi32, #tpu.memory_space<hbm>>
    tpu.wait_indirect_dma semaphore(%arg13 : memref<!tpu.dma_semaphore, #tpu.memory_space<semaphore_mem>>) src(%dma_wait3A_657 : memref<100000xi32, #tpu.memory_space<hbm>>) dst(%arg8 : memref<16xi32, #tpu.memory_space<vmem>>)
    %lt3A_658 = arith.cmpi slt, %select_n3A_619, %select_n3A_623 : vector<16xi32>
    %lt3A_659 = arith.cmpi slt, %select_n3A_627, %select_n3A_631 : vector<16xi32>
    %get3A_660 = arith.constant 0 : index
    %get3A_661 = tpu.vector_load %arg6[%get3A_660] {strides = array<i32>} : memref<16xi32, #tpu.memory_space<vmem>>, vector<16xi32>,
    %lt3A_662 = arith.cmpi slt, %get3A_661, %add3A_4 : vector<16xi32>
    %and3A_663 = arith.andi %lt3A_658, %lt3A_662 : vector<16xi1>
    %get3A_664 = arith.constant 0 : index
    %get3A_665 = tpu.vector_load %arg8[%get3A_664] {strides = array<i32>} : memref<16xi32, #tpu.memory_space<vmem>>, vector<16xi32>,
    %lt3A_666 = arith.cmpi slt, %get3A_665, %add3A_9 : vector<16xi32>
    %and3A_667 = arith.andi %lt3A_659, %lt3A_666 : vector<16xi1>
    %add3A_668 = arith.constant 1 : i32
    %add3A_669 = vector.broadcast %add3A_668 : i32 to vector<16xi32>
    %add3A_670 = arith.addi %shift_right_logical3A_635, %add3A_669 : vector<16xi32>
    %select_n3A_671 = arith.select %and3A_663, %add3A_670, %select_n3A_619 : vector<16xi1>, vector<16xi32>
    %not3A_672 = arith.constant dense<true> : vector<16xi1>
    %not3A_673 = arith.xori %and3A_663, %not3A_672 : vector<16xi1>
    %and3A_674 = arith.andi %lt3A_658, %not3A_673 : vector<16xi1>
    %select_n3A_675 = arith.select %and3A_674, %shift_right_logical3A_635, %select_n3A_623 : vector<16xi1>, vector<16xi32>
    %add3A_676 = arith.constant 1 : i32
    %add3A_677 = vector.broadcast %add3A_676 : i32 to vector<16xi32>
    %add3A_678 = arith.addi %shift_right_logical3A_639, %add3A_677 : vector<16xi32>
    %select_n3A_679 = arith.select %and3A_667, %add3A_678, %select_n3A_627 : vector<16xi1>, vector<16xi32>
    %not3A_680 = arith.constant dense<true> : vector<16xi1>
    %not3A_681 = arith.xori %and3A_667, %not3A_680 : vector<16xi1>
    %and3A_682 = arith.andi %lt3A_659, %not3A_681 : vector<16xi1>
    %select_n3A_683 = arith.select %and3A_682, %shift_right_logical3A_639, %select_n3A_631 : vector<16xi1>, vector<16xi32>
    %add3A_684 = arith.addi %select_n3A_671, %select_n3A_675 : vector<16xi32>
    %shift_right_logical3A_685 = arith.constant 1 : i32
    %shift_right_logical3A_686 = vector.broadcast %shift_right_logical3A_685 : i32 to vector<16xi32>
    %shift_right_logical3A_687 = arith.shrui %add3A_684, %shift_right_logical3A_686 : vector<16xi32>
    %add3A_688 = arith.addi %select_n3A_679, %select_n3A_683 : vector<16xi32>
    %shift_right_logical3A_689 = arith.constant 1 : i32
    %shift_right_logical3A_690 = vector.broadcast %shift_right_logical3A_689 : i32 to vector<16xi32>
    %shift_right_logical3A_691 = arith.shrui %add3A_688, %shift_right_logical3A_690 : vector<16xi32>
    %min3A_692 = arith.constant 99999 : i32
    %min3A_693 = vector.broadcast %min3A_692 : i32 to vector<16xi32>
    %min3A_694 = arith.minsi %shift_right_logical3A_687, %min3A_693 : vector<16xi32>
    %swap3A_695 = arith.constant 0 : index
    %swap3A_696 = tpu.vector_load %arg5[%swap3A_695] {strides = array<i32>} : memref<16xi32, #tpu.memory_space<vmem>>, vector<16xi32>,
    tpu.vector_store %arg5[%swap3A_695], %min3A_694 {strides = array<i32>} : memref<16xi32, #tpu.memory_space<vmem>>, vector<16xi32>,
    %min3A_697 = arith.constant 99999 : i32
    %min3A_698 = vector.broadcast %min3A_697 : i32 to vector<16xi32>
    %min3A_699 = arith.minsi %shift_right_logical3A_691, %min3A_698 : vector<16xi32>
    %swap3A_700 = arith.constant 0 : index
    %swap3A_701 = tpu.vector_load %arg7[%swap3A_700] {strides = array<i32>} : memref<16xi32, #tpu.memory_space<vmem>>, vector<16xi32>,
    tpu.vector_store %arg7[%swap3A_700], %min3A_699 {strides = array<i32>} : memref<16xi32, #tpu.memory_space<vmem>>, vector<16xi32>,
    %dma_start3A_702 = arith.constant 0 : i32
    %dma_start3A_703 = tpu.memref_slice %arg3[%dma_start3A_702] : memref<100000xi32, #tpu.memory_space<hbm>> -> memref<100000xi32, #tpu.memory_space<hbm>>
    tpu.enqueue_indirect_dma source(%dma_start3A_703 : memref<100000xi32, #tpu.memory_space<hbm>>) target(%arg6 : memref<16xi32, #tpu.memory_space<vmem>>) offsets(%arg5 : memref<16xi32, #tpu.memory_space<vmem>>) semaphore(%arg12 : memref<!tpu.dma_semaphore, #tpu.memory_space<semaphore_mem>>)
    %dma_start3A_704 = arith.constant 0 : i32
    %dma_start3A_705 = tpu.memref_slice %arg3[%dma_start3A_704] : memref<100000xi32, #tpu.memory_space<hbm>> -> memref<100000xi32, #tpu.memory_space<hbm>>
    tpu.enqueue_indirect_dma source(%dma_start3A_705 : memref<100000xi32, #tpu.memory_space<hbm>>) target(%arg8 : memref<16xi32, #tpu.memory_space<vmem>>) offsets(%arg7 : memref<16xi32, #tpu.memory_space<vmem>>) semaphore(%arg13 : memref<!tpu.dma_semaphore, #tpu.memory_space<semaphore_mem>>)
    %dma_wait3A_706 = arith.constant 0 : i32
    %dma_wait3A_707 = tpu.memref_slice %arg3[%dma_wait3A_706] : memref<100000xi32, #tpu.memory_space<hbm>> -> memref<100000xi32, #tpu.memory_space<hbm>>
    tpu.wait_indirect_dma semaphore(%arg12 : memref<!tpu.dma_semaphore, #tpu.memory_space<semaphore_mem>>) src(%dma_wait3A_707 : memref<100000xi32, #tpu.memory_space<hbm>>) dst(%arg6 : memref<16xi32, #tpu.memory_space<vmem>>)
    %dma_wait3A_708 = arith.constant 0 : i32
    %dma_wait3A_709 = tpu.memref_slice %arg3[%dma_wait3A_708] : memref<100000xi32, #tpu.memory_space<hbm>> -> memref<100000xi32, #tpu.memory_space<hbm>>
    tpu.wait_indirect_dma semaphore(%arg13 : memref<!tpu.dma_semaphore, #tpu.memory_space<semaphore_mem>>) src(%dma_wait3A_709 : memref<100000xi32, #tpu.memory_space<hbm>>) dst(%arg8 : memref<16xi32, #tpu.memory_space<vmem>>)
    %lt3A_710 = arith.cmpi slt, %select_n3A_671, %select_n3A_675 : vector<16xi32>
    %lt3A_711 = arith.cmpi slt, %select_n3A_679, %select_n3A_683 : vector<16xi32>
    %get3A_712 = arith.constant 0 : index
    %get3A_713 = tpu.vector_load %arg6[%get3A_712] {strides = array<i32>} : memref<16xi32, #tpu.memory_space<vmem>>, vector<16xi32>,
    %lt3A_714 = arith.cmpi slt, %get3A_713, %add3A_4 : vector<16xi32>
    %and3A_715 = arith.andi %lt3A_710, %lt3A_714 : vector<16xi1>
    %get3A_716 = arith.constant 0 : index
    %get3A_717 = tpu.vector_load %arg8[%get3A_716] {strides = array<i32>} : memref<16xi32, #tpu.memory_space<vmem>>, vector<16xi32>,
    %lt3A_718 = arith.cmpi slt, %get3A_717, %add3A_9 : vector<16xi32>
    %and3A_719 = arith.andi %lt3A_711, %lt3A_718 : vector<16xi1>
    %add3A_720 = arith.constant 1 : i32
    %add3A_721 = vector.broadcast %add3A_720 : i32 to vector<16xi32>
    %add3A_722 = arith.addi %shift_right_logical3A_687, %add3A_721 : vector<16xi32>
    %select_n3A_723 = arith.select %and3A_715, %add3A_722, %select_n3A_671 : vector<16xi1>, vector<16xi32>
    %not3A_724 = arith.constant dense<true> : vector<16xi1>
    %not3A_725 = arith.xori %and3A_715, %not3A_724 : vector<16xi1>
    %and3A_726 = arith.andi %lt3A_710, %not3A_725 : vector<16xi1>
    %select_n3A_727 = arith.select %and3A_726, %shift_right_logical3A_687, %select_n3A_675 : vector<16xi1>, vector<16xi32>
    %add3A_728 = arith.constant 1 : i32
    %add3A_729 = vector.broadcast %add3A_728 : i32 to vector<16xi32>
    %add3A_730 = arith.addi %shift_right_logical3A_691, %add3A_729 : vector<16xi32>
    %select_n3A_731 = arith.select %and3A_719, %add3A_730, %select_n3A_679 : vector<16xi1>, vector<16xi32>
    %not3A_732 = arith.constant dense<true> : vector<16xi1>
    %not3A_733 = arith.xori %and3A_719, %not3A_732 : vector<16xi1>
    %and3A_734 = arith.andi %lt3A_711, %not3A_733 : vector<16xi1>
    %select_n3A_735 = arith.select %and3A_734, %shift_right_logical3A_691, %select_n3A_683 : vector<16xi1>, vector<16xi32>
    %add3A_736 = arith.addi %select_n3A_723, %select_n3A_727 : vector<16xi32>
    %shift_right_logical3A_737 = arith.constant 1 : i32
    %shift_right_logical3A_738 = vector.broadcast %shift_right_logical3A_737 : i32 to vector<16xi32>
    %shift_right_logical3A_739 = arith.shrui %add3A_736, %shift_right_logical3A_738 : vector<16xi32>
    %add3A_740 = arith.addi %select_n3A_731, %select_n3A_735 : vector<16xi32>
    %shift_right_logical3A_741 = arith.constant 1 : i32
    %shift_right_logical3A_742 = vector.broadcast %shift_right_logical3A_741 : i32 to vector<16xi32>
    %shift_right_logical3A_743 = arith.shrui %add3A_740, %shift_right_logical3A_742 : vector<16xi32>
    %min3A_744 = arith.constant 99999 : i32
    %min3A_745 = vector.broadcast %min3A_744 : i32 to vector<16xi32>
    %min3A_746 = arith.minsi %shift_right_logical3A_739, %min3A_745 : vector<16xi32>
    %swap3A_747 = arith.constant 0 : index
    %swap3A_748 = tpu.vector_load %arg5[%swap3A_747] {strides = array<i32>} : memref<16xi32, #tpu.memory_space<vmem>>, vector<16xi32>,
    tpu.vector_store %arg5[%swap3A_747], %min3A_746 {strides = array<i32>} : memref<16xi32, #tpu.memory_space<vmem>>, vector<16xi32>,
    %min3A_749 = arith.constant 99999 : i32
    %min3A_750 = vector.broadcast %min3A_749 : i32 to vector<16xi32>
    %min3A_751 = arith.minsi %shift_right_logical3A_743, %min3A_750 : vector<16xi32>
    %swap3A_752 = arith.constant 0 : index
    %swap3A_753 = tpu.vector_load %arg7[%swap3A_752] {strides = array<i32>} : memref<16xi32, #tpu.memory_space<vmem>>, vector<16xi32>,
    tpu.vector_store %arg7[%swap3A_752], %min3A_751 {strides = array<i32>} : memref<16xi32, #tpu.memory_space<vmem>>, vector<16xi32>,
    %dma_start3A_754 = arith.constant 0 : i32
    %dma_start3A_755 = tpu.memref_slice %arg3[%dma_start3A_754] : memref<100000xi32, #tpu.memory_space<hbm>> -> memref<100000xi32, #tpu.memory_space<hbm>>
    tpu.enqueue_indirect_dma source(%dma_start3A_755 : memref<100000xi32, #tpu.memory_space<hbm>>) target(%arg6 : memref<16xi32, #tpu.memory_space<vmem>>) offsets(%arg5 : memref<16xi32, #tpu.memory_space<vmem>>) semaphore(%arg12 : memref<!tpu.dma_semaphore, #tpu.memory_space<semaphore_mem>>)
    %dma_start3A_756 = arith.constant 0 : i32
    %dma_start3A_757 = tpu.memref_slice %arg3[%dma_start3A_756] : memref<100000xi32, #tpu.memory_space<hbm>> -> memref<100000xi32, #tpu.memory_space<hbm>>
    tpu.enqueue_indirect_dma source(%dma_start3A_757 : memref<100000xi32, #tpu.memory_space<hbm>>) target(%arg8 : memref<16xi32, #tpu.memory_space<vmem>>) offsets(%arg7 : memref<16xi32, #tpu.memory_space<vmem>>) semaphore(%arg13 : memref<!tpu.dma_semaphore, #tpu.memory_space<semaphore_mem>>)
    %dma_wait3A_758 = arith.constant 0 : i32
    %dma_wait3A_759 = tpu.memref_slice %arg3[%dma_wait3A_758] : memref<100000xi32, #tpu.memory_space<hbm>> -> memref<100000xi32, #tpu.memory_space<hbm>>
    tpu.wait_indirect_dma semaphore(%arg12 : memref<!tpu.dma_semaphore, #tpu.memory_space<semaphore_mem>>) src(%dma_wait3A_759 : memref<100000xi32, #tpu.memory_space<hbm>>) dst(%arg6 : memref<16xi32, #tpu.memory_space<vmem>>)
    %dma_wait3A_760 = arith.constant 0 : i32
    %dma_wait3A_761 = tpu.memref_slice %arg3[%dma_wait3A_760] : memref<100000xi32, #tpu.memory_space<hbm>> -> memref<100000xi32, #tpu.memory_space<hbm>>
    tpu.wait_indirect_dma semaphore(%arg13 : memref<!tpu.dma_semaphore, #tpu.memory_space<semaphore_mem>>) src(%dma_wait3A_761 : memref<100000xi32, #tpu.memory_space<hbm>>) dst(%arg8 : memref<16xi32, #tpu.memory_space<vmem>>)
    %lt3A_762 = arith.cmpi slt, %select_n3A_723, %select_n3A_727 : vector<16xi32>
    %lt3A_763 = arith.cmpi slt, %select_n3A_731, %select_n3A_735 : vector<16xi32>
    %get3A_764 = arith.constant 0 : index
    %get3A_765 = tpu.vector_load %arg6[%get3A_764] {strides = array<i32>} : memref<16xi32, #tpu.memory_space<vmem>>, vector<16xi32>,
    %lt3A_766 = arith.cmpi slt, %get3A_765, %add3A_4 : vector<16xi32>
    %and3A_767 = arith.andi %lt3A_762, %lt3A_766 : vector<16xi1>
    %get3A_768 = arith.constant 0 : index
    %get3A_769 = tpu.vector_load %arg8[%get3A_768] {strides = array<i32>} : memref<16xi32, #tpu.memory_space<vmem>>, vector<16xi32>,
    %lt3A_770 = arith.cmpi slt, %get3A_769, %add3A_9 : vector<16xi32>
    %and3A_771 = arith.andi %lt3A_763, %lt3A_770 : vector<16xi1>
    %add3A_772 = arith.constant 1 : i32
    %add3A_773 = vector.broadcast %add3A_772 : i32 to vector<16xi32>
    %add3A_774 = arith.addi %shift_right_logical3A_739, %add3A_773 : vector<16xi32>
    %select_n3A_775 = arith.select %and3A_767, %add3A_774, %select_n3A_723 : vector<16xi1>, vector<16xi32>
    %not3A_776 = arith.constant dense<true> : vector<16xi1>
    %not3A_777 = arith.xori %and3A_767, %not3A_776 : vector<16xi1>
    %and3A_778 = arith.andi %lt3A_762, %not3A_777 : vector<16xi1>
    %select_n3A_779 = arith.select %and3A_778, %shift_right_logical3A_739, %select_n3A_727 : vector<16xi1>, vector<16xi32>
    %add3A_780 = arith.constant 1 : i32
    %add3A_781 = vector.broadcast %add3A_780 : i32 to vector<16xi32>
    %add3A_782 = arith.addi %shift_right_logical3A_743, %add3A_781 : vector<16xi32>
    %select_n3A_783 = arith.select %and3A_771, %add3A_782, %select_n3A_731 : vector<16xi1>, vector<16xi32>
    %not3A_784 = arith.constant dense<true> : vector<16xi1>
    %not3A_785 = arith.xori %and3A_771, %not3A_784 : vector<16xi1>
    %and3A_786 = arith.andi %lt3A_763, %not3A_785 : vector<16xi1>
    %select_n3A_787 = arith.select %and3A_786, %shift_right_logical3A_743, %select_n3A_735 : vector<16xi1>, vector<16xi32>
    %add3A_788 = arith.addi %select_n3A_775, %select_n3A_779 : vector<16xi32>
    %shift_right_logical3A_789 = arith.constant 1 : i32
    %shift_right_logical3A_790 = vector.broadcast %shift_right_logical3A_789 : i32 to vector<16xi32>
    %shift_right_logical3A_791 = arith.shrui %add3A_788, %shift_right_logical3A_790 : vector<16xi32>
    %add3A_792 = arith.addi %select_n3A_783, %select_n3A_787 : vector<16xi32>
    %shift_right_logical3A_793 = arith.constant 1 : i32
    %shift_right_logical3A_794 = vector.broadcast %shift_right_logical3A_793 : i32 to vector<16xi32>
    %shift_right_logical3A_795 = arith.shrui %add3A_792, %shift_right_logical3A_794 : vector<16xi32>
    %min3A_796 = arith.constant 99999 : i32
    %min3A_797 = vector.broadcast %min3A_796 : i32 to vector<16xi32>
    %min3A_798 = arith.minsi %shift_right_logical3A_791, %min3A_797 : vector<16xi32>
    %swap3A_799 = arith.constant 0 : index
    %swap3A_800 = tpu.vector_load %arg5[%swap3A_799] {strides = array<i32>} : memref<16xi32, #tpu.memory_space<vmem>>, vector<16xi32>,
    tpu.vector_store %arg5[%swap3A_799], %min3A_798 {strides = array<i32>} : memref<16xi32, #tpu.memory_space<vmem>>, vector<16xi32>,
    %min3A_801 = arith.constant 99999 : i32
    %min3A_802 = vector.broadcast %min3A_801 : i32 to vector<16xi32>
    %min3A_803 = arith.minsi %shift_right_logical3A_795, %min3A_802 : vector<16xi32>
    %swap3A_804 = arith.constant 0 : index
    %swap3A_805 = tpu.vector_load %arg7[%swap3A_804] {strides = array<i32>} : memref<16xi32, #tpu.memory_space<vmem>>, vector<16xi32>,
    tpu.vector_store %arg7[%swap3A_804], %min3A_803 {strides = array<i32>} : memref<16xi32, #tpu.memory_space<vmem>>, vector<16xi32>,
    %dma_start3A_806 = arith.constant 0 : i32
    %dma_start3A_807 = tpu.memref_slice %arg3[%dma_start3A_806] : memref<100000xi32, #tpu.memory_space<hbm>> -> memref<100000xi32, #tpu.memory_space<hbm>>
    tpu.enqueue_indirect_dma source(%dma_start3A_807 : memref<100000xi32, #tpu.memory_space<hbm>>) target(%arg6 : memref<16xi32, #tpu.memory_space<vmem>>) offsets(%arg5 : memref<16xi32, #tpu.memory_space<vmem>>) semaphore(%arg12 : memref<!tpu.dma_semaphore, #tpu.memory_space<semaphore_mem>>)
    %dma_start3A_808 = arith.constant 0 : i32
    %dma_start3A_809 = tpu.memref_slice %arg3[%dma_start3A_808] : memref<100000xi32, #tpu.memory_space<hbm>> -> memref<100000xi32, #tpu.memory_space<hbm>>
    tpu.enqueue_indirect_dma source(%dma_start3A_809 : memref<100000xi32, #tpu.memory_space<hbm>>) target(%arg8 : memref<16xi32, #tpu.memory_space<vmem>>) offsets(%arg7 : memref<16xi32, #tpu.memory_space<vmem>>) semaphore(%arg13 : memref<!tpu.dma_semaphore, #tpu.memory_space<semaphore_mem>>)
    %dma_wait3A_810 = arith.constant 0 : i32
    %dma_wait3A_811 = tpu.memref_slice %arg3[%dma_wait3A_810] : memref<100000xi32, #tpu.memory_space<hbm>> -> memref<100000xi32, #tpu.memory_space<hbm>>
    tpu.wait_indirect_dma semaphore(%arg12 : memref<!tpu.dma_semaphore, #tpu.memory_space<semaphore_mem>>) src(%dma_wait3A_811 : memref<100000xi32, #tpu.memory_space<hbm>>) dst(%arg6 : memref<16xi32, #tpu.memory_space<vmem>>)
    %dma_wait3A_812 = arith.constant 0 : i32
    %dma_wait3A_813 = tpu.memref_slice %arg3[%dma_wait3A_812] : memref<100000xi32, #tpu.memory_space<hbm>> -> memref<100000xi32, #tpu.memory_space<hbm>>
    tpu.wait_indirect_dma semaphore(%arg13 : memref<!tpu.dma_semaphore, #tpu.memory_space<semaphore_mem>>) src(%dma_wait3A_813 : memref<100000xi32, #tpu.memory_space<hbm>>) dst(%arg8 : memref<16xi32, #tpu.memory_space<vmem>>)
    %lt3A_814 = arith.cmpi slt, %select_n3A_775, %select_n3A_779 : vector<16xi32>
    %lt3A_815 = arith.cmpi slt, %select_n3A_783, %select_n3A_787 : vector<16xi32>
    %get3A_816 = arith.constant 0 : index
    %get3A_817 = tpu.vector_load %arg6[%get3A_816] {strides = array<i32>} : memref<16xi32, #tpu.memory_space<vmem>>, vector<16xi32>,
    %lt3A_818 = arith.cmpi slt, %get3A_817, %add3A_4 : vector<16xi32>
    %and3A_819 = arith.andi %lt3A_814, %lt3A_818 : vector<16xi1>
    %get3A_820 = arith.constant 0 : index
    %get3A_821 = tpu.vector_load %arg8[%get3A_820] {strides = array<i32>} : memref<16xi32, #tpu.memory_space<vmem>>, vector<16xi32>,
    %lt3A_822 = arith.cmpi slt, %get3A_821, %add3A_9 : vector<16xi32>
    %and3A_823 = arith.andi %lt3A_815, %lt3A_822 : vector<16xi1>
    %add3A_824 = arith.constant 1 : i32
    %add3A_825 = vector.broadcast %add3A_824 : i32 to vector<16xi32>
    %add3A_826 = arith.addi %shift_right_logical3A_791, %add3A_825 : vector<16xi32>
    %select_n3A_827 = arith.select %and3A_819, %add3A_826, %select_n3A_775 : vector<16xi1>, vector<16xi32>
    %not3A_828 = arith.constant dense<true> : vector<16xi1>
    %not3A_829 = arith.xori %and3A_819, %not3A_828 : vector<16xi1>
    %and3A_830 = arith.andi %lt3A_814, %not3A_829 : vector<16xi1>
    %select_n3A_831 = arith.select %and3A_830, %shift_right_logical3A_791, %select_n3A_779 : vector<16xi1>, vector<16xi32>
    %add3A_832 = arith.constant 1 : i32
    %add3A_833 = vector.broadcast %add3A_832 : i32 to vector<16xi32>
    %add3A_834 = arith.addi %shift_right_logical3A_795, %add3A_833 : vector<16xi32>
    %select_n3A_835 = arith.select %and3A_823, %add3A_834, %select_n3A_783 : vector<16xi1>, vector<16xi32>
    %not3A_836 = arith.constant dense<true> : vector<16xi1>
    %not3A_837 = arith.xori %and3A_823, %not3A_836 : vector<16xi1>
    %and3A_838 = arith.andi %lt3A_815, %not3A_837 : vector<16xi1>
    %select_n3A_839 = arith.select %and3A_838, %shift_right_logical3A_795, %select_n3A_787 : vector<16xi1>, vector<16xi32>
    %add3A_840 = arith.addi %select_n3A_827, %select_n3A_831 : vector<16xi32>
    %shift_right_logical3A_841 = arith.constant 1 : i32
    %shift_right_logical3A_842 = vector.broadcast %shift_right_logical3A_841 : i32 to vector<16xi32>
    %shift_right_logical3A_843 = arith.shrui %add3A_840, %shift_right_logical3A_842 : vector<16xi32>
    %add3A_844 = arith.addi %select_n3A_835, %select_n3A_839 : vector<16xi32>
    %shift_right_logical3A_845 = arith.constant 1 : i32
    %shift_right_logical3A_846 = vector.broadcast %shift_right_logical3A_845 : i32 to vector<16xi32>
    %shift_right_logical3A_847 = arith.shrui %add3A_844, %shift_right_logical3A_846 : vector<16xi32>
    %min3A_848 = arith.constant 99999 : i32
    %min3A_849 = vector.broadcast %min3A_848 : i32 to vector<16xi32>
    %min3A_850 = arith.minsi %shift_right_logical3A_843, %min3A_849 : vector<16xi32>
    %swap3A_851 = arith.constant 0 : index
    %swap3A_852 = tpu.vector_load %arg5[%swap3A_851] {strides = array<i32>} : memref<16xi32, #tpu.memory_space<vmem>>, vector<16xi32>,
    tpu.vector_store %arg5[%swap3A_851], %min3A_850 {strides = array<i32>} : memref<16xi32, #tpu.memory_space<vmem>>, vector<16xi32>,
    %min3A_853 = arith.constant 99999 : i32
    %min3A_854 = vector.broadcast %min3A_853 : i32 to vector<16xi32>
    %min3A_855 = arith.minsi %shift_right_logical3A_847, %min3A_854 : vector<16xi32>
    %swap3A_856 = arith.constant 0 : index
    %swap3A_857 = tpu.vector_load %arg7[%swap3A_856] {strides = array<i32>} : memref<16xi32, #tpu.memory_space<vmem>>, vector<16xi32>,
    tpu.vector_store %arg7[%swap3A_856], %min3A_855 {strides = array<i32>} : memref<16xi32, #tpu.memory_space<vmem>>, vector<16xi32>,
    %dma_start3A_858 = arith.constant 0 : i32
    %dma_start3A_859 = tpu.memref_slice %arg3[%dma_start3A_858] : memref<100000xi32, #tpu.memory_space<hbm>> -> memref<100000xi32, #tpu.memory_space<hbm>>
    tpu.enqueue_indirect_dma source(%dma_start3A_859 : memref<100000xi32, #tpu.memory_space<hbm>>) target(%arg6 : memref<16xi32, #tpu.memory_space<vmem>>) offsets(%arg5 : memref<16xi32, #tpu.memory_space<vmem>>) semaphore(%arg12 : memref<!tpu.dma_semaphore, #tpu.memory_space<semaphore_mem>>)
    %dma_start3A_860 = arith.constant 0 : i32
    %dma_start3A_861 = tpu.memref_slice %arg3[%dma_start3A_860] : memref<100000xi32, #tpu.memory_space<hbm>> -> memref<100000xi32, #tpu.memory_space<hbm>>
    tpu.enqueue_indirect_dma source(%dma_start3A_861 : memref<100000xi32, #tpu.memory_space<hbm>>) target(%arg8 : memref<16xi32, #tpu.memory_space<vmem>>) offsets(%arg7 : memref<16xi32, #tpu.memory_space<vmem>>) semaphore(%arg13 : memref<!tpu.dma_semaphore, #tpu.memory_space<semaphore_mem>>)
    %dma_wait3A_862 = arith.constant 0 : i32
    %dma_wait3A_863 = tpu.memref_slice %arg3[%dma_wait3A_862] : memref<100000xi32, #tpu.memory_space<hbm>> -> memref<100000xi32, #tpu.memory_space<hbm>>
    tpu.wait_indirect_dma semaphore(%arg12 : memref<!tpu.dma_semaphore, #tpu.memory_space<semaphore_mem>>) src(%dma_wait3A_863 : memref<100000xi32, #tpu.memory_space<hbm>>) dst(%arg6 : memref<16xi32, #tpu.memory_space<vmem>>)
    %dma_wait3A_864 = arith.constant 0 : i32
    %dma_wait3A_865 = tpu.memref_slice %arg3[%dma_wait3A_864] : memref<100000xi32, #tpu.memory_space<hbm>> -> memref<100000xi32, #tpu.memory_space<hbm>>
    tpu.wait_indirect_dma semaphore(%arg13 : memref<!tpu.dma_semaphore, #tpu.memory_space<semaphore_mem>>) src(%dma_wait3A_865 : memref<100000xi32, #tpu.memory_space<hbm>>) dst(%arg8 : memref<16xi32, #tpu.memory_space<vmem>>)
    %lt3A_866 = arith.cmpi slt, %select_n3A_827, %select_n3A_831 : vector<16xi32>
    %lt3A_867 = arith.cmpi slt, %select_n3A_835, %select_n3A_839 : vector<16xi32>
    %get3A_868 = arith.constant 0 : index
    %get3A_869 = tpu.vector_load %arg6[%get3A_868] {strides = array<i32>} : memref<16xi32, #tpu.memory_space<vmem>>, vector<16xi32>,
    %lt3A_870 = arith.cmpi slt, %get3A_869, %add3A_4 : vector<16xi32>
    %and3A_871 = arith.andi %lt3A_866, %lt3A_870 : vector<16xi1>
    %get3A_872 = arith.constant 0 : index
    %get3A_873 = tpu.vector_load %arg8[%get3A_872] {strides = array<i32>} : memref<16xi32, #tpu.memory_space<vmem>>, vector<16xi32>,
    %lt3A_874 = arith.cmpi slt, %get3A_873, %add3A_9 : vector<16xi32>
    %and3A_875 = arith.andi %lt3A_867, %lt3A_874 : vector<16xi1>
    %add3A_876 = arith.constant 1 : i32
    %add3A_877 = vector.broadcast %add3A_876 : i32 to vector<16xi32>
    %add3A_878 = arith.addi %shift_right_logical3A_843, %add3A_877 : vector<16xi32>
    %select_n3A_879 = arith.select %and3A_871, %add3A_878, %select_n3A_827 : vector<16xi1>, vector<16xi32>
    %not3A_880 = arith.constant dense<true> : vector<16xi1>
    %not3A_881 = arith.xori %and3A_871, %not3A_880 : vector<16xi1>
    %and3A_882 = arith.andi %lt3A_866, %not3A_881 : vector<16xi1>
    %select_n3A_883 = arith.select %and3A_882, %shift_right_logical3A_843, %select_n3A_831 : vector<16xi1>, vector<16xi32>
    %add3A_884 = arith.constant 1 : i32
    %add3A_885 = vector.broadcast %add3A_884 : i32 to vector<16xi32>
    %add3A_886 = arith.addi %shift_right_logical3A_847, %add3A_885 : vector<16xi32>
    %select_n3A_887 = arith.select %and3A_875, %add3A_886, %select_n3A_835 : vector<16xi1>, vector<16xi32>
    %not3A_888 = arith.constant dense<true> : vector<16xi1>
    %not3A_889 = arith.xori %and3A_875, %not3A_888 : vector<16xi1>
    %and3A_890 = arith.andi %lt3A_867, %not3A_889 : vector<16xi1>
    %select_n3A_891 = arith.select %and3A_890, %shift_right_logical3A_847, %select_n3A_839 : vector<16xi1>, vector<16xi32>
    %swap3A_892 = arith.constant 0 : index
    %swap3A_893 = tpu.vector_load %arg9[%swap3A_892] {strides = array<i32>} : memref<32xi32, #tpu.memory_space<vmem>>, vector<16xi32>,
    tpu.vector_store %arg9[%swap3A_892], %select_n3A_879 {strides = array<i32>} : memref<32xi32, #tpu.memory_space<vmem>>, vector<16xi32>,
    %swap3A_894 = arith.constant 16 : index
    %swap3A_895 = tpu.vector_load %arg9[%swap3A_894] {strides = array<i32>} : memref<32xi32, #tpu.memory_space<vmem>>, vector<16xi32>,
    tpu.vector_store %arg9[%swap3A_894], %select_n3A_887 {strides = array<i32>} : memref<32xi32, #tpu.memory_space<vmem>>, vector<16xi32>,
    %scan3A = arith.constant 0 : i32
    %scan3A_896 = arith.constant 0 : i32
    %scan3A_897 = arith.constant 16 : i32
    %scan3A_898 = arith.addi %scan3A_896, %scan3A_897 : i32
    %scan3A_899 = arith.constant 1 : i32
    %scan3A_900 = scf.for %scan3A_908 = %scan3A_896 to %scan3A_898 step %scan3A_899 iter_args(%scan3A_909 = %scan3A) -> (i32)  : i32 {
      %get3A_910 = arith.index_cast %scan3A_908 : i32 to index
      %get3A_911 = tpu.vector_load %arg9[%get3A_910] {strides = array<i32>} : memref<32xi32, #tpu.memory_space<vmem>>, vector<16xi32>,
      %slice3A = vector.extract_strided_slice %get3A_911 {offsets = [0], sizes = [1], strides = [1]} : vector<16xi32> to vector<1xi32>
      %squeeze3A = vector.extract %slice3A[0] : i32 from vector<1xi32>
      %add3A_912 = arith.constant 1 : i32
      %add3A_913 = arith.addi %scan3A_908, %add3A_912 : i32
      %get3A_914 = arith.index_cast %add3A_913 : i32 to index
      %get3A_915 = tpu.vector_load %arg9[%get3A_914] {strides = array<i32>} : memref<32xi32, #tpu.memory_space<vmem>>, vector<16xi32>,
      %slice3A_916 = vector.extract_strided_slice %get3A_915 {offsets = [0], sizes = [1], strides = [1]} : vector<16xi32> to vector<1xi32>
      %squeeze3A_917 = vector.extract %slice3A_916[0] : i32 from vector<1xi32>
      %broadcast_in_dim3A_918 = arith.constant 0.000000e+00 : f32
      %broadcast_in_dim3A_919 = vector.broadcast %broadcast_in_dim3A_918 : f32 to vector<16xf32>
      %broadcast_in_dim3A_920 = arith.constant 0xFF800000 : f32
      %broadcast_in_dim3A_921 = vector.broadcast %broadcast_in_dim3A_920 : f32 to vector<16xf32>
      %and3A_922 = arith.constant -8 : i32
      %and3A_923 = arith.andi %squeeze3A, %and3A_922 : i32
      %sub3A = arith.subi %squeeze3A_917, %and3A_923 : i32
      %add3A_924 = arith.constant 127 : i32
      %add3A_925 = arith.addi %sub3A, %add3A_924 : i32
      %shift_right_logical3A_926 = arith.constant 7 : i32
      %shift_right_logical3A_927 = arith.shrui %add3A_925, %shift_right_logical3A_926 : i32
      %gt3A = arith.constant 0 : i32
      %gt3A_928 = arith.cmpi sgt, %shift_right_logical3A_927, %gt3A : i32
      %convert_element_type3A = arith.extui %gt3A_928 : i1 to i32
      %cond3A = arith.constant 0 : i32
      %cond3A_929 = arith.cmpi ne, %convert_element_type3A, %cond3A : i32
      scf.if %cond3A_929 {
        %mul3A_1568 = arith.constant 0 : i32
        %mul3A_1569 = arith.constant 128 : i32
        %mul3A_1570 = arith.muli %mul3A_1568, %mul3A_1569 : i32
        %add3A_1571 = arith.addi %and3A_923, %mul3A_1570 : i32
        %min3A_1572 = arith.constant 99872 : i32
        %min3A_1573 = arith.minsi %add3A_1571, %min3A_1572 : i32
        %multiple_of3A = tpu.assume_multiple %min3A_1573, 8 : i32
        %and3A_1574 = arith.constant 0 : i32
        %and3A_1575 = arith.constant 1 : i32
        %and3A_1576 = arith.andi %and3A_1574, %and3A_1575 : i32
        %eq3A = arith.constant 0 : i32
        %eq3A_1577 = arith.cmpi eq, %and3A_1576, %eq3A : i32
        %convert_element_type3A_1578 = arith.extui %eq3A_1577 : i1 to i32
        %cond3A_1579 = arith.constant 0 : i32
        %cond3A_1580 = arith.cmpi ne, %convert_element_type3A_1578, %cond3A_1579 : i32
        scf.if %cond3A_1580 {
          %dma_start3A_1589 = arith.constant 0 : i32
          %dma_start3A_1590 = arith.constant 0 : i32
          %dma_start3A_1591 = arith.constant 0 : i32
          %dma_start3A_1592 = tpu.memref_slice %arg10[%dma_start3A_1589, %dma_start3A_1590, %dma_start3A_1591] : memref<2x128x128xf32, #tpu.memory_space<vmem>> -> memref<1x128x128xf32, #tpu.memory_space<vmem>>
          %dma_start3A_1593 = tpu.memref_squeeze %dma_start3A_1592 : memref<1x128x128xf32, #tpu.memory_space<vmem>> -> memref<128x128xf32, #tpu.memory_space<vmem>>
          %dma_start3A_1594 = arith.constant 0 : i32
          %dma_start3A_1595 = tpu.memref_slice %arg2[%multiple_of3A, %dma_start3A_1594] : memref<100000x128xf32, #tpu.memory_space<hbm>> -> memref<128x128xf32, #tpu.memory_space<hbm>>
          %dma_start3A_1596 = arith.constant 0 : i32
          %dma_start3A_1597 = arith.constant 0 : i32
          %dma_start3A_1598 = tpu.memref_slice %arg10[%dma_start3A_1589, %dma_start3A_1596, %dma_start3A_1597] : memref<2x128x128xf32, #tpu.memory_space<vmem>> -> memref<1x128x128xf32, #tpu.memory_space<vmem>>
          %dma_start3A_1599 = tpu.memref_squeeze %dma_start3A_1598 : memref<1x128x128xf32, #tpu.memory_space<vmem>> -> memref<128x128xf32, #tpu.memory_space<vmem>>
          %dma_start3A_1600 = arith.constant 0 : i32
          %dma_start3A_1601 = tpu.memref_slice %arg2[%multiple_of3A, %dma_start3A_1600] : memref<100000x128xf32, #tpu.memory_space<hbm>> -> memref<128x128xf32, #tpu.memory_space<hbm>>
          tpu.enqueue_dma source(%dma_start3A_1601 : memref<128x128xf32, #tpu.memory_space<hbm>>) target(%dma_start3A_1599 : memref<128x128xf32, #tpu.memory_space<vmem>>) target_semaphore(%arg12 : memref<!tpu.dma_semaphore, #tpu.memory_space<semaphore_mem>>)
        } else {
        }
        %and3A_1581 = arith.constant 0 : i32
        %and3A_1582 = arith.constant 1 : i32
        %and3A_1583 = arith.andi %and3A_1581, %and3A_1582 : i32
        %eq3A_1584 = arith.constant 1 : i32
        %eq3A_1585 = arith.cmpi eq, %and3A_1583, %eq3A_1584 : i32
        %convert_element_type3A_1586 = arith.extui %eq3A_1585 : i1 to i32
        %cond3A_1587 = arith.constant 0 : i32
        %cond3A_1588 = arith.cmpi ne, %convert_element_type3A_1586, %cond3A_1587 : i32
        scf.if %cond3A_1588 {
          %dma_start3A_1589 = arith.constant 1 : i32
          %dma_start3A_1590 = arith.constant 0 : i32
          %dma_start3A_1591 = arith.constant 0 : i32
          %dma_start3A_1592 = tpu.memref_slice %arg10[%dma_start3A_1589, %dma_start3A_1590, %dma_start3A_1591] : memref<2x128x128xf32, #tpu.memory_space<vmem>> -> memref<1x128x128xf32, #tpu.memory_space<vmem>>
          %dma_start3A_1593 = tpu.memref_squeeze %dma_start3A_1592 : memref<1x128x128xf32, #tpu.memory_space<vmem>> -> memref<128x128xf32, #tpu.memory_space<vmem>>
          %dma_start3A_1594 = arith.constant 0 : i32
          %dma_start3A_1595 = tpu.memref_slice %arg2[%multiple_of3A, %dma_start3A_1594] : memref<100000x128xf32, #tpu.memory_space<hbm>> -> memref<128x128xf32, #tpu.memory_space<hbm>>
          %dma_start3A_1596 = arith.constant 0 : i32
          %dma_start3A_1597 = arith.constant 0 : i32
          %dma_start3A_1598 = tpu.memref_slice %arg10[%dma_start3A_1589, %dma_start3A_1596, %dma_start3A_1597] : memref<2x128x128xf32, #tpu.memory_space<vmem>> -> memref<1x128x128xf32, #tpu.memory_space<vmem>>
          %dma_start3A_1599 = tpu.memref_squeeze %dma_start3A_1598 : memref<1x128x128xf32, #tpu.memory_space<vmem>> -> memref<128x128xf32, #tpu.memory_space<vmem>>
          %dma_start3A_1600 = arith.constant 0 : i32
          %dma_start3A_1601 = tpu.memref_slice %arg2[%multiple_of3A, %dma_start3A_1600] : memref<100000x128xf32, #tpu.memory_space<hbm>> -> memref<128x128xf32, #tpu.memory_space<hbm>>
          tpu.enqueue_dma source(%dma_start3A_1601 : memref<128x128xf32, #tpu.memory_space<hbm>>) target(%dma_start3A_1599 : memref<128x128xf32, #tpu.memory_space<vmem>>) target_semaphore(%arg13 : memref<!tpu.dma_semaphore, #tpu.memory_space<semaphore_mem>>)
        } else {
        }
      } else {
      }
      %while3A = arith.constant 0 : i32
      %while3A_930 = arith.subi %shift_right_logical3A_927, %while3A : i32
      %while3A_931 = arith.addi %while3A, %while3A_930 : i32
      %while3A_932 = arith.constant 1 : i32
      %while3A_933 = arith.divsi %while3A_930, %while3A_932 : i32
      %while3A_934 = arith.muli %while3A_933, %while3A_932 : i32
      %while3A_935 = arith.addi %while3A, %while3A_934 : i32
      %while3A_936 = arith.constant 1 : i32
      %while3A_937:24 = scf.for %while3A_1568 = %while3A to %while3A_935 step %while3A_936 iter_args(%while3A_1569 = %broadcast_in_dim3A_919, %while3A_1570 = %broadcast_in_dim3A_919, %while3A_1571 = %broadcast_in_dim3A_919, %while3A_1572 = %broadcast_in_dim3A_919, %while3A_1573 = %broadcast_in_dim3A_919, %while3A_1574 = %broadcast_in_dim3A_919, %while3A_1575 = %broadcast_in_dim3A_919, %while3A_1576 = %broadcast_in_dim3A_919, %while3A_1577 = %broadcast_in_dim3A_919, %while3A_1578 = %broadcast_in_dim3A_919, %while3A_1579 = %broadcast_in_dim3A_919, %while3A_1580 = %broadcast_in_dim3A_919, %while3A_1581 = %broadcast_in_dim3A_919, %while3A_1582 = %broadcast_in_dim3A_919, %while3A_1583 = %broadcast_in_dim3A_919, %while3A_1584 = %broadcast_in_dim3A_919, %while3A_1585 = %broadcast_in_dim3A_921, %while3A_1586 = %broadcast_in_dim3A_921, %while3A_1587 = %broadcast_in_dim3A_921, %while3A_1588 = %broadcast_in_dim3A_921, %while3A_1589 = %broadcast_in_dim3A_921, %while3A_1590 = %broadcast_in_dim3A_921, %while3A_1591 = %broadcast_in_dim3A_921, %while3A_1592 = %broadcast_in_dim3A_921) -> (vector<16xf32>, vector<16xf32>, vector<16xf32>, vector<16xf32>, vector<16xf32>, vector<16xf32>, vector<16xf32>, vector<16xf32>, vector<16xf32>, vector<16xf32>, vector<16xf32>, vector<16xf32>, vector<16xf32>, vector<16xf32>, vector<16xf32>, vector<16xf32>, vector<16xf32>, vector<16xf32>, vector<16xf32>, vector<16xf32>, vector<16xf32>, vector<16xf32>, vector<16xf32>, vector<16xf32>)  : i32 {
        %mul3A_1593 = arith.constant 128 : i32
        %mul3A_1594 = arith.muli %while3A_1568, %mul3A_1593 : i32
        %add3A_1595 = arith.addi %and3A_923, %mul3A_1594 : i32
        %mul3A_1596 = arith.constant 128 : i32
        %mul3A_1597 = arith.muli %while3A_1568, %mul3A_1596 : i32
        %add3A_1598 = arith.addi %and3A_923, %mul3A_1597 : i32
        %min3A_1599 = arith.constant 99872 : i32
        %min3A_1600 = arith.minsi %add3A_1598, %min3A_1599 : i32
        %multiple_of3A = tpu.assume_multiple %min3A_1600, 8 : i32
        %max3A_1601 = arith.maxsi %squeeze3A, %add3A_1595 : i32
        %sub3A_1602 = arith.subi %max3A_1601, %multiple_of3A : i32
        %add3A_1603 = arith.constant 128 : i32
        %add3A_1604 = arith.addi %add3A_1595, %add3A_1603 : i32
        %min3A_1605 = arith.minsi %squeeze3A_917, %add3A_1604 : i32
        %sub3A_1606 = arith.subi %min3A_1605, %multiple_of3A : i32
        %and3A_1607 = arith.constant 1 : i32
        %and3A_1608 = arith.andi %while3A_1568, %and3A_1607 : i32
        %mul3A_1609 = arith.constant 128 : i32
        %mul3A_1610 = arith.muli %while3A_1568, %mul3A_1609 : i32
        %add3A_1611 = arith.addi %and3A_923, %mul3A_1610 : i32
        %min3A_1612 = arith.constant 99872 : i32
        %min3A_1613 = arith.minsi %add3A_1611, %min3A_1612 : i32
        %multiple_of3A_1614 = tpu.assume_multiple %min3A_1613, 8 : i32
        %and3A_1615 = arith.constant 1 : i32
        %and3A_1616 = arith.andi %while3A_1568, %and3A_1615 : i32
        %eq3A = arith.constant 0 : i32
        %eq3A_1617 = arith.cmpi eq, %and3A_1616, %eq3A : i32
        %convert_element_type3A_1618 = arith.extui %eq3A_1617 : i1 to i32
        %cond3A_1619 = arith.constant 0 : i32
        %cond3A_1620 = arith.cmpi ne, %convert_element_type3A_1618, %cond3A_1619 : i32
        scf.if %cond3A_1620 {
          %dma_wait3A_1661 = arith.constant 0 : i32
          %dma_wait3A_1662 = arith.constant 0 : i32
          %dma_wait3A_1663 = arith.constant 0 : i32
          %dma_wait3A_1664 = tpu.memref_slice %arg10[%dma_wait3A_1661, %dma_wait3A_1662, %dma_wait3A_1663] : memref<2x128x128xf32, #tpu.memory_space<vmem>> -> memref<1x128x128xf32, #tpu.memory_space<vmem>>
          %dma_wait3A_1665 = tpu.memref_squeeze %dma_wait3A_1664 : memref<1x128x128xf32, #tpu.memory_space<vmem>> -> memref<128x128xf32, #tpu.memory_space<vmem>>
          %dma_wait3A_1666 = arith.constant 0 : i32
          %dma_wait3A_1667 = tpu.memref_slice %arg2[%multiple_of3A_1614, %dma_wait3A_1666] : memref<100000x128xf32, #tpu.memory_space<hbm>> -> memref<128x128xf32, #tpu.memory_space<hbm>>
          %dma_wait3A_1668 = arith.constant 0 : i32
          %dma_wait3A_1669 = arith.constant 0 : i32
          %dma_wait3A_1670 = tpu.memref_slice %arg10[%dma_wait3A_1661, %dma_wait3A_1668, %dma_wait3A_1669] : memref<2x128x128xf32, #tpu.memory_space<vmem>> -> memref<1x128x128xf32, #tpu.memory_space<vmem>>
          %dma_wait3A_1671 = tpu.memref_squeeze %dma_wait3A_1670 : memref<1x128x128xf32, #tpu.memory_space<vmem>> -> memref<128x128xf32, #tpu.memory_space<vmem>>
          %dma_wait3A_1672 = arith.constant 0 : i32
          %dma_wait3A_1673 = tpu.memref_slice %arg2[%multiple_of3A_1614, %dma_wait3A_1672] : memref<100000x128xf32, #tpu.memory_space<hbm>> -> memref<128x128xf32, #tpu.memory_space<hbm>>
          tpu.wait_dma2 semaphore(%arg12 : memref<!tpu.dma_semaphore, #tpu.memory_space<semaphore_mem>>) src(%dma_wait3A_1673 : memref<128x128xf32, #tpu.memory_space<hbm>>) dst(%dma_wait3A_1671 : memref<128x128xf32, #tpu.memory_space<vmem>>)
        } else {
        }
        %and3A_1621 = arith.constant 1 : i32
        %and3A_1622 = arith.andi %while3A_1568, %and3A_1621 : i32
        %eq3A_1623 = arith.constant 1 : i32
        %eq3A_1624 = arith.cmpi eq, %and3A_1622, %eq3A_1623 : i32
        %convert_element_type3A_1625 = arith.extui %eq3A_1624 : i1 to i32
        %cond3A_1626 = arith.constant 0 : i32
        %cond3A_1627 = arith.cmpi ne, %convert_element_type3A_1625, %cond3A_1626 : i32
        scf.if %cond3A_1627 {
          %dma_wait3A_1661 = arith.constant 1 : i32
          %dma_wait3A_1662 = arith.constant 0 : i32
          %dma_wait3A_1663 = arith.constant 0 : i32
          %dma_wait3A_1664 = tpu.memref_slice %arg10[%dma_wait3A_1661, %dma_wait3A_1662, %dma_wait3A_1663] : memref<2x128x128xf32, #tpu.memory_space<vmem>> -> memref<1x128x128xf32, #tpu.memory_space<vmem>>
          %dma_wait3A_1665 = tpu.memref_squeeze %dma_wait3A_1664 : memref<1x128x128xf32, #tpu.memory_space<vmem>> -> memref<128x128xf32, #tpu.memory_space<vmem>>
          %dma_wait3A_1666 = arith.constant 0 : i32
          %dma_wait3A_1667 = tpu.memref_slice %arg2[%multiple_of3A_1614, %dma_wait3A_1666] : memref<100000x128xf32, #tpu.memory_space<hbm>> -> memref<128x128xf32, #tpu.memory_space<hbm>>
          %dma_wait3A_1668 = arith.constant 0 : i32
          %dma_wait3A_1669 = arith.constant 0 : i32
          %dma_wait3A_1670 = tpu.memref_slice %arg10[%dma_wait3A_1661, %dma_wait3A_1668, %dma_wait3A_1669] : memref<2x128x128xf32, #tpu.memory_space<vmem>> -> memref<1x128x128xf32, #tpu.memory_space<vmem>>
          %dma_wait3A_1671 = tpu.memref_squeeze %dma_wait3A_1670 : memref<1x128x128xf32, #tpu.memory_space<vmem>> -> memref<128x128xf32, #tpu.memory_space<vmem>>
          %dma_wait3A_1672 = arith.constant 0 : i32
          %dma_wait3A_1673 = tpu.memref_slice %arg2[%multiple_of3A_1614, %dma_wait3A_1672] : memref<100000x128xf32, #tpu.memory_space<hbm>> -> memref<128x128xf32, #tpu.memory_space<hbm>>
          tpu.wait_dma2 semaphore(%arg13 : memref<!tpu.dma_semaphore, #tpu.memory_space<semaphore_mem>>) src(%dma_wait3A_1673 : memref<128x128xf32, #tpu.memory_space<hbm>>) dst(%dma_wait3A_1671 : memref<128x128xf32, #tpu.memory_space<vmem>>)
        } else {
        }
        %add3A_1628 = arith.constant 1 : i32
        %add3A_1629 = arith.addi %while3A_1568, %add3A_1628 : i32
        %lt3A_1630 = arith.cmpi slt, %add3A_1629, %shift_right_logical3A_927 : i32
        %convert_element_type3A_1631 = arith.extui %lt3A_1630 : i1 to i32
        %cond3A_1632 = arith.constant 0 : i32
        %cond3A_1633 = arith.cmpi ne, %convert_element_type3A_1631, %cond3A_1632 : i32
        scf.if %cond3A_1633 {
          %add3A_1661 = arith.constant 1 : i32
          %add3A_1662 = arith.addi %while3A_1568, %add3A_1661 : i32
          %mul3A_1663 = arith.constant 128 : i32
          %mul3A_1664 = arith.muli %add3A_1662, %mul3A_1663 : i32
          %add3A_1665 = arith.addi %and3A_923, %mul3A_1664 : i32
          %min3A_1666 = arith.constant 99872 : i32
          %min3A_1667 = arith.minsi %add3A_1665, %min3A_1666 : i32
          %multiple_of3A_1668 = tpu.assume_multiple %min3A_1667, 8 : i32
          %and3A_1669 = arith.constant 1 : i32
          %and3A_1670 = arith.andi %add3A_1662, %and3A_1669 : i32
          %eq3A_1671 = arith.constant 0 : i32
          %eq3A_1672 = arith.cmpi eq, %and3A_1670, %eq3A_1671 : i32
          %convert_element_type3A_1673 = arith.extui %eq3A_1672 : i1 to i32
          %cond3A_1674 = arith.constant 0 : i32
          %cond3A_1675 = arith.cmpi ne, %convert_element_type3A_1673, %cond3A_1674 : i32
          scf.if %cond3A_1675 {
            %dma_start3A_1683 = arith.constant 0 : i32
            %dma_start3A_1684 = arith.constant 0 : i32
            %dma_start3A_1685 = arith.constant 0 : i32
            %dma_start3A_1686 = tpu.memref_slice %arg10[%dma_start3A_1683, %dma_start3A_1684, %dma_start3A_1685] : memref<2x128x128xf32, #tpu.memory_space<vmem>> -> memref<1x128x128xf32, #tpu.memory_space<vmem>>
            %dma_start3A_1687 = tpu.memref_squeeze %dma_start3A_1686 : memref<1x128x128xf32, #tpu.memory_space<vmem>> -> memref<128x128xf32, #tpu.memory_space<vmem>>
            %dma_start3A_1688 = arith.constant 0 : i32
            %dma_start3A_1689 = tpu.memref_slice %arg2[%multiple_of3A_1668, %dma_start3A_1688] : memref<100000x128xf32, #tpu.memory_space<hbm>> -> memref<128x128xf32, #tpu.memory_space<hbm>>
            %dma_start3A_1690 = arith.constant 0 : i32
            %dma_start3A_1691 = arith.constant 0 : i32
            %dma_start3A_1692 = tpu.memref_slice %arg10[%dma_start3A_1683, %dma_start3A_1690, %dma_start3A_1691] : memref<2x128x128xf32, #tpu.memory_space<vmem>> -> memref<1x128x128xf32, #tpu.memory_space<vmem>>
            %dma_start3A_1693 = tpu.memref_squeeze %dma_start3A_1692 : memref<1x128x128xf32, #tpu.memory_space<vmem>> -> memref<128x128xf32, #tpu.memory_space<vmem>>
            %dma_start3A_1694 = arith.constant 0 : i32
            %dma_start3A_1695 = tpu.memref_slice %arg2[%multiple_of3A_1668, %dma_start3A_1694] : memref<100000x128xf32, #tpu.memory_space<hbm>> -> memref<128x128xf32, #tpu.memory_space<hbm>>
            tpu.enqueue_dma source(%dma_start3A_1695 : memref<128x128xf32, #tpu.memory_space<hbm>>) target(%dma_start3A_1693 : memref<128x128xf32, #tpu.memory_space<vmem>>) target_semaphore(%arg12 : memref<!tpu.dma_semaphore, #tpu.memory_space<semaphore_mem>>)
          } else {
          }
          %and3A_1676 = arith.constant 1 : i32
          %and3A_1677 = arith.andi %add3A_1662, %and3A_1676 : i32
          %eq3A_1678 = arith.constant 1 : i32
          %eq3A_1679 = arith.cmpi eq, %and3A_1677, %eq3A_1678 : i32
          %convert_element_type3A_1680 = arith.extui %eq3A_1679 : i1 to i32
          %cond3A_1681 = arith.constant 0 : i32
          %cond3A_1682 = arith.cmpi ne, %convert_element_type3A_1680, %cond3A_1681 : i32
          scf.if %cond3A_1682 {
            %dma_start3A_1683 = arith.constant 1 : i32
            %dma_start3A_1684 = arith.constant 0 : i32
            %dma_start3A_1685 = arith.constant 0 : i32
            %dma_start3A_1686 = tpu.memref_slice %arg10[%dma_start3A_1683, %dma_start3A_1684, %dma_start3A_1685] : memref<2x128x128xf32, #tpu.memory_space<vmem>> -> memref<1x128x128xf32, #tpu.memory_space<vmem>>
            %dma_start3A_1687 = tpu.memref_squeeze %dma_start3A_1686 : memref<1x128x128xf32, #tpu.memory_space<vmem>> -> memref<128x128xf32, #tpu.memory_space<vmem>>
            %dma_start3A_1688 = arith.constant 0 : i32
            %dma_start3A_1689 = tpu.memref_slice %arg2[%multiple_of3A_1668, %dma_start3A_1688] : memref<100000x128xf32, #tpu.memory_space<hbm>> -> memref<128x128xf32, #tpu.memory_space<hbm>>
            %dma_start3A_1690 = arith.constant 0 : i32
            %dma_start3A_1691 = arith.constant 0 : i32
            %dma_start3A_1692 = tpu.memref_slice %arg10[%dma_start3A_1683, %dma_start3A_1690, %dma_start3A_1691] : memref<2x128x128xf32, #tpu.memory_space<vmem>> -> memref<1x128x128xf32, #tpu.memory_space<vmem>>
            %dma_start3A_1693 = tpu.memref_squeeze %dma_start3A_1692 : memref<1x128x128xf32, #tpu.memory_space<vmem>> -> memref<128x128xf32, #tpu.memory_space<vmem>>
            %dma_start3A_1694 = arith.constant 0 : i32
            %dma_start3A_1695 = tpu.memref_slice %arg2[%multiple_of3A_1668, %dma_start3A_1694] : memref<100000x128xf32, #tpu.memory_space<hbm>> -> memref<128x128xf32, #tpu.memory_space<hbm>>
            tpu.enqueue_dma source(%dma_start3A_1695 : memref<128x128xf32, #tpu.memory_space<hbm>>) target(%dma_start3A_1693 : memref<128x128xf32, #tpu.memory_space<vmem>>) target_semaphore(%arg13 : memref<!tpu.dma_semaphore, #tpu.memory_space<semaphore_mem>>)
          } else {
          }
        } else {
        }
        %sub3A_1634 = arith.subi %sub3A_1606, %sub3A_1602 : i32
        %shift_right_logical3A_1635 = arith.constant 2 : i32
        %shift_right_logical3A_1636 = arith.shrui %sub3A_1634, %shift_right_logical3A_1635 : i32
        %while3A_1637 = arith.constant 0 : i32
        %while3A_1638 = arith.subi %shift_right_logical3A_1636, %while3A_1637 : i32
        %while3A_1639 = arith.addi %while3A_1637, %while3A_1638 : i32
        %while3A_1640 = arith.constant 1 : i32
        %while3A_1641 = arith.divsi %while3A_1638, %while3A_1640 : i32
        %while3A_1642 = arith.muli %while3A_1641, %while3A_1640 : i32
        %while3A_1643 = arith.addi %while3A_1637, %while3A_1642 : i32
        %while3A_1644 = arith.constant 1 : i32
        %while3A_1645:24 = scf.for %while3A_1661 = %while3A_1637 to %while3A_1643 step %while3A_1644 iter_args(%while3A_1662 = %while3A_1569, %while3A_1663 = %while3A_1570, %while3A_1664 = %while3A_1571, %while3A_1665 = %while3A_1572, %while3A_1666 = %while3A_1573, %while3A_1667 = %while3A_1574, %while3A_1668 = %while3A_1575, %while3A_1669 = %while3A_1576, %while3A_1670 = %while3A_1577, %while3A_1671 = %while3A_1578, %while3A_1672 = %while3A_1579, %while3A_1673 = %while3A_1580, %while3A_1674 = %while3A_1581, %while3A_1675 = %while3A_1582, %while3A_1676 = %while3A_1583, %while3A_1677 = %while3A_1584, %while3A_1678 = %while3A_1585, %while3A_1679 = %while3A_1586, %while3A_1680 = %while3A_1587, %while3A_1681 = %while3A_1588, %while3A_1682 = %while3A_1589, %while3A_1683 = %while3A_1590, %while3A_1684 = %while3A_1591, %while3A_1685 = %while3A_1592) -> (vector<16xf32>, vector<16xf32>, vector<16xf32>, vector<16xf32>, vector<16xf32>, vector<16xf32>, vector<16xf32>, vector<16xf32>, vector<16xf32>, vector<16xf32>, vector<16xf32>, vector<16xf32>, vector<16xf32>, vector<16xf32>, vector<16xf32>, vector<16xf32>, vector<16xf32>, vector<16xf32>, vector<16xf32>, vector<16xf32>, vector<16xf32>, vector<16xf32>, vector<16xf32>, vector<16xf32>)  : i32 {
          %mul3A_1686 = arith.constant 4 : i32
          %mul3A_1687 = arith.muli %while3A_1661, %mul3A_1686 : i32
          %add3A_1688 = arith.addi %sub3A_1602, %mul3A_1687 : i32
          %add3A_1689 = arith.constant 0 : i32
          %add3A_1690 = arith.addi %add3A_1688, %add3A_1689 : i32
          %get3A_1691 = arith.index_cast %and3A_1608 : i32 to index
          %get3A_1692 = arith.index_cast %add3A_1690 : i32 to index
          %get3A_1693 = arith.constant 0 : index
          %get3A_1694 = tpu.vector_load %arg10[%get3A_1691, %get3A_1692, %get3A_1693] {strides = array<i32>} : memref<2x128x128xf32, #tpu.memory_space<vmem>>, vector<16xf32>,
          %add3A_1695 = arith.addf %while3A_1662, %get3A_1694 : vector<16xf32>
          %mul3A_1696 = arith.mulf %get3A_1694, %get3A_1694 : vector<16xf32>
          %add3A_1697 = arith.addf %while3A_1670, %mul3A_1696 : vector<16xf32>
          %max3A_1698 = arith.maximumf %while3A_1678, %get3A_1694 : vector<16xf32>
          %get3A_1699 = arith.index_cast %and3A_1608 : i32 to index
          %get3A_1700 = arith.index_cast %add3A_1690 : i32 to index
          %get3A_1701 = arith.constant 16 : index
          %get3A_1702 = tpu.vector_load %arg10[%get3A_1699, %get3A_1700, %get3A_1701] {strides = array<i32>} : memref<2x128x128xf32, #tpu.memory_space<vmem>>, vector<16xf32>,
          %add3A_1703 = arith.addf %while3A_1663, %get3A_1702 : vector<16xf32>
          %mul3A_1704 = arith.mulf %get3A_1702, %get3A_1702 : vector<16xf32>
          %add3A_1705 = arith.addf %while3A_1671, %mul3A_1704 : vector<16xf32>
          %max3A_1706 = arith.maximumf %while3A_1679, %get3A_1702 : vector<16xf32>
          %get3A_1707 = arith.index_cast %and3A_1608 : i32 to index
          %get3A_1708 = arith.index_cast %add3A_1690 : i32 to index
          %get3A_1709 = arith.constant 32 : index
          %get3A_1710 = tpu.vector_load %arg10[%get3A_1707, %get3A_1708, %get3A_1709] {strides = array<i32>} : memref<2x128x128xf32, #tpu.memory_space<vmem>>, vector<16xf32>,
          %add3A_1711 = arith.addf %while3A_1664, %get3A_1710 : vector<16xf32>
          %mul3A_1712 = arith.mulf %get3A_1710, %get3A_1710 : vector<16xf32>
          %add3A_1713 = arith.addf %while3A_1672, %mul3A_1712 : vector<16xf32>
          %max3A_1714 = arith.maximumf %while3A_1680, %get3A_1710 : vector<16xf32>
          %get3A_1715 = arith.index_cast %and3A_1608 : i32 to index
          %get3A_1716 = arith.index_cast %add3A_1690 : i32 to index
          %get3A_1717 = arith.constant 48 : index
          %get3A_1718 = tpu.vector_load %arg10[%get3A_1715, %get3A_1716, %get3A_1717] {strides = array<i32>} : memref<2x128x128xf32, #tpu.memory_space<vmem>>, vector<16xf32>,
          %add3A_1719 = arith.addf %while3A_1665, %get3A_1718 : vector<16xf32>
          %mul3A_1720 = arith.mulf %get3A_1718, %get3A_1718 : vector<16xf32>
          %add3A_1721 = arith.addf %while3A_1673, %mul3A_1720 : vector<16xf32>
          %max3A_1722 = arith.maximumf %while3A_1681, %get3A_1718 : vector<16xf32>
          %get3A_1723 = arith.index_cast %and3A_1608 : i32 to index
          %get3A_1724 = arith.index_cast %add3A_1690 : i32 to index
          %get3A_1725 = arith.constant 64 : index
          %get3A_1726 = tpu.vector_load %arg10[%get3A_1723, %get3A_1724, %get3A_1725] {strides = array<i32>} : memref<2x128x128xf32, #tpu.memory_space<vmem>>, vector<16xf32>,
          %add3A_1727 = arith.addf %while3A_1666, %get3A_1726 : vector<16xf32>
          %mul3A_1728 = arith.mulf %get3A_1726, %get3A_1726 : vector<16xf32>
          %add3A_1729 = arith.addf %while3A_1674, %mul3A_1728 : vector<16xf32>
          %max3A_1730 = arith.maximumf %while3A_1682, %get3A_1726 : vector<16xf32>
          %get3A_1731 = arith.index_cast %and3A_1608 : i32 to index
          %get3A_1732 = arith.index_cast %add3A_1690 : i32 to index
          %get3A_1733 = arith.constant 80 : index
          %get3A_1734 = tpu.vector_load %arg10[%get3A_1731, %get3A_1732, %get3A_1733] {strides = array<i32>} : memref<2x128x128xf32, #tpu.memory_space<vmem>>, vector<16xf32>,
          %add3A_1735 = arith.addf %while3A_1667, %get3A_1734 : vector<16xf32>
          %mul3A_1736 = arith.mulf %get3A_1734, %get3A_1734 : vector<16xf32>
          %add3A_1737 = arith.addf %while3A_1675, %mul3A_1736 : vector<16xf32>
          %max3A_1738 = arith.maximumf %while3A_1683, %get3A_1734 : vector<16xf32>
          %get3A_1739 = arith.index_cast %and3A_1608 : i32 to index
          %get3A_1740 = arith.index_cast %add3A_1690 : i32 to index
          %get3A_1741 = arith.constant 96 : index
          %get3A_1742 = tpu.vector_load %arg10[%get3A_1739, %get3A_1740, %get3A_1741] {strides = array<i32>} : memref<2x128x128xf32, #tpu.memory_space<vmem>>, vector<16xf32>,
          %add3A_1743 = arith.addf %while3A_1668, %get3A_1742 : vector<16xf32>
          %mul3A_1744 = arith.mulf %get3A_1742, %get3A_1742 : vector<16xf32>
          %add3A_1745 = arith.addf %while3A_1676, %mul3A_1744 : vector<16xf32>
          %max3A_1746 = arith.maximumf %while3A_1684, %get3A_1742 : vector<16xf32>
          %get3A_1747 = arith.index_cast %and3A_1608 : i32 to index
          %get3A_1748 = arith.index_cast %add3A_1690 : i32 to index
          %get3A_1749 = arith.constant 112 : index
          %get3A_1750 = tpu.vector_load %arg10[%get3A_1747, %get3A_1748, %get3A_1749] {strides = array<i32>} : memref<2x128x128xf32, #tpu.memory_space<vmem>>, vector<16xf32>,
          %add3A_1751 = arith.addf %while3A_1669, %get3A_1750 : vector<16xf32>
          %mul3A_1752 = arith.mulf %get3A_1750, %get3A_1750 : vector<16xf32>
          %add3A_1753 = arith.addf %while3A_1677, %mul3A_1752 : vector<16xf32>
          %max3A_1754 = arith.maximumf %while3A_1685, %get3A_1750 : vector<16xf32>
          %add3A_1755 = arith.constant 1 : i32
          %add3A_1756 = arith.addi %add3A_1688, %add3A_1755 : i32
          %get3A_1757 = arith.index_cast %and3A_1608 : i32 to index
          %get3A_1758 = arith.index_cast %add3A_1756 : i32 to index
          %get3A_1759 = arith.constant 0 : index
          %get3A_1760 = tpu.vector_load %arg10[%get3A_1757, %get3A_1758, %get3A_1759] {strides = array<i32>} : memref<2x128x128xf32, #tpu.memory_space<vmem>>, vector<16xf32>,
          %add3A_1761 = arith.addf %add3A_1695, %get3A_1760 : vector<16xf32>
          %mul3A_1762 = arith.mulf %get3A_1760, %get3A_1760 : vector<16xf32>
          %add3A_1763 = arith.addf %add3A_1697, %mul3A_1762 : vector<16xf32>
          %max3A_1764 = arith.maximumf %max3A_1698, %get3A_1760 : vector<16xf32>
          %get3A_1765 = arith.index_cast %and3A_1608 : i32 to index
          %get3A_1766 = arith.index_cast %add3A_1756 : i32 to index
          %get3A_1767 = arith.constant 16 : index
          %get3A_1768 = tpu.vector_load %arg10[%get3A_1765, %get3A_1766, %get3A_1767] {strides = array<i32>} : memref<2x128x128xf32, #tpu.memory_space<vmem>>, vector<16xf32>,
          %add3A_1769 = arith.addf %add3A_1703, %get3A_1768 : vector<16xf32>
          %mul3A_1770 = arith.mulf %get3A_1768, %get3A_1768 : vector<16xf32>
          %add3A_1771 = arith.addf %add3A_1705, %mul3A_1770 : vector<16xf32>
          %max3A_1772 = arith.maximumf %max3A_1706, %get3A_1768 : vector<16xf32>
          %get3A_1773 = arith.index_cast %and3A_1608 : i32 to index
          %get3A_1774 = arith.index_cast %add3A_1756 : i32 to index
          %get3A_1775 = arith.constant 32 : index
          %get3A_1776 = tpu.vector_load %arg10[%get3A_1773, %get3A_1774, %get3A_1775] {strides = array<i32>} : memref<2x128x128xf32, #tpu.memory_space<vmem>>, vector<16xf32>,
          %add3A_1777 = arith.addf %add3A_1711, %get3A_1776 : vector<16xf32>
          %mul3A_1778 = arith.mulf %get3A_1776, %get3A_1776 : vector<16xf32>
          %add3A_1779 = arith.addf %add3A_1713, %mul3A_1778 : vector<16xf32>
          %max3A_1780 = arith.maximumf %max3A_1714, %get3A_1776 : vector<16xf32>
          %get3A_1781 = arith.index_cast %and3A_1608 : i32 to index
          %get3A_1782 = arith.index_cast %add3A_1756 : i32 to index
          %get3A_1783 = arith.constant 48 : index
          %get3A_1784 = tpu.vector_load %arg10[%get3A_1781, %get3A_1782, %get3A_1783] {strides = array<i32>} : memref<2x128x128xf32, #tpu.memory_space<vmem>>, vector<16xf32>,
          %add3A_1785 = arith.addf %add3A_1719, %get3A_1784 : vector<16xf32>
          %mul3A_1786 = arith.mulf %get3A_1784, %get3A_1784 : vector<16xf32>
          %add3A_1787 = arith.addf %add3A_1721, %mul3A_1786 : vector<16xf32>
          %max3A_1788 = arith.maximumf %max3A_1722, %get3A_1784 : vector<16xf32>
          %get3A_1789 = arith.index_cast %and3A_1608 : i32 to index
          %get3A_1790 = arith.index_cast %add3A_1756 : i32 to index
          %get3A_1791 = arith.constant 64 : index
          %get3A_1792 = tpu.vector_load %arg10[%get3A_1789, %get3A_1790, %get3A_1791] {strides = array<i32>} : memref<2x128x128xf32, #tpu.memory_space<vmem>>, vector<16xf32>,
          %add3A_1793 = arith.addf %add3A_1727, %get3A_1792 : vector<16xf32>
          %mul3A_1794 = arith.mulf %get3A_1792, %get3A_1792 : vector<16xf32>
          %add3A_1795 = arith.addf %add3A_1729, %mul3A_1794 : vector<16xf32>
          %max3A_1796 = arith.maximumf %max3A_1730, %get3A_1792 : vector<16xf32>
          %get3A_1797 = arith.index_cast %and3A_1608 : i32 to index
          %get3A_1798 = arith.index_cast %add3A_1756 : i32 to index
          %get3A_1799 = arith.constant 80 : index
          %get3A_1800 = tpu.vector_load %arg10[%get3A_1797, %get3A_1798, %get3A_1799] {strides = array<i32>} : memref<2x128x128xf32, #tpu.memory_space<vmem>>, vector<16xf32>,
          %add3A_1801 = arith.addf %add3A_1735, %get3A_1800 : vector<16xf32>
          %mul3A_1802 = arith.mulf %get3A_1800, %get3A_1800 : vector<16xf32>
          %add3A_1803 = arith.addf %add3A_1737, %mul3A_1802 : vector<16xf32>
          %max3A_1804 = arith.maximumf %max3A_1738, %get3A_1800 : vector<16xf32>
          %get3A_1805 = arith.index_cast %and3A_1608 : i32 to index
          %get3A_1806 = arith.index_cast %add3A_1756 : i32 to index
          %get3A_1807 = arith.constant 96 : index
          %get3A_1808 = tpu.vector_load %arg10[%get3A_1805, %get3A_1806, %get3A_1807] {strides = array<i32>} : memref<2x128x128xf32, #tpu.memory_space<vmem>>, vector<16xf32>,
          %add3A_1809 = arith.addf %add3A_1743, %get3A_1808 : vector<16xf32>
          %mul3A_1810 = arith.mulf %get3A_1808, %get3A_1808 : vector<16xf32>
          %add3A_1811 = arith.addf %add3A_1745, %mul3A_1810 : vector<16xf32>
          %max3A_1812 = arith.maximumf %max3A_1746, %get3A_1808 : vector<16xf32>
          %get3A_1813 = arith.index_cast %and3A_1608 : i32 to index
          %get3A_1814 = arith.index_cast %add3A_1756 : i32 to index
          %get3A_1815 = arith.constant 112 : index
          %get3A_1816 = tpu.vector_load %arg10[%get3A_1813, %get3A_1814, %get3A_1815] {strides = array<i32>} : memref<2x128x128xf32, #tpu.memory_space<vmem>>, vector<16xf32>,
          %add3A_1817 = arith.addf %add3A_1751, %get3A_1816 : vector<16xf32>
          %mul3A_1818 = arith.mulf %get3A_1816, %get3A_1816 : vector<16xf32>
          %add3A_1819 = arith.addf %add3A_1753, %mul3A_1818 : vector<16xf32>
          %max3A_1820 = arith.maximumf %max3A_1754, %get3A_1816 : vector<16xf32>
          %add3A_1821 = arith.constant 2 : i32
          %add3A_1822 = arith.addi %add3A_1688, %add3A_1821 : i32
          %get3A_1823 = arith.index_cast %and3A_1608 : i32 to index
          %get3A_1824 = arith.index_cast %add3A_1822 : i32 to index
          %get3A_1825 = arith.constant 0 : index
          %get3A_1826 = tpu.vector_load %arg10[%get3A_1823, %get3A_1824, %get3A_1825] {strides = array<i32>} : memref<2x128x128xf32, #tpu.memory_space<vmem>>, vector<16xf32>,
          %add3A_1827 = arith.addf %add3A_1761, %get3A_1826 : vector<16xf32>
          %mul3A_1828 = arith.mulf %get3A_1826, %get3A_1826 : vector<16xf32>
          %add3A_1829 = arith.addf %add3A_1763, %mul3A_1828 : vector<16xf32>
          %max3A_1830 = arith.maximumf %max3A_1764, %get3A_1826 : vector<16xf32>
          %get3A_1831 = arith.index_cast %and3A_1608 : i32 to index
          %get3A_1832 = arith.index_cast %add3A_1822 : i32 to index
          %get3A_1833 = arith.constant 16 : index
          %get3A_1834 = tpu.vector_load %arg10[%get3A_1831, %get3A_1832, %get3A_1833] {strides = array<i32>} : memref<2x128x128xf32, #tpu.memory_space<vmem>>, vector<16xf32>,
          %add3A_1835 = arith.addf %add3A_1769, %get3A_1834 : vector<16xf32>
          %mul3A_1836 = arith.mulf %get3A_1834, %get3A_1834 : vector<16xf32>
          %add3A_1837 = arith.addf %add3A_1771, %mul3A_1836 : vector<16xf32>
          %max3A_1838 = arith.maximumf %max3A_1772, %get3A_1834 : vector<16xf32>
          %get3A_1839 = arith.index_cast %and3A_1608 : i32 to index
          %get3A_1840 = arith.index_cast %add3A_1822 : i32 to index
          %get3A_1841 = arith.constant 32 : index
          %get3A_1842 = tpu.vector_load %arg10[%get3A_1839, %get3A_1840, %get3A_1841] {strides = array<i32>} : memref<2x128x128xf32, #tpu.memory_space<vmem>>, vector<16xf32>,
          %add3A_1843 = arith.addf %add3A_1777, %get3A_1842 : vector<16xf32>
          %mul3A_1844 = arith.mulf %get3A_1842, %get3A_1842 : vector<16xf32>
          %add3A_1845 = arith.addf %add3A_1779, %mul3A_1844 : vector<16xf32>
          %max3A_1846 = arith.maximumf %max3A_1780, %get3A_1842 : vector<16xf32>
          %get3A_1847 = arith.index_cast %and3A_1608 : i32 to index
          %get3A_1848 = arith.index_cast %add3A_1822 : i32 to index
          %get3A_1849 = arith.constant 48 : index
          %get3A_1850 = tpu.vector_load %arg10[%get3A_1847, %get3A_1848, %get3A_1849] {strides = array<i32>} : memref<2x128x128xf32, #tpu.memory_space<vmem>>, vector<16xf32>,
          %add3A_1851 = arith.addf %add3A_1785, %get3A_1850 : vector<16xf32>
          %mul3A_1852 = arith.mulf %get3A_1850, %get3A_1850 : vector<16xf32>
          %add3A_1853 = arith.addf %add3A_1787, %mul3A_1852 : vector<16xf32>
          %max3A_1854 = arith.maximumf %max3A_1788, %get3A_1850 : vector<16xf32>
          %get3A_1855 = arith.index_cast %and3A_1608 : i32 to index
          %get3A_1856 = arith.index_cast %add3A_1822 : i32 to index
          %get3A_1857 = arith.constant 64 : index
          %get3A_1858 = tpu.vector_load %arg10[%get3A_1855, %get3A_1856, %get3A_1857] {strides = array<i32>} : memref<2x128x128xf32, #tpu.memory_space<vmem>>, vector<16xf32>,
          %add3A_1859 = arith.addf %add3A_1793, %get3A_1858 : vector<16xf32>
          %mul3A_1860 = arith.mulf %get3A_1858, %get3A_1858 : vector<16xf32>
          %add3A_1861 = arith.addf %add3A_1795, %mul3A_1860 : vector<16xf32>
          %max3A_1862 = arith.maximumf %max3A_1796, %get3A_1858 : vector<16xf32>
          %get3A_1863 = arith.index_cast %and3A_1608 : i32 to index
          %get3A_1864 = arith.index_cast %add3A_1822 : i32 to index
          %get3A_1865 = arith.constant 80 : index
          %get3A_1866 = tpu.vector_load %arg10[%get3A_1863, %get3A_1864, %get3A_1865] {strides = array<i32>} : memref<2x128x128xf32, #tpu.memory_space<vmem>>, vector<16xf32>,
          %add3A_1867 = arith.addf %add3A_1801, %get3A_1866 : vector<16xf32>
          %mul3A_1868 = arith.mulf %get3A_1866, %get3A_1866 : vector<16xf32>
          %add3A_1869 = arith.addf %add3A_1803, %mul3A_1868 : vector<16xf32>
          %max3A_1870 = arith.maximumf %max3A_1804, %get3A_1866 : vector<16xf32>
          %get3A_1871 = arith.index_cast %and3A_1608 : i32 to index
          %get3A_1872 = arith.index_cast %add3A_1822 : i32 to index
          %get3A_1873 = arith.constant 96 : index
          %get3A_1874 = tpu.vector_load %arg10[%get3A_1871, %get3A_1872, %get3A_1873] {strides = array<i32>} : memref<2x128x128xf32, #tpu.memory_space<vmem>>, vector<16xf32>,
          %add3A_1875 = arith.addf %add3A_1809, %get3A_1874 : vector<16xf32>
          %mul3A_1876 = arith.mulf %get3A_1874, %get3A_1874 : vector<16xf32>
          %add3A_1877 = arith.addf %add3A_1811, %mul3A_1876 : vector<16xf32>
          %max3A_1878 = arith.maximumf %max3A_1812, %get3A_1874 : vector<16xf32>
          %get3A_1879 = arith.index_cast %and3A_1608 : i32 to index
          %get3A_1880 = arith.index_cast %add3A_1822 : i32 to index
          %get3A_1881 = arith.constant 112 : index
          %get3A_1882 = tpu.vector_load %arg10[%get3A_1879, %get3A_1880, %get3A_1881] {strides = array<i32>} : memref<2x128x128xf32, #tpu.memory_space<vmem>>, vector<16xf32>,
          %add3A_1883 = arith.addf %add3A_1817, %get3A_1882 : vector<16xf32>
          %mul3A_1884 = arith.mulf %get3A_1882, %get3A_1882 : vector<16xf32>
          %add3A_1885 = arith.addf %add3A_1819, %mul3A_1884 : vector<16xf32>
          %max3A_1886 = arith.maximumf %max3A_1820, %get3A_1882 : vector<16xf32>
          %add3A_1887 = arith.constant 3 : i32
          %add3A_1888 = arith.addi %add3A_1688, %add3A_1887 : i32
          %get3A_1889 = arith.index_cast %and3A_1608 : i32 to index
          %get3A_1890 = arith.index_cast %add3A_1888 : i32 to index
          %get3A_1891 = arith.constant 0 : index
          %get3A_1892 = tpu.vector_load %arg10[%get3A_1889, %get3A_1890, %get3A_1891] {strides = array<i32>} : memref<2x128x128xf32, #tpu.memory_space<vmem>>, vector<16xf32>,
          %add3A_1893 = arith.addf %add3A_1827, %get3A_1892 : vector<16xf32>
          %mul3A_1894 = arith.mulf %get3A_1892, %get3A_1892 : vector<16xf32>
          %add3A_1895 = arith.addf %add3A_1829, %mul3A_1894 : vector<16xf32>
          %max3A_1896 = arith.maximumf %max3A_1830, %get3A_1892 : vector<16xf32>
          %get3A_1897 = arith.index_cast %and3A_1608 : i32 to index
          %get3A_1898 = arith.index_cast %add3A_1888 : i32 to index
          %get3A_1899 = arith.constant 16 : index
          %get3A_1900 = tpu.vector_load %arg10[%get3A_1897, %get3A_1898, %get3A_1899] {strides = array<i32>} : memref<2x128x128xf32, #tpu.memory_space<vmem>>, vector<16xf32>,
          %add3A_1901 = arith.addf %add3A_1835, %get3A_1900 : vector<16xf32>
          %mul3A_1902 = arith.mulf %get3A_1900, %get3A_1900 : vector<16xf32>
          %add3A_1903 = arith.addf %add3A_1837, %mul3A_1902 : vector<16xf32>
          %max3A_1904 = arith.maximumf %max3A_1838, %get3A_1900 : vector<16xf32>
          %get3A_1905 = arith.index_cast %and3A_1608 : i32 to index
          %get3A_1906 = arith.index_cast %add3A_1888 : i32 to index
          %get3A_1907 = arith.constant 32 : index
          %get3A_1908 = tpu.vector_load %arg10[%get3A_1905, %get3A_1906, %get3A_1907] {strides = array<i32>} : memref<2x128x128xf32, #tpu.memory_space<vmem>>, vector<16xf32>,
          %add3A_1909 = arith.addf %add3A_1843, %get3A_1908 : vector<16xf32>
          %mul3A_1910 = arith.mulf %get3A_1908, %get3A_1908 : vector<16xf32>
          %add3A_1911 = arith.addf %add3A_1845, %mul3A_1910 : vector<16xf32>
          %max3A_1912 = arith.maximumf %max3A_1846, %get3A_1908 : vector<16xf32>
          %get3A_1913 = arith.index_cast %and3A_1608 : i32 to index
          %get3A_1914 = arith.index_cast %add3A_1888 : i32 to index
          %get3A_1915 = arith.constant 48 : index
          %get3A_1916 = tpu.vector_load %arg10[%get3A_1913, %get3A_1914, %get3A_1915] {strides = array<i32>} : memref<2x128x128xf32, #tpu.memory_space<vmem>>, vector<16xf32>,
          %add3A_1917 = arith.addf %add3A_1851, %get3A_1916 : vector<16xf32>
          %mul3A_1918 = arith.mulf %get3A_1916, %get3A_1916 : vector<16xf32>
          %add3A_1919 = arith.addf %add3A_1853, %mul3A_1918 : vector<16xf32>
          %max3A_1920 = arith.maximumf %max3A_1854, %get3A_1916 : vector<16xf32>
          %get3A_1921 = arith.index_cast %and3A_1608 : i32 to index
          %get3A_1922 = arith.index_cast %add3A_1888 : i32 to index
          %get3A_1923 = arith.constant 64 : index
          %get3A_1924 = tpu.vector_load %arg10[%get3A_1921, %get3A_1922, %get3A_1923] {strides = array<i32>} : memref<2x128x128xf32, #tpu.memory_space<vmem>>, vector<16xf32>,
          %add3A_1925 = arith.addf %add3A_1859, %get3A_1924 : vector<16xf32>
          %mul3A_1926 = arith.mulf %get3A_1924, %get3A_1924 : vector<16xf32>
          %add3A_1927 = arith.addf %add3A_1861, %mul3A_1926 : vector<16xf32>
          %max3A_1928 = arith.maximumf %max3A_1862, %get3A_1924 : vector<16xf32>
          %get3A_1929 = arith.index_cast %and3A_1608 : i32 to index
          %get3A_1930 = arith.index_cast %add3A_1888 : i32 to index
          %get3A_1931 = arith.constant 80 : index
          %get3A_1932 = tpu.vector_load %arg10[%get3A_1929, %get3A_1930, %get3A_1931] {strides = array<i32>} : memref<2x128x128xf32, #tpu.memory_space<vmem>>, vector<16xf32>,
          %add3A_1933 = arith.addf %add3A_1867, %get3A_1932 : vector<16xf32>
          %mul3A_1934 = arith.mulf %get3A_1932, %get3A_1932 : vector<16xf32>
          %add3A_1935 = arith.addf %add3A_1869, %mul3A_1934 : vector<16xf32>
          %max3A_1936 = arith.maximumf %max3A_1870, %get3A_1932 : vector<16xf32>
          %get3A_1937 = arith.index_cast %and3A_1608 : i32 to index
          %get3A_1938 = arith.index_cast %add3A_1888 : i32 to index
          %get3A_1939 = arith.constant 96 : index
          %get3A_1940 = tpu.vector_load %arg10[%get3A_1937, %get3A_1938, %get3A_1939] {strides = array<i32>} : memref<2x128x128xf32, #tpu.memory_space<vmem>>, vector<16xf32>,
          %add3A_1941 = arith.addf %add3A_1875, %get3A_1940 : vector<16xf32>
          %mul3A_1942 = arith.mulf %get3A_1940, %get3A_1940 : vector<16xf32>
          %add3A_1943 = arith.addf %add3A_1877, %mul3A_1942 : vector<16xf32>
          %max3A_1944 = arith.maximumf %max3A_1878, %get3A_1940 : vector<16xf32>
          %get3A_1945 = arith.index_cast %and3A_1608 : i32 to index
          %get3A_1946 = arith.index_cast %add3A_1888 : i32 to index
          %get3A_1947 = arith.constant 112 : index
          %get3A_1948 = tpu.vector_load %arg10[%get3A_1945, %get3A_1946, %get3A_1947] {strides = array<i32>} : memref<2x128x128xf32, #tpu.memory_space<vmem>>, vector<16xf32>,
          %add3A_1949 = arith.addf %add3A_1883, %get3A_1948 : vector<16xf32>
          %mul3A_1950 = arith.mulf %get3A_1948, %get3A_1948 : vector<16xf32>
          %add3A_1951 = arith.addf %add3A_1885, %mul3A_1950 : vector<16xf32>
          %max3A_1952 = arith.maximumf %max3A_1886, %get3A_1948 : vector<16xf32>
          scf.yield %add3A_1893, %add3A_1901, %add3A_1909, %add3A_1917, %add3A_1925, %add3A_1933, %add3A_1941, %add3A_1949, %add3A_1895, %add3A_1903, %add3A_1911, %add3A_1919, %add3A_1927, %add3A_1935, %add3A_1943, %add3A_1951, %max3A_1896, %max3A_1904, %max3A_1912, %max3A_1920, %max3A_1928, %max3A_1936, %max3A_1944, %max3A_1952 : vector<16xf32>, vector<16xf32>, vector<16xf32>, vector<16xf32>, vector<16xf32>, vector<16xf32>, vector<16xf32>, vector<16xf32>, vector<16xf32>, vector<16xf32>, vector<16xf32>, vector<16xf32>, vector<16xf32>, vector<16xf32>, vector<16xf32>, vector<16xf32>, vector<16xf32>, vector<16xf32>, vector<16xf32>, vector<16xf32>, vector<16xf32>, vector<16xf32>, vector<16xf32>, vector<16xf32>
        }
        %while3A_1646 = arith.constant 1 : i32
        %while3A_1647:24 = scf.for %while3A_1661 = %while3A_1643 to %while3A_1639 step %while3A_1646 iter_args(%while3A_1662 = %while3A_1645#0, %while3A_1663 = %while3A_1645#1, %while3A_1664 = %while3A_1645#2, %while3A_1665 = %while3A_1645#3, %while3A_1666 = %while3A_1645#4, %while3A_1667 = %while3A_1645#5, %while3A_1668 = %while3A_1645#6, %while3A_1669 = %while3A_1645#7, %while3A_1670 = %while3A_1645#8, %while3A_1671 = %while3A_1645#9, %while3A_1672 = %while3A_1645#10, %while3A_1673 = %while3A_1645#11, %while3A_1674 = %while3A_1645#12, %while3A_1675 = %while3A_1645#13, %while3A_1676 = %while3A_1645#14, %while3A_1677 = %while3A_1645#15, %while3A_1678 = %while3A_1645#16, %while3A_1679 = %while3A_1645#17, %while3A_1680 = %while3A_1645#18, %while3A_1681 = %while3A_1645#19, %while3A_1682 = %while3A_1645#20, %while3A_1683 = %while3A_1645#21, %while3A_1684 = %while3A_1645#22, %while3A_1685 = %while3A_1645#23) -> (vector<16xf32>, vector<16xf32>, vector<16xf32>, vector<16xf32>, vector<16xf32>, vector<16xf32>, vector<16xf32>, vector<16xf32>, vector<16xf32>, vector<16xf32>, vector<16xf32>, vector<16xf32>, vector<16xf32>, vector<16xf32>, vector<16xf32>, vector<16xf32>, vector<16xf32>, vector<16xf32>, vector<16xf32>, vector<16xf32>, vector<16xf32>, vector<16xf32>, vector<16xf32>, vector<16xf32>)  : i32 {
          %mul3A_1686 = arith.constant 4 : i32
          %mul3A_1687 = arith.muli %while3A_1661, %mul3A_1686 : i32
          %add3A_1688 = arith.addi %sub3A_1602, %mul3A_1687 : i32
          %add3A_1689 = arith.constant 0 : i32
          %add3A_1690 = arith.addi %add3A_1688, %add3A_1689 : i32
          %get3A_1691 = arith.index_cast %and3A_1608 : i32 to index
          %get3A_1692 = arith.index_cast %add3A_1690 : i32 to index
          %get3A_1693 = arith.constant 0 : index
          %get3A_1694 = tpu.vector_load %arg10[%get3A_1691, %get3A_1692, %get3A_1693] {strides = array<i32>} : memref<2x128x128xf32, #tpu.memory_space<vmem>>, vector<16xf32>,
          %add3A_1695 = arith.addf %while3A_1662, %get3A_1694 : vector<16xf32>
          %mul3A_1696 = arith.mulf %get3A_1694, %get3A_1694 : vector<16xf32>
          %add3A_1697 = arith.addf %while3A_1670, %mul3A_1696 : vector<16xf32>
          %max3A_1698 = arith.maximumf %while3A_1678, %get3A_1694 : vector<16xf32>
          %get3A_1699 = arith.index_cast %and3A_1608 : i32 to index
          %get3A_1700 = arith.index_cast %add3A_1690 : i32 to index
          %get3A_1701 = arith.constant 16 : index
          %get3A_1702 = tpu.vector_load %arg10[%get3A_1699, %get3A_1700, %get3A_1701] {strides = array<i32>} : memref<2x128x128xf32, #tpu.memory_space<vmem>>, vector<16xf32>,
          %add3A_1703 = arith.addf %while3A_1663, %get3A_1702 : vector<16xf32>
          %mul3A_1704 = arith.mulf %get3A_1702, %get3A_1702 : vector<16xf32>
          %add3A_1705 = arith.addf %while3A_1671, %mul3A_1704 : vector<16xf32>
          %max3A_1706 = arith.maximumf %while3A_1679, %get3A_1702 : vector<16xf32>
          %get3A_1707 = arith.index_cast %and3A_1608 : i32 to index
          %get3A_1708 = arith.index_cast %add3A_1690 : i32 to index
          %get3A_1709 = arith.constant 32 : index
          %get3A_1710 = tpu.vector_load %arg10[%get3A_1707, %get3A_1708, %get3A_1709] {strides = array<i32>} : memref<2x128x128xf32, #tpu.memory_space<vmem>>, vector<16xf32>,
          %add3A_1711 = arith.addf %while3A_1664, %get3A_1710 : vector<16xf32>
          %mul3A_1712 = arith.mulf %get3A_1710, %get3A_1710 : vector<16xf32>
          %add3A_1713 = arith.addf %while3A_1672, %mul3A_1712 : vector<16xf32>
          %max3A_1714 = arith.maximumf %while3A_1680, %get3A_1710 : vector<16xf32>
          %get3A_1715 = arith.index_cast %and3A_1608 : i32 to index
          %get3A_1716 = arith.index_cast %add3A_1690 : i32 to index
          %get3A_1717 = arith.constant 48 : index
          %get3A_1718 = tpu.vector_load %arg10[%get3A_1715, %get3A_1716, %get3A_1717] {strides = array<i32>} : memref<2x128x128xf32, #tpu.memory_space<vmem>>, vector<16xf32>,
          %add3A_1719 = arith.addf %while3A_1665, %get3A_1718 : vector<16xf32>
          %mul3A_1720 = arith.mulf %get3A_1718, %get3A_1718 : vector<16xf32>
          %add3A_1721 = arith.addf %while3A_1673, %mul3A_1720 : vector<16xf32>
          %max3A_1722 = arith.maximumf %while3A_1681, %get3A_1718 : vector<16xf32>
          %get3A_1723 = arith.index_cast %and3A_1608 : i32 to index
          %get3A_1724 = arith.index_cast %add3A_1690 : i32 to index
          %get3A_1725 = arith.constant 64 : index
          %get3A_1726 = tpu.vector_load %arg10[%get3A_1723, %get3A_1724, %get3A_1725] {strides = array<i32>} : memref<2x128x128xf32, #tpu.memory_space<vmem>>, vector<16xf32>,
          %add3A_1727 = arith.addf %while3A_1666, %get3A_1726 : vector<16xf32>
          %mul3A_1728 = arith.mulf %get3A_1726, %get3A_1726 : vector<16xf32>
          %add3A_1729 = arith.addf %while3A_1674, %mul3A_1728 : vector<16xf32>
          %max3A_1730 = arith.maximumf %while3A_1682, %get3A_1726 : vector<16xf32>
          %get3A_1731 = arith.index_cast %and3A_1608 : i32 to index
          %get3A_1732 = arith.index_cast %add3A_1690 : i32 to index
          %get3A_1733 = arith.constant 80 : index
          %get3A_1734 = tpu.vector_load %arg10[%get3A_1731, %get3A_1732, %get3A_1733] {strides = array<i32>} : memref<2x128x128xf32, #tpu.memory_space<vmem>>, vector<16xf32>,
          %add3A_1735 = arith.addf %while3A_1667, %get3A_1734 : vector<16xf32>
          %mul3A_1736 = arith.mulf %get3A_1734, %get3A_1734 : vector<16xf32>
          %add3A_1737 = arith.addf %while3A_1675, %mul3A_1736 : vector<16xf32>
          %max3A_1738 = arith.maximumf %while3A_1683, %get3A_1734 : vector<16xf32>
          %get3A_1739 = arith.index_cast %and3A_1608 : i32 to index
          %get3A_1740 = arith.index_cast %add3A_1690 : i32 to index
          %get3A_1741 = arith.constant 96 : index
          %get3A_1742 = tpu.vector_load %arg10[%get3A_1739, %get3A_1740, %get3A_1741] {strides = array<i32>} : memref<2x128x128xf32, #tpu.memory_space<vmem>>, vector<16xf32>,
          %add3A_1743 = arith.addf %while3A_1668, %get3A_1742 : vector<16xf32>
          %mul3A_1744 = arith.mulf %get3A_1742, %get3A_1742 : vector<16xf32>
          %add3A_1745 = arith.addf %while3A_1676, %mul3A_1744 : vector<16xf32>
          %max3A_1746 = arith.maximumf %while3A_1684, %get3A_1742 : vector<16xf32>
          %get3A_1747 = arith.index_cast %and3A_1608 : i32 to index
          %get3A_1748 = arith.index_cast %add3A_1690 : i32 to index
          %get3A_1749 = arith.constant 112 : index
          %get3A_1750 = tpu.vector_load %arg10[%get3A_1747, %get3A_1748, %get3A_1749] {strides = array<i32>} : memref<2x128x128xf32, #tpu.memory_space<vmem>>, vector<16xf32>,
          %add3A_1751 = arith.addf %while3A_1669, %get3A_1750 : vector<16xf32>
          %mul3A_1752 = arith.mulf %get3A_1750, %get3A_1750 : vector<16xf32>
          %add3A_1753 = arith.addf %while3A_1677, %mul3A_1752 : vector<16xf32>
          %max3A_1754 = arith.maximumf %while3A_1685, %get3A_1750 : vector<16xf32>
          %add3A_1755 = arith.constant 1 : i32
          %add3A_1756 = arith.addi %add3A_1688, %add3A_1755 : i32
          %get3A_1757 = arith.index_cast %and3A_1608 : i32 to index
          %get3A_1758 = arith.index_cast %add3A_1756 : i32 to index
          %get3A_1759 = arith.constant 0 : index
          %get3A_1760 = tpu.vector_load %arg10[%get3A_1757, %get3A_1758, %get3A_1759] {strides = array<i32>} : memref<2x128x128xf32, #tpu.memory_space<vmem>>, vector<16xf32>,
          %add3A_1761 = arith.addf %add3A_1695, %get3A_1760 : vector<16xf32>
          %mul3A_1762 = arith.mulf %get3A_1760, %get3A_1760 : vector<16xf32>
          %add3A_1763 = arith.addf %add3A_1697, %mul3A_1762 : vector<16xf32>
          %max3A_1764 = arith.maximumf %max3A_1698, %get3A_1760 : vector<16xf32>
          %get3A_1765 = arith.index_cast %and3A_1608 : i32 to index
          %get3A_1766 = arith.index_cast %add3A_1756 : i32 to index
          %get3A_1767 = arith.constant 16 : index
          %get3A_1768 = tpu.vector_load %arg10[%get3A_1765, %get3A_1766, %get3A_1767] {strides = array<i32>} : memref<2x128x128xf32, #tpu.memory_space<vmem>>, vector<16xf32>,
          %add3A_1769 = arith.addf %add3A_1703, %get3A_1768 : vector<16xf32>
          %mul3A_1770 = arith.mulf %get3A_1768, %get3A_1768 : vector<16xf32>
          %add3A_1771 = arith.addf %add3A_1705, %mul3A_1770 : vector<16xf32>
          %max3A_1772 = arith.maximumf %max3A_1706, %get3A_1768 : vector<16xf32>
          %get3A_1773 = arith.index_cast %and3A_1608 : i32 to index
          %get3A_1774 = arith.index_cast %add3A_1756 : i32 to index
          %get3A_1775 = arith.constant 32 : index
          %get3A_1776 = tpu.vector_load %arg10[%get3A_1773, %get3A_1774, %get3A_1775] {strides = array<i32>} : memref<2x128x128xf32, #tpu.memory_space<vmem>>, vector<16xf32>,
          %add3A_1777 = arith.addf %add3A_1711, %get3A_1776 : vector<16xf32>
          %mul3A_1778 = arith.mulf %get3A_1776, %get3A_1776 : vector<16xf32>
          %add3A_1779 = arith.addf %add3A_1713, %mul3A_1778 : vector<16xf32>
          %max3A_1780 = arith.maximumf %max3A_1714, %get3A_1776 : vector<16xf32>
          %get3A_1781 = arith.index_cast %and3A_1608 : i32 to index
          %get3A_1782 = arith.index_cast %add3A_1756 : i32 to index
          %get3A_1783 = arith.constant 48 : index
          %get3A_1784 = tpu.vector_load %arg10[%get3A_1781, %get3A_1782, %get3A_1783] {strides = array<i32>} : memref<2x128x128xf32, #tpu.memory_space<vmem>>, vector<16xf32>,
          %add3A_1785 = arith.addf %add3A_1719, %get3A_1784 : vector<16xf32>
          %mul3A_1786 = arith.mulf %get3A_1784, %get3A_1784 : vector<16xf32>
          %add3A_1787 = arith.addf %add3A_1721, %mul3A_1786 : vector<16xf32>
          %max3A_1788 = arith.maximumf %max3A_1722, %get3A_1784 : vector<16xf32>
          %get3A_1789 = arith.index_cast %and3A_1608 : i32 to index
          %get3A_1790 = arith.index_cast %add3A_1756 : i32 to index
          %get3A_1791 = arith.constant 64 : index
          %get3A_1792 = tpu.vector_load %arg10[%get3A_1789, %get3A_1790, %get3A_1791] {strides = array<i32>} : memref<2x128x128xf32, #tpu.memory_space<vmem>>, vector<16xf32>,
          %add3A_1793 = arith.addf %add3A_1727, %get3A_1792 : vector<16xf32>
          %mul3A_1794 = arith.mulf %get3A_1792, %get3A_1792 : vector<16xf32>
          %add3A_1795 = arith.addf %add3A_1729, %mul3A_1794 : vector<16xf32>
          %max3A_1796 = arith.maximumf %max3A_1730, %get3A_1792 : vector<16xf32>
          %get3A_1797 = arith.index_cast %and3A_1608 : i32 to index
          %get3A_1798 = arith.index_cast %add3A_1756 : i32 to index
          %get3A_1799 = arith.constant 80 : index
          %get3A_1800 = tpu.vector_load %arg10[%get3A_1797, %get3A_1798, %get3A_1799] {strides = array<i32>} : memref<2x128x128xf32, #tpu.memory_space<vmem>>, vector<16xf32>,
          %add3A_1801 = arith.addf %add3A_1735, %get3A_1800 : vector<16xf32>
          %mul3A_1802 = arith.mulf %get3A_1800, %get3A_1800 : vector<16xf32>
          %add3A_1803 = arith.addf %add3A_1737, %mul3A_1802 : vector<16xf32>
          %max3A_1804 = arith.maximumf %max3A_1738, %get3A_1800 : vector<16xf32>
          %get3A_1805 = arith.index_cast %and3A_1608 : i32 to index
          %get3A_1806 = arith.index_cast %add3A_1756 : i32 to index
          %get3A_1807 = arith.constant 96 : index
          %get3A_1808 = tpu.vector_load %arg10[%get3A_1805, %get3A_1806, %get3A_1807] {strides = array<i32>} : memref<2x128x128xf32, #tpu.memory_space<vmem>>, vector<16xf32>,
          %add3A_1809 = arith.addf %add3A_1743, %get3A_1808 : vector<16xf32>
          %mul3A_1810 = arith.mulf %get3A_1808, %get3A_1808 : vector<16xf32>
          %add3A_1811 = arith.addf %add3A_1745, %mul3A_1810 : vector<16xf32>
          %max3A_1812 = arith.maximumf %max3A_1746, %get3A_1808 : vector<16xf32>
          %get3A_1813 = arith.index_cast %and3A_1608 : i32 to index
          %get3A_1814 = arith.index_cast %add3A_1756 : i32 to index
          %get3A_1815 = arith.constant 112 : index
          %get3A_1816 = tpu.vector_load %arg10[%get3A_1813, %get3A_1814, %get3A_1815] {strides = array<i32>} : memref<2x128x128xf32, #tpu.memory_space<vmem>>, vector<16xf32>,
          %add3A_1817 = arith.addf %add3A_1751, %get3A_1816 : vector<16xf32>
          %mul3A_1818 = arith.mulf %get3A_1816, %get3A_1816 : vector<16xf32>
          %add3A_1819 = arith.addf %add3A_1753, %mul3A_1818 : vector<16xf32>
          %max3A_1820 = arith.maximumf %max3A_1754, %get3A_1816 : vector<16xf32>
          %add3A_1821 = arith.constant 2 : i32
          %add3A_1822 = arith.addi %add3A_1688, %add3A_1821 : i32
          %get3A_1823 = arith.index_cast %and3A_1608 : i32 to index
          %get3A_1824 = arith.index_cast %add3A_1822 : i32 to index
          %get3A_1825 = arith.constant 0 : index
          %get3A_1826 = tpu.vector_load %arg10[%get3A_1823, %get3A_1824, %get3A_1825] {strides = array<i32>} : memref<2x128x128xf32, #tpu.memory_space<vmem>>, vector<16xf32>,
          %add3A_1827 = arith.addf %add3A_1761, %get3A_1826 : vector<16xf32>
          %mul3A_1828 = arith.mulf %get3A_1826, %get3A_1826 : vector<16xf32>
          %add3A_1829 = arith.addf %add3A_1763, %mul3A_1828 : vector<16xf32>
          %max3A_1830 = arith.maximumf %max3A_1764, %get3A_1826 : vector<16xf32>
          %get3A_1831 = arith.index_cast %and3A_1608 : i32 to index
          %get3A_1832 = arith.index_cast %add3A_1822 : i32 to index
          %get3A_1833 = arith.constant 16 : index
          %get3A_1834 = tpu.vector_load %arg10[%get3A_1831, %get3A_1832, %get3A_1833] {strides = array<i32>} : memref<2x128x128xf32, #tpu.memory_space<vmem>>, vector<16xf32>,
          %add3A_1835 = arith.addf %add3A_1769, %get3A_1834 : vector<16xf32>
          %mul3A_1836 = arith.mulf %get3A_1834, %get3A_1834 : vector<16xf32>
          %add3A_1837 = arith.addf %add3A_1771, %mul3A_1836 : vector<16xf32>
          %max3A_1838 = arith.maximumf %max3A_1772, %get3A_1834 : vector<16xf32>
          %get3A_1839 = arith.index_cast %and3A_1608 : i32 to index
          %get3A_1840 = arith.index_cast %add3A_1822 : i32 to index
          %get3A_1841 = arith.constant 32 : index
          %get3A_1842 = tpu.vector_load %arg10[%get3A_1839, %get3A_1840, %get3A_1841] {strides = array<i32>} : memref<2x128x128xf32, #tpu.memory_space<vmem>>, vector<16xf32>,
          %add3A_1843 = arith.addf %add3A_1777, %get3A_1842 : vector<16xf32>
          %mul3A_1844 = arith.mulf %get3A_1842, %get3A_1842 : vector<16xf32>
          %add3A_1845 = arith.addf %add3A_1779, %mul3A_1844 : vector<16xf32>
          %max3A_1846 = arith.maximumf %max3A_1780, %get3A_1842 : vector<16xf32>
          %get3A_1847 = arith.index_cast %and3A_1608 : i32 to index
          %get3A_1848 = arith.index_cast %add3A_1822 : i32 to index
          %get3A_1849 = arith.constant 48 : index
          %get3A_1850 = tpu.vector_load %arg10[%get3A_1847, %get3A_1848, %get3A_1849] {strides = array<i32>} : memref<2x128x128xf32, #tpu.memory_space<vmem>>, vector<16xf32>,
          %add3A_1851 = arith.addf %add3A_1785, %get3A_1850 : vector<16xf32>
          %mul3A_1852 = arith.mulf %get3A_1850, %get3A_1850 : vector<16xf32>
          %add3A_1853 = arith.addf %add3A_1787, %mul3A_1852 : vector<16xf32>
          %max3A_1854 = arith.maximumf %max3A_1788, %get3A_1850 : vector<16xf32>
          %get3A_1855 = arith.index_cast %and3A_1608 : i32 to index
          %get3A_1856 = arith.index_cast %add3A_1822 : i32 to index
          %get3A_1857 = arith.constant 64 : index
          %get3A_1858 = tpu.vector_load %arg10[%get3A_1855, %get3A_1856, %get3A_1857] {strides = array<i32>} : memref<2x128x128xf32, #tpu.memory_space<vmem>>, vector<16xf32>,
          %add3A_1859 = arith.addf %add3A_1793, %get3A_1858 : vector<16xf32>
          %mul3A_1860 = arith.mulf %get3A_1858, %get3A_1858 : vector<16xf32>
          %add3A_1861 = arith.addf %add3A_1795, %mul3A_1860 : vector<16xf32>
          %max3A_1862 = arith.maximumf %max3A_1796, %get3A_1858 : vector<16xf32>
          %get3A_1863 = arith.index_cast %and3A_1608 : i32 to index
          %get3A_1864 = arith.index_cast %add3A_1822 : i32 to index
          %get3A_1865 = arith.constant 80 : index
          %get3A_1866 = tpu.vector_load %arg10[%get3A_1863, %get3A_1864, %get3A_1865] {strides = array<i32>} : memref<2x128x128xf32, #tpu.memory_space<vmem>>, vector<16xf32>,
          %add3A_1867 = arith.addf %add3A_1801, %get3A_1866 : vector<16xf32>
          %mul3A_1868 = arith.mulf %get3A_1866, %get3A_1866 : vector<16xf32>
          %add3A_1869 = arith.addf %add3A_1803, %mul3A_1868 : vector<16xf32>
          %max3A_1870 = arith.maximumf %max3A_1804, %get3A_1866 : vector<16xf32>
          %get3A_1871 = arith.index_cast %and3A_1608 : i32 to index
          %get3A_1872 = arith.index_cast %add3A_1822 : i32 to index
          %get3A_1873 = arith.constant 96 : index
          %get3A_1874 = tpu.vector_load %arg10[%get3A_1871, %get3A_1872, %get3A_1873] {strides = array<i32>} : memref<2x128x128xf32, #tpu.memory_space<vmem>>, vector<16xf32>,
          %add3A_1875 = arith.addf %add3A_1809, %get3A_1874 : vector<16xf32>
          %mul3A_1876 = arith.mulf %get3A_1874, %get3A_1874 : vector<16xf32>
          %add3A_1877 = arith.addf %add3A_1811, %mul3A_1876 : vector<16xf32>
          %max3A_1878 = arith.maximumf %max3A_1812, %get3A_1874 : vector<16xf32>
          %get3A_1879 = arith.index_cast %and3A_1608 : i32 to index
          %get3A_1880 = arith.index_cast %add3A_1822 : i32 to index
          %get3A_1881 = arith.constant 112 : index
          %get3A_1882 = tpu.vector_load %arg10[%get3A_1879, %get3A_1880, %get3A_1881] {strides = array<i32>} : memref<2x128x128xf32, #tpu.memory_space<vmem>>, vector<16xf32>,
          %add3A_1883 = arith.addf %add3A_1817, %get3A_1882 : vector<16xf32>
          %mul3A_1884 = arith.mulf %get3A_1882, %get3A_1882 : vector<16xf32>
          %add3A_1885 = arith.addf %add3A_1819, %mul3A_1884 : vector<16xf32>
          %max3A_1886 = arith.maximumf %max3A_1820, %get3A_1882 : vector<16xf32>
          %add3A_1887 = arith.constant 3 : i32
          %add3A_1888 = arith.addi %add3A_1688, %add3A_1887 : i32
          %get3A_1889 = arith.index_cast %and3A_1608 : i32 to index
          %get3A_1890 = arith.index_cast %add3A_1888 : i32 to index
          %get3A_1891 = arith.constant 0 : index
          %get3A_1892 = tpu.vector_load %arg10[%get3A_1889, %get3A_1890, %get3A_1891] {strides = array<i32>} : memref<2x128x128xf32, #tpu.memory_space<vmem>>, vector<16xf32>,
          %add3A_1893 = arith.addf %add3A_1827, %get3A_1892 : vector<16xf32>
          %mul3A_1894 = arith.mulf %get3A_1892, %get3A_1892 : vector<16xf32>
          %add3A_1895 = arith.addf %add3A_1829, %mul3A_1894 : vector<16xf32>
          %max3A_1896 = arith.maximumf %max3A_1830, %get3A_1892 : vector<16xf32>
          %get3A_1897 = arith.index_cast %and3A_1608 : i32 to index
          %get3A_1898 = arith.index_cast %add3A_1888 : i32 to index
          %get3A_1899 = arith.constant 16 : index
          %get3A_1900 = tpu.vector_load %arg10[%get3A_1897, %get3A_1898, %get3A_1899] {strides = array<i32>} : memref<2x128x128xf32, #tpu.memory_space<vmem>>, vector<16xf32>,
          %add3A_1901 = arith.addf %add3A_1835, %get3A_1900 : vector<16xf32>
          %mul3A_1902 = arith.mulf %get3A_1900, %get3A_1900 : vector<16xf32>
          %add3A_1903 = arith.addf %add3A_1837, %mul3A_1902 : vector<16xf32>
          %max3A_1904 = arith.maximumf %max3A_1838, %get3A_1900 : vector<16xf32>
          %get3A_1905 = arith.index_cast %and3A_1608 : i32 to index
          %get3A_1906 = arith.index_cast %add3A_1888 : i32 to index
          %get3A_1907 = arith.constant 32 : index
          %get3A_1908 = tpu.vector_load %arg10[%get3A_1905, %get3A_1906, %get3A_1907] {strides = array<i32>} : memref<2x128x128xf32, #tpu.memory_space<vmem>>, vector<16xf32>,
          %add3A_1909 = arith.addf %add3A_1843, %get3A_1908 : vector<16xf32>
          %mul3A_1910 = arith.mulf %get3A_1908, %get3A_1908 : vector<16xf32>
          %add3A_1911 = arith.addf %add3A_1845, %mul3A_1910 : vector<16xf32>
          %max3A_1912 = arith.maximumf %max3A_1846, %get3A_1908 : vector<16xf32>
          %get3A_1913 = arith.index_cast %and3A_1608 : i32 to index
          %get3A_1914 = arith.index_cast %add3A_1888 : i32 to index
          %get3A_1915 = arith.constant 48 : index
          %get3A_1916 = tpu.vector_load %arg10[%get3A_1913, %get3A_1914, %get3A_1915] {strides = array<i32>} : memref<2x128x128xf32, #tpu.memory_space<vmem>>, vector<16xf32>,
          %add3A_1917 = arith.addf %add3A_1851, %get3A_1916 : vector<16xf32>
          %mul3A_1918 = arith.mulf %get3A_1916, %get3A_1916 : vector<16xf32>
          %add3A_1919 = arith.addf %add3A_1853, %mul3A_1918 : vector<16xf32>
          %max3A_1920 = arith.maximumf %max3A_1854, %get3A_1916 : vector<16xf32>
          %get3A_1921 = arith.index_cast %and3A_1608 : i32 to index
          %get3A_1922 = arith.index_cast %add3A_1888 : i32 to index
          %get3A_1923 = arith.constant 64 : index
          %get3A_1924 = tpu.vector_load %arg10[%get3A_1921, %get3A_1922, %get3A_1923] {strides = array<i32>} : memref<2x128x128xf32, #tpu.memory_space<vmem>>, vector<16xf32>,
          %add3A_1925 = arith.addf %add3A_1859, %get3A_1924 : vector<16xf32>
          %mul3A_1926 = arith.mulf %get3A_1924, %get3A_1924 : vector<16xf32>
          %add3A_1927 = arith.addf %add3A_1861, %mul3A_1926 : vector<16xf32>
          %max3A_1928 = arith.maximumf %max3A_1862, %get3A_1924 : vector<16xf32>
          %get3A_1929 = arith.index_cast %and3A_1608 : i32 to index
          %get3A_1930 = arith.index_cast %add3A_1888 : i32 to index
          %get3A_1931 = arith.constant 80 : index
          %get3A_1932 = tpu.vector_load %arg10[%get3A_1929, %get3A_1930, %get3A_1931] {strides = array<i32>} : memref<2x128x128xf32, #tpu.memory_space<vmem>>, vector<16xf32>,
          %add3A_1933 = arith.addf %add3A_1867, %get3A_1932 : vector<16xf32>
          %mul3A_1934 = arith.mulf %get3A_1932, %get3A_1932 : vector<16xf32>
          %add3A_1935 = arith.addf %add3A_1869, %mul3A_1934 : vector<16xf32>
          %max3A_1936 = arith.maximumf %max3A_1870, %get3A_1932 : vector<16xf32>
          %get3A_1937 = arith.index_cast %and3A_1608 : i32 to index
          %get3A_1938 = arith.index_cast %add3A_1888 : i32 to index
          %get3A_1939 = arith.constant 96 : index
          %get3A_1940 = tpu.vector_load %arg10[%get3A_1937, %get3A_1938, %get3A_1939] {strides = array<i32>} : memref<2x128x128xf32, #tpu.memory_space<vmem>>, vector<16xf32>,
          %add3A_1941 = arith.addf %add3A_1875, %get3A_1940 : vector<16xf32>
          %mul3A_1942 = arith.mulf %get3A_1940, %get3A_1940 : vector<16xf32>
          %add3A_1943 = arith.addf %add3A_1877, %mul3A_1942 : vector<16xf32>
          %max3A_1944 = arith.maximumf %max3A_1878, %get3A_1940 : vector<16xf32>
          %get3A_1945 = arith.index_cast %and3A_1608 : i32 to index
          %get3A_1946 = arith.index_cast %add3A_1888 : i32 to index
          %get3A_1947 = arith.constant 112 : index
          %get3A_1948 = tpu.vector_load %arg10[%get3A_1945, %get3A_1946, %get3A_1947] {strides = array<i32>} : memref<2x128x128xf32, #tpu.memory_space<vmem>>, vector<16xf32>,
          %add3A_1949 = arith.addf %add3A_1883, %get3A_1948 : vector<16xf32>
          %mul3A_1950 = arith.mulf %get3A_1948, %get3A_1948 : vector<16xf32>
          %add3A_1951 = arith.addf %add3A_1885, %mul3A_1950 : vector<16xf32>
          %max3A_1952 = arith.maximumf %max3A_1886, %get3A_1948 : vector<16xf32>
          scf.yield %add3A_1893, %add3A_1901, %add3A_1909, %add3A_1917, %add3A_1925, %add3A_1933, %add3A_1941, %add3A_1949, %add3A_1895, %add3A_1903, %add3A_1911, %add3A_1919, %add3A_1927, %add3A_1935, %add3A_1943, %add3A_1951, %max3A_1896, %max3A_1904, %max3A_1912, %max3A_1920, %max3A_1928, %max3A_1936, %max3A_1944, %max3A_1952 : vector<16xf32>, vector<16xf32>, vector<16xf32>, vector<16xf32>, vector<16xf32>, vector<16xf32>, vector<16xf32>, vector<16xf32>, vector<16xf32>, vector<16xf32>, vector<16xf32>, vector<16xf32>, vector<16xf32>, vector<16xf32>, vector<16xf32>, vector<16xf32>, vector<16xf32>, vector<16xf32>, vector<16xf32>, vector<16xf32>, vector<16xf32>, vector<16xf32>, vector<16xf32>, vector<16xf32>
        }
        %mul3A_1648 = arith.constant 4 : i32
        %mul3A_1649 = arith.muli %shift_right_logical3A_1636, %mul3A_1648 : i32
        %add3A_1650 = arith.addi %sub3A_1602, %mul3A_1649 : i32
        %while3A_1651 = arith.subi %sub3A_1606, %add3A_1650 : i32
        %while3A_1652 = arith.addi %add3A_1650, %while3A_1651 : i32
        %while3A_1653 = arith.constant 1 : i32
        %while3A_1654 = arith.divsi %while3A_1651, %while3A_1653 : i32
        %while3A_1655 = arith.muli %while3A_1654, %while3A_1653 : i32
        %while3A_1656 = arith.addi %add3A_1650, %while3A_1655 : i32
        %while3A_1657 = arith.constant 1 : i32
        %while3A_1658:24 = scf.for %while3A_1661 = %add3A_1650 to %while3A_1656 step %while3A_1657 iter_args(%while3A_1662 = %while3A_1647#0, %while3A_1663 = %while3A_1647#1, %while3A_1664 = %while3A_1647#2, %while3A_1665 = %while3A_1647#3, %while3A_1666 = %while3A_1647#4, %while3A_1667 = %while3A_1647#5, %while3A_1668 = %while3A_1647#6, %while3A_1669 = %while3A_1647#7, %while3A_1670 = %while3A_1647#8, %while3A_1671 = %while3A_1647#9, %while3A_1672 = %while3A_1647#10, %while3A_1673 = %while3A_1647#11, %while3A_1674 = %while3A_1647#12, %while3A_1675 = %while3A_1647#13, %while3A_1676 = %while3A_1647#14, %while3A_1677 = %while3A_1647#15, %while3A_1678 = %while3A_1647#16, %while3A_1679 = %while3A_1647#17, %while3A_1680 = %while3A_1647#18, %while3A_1681 = %while3A_1647#19, %while3A_1682 = %while3A_1647#20, %while3A_1683 = %while3A_1647#21, %while3A_1684 = %while3A_1647#22, %while3A_1685 = %while3A_1647#23) -> (vector<16xf32>, vector<16xf32>, vector<16xf32>, vector<16xf32>, vector<16xf32>, vector<16xf32>, vector<16xf32>, vector<16xf32>, vector<16xf32>, vector<16xf32>, vector<16xf32>, vector<16xf32>, vector<16xf32>, vector<16xf32>, vector<16xf32>, vector<16xf32>, vector<16xf32>, vector<16xf32>, vector<16xf32>, vector<16xf32>, vector<16xf32>, vector<16xf32>, vector<16xf32>, vector<16xf32>)  : i32 {
          %get3A_1686 = arith.index_cast %and3A_1608 : i32 to index
          %get3A_1687 = arith.index_cast %while3A_1661 : i32 to index
          %get3A_1688 = arith.constant 0 : index
          %get3A_1689 = tpu.vector_load %arg10[%get3A_1686, %get3A_1687, %get3A_1688] {strides = array<i32>} : memref<2x128x128xf32, #tpu.memory_space<vmem>>, vector<16xf32>,
          %add3A_1690 = arith.addf %while3A_1662, %get3A_1689 : vector<16xf32>
          %mul3A_1691 = arith.mulf %get3A_1689, %get3A_1689 : vector<16xf32>
          %add3A_1692 = arith.addf %while3A_1670, %mul3A_1691 : vector<16xf32>
          %max3A_1693 = arith.maximumf %while3A_1678, %get3A_1689 : vector<16xf32>
          %get3A_1694 = arith.index_cast %and3A_1608 : i32 to index
          %get3A_1695 = arith.index_cast %while3A_1661 : i32 to index
          %get3A_1696 = arith.constant 16 : index
          %get3A_1697 = tpu.vector_load %arg10[%get3A_1694, %get3A_1695, %get3A_1696] {strides = array<i32>} : memref<2x128x128xf32, #tpu.memory_space<vmem>>, vector<16xf32>,
          %add3A_1698 = arith.addf %while3A_1663, %get3A_1697 : vector<16xf32>
          %mul3A_1699 = arith.mulf %get3A_1697, %get3A_1697 : vector<16xf32>
          %add3A_1700 = arith.addf %while3A_1671, %mul3A_1699 : vector<16xf32>
          %max3A_1701 = arith.maximumf %while3A_1679, %get3A_1697 : vector<16xf32>
          %get3A_1702 = arith.index_cast %and3A_1608 : i32 to index
          %get3A_1703 = arith.index_cast %while3A_1661 : i32 to index
          %get3A_1704 = arith.constant 32 : index
          %get3A_1705 = tpu.vector_load %arg10[%get3A_1702, %get3A_1703, %get3A_1704] {strides = array<i32>} : memref<2x128x128xf32, #tpu.memory_space<vmem>>, vector<16xf32>,
          %add3A_1706 = arith.addf %while3A_1664, %get3A_1705 : vector<16xf32>
          %mul3A_1707 = arith.mulf %get3A_1705, %get3A_1705 : vector<16xf32>
          %add3A_1708 = arith.addf %while3A_1672, %mul3A_1707 : vector<16xf32>
          %max3A_1709 = arith.maximumf %while3A_1680, %get3A_1705 : vector<16xf32>
          %get3A_1710 = arith.index_cast %and3A_1608 : i32 to index
          %get3A_1711 = arith.index_cast %while3A_1661 : i32 to index
          %get3A_1712 = arith.constant 48 : index
          %get3A_1713 = tpu.vector_load %arg10[%get3A_1710, %get3A_1711, %get3A_1712] {strides = array<i32>} : memref<2x128x128xf32, #tpu.memory_space<vmem>>, vector<16xf32>,
          %add3A_1714 = arith.addf %while3A_1665, %get3A_1713 : vector<16xf32>
          %mul3A_1715 = arith.mulf %get3A_1713, %get3A_1713 : vector<16xf32>
          %add3A_1716 = arith.addf %while3A_1673, %mul3A_1715 : vector<16xf32>
          %max3A_1717 = arith.maximumf %while3A_1681, %get3A_1713 : vector<16xf32>
          %get3A_1718 = arith.index_cast %and3A_1608 : i32 to index
          %get3A_1719 = arith.index_cast %while3A_1661 : i32 to index
          %get3A_1720 = arith.constant 64 : index
          %get3A_1721 = tpu.vector_load %arg10[%get3A_1718, %get3A_1719, %get3A_1720] {strides = array<i32>} : memref<2x128x128xf32, #tpu.memory_space<vmem>>, vector<16xf32>,
          %add3A_1722 = arith.addf %while3A_1666, %get3A_1721 : vector<16xf32>
          %mul3A_1723 = arith.mulf %get3A_1721, %get3A_1721 : vector<16xf32>
          %add3A_1724 = arith.addf %while3A_1674, %mul3A_1723 : vector<16xf32>
          %max3A_1725 = arith.maximumf %while3A_1682, %get3A_1721 : vector<16xf32>
          %get3A_1726 = arith.index_cast %and3A_1608 : i32 to index
          %get3A_1727 = arith.index_cast %while3A_1661 : i32 to index
          %get3A_1728 = arith.constant 80 : index
          %get3A_1729 = tpu.vector_load %arg10[%get3A_1726, %get3A_1727, %get3A_1728] {strides = array<i32>} : memref<2x128x128xf32, #tpu.memory_space<vmem>>, vector<16xf32>,
          %add3A_1730 = arith.addf %while3A_1667, %get3A_1729 : vector<16xf32>
          %mul3A_1731 = arith.mulf %get3A_1729, %get3A_1729 : vector<16xf32>
          %add3A_1732 = arith.addf %while3A_1675, %mul3A_1731 : vector<16xf32>
          %max3A_1733 = arith.maximumf %while3A_1683, %get3A_1729 : vector<16xf32>
          %get3A_1734 = arith.index_cast %and3A_1608 : i32 to index
          %get3A_1735 = arith.index_cast %while3A_1661 : i32 to index
          %get3A_1736 = arith.constant 96 : index
          %get3A_1737 = tpu.vector_load %arg10[%get3A_1734, %get3A_1735, %get3A_1736] {strides = array<i32>} : memref<2x128x128xf32, #tpu.memory_space<vmem>>, vector<16xf32>,
          %add3A_1738 = arith.addf %while3A_1668, %get3A_1737 : vector<16xf32>
          %mul3A_1739 = arith.mulf %get3A_1737, %get3A_1737 : vector<16xf32>
          %add3A_1740 = arith.addf %while3A_1676, %mul3A_1739 : vector<16xf32>
          %max3A_1741 = arith.maximumf %while3A_1684, %get3A_1737 : vector<16xf32>
          %get3A_1742 = arith.index_cast %and3A_1608 : i32 to index
          %get3A_1743 = arith.index_cast %while3A_1661 : i32 to index
          %get3A_1744 = arith.constant 112 : index
          %get3A_1745 = tpu.vector_load %arg10[%get3A_1742, %get3A_1743, %get3A_1744] {strides = array<i32>} : memref<2x128x128xf32, #tpu.memory_space<vmem>>, vector<16xf32>,
          %add3A_1746 = arith.addf %while3A_1669, %get3A_1745 : vector<16xf32>
          %mul3A_1747 = arith.mulf %get3A_1745, %get3A_1745 : vector<16xf32>
          %add3A_1748 = arith.addf %while3A_1677, %mul3A_1747 : vector<16xf32>
          %max3A_1749 = arith.maximumf %while3A_1685, %get3A_1745 : vector<16xf32>
          scf.yield %add3A_1690, %add3A_1698, %add3A_1706, %add3A_1714, %add3A_1722, %add3A_1730, %add3A_1738, %add3A_1746, %add3A_1692, %add3A_1700, %add3A_1708, %add3A_1716, %add3A_1724, %add3A_1732, %add3A_1740, %add3A_1748, %max3A_1693, %max3A_1701, %max3A_1709, %max3A_1717, %max3A_1725, %max3A_1733, %max3A_1741, %max3A_1749 : vector<16xf32>, vector<16xf32>, vector<16xf32>, vector<16xf32>, vector<16xf32>, vector<16xf32>, vector<16xf32>, vector<16xf32>, vector<16xf32>, vector<16xf32>, vector<16xf32>, vector<16xf32>, vector<16xf32>, vector<16xf32>, vector<16xf32>, vector<16xf32>, vector<16xf32>, vector<16xf32>, vector<16xf32>, vector<16xf32>, vector<16xf32>, vector<16xf32>, vector<16xf32>, vector<16xf32>
        }
        %while3A_1659 = arith.constant 1 : i32
        %while3A_1660:24 = scf.for %while3A_1661 = %while3A_1656 to %while3A_1652 step %while3A_1659 iter_args(%while3A_1662 = %while3A_1658#0, %while3A_1663 = %while3A_1658#1, %while3A_1664 = %while3A_1658#2, %while3A_1665 = %while3A_1658#3, %while3A_1666 = %while3A_1658#4, %while3A_1667 = %while3A_1658#5, %while3A_1668 = %while3A_1658#6, %while3A_1669 = %while3A_1658#7, %while3A_1670 = %while3A_1658#8, %while3A_1671 = %while3A_1658#9, %while3A_1672 = %while3A_1658#10, %while3A_1673 = %while3A_1658#11, %while3A_1674 = %while3A_1658#12, %while3A_1675 = %while3A_1658#13, %while3A_1676 = %while3A_1658#14, %while3A_1677 = %while3A_1658#15, %while3A_1678 = %while3A_1658#16, %while3A_1679 = %while3A_1658#17, %while3A_1680 = %while3A_1658#18, %while3A_1681 = %while3A_1658#19, %while3A_1682 = %while3A_1658#20, %while3A_1683 = %while3A_1658#21, %while3A_1684 = %while3A_1658#22, %while3A_1685 = %while3A_1658#23) -> (vector<16xf32>, vector<16xf32>, vector<16xf32>, vector<16xf32>, vector<16xf32>, vector<16xf32>, vector<16xf32>, vector<16xf32>, vector<16xf32>, vector<16xf32>, vector<16xf32>, vector<16xf32>, vector<16xf32>, vector<16xf32>, vector<16xf32>, vector<16xf32>, vector<16xf32>, vector<16xf32>, vector<16xf32>, vector<16xf32>, vector<16xf32>, vector<16xf32>, vector<16xf32>, vector<16xf32>)  : i32 {
          %get3A_1686 = arith.index_cast %and3A_1608 : i32 to index
          %get3A_1687 = arith.index_cast %while3A_1661 : i32 to index
          %get3A_1688 = arith.constant 0 : index
          %get3A_1689 = tpu.vector_load %arg10[%get3A_1686, %get3A_1687, %get3A_1688] {strides = array<i32>} : memref<2x128x128xf32, #tpu.memory_space<vmem>>, vector<16xf32>,
          %add3A_1690 = arith.addf %while3A_1662, %get3A_1689 : vector<16xf32>
          %mul3A_1691 = arith.mulf %get3A_1689, %get3A_1689 : vector<16xf32>
          %add3A_1692 = arith.addf %while3A_1670, %mul3A_1691 : vector<16xf32>
          %max3A_1693 = arith.maximumf %while3A_1678, %get3A_1689 : vector<16xf32>
          %get3A_1694 = arith.index_cast %and3A_1608 : i32 to index
          %get3A_1695 = arith.index_cast %while3A_1661 : i32 to index
          %get3A_1696 = arith.constant 16 : index
          %get3A_1697 = tpu.vector_load %arg10[%get3A_1694, %get3A_1695, %get3A_1696] {strides = array<i32>} : memref<2x128x128xf32, #tpu.memory_space<vmem>>, vector<16xf32>,
          %add3A_1698 = arith.addf %while3A_1663, %get3A_1697 : vector<16xf32>
          %mul3A_1699 = arith.mulf %get3A_1697, %get3A_1697 : vector<16xf32>
          %add3A_1700 = arith.addf %while3A_1671, %mul3A_1699 : vector<16xf32>
          %max3A_1701 = arith.maximumf %while3A_1679, %get3A_1697 : vector<16xf32>
          %get3A_1702 = arith.index_cast %and3A_1608 : i32 to index
          %get3A_1703 = arith.index_cast %while3A_1661 : i32 to index
          %get3A_1704 = arith.constant 32 : index
          %get3A_1705 = tpu.vector_load %arg10[%get3A_1702, %get3A_1703, %get3A_1704] {strides = array<i32>} : memref<2x128x128xf32, #tpu.memory_space<vmem>>, vector<16xf32>,
          %add3A_1706 = arith.addf %while3A_1664, %get3A_1705 : vector<16xf32>
          %mul3A_1707 = arith.mulf %get3A_1705, %get3A_1705 : vector<16xf32>
          %add3A_1708 = arith.addf %while3A_1672, %mul3A_1707 : vector<16xf32>
          %max3A_1709 = arith.maximumf %while3A_1680, %get3A_1705 : vector<16xf32>
          %get3A_1710 = arith.index_cast %and3A_1608 : i32 to index
          %get3A_1711 = arith.index_cast %while3A_1661 : i32 to index
          %get3A_1712 = arith.constant 48 : index
          %get3A_1713 = tpu.vector_load %arg10[%get3A_1710, %get3A_1711, %get3A_1712] {strides = array<i32>} : memref<2x128x128xf32, #tpu.memory_space<vmem>>, vector<16xf32>,
          %add3A_1714 = arith.addf %while3A_1665, %get3A_1713 : vector<16xf32>
          %mul3A_1715 = arith.mulf %get3A_1713, %get3A_1713 : vector<16xf32>
          %add3A_1716 = arith.addf %while3A_1673, %mul3A_1715 : vector<16xf32>
          %max3A_1717 = arith.maximumf %while3A_1681, %get3A_1713 : vector<16xf32>
          %get3A_1718 = arith.index_cast %and3A_1608 : i32 to index
          %get3A_1719 = arith.index_cast %while3A_1661 : i32 to index
          %get3A_1720 = arith.constant 64 : index
          %get3A_1721 = tpu.vector_load %arg10[%get3A_1718, %get3A_1719, %get3A_1720] {strides = array<i32>} : memref<2x128x128xf32, #tpu.memory_space<vmem>>, vector<16xf32>,
          %add3A_1722 = arith.addf %while3A_1666, %get3A_1721 : vector<16xf32>
          %mul3A_1723 = arith.mulf %get3A_1721, %get3A_1721 : vector<16xf32>
          %add3A_1724 = arith.addf %while3A_1674, %mul3A_1723 : vector<16xf32>
          %max3A_1725 = arith.maximumf %while3A_1682, %get3A_1721 : vector<16xf32>
          %get3A_1726 = arith.index_cast %and3A_1608 : i32 to index
          %get3A_1727 = arith.index_cast %while3A_1661 : i32 to index
          %get3A_1728 = arith.constant 80 : index
          %get3A_1729 = tpu.vector_load %arg10[%get3A_1726, %get3A_1727, %get3A_1728] {strides = array<i32>} : memref<2x128x128xf32, #tpu.memory_space<vmem>>, vector<16xf32>,
          %add3A_1730 = arith.addf %while3A_1667, %get3A_1729 : vector<16xf32>
          %mul3A_1731 = arith.mulf %get3A_1729, %get3A_1729 : vector<16xf32>
          %add3A_1732 = arith.addf %while3A_1675, %mul3A_1731 : vector<16xf32>
          %max3A_1733 = arith.maximumf %while3A_1683, %get3A_1729 : vector<16xf32>
          %get3A_1734 = arith.index_cast %and3A_1608 : i32 to index
          %get3A_1735 = arith.index_cast %while3A_1661 : i32 to index
          %get3A_1736 = arith.constant 96 : index
          %get3A_1737 = tpu.vector_load %arg10[%get3A_1734, %get3A_1735, %get3A_1736] {strides = array<i32>} : memref<2x128x128xf32, #tpu.memory_space<vmem>>, vector<16xf32>,
          %add3A_1738 = arith.addf %while3A_1668, %get3A_1737 : vector<16xf32>
          %mul3A_1739 = arith.mulf %get3A_1737, %get3A_1737 : vector<16xf32>
          %add3A_1740 = arith.addf %while3A_1676, %mul3A_1739 : vector<16xf32>
          %max3A_1741 = arith.maximumf %while3A_1684, %get3A_1737 : vector<16xf32>
          %get3A_1742 = arith.index_cast %and3A_1608 : i32 to index
          %get3A_1743 = arith.index_cast %while3A_1661 : i32 to index
          %get3A_1744 = arith.constant 112 : index
          %get3A_1745 = tpu.vector_load %arg10[%get3A_1742, %get3A_1743, %get3A_1744] {strides = array<i32>} : memref<2x128x128xf32, #tpu.memory_space<vmem>>, vector<16xf32>,
          %add3A_1746 = arith.addf %while3A_1669, %get3A_1745 : vector<16xf32>
          %mul3A_1747 = arith.mulf %get3A_1745, %get3A_1745 : vector<16xf32>
          %add3A_1748 = arith.addf %while3A_1677, %mul3A_1747 : vector<16xf32>
          %max3A_1749 = arith.maximumf %while3A_1685, %get3A_1745 : vector<16xf32>
          scf.yield %add3A_1690, %add3A_1698, %add3A_1706, %add3A_1714, %add3A_1722, %add3A_1730, %add3A_1738, %add3A_1746, %add3A_1692, %add3A_1700, %add3A_1708, %add3A_1716, %add3A_1724, %add3A_1732, %add3A_1740, %add3A_1748, %max3A_1693, %max3A_1701, %max3A_1709, %max3A_1717, %max3A_1725, %max3A_1733, %max3A_1741, %max3A_1749 : vector<16xf32>, vector<16xf32>, vector<16xf32>, vector<16xf32>, vector<16xf32>, vector<16xf32>, vector<16xf32>, vector<16xf32>, vector<16xf32>, vector<16xf32>, vector<16xf32>, vector<16xf32>, vector<16xf32>, vector<16xf32>, vector<16xf32>, vector<16xf32>, vector<16xf32>, vector<16xf32>, vector<16xf32>, vector<16xf32>, vector<16xf32>, vector<16xf32>, vector<16xf32>, vector<16xf32>
        }
        scf.yield %while3A_1660#0, %while3A_1660#1, %while3A_1660#2, %while3A_1660#3, %while3A_1660#4, %while3A_1660#5, %while3A_1660#6, %while3A_1660#7, %while3A_1660#8, %while3A_1660#9, %while3A_1660#10, %while3A_1660#11, %while3A_1660#12, %while3A_1660#13, %while3A_1660#14, %while3A_1660#15, %while3A_1660#16, %while3A_1660#17, %while3A_1660#18, %while3A_1660#19, %while3A_1660#20, %while3A_1660#21, %while3A_1660#22, %while3A_1660#23 : vector<16xf32>, vector<16xf32>, vector<16xf32>, vector<16xf32>, vector<16xf32>, vector<16xf32>, vector<16xf32>, vector<16xf32>, vector<16xf32>, vector<16xf32>, vector<16xf32>, vector<16xf32>, vector<16xf32>, vector<16xf32>, vector<16xf32>, vector<16xf32>, vector<16xf32>, vector<16xf32>, vector<16xf32>, vector<16xf32>, vector<16xf32>, vector<16xf32>, vector<16xf32>, vector<16xf32>
      }
      %while3A_938 = arith.constant 1 : i32
      %while3A_939:24 = scf.for %while3A_1568 = %while3A_935 to %while3A_931 step %while3A_938 iter_args(%while3A_1569 = %while3A_937#0, %while3A_1570 = %while3A_937#1, %while3A_1571 = %while3A_937#2, %while3A_1572 = %while3A_937#3, %while3A_1573 = %while3A_937#4, %while3A_1574 = %while3A_937#5, %while3A_1575 = %while3A_937#6, %while3A_1576 = %while3A_937#7, %while3A_1577 = %while3A_937#8, %while3A_1578 = %while3A_937#9, %while3A_1579 = %while3A_937#10, %while3A_1580 = %while3A_937#11, %while3A_1581 = %while3A_937#12, %while3A_1582 = %while3A_937#13, %while3A_1583 = %while3A_937#14, %while3A_1584 = %while3A_937#15, %while3A_1585 = %while3A_937#16, %while3A_1586 = %while3A_937#17, %while3A_1587 = %while3A_937#18, %while3A_1588 = %while3A_937#19, %while3A_1589 = %while3A_937#20, %while3A_1590 = %while3A_937#21, %while3A_1591 = %while3A_937#22, %while3A_1592 = %while3A_937#23) -> (vector<16xf32>, vector<16xf32>, vector<16xf32>, vector<16xf32>, vector<16xf32>, vector<16xf32>, vector<16xf32>, vector<16xf32>, vector<16xf32>, vector<16xf32>, vector<16xf32>, vector<16xf32>, vector<16xf32>, vector<16xf32>, vector<16xf32>, vector<16xf32>, vector<16xf32>, vector<16xf32>, vector<16xf32>, vector<16xf32>, vector<16xf32>, vector<16xf32>, vector<16xf32>, vector<16xf32>)  : i32 {
        %mul3A_1593 = arith.constant 128 : i32
        %mul3A_1594 = arith.muli %while3A_1568, %mul3A_1593 : i32
        %add3A_1595 = arith.addi %and3A_923, %mul3A_1594 : i32
        %mul3A_1596 = arith.constant 128 : i32
        %mul3A_1597 = arith.muli %while3A_1568, %mul3A_1596 : i32
        %add3A_1598 = arith.addi %and3A_923, %mul3A_1597 : i32
        %min3A_1599 = arith.constant 99872 : i32
        %min3A_1600 = arith.minsi %add3A_1598, %min3A_1599 : i32
        %multiple_of3A = tpu.assume_multiple %min3A_1600, 8 : i32
        %max3A_1601 = arith.maxsi %squeeze3A, %add3A_1595 : i32
        %sub3A_1602 = arith.subi %max3A_1601, %multiple_of3A : i32
        %add3A_1603 = arith.constant 128 : i32
        %add3A_1604 = arith.addi %add3A_1595, %add3A_1603 : i32
        %min3A_1605 = arith.minsi %squeeze3A_917, %add3A_1604 : i32
        %sub3A_1606 = arith.subi %min3A_1605, %multiple_of3A : i32
        %and3A_1607 = arith.constant 1 : i32
        %and3A_1608 = arith.andi %while3A_1568, %and3A_1607 : i32
        %mul3A_1609 = arith.constant 128 : i32
        %mul3A_1610 = arith.muli %while3A_1568, %mul3A_1609 : i32
        %add3A_1611 = arith.addi %and3A_923, %mul3A_1610 : i32
        %min3A_1612 = arith.constant 99872 : i32
        %min3A_1613 = arith.minsi %add3A_1611, %min3A_1612 : i32
        %multiple_of3A_1614 = tpu.assume_multiple %min3A_1613, 8 : i32
        %and3A_1615 = arith.constant 1 : i32
        %and3A_1616 = arith.andi %while3A_1568, %and3A_1615 : i32
        %eq3A = arith.constant 0 : i32
        %eq3A_1617 = arith.cmpi eq, %and3A_1616, %eq3A : i32
        %convert_element_type3A_1618 = arith.extui %eq3A_1617 : i1 to i32
        %cond3A_1619 = arith.constant 0 : i32
        %cond3A_1620 = arith.cmpi ne, %convert_element_type3A_1618, %cond3A_1619 : i32
        scf.if %cond3A_1620 {
          %dma_wait3A_1661 = arith.constant 0 : i32
          %dma_wait3A_1662 = arith.constant 0 : i32
          %dma_wait3A_1663 = arith.constant 0 : i32
          %dma_wait3A_1664 = tpu.memref_slice %arg10[%dma_wait3A_1661, %dma_wait3A_1662, %dma_wait3A_1663] : memref<2x128x128xf32, #tpu.memory_space<vmem>> -> memref<1x128x128xf32, #tpu.memory_space<vmem>>
          %dma_wait3A_1665 = tpu.memref_squeeze %dma_wait3A_1664 : memref<1x128x128xf32, #tpu.memory_space<vmem>> -> memref<128x128xf32, #tpu.memory_space<vmem>>
          %dma_wait3A_1666 = arith.constant 0 : i32
          %dma_wait3A_1667 = tpu.memref_slice %arg2[%multiple_of3A_1614, %dma_wait3A_1666] : memref<100000x128xf32, #tpu.memory_space<hbm>> -> memref<128x128xf32, #tpu.memory_space<hbm>>
          %dma_wait3A_1668 = arith.constant 0 : i32
          %dma_wait3A_1669 = arith.constant 0 : i32
          %dma_wait3A_1670 = tpu.memref_slice %arg10[%dma_wait3A_1661, %dma_wait3A_1668, %dma_wait3A_1669] : memref<2x128x128xf32, #tpu.memory_space<vmem>> -> memref<1x128x128xf32, #tpu.memory_space<vmem>>
          %dma_wait3A_1671 = tpu.memref_squeeze %dma_wait3A_1670 : memref<1x128x128xf32, #tpu.memory_space<vmem>> -> memref<128x128xf32, #tpu.memory_space<vmem>>
          %dma_wait3A_1672 = arith.constant 0 : i32
          %dma_wait3A_1673 = tpu.memref_slice %arg2[%multiple_of3A_1614, %dma_wait3A_1672] : memref<100000x128xf32, #tpu.memory_space<hbm>> -> memref<128x128xf32, #tpu.memory_space<hbm>>
          tpu.wait_dma2 semaphore(%arg12 : memref<!tpu.dma_semaphore, #tpu.memory_space<semaphore_mem>>) src(%dma_wait3A_1673 : memref<128x128xf32, #tpu.memory_space<hbm>>) dst(%dma_wait3A_1671 : memref<128x128xf32, #tpu.memory_space<vmem>>)
        } else {
        }
        %and3A_1621 = arith.constant 1 : i32
        %and3A_1622 = arith.andi %while3A_1568, %and3A_1621 : i32
        %eq3A_1623 = arith.constant 1 : i32
        %eq3A_1624 = arith.cmpi eq, %and3A_1622, %eq3A_1623 : i32
        %convert_element_type3A_1625 = arith.extui %eq3A_1624 : i1 to i32
        %cond3A_1626 = arith.constant 0 : i32
        %cond3A_1627 = arith.cmpi ne, %convert_element_type3A_1625, %cond3A_1626 : i32
        scf.if %cond3A_1627 {
          %dma_wait3A_1661 = arith.constant 1 : i32
          %dma_wait3A_1662 = arith.constant 0 : i32
          %dma_wait3A_1663 = arith.constant 0 : i32
          %dma_wait3A_1664 = tpu.memref_slice %arg10[%dma_wait3A_1661, %dma_wait3A_1662, %dma_wait3A_1663] : memref<2x128x128xf32, #tpu.memory_space<vmem>> -> memref<1x128x128xf32, #tpu.memory_space<vmem>>
          %dma_wait3A_1665 = tpu.memref_squeeze %dma_wait3A_1664 : memref<1x128x128xf32, #tpu.memory_space<vmem>> -> memref<128x128xf32, #tpu.memory_space<vmem>>
          %dma_wait3A_1666 = arith.constant 0 : i32
          %dma_wait3A_1667 = tpu.memref_slice %arg2[%multiple_of3A_1614, %dma_wait3A_1666] : memref<100000x128xf32, #tpu.memory_space<hbm>> -> memref<128x128xf32, #tpu.memory_space<hbm>>
          %dma_wait3A_1668 = arith.constant 0 : i32
          %dma_wait3A_1669 = arith.constant 0 : i32
          %dma_wait3A_1670 = tpu.memref_slice %arg10[%dma_wait3A_1661, %dma_wait3A_1668, %dma_wait3A_1669] : memref<2x128x128xf32, #tpu.memory_space<vmem>> -> memref<1x128x128xf32, #tpu.memory_space<vmem>>
          %dma_wait3A_1671 = tpu.memref_squeeze %dma_wait3A_1670 : memref<1x128x128xf32, #tpu.memory_space<vmem>> -> memref<128x128xf32, #tpu.memory_space<vmem>>
          %dma_wait3A_1672 = arith.constant 0 : i32
          %dma_wait3A_1673 = tpu.memref_slice %arg2[%multiple_of3A_1614, %dma_wait3A_1672] : memref<100000x128xf32, #tpu.memory_space<hbm>> -> memref<128x128xf32, #tpu.memory_space<hbm>>
          tpu.wait_dma2 semaphore(%arg13 : memref<!tpu.dma_semaphore, #tpu.memory_space<semaphore_mem>>) src(%dma_wait3A_1673 : memref<128x128xf32, #tpu.memory_space<hbm>>) dst(%dma_wait3A_1671 : memref<128x128xf32, #tpu.memory_space<vmem>>)
        } else {
        }
        %add3A_1628 = arith.constant 1 : i32
        %add3A_1629 = arith.addi %while3A_1568, %add3A_1628 : i32
        %lt3A_1630 = arith.cmpi slt, %add3A_1629, %shift_right_logical3A_927 : i32
        %convert_element_type3A_1631 = arith.extui %lt3A_1630 : i1 to i32
        %cond3A_1632 = arith.constant 0 : i32
        %cond3A_1633 = arith.cmpi ne, %convert_element_type3A_1631, %cond3A_1632 : i32
        scf.if %cond3A_1633 {
          %add3A_1661 = arith.constant 1 : i32
          %add3A_1662 = arith.addi %while3A_1568, %add3A_1661 : i32
          %mul3A_1663 = arith.constant 128 : i32
          %mul3A_1664 = arith.muli %add3A_1662, %mul3A_1663 : i32
          %add3A_1665 = arith.addi %and3A_923, %mul3A_1664 : i32
          %min3A_1666 = arith.constant 99872 : i32
          %min3A_1667 = arith.minsi %add3A_1665, %min3A_1666 : i32
          %multiple_of3A_1668 = tpu.assume_multiple %min3A_1667, 8 : i32
          %and3A_1669 = arith.constant 1 : i32
          %and3A_1670 = arith.andi %add3A_1662, %and3A_1669 : i32
          %eq3A_1671 = arith.constant 0 : i32
          %eq3A_1672 = arith.cmpi eq, %and3A_1670, %eq3A_1671 : i32
          %convert_element_type3A_1673 = arith.extui %eq3A_1672 : i1 to i32
          %cond3A_1674 = arith.constant 0 : i32
          %cond3A_1675 = arith.cmpi ne, %convert_element_type3A_1673, %cond3A_1674 : i32
          scf.if %cond3A_1675 {
            %dma_start3A_1683 = arith.constant 0 : i32
            %dma_start3A_1684 = arith.constant 0 : i32
            %dma_start3A_1685 = arith.constant 0 : i32
            %dma_start3A_1686 = tpu.memref_slice %arg10[%dma_start3A_1683, %dma_start3A_1684, %dma_start3A_1685] : memref<2x128x128xf32, #tpu.memory_space<vmem>> -> memref<1x128x128xf32, #tpu.memory_space<vmem>>
            %dma_start3A_1687 = tpu.memref_squeeze %dma_start3A_1686 : memref<1x128x128xf32, #tpu.memory_space<vmem>> -> memref<128x128xf32, #tpu.memory_space<vmem>>
            %dma_start3A_1688 = arith.constant 0 : i32
            %dma_start3A_1689 = tpu.memref_slice %arg2[%multiple_of3A_1668, %dma_start3A_1688] : memref<100000x128xf32, #tpu.memory_space<hbm>> -> memref<128x128xf32, #tpu.memory_space<hbm>>
            %dma_start3A_1690 = arith.constant 0 : i32
            %dma_start3A_1691 = arith.constant 0 : i32
            %dma_start3A_1692 = tpu.memref_slice %arg10[%dma_start3A_1683, %dma_start3A_1690, %dma_start3A_1691] : memref<2x128x128xf32, #tpu.memory_space<vmem>> -> memref<1x128x128xf32, #tpu.memory_space<vmem>>
            %dma_start3A_1693 = tpu.memref_squeeze %dma_start3A_1692 : memref<1x128x128xf32, #tpu.memory_space<vmem>> -> memref<128x128xf32, #tpu.memory_space<vmem>>
            %dma_start3A_1694 = arith.constant 0 : i32
            %dma_start3A_1695 = tpu.memref_slice %arg2[%multiple_of3A_1668, %dma_start3A_1694] : memref<100000x128xf32, #tpu.memory_space<hbm>> -> memref<128x128xf32, #tpu.memory_space<hbm>>
            tpu.enqueue_dma source(%dma_start3A_1695 : memref<128x128xf32, #tpu.memory_space<hbm>>) target(%dma_start3A_1693 : memref<128x128xf32, #tpu.memory_space<vmem>>) target_semaphore(%arg12 : memref<!tpu.dma_semaphore, #tpu.memory_space<semaphore_mem>>)
          } else {
          }
          %and3A_1676 = arith.constant 1 : i32
          %and3A_1677 = arith.andi %add3A_1662, %and3A_1676 : i32
          %eq3A_1678 = arith.constant 1 : i32
          %eq3A_1679 = arith.cmpi eq, %and3A_1677, %eq3A_1678 : i32
          %convert_element_type3A_1680 = arith.extui %eq3A_1679 : i1 to i32
          %cond3A_1681 = arith.constant 0 : i32
          %cond3A_1682 = arith.cmpi ne, %convert_element_type3A_1680, %cond3A_1681 : i32
          scf.if %cond3A_1682 {
            %dma_start3A_1683 = arith.constant 1 : i32
            %dma_start3A_1684 = arith.constant 0 : i32
            %dma_start3A_1685 = arith.constant 0 : i32
            %dma_start3A_1686 = tpu.memref_slice %arg10[%dma_start3A_1683, %dma_start3A_1684, %dma_start3A_1685] : memref<2x128x128xf32, #tpu.memory_space<vmem>> -> memref<1x128x128xf32, #tpu.memory_space<vmem>>
            %dma_start3A_1687 = tpu.memref_squeeze %dma_start3A_1686 : memref<1x128x128xf32, #tpu.memory_space<vmem>> -> memref<128x128xf32, #tpu.memory_space<vmem>>
            %dma_start3A_1688 = arith.constant 0 : i32
            %dma_start3A_1689 = tpu.memref_slice %arg2[%multiple_of3A_1668, %dma_start3A_1688] : memref<100000x128xf32, #tpu.memory_space<hbm>> -> memref<128x128xf32, #tpu.memory_space<hbm>>
            %dma_start3A_1690 = arith.constant 0 : i32
            %dma_start3A_1691 = arith.constant 0 : i32
            %dma_start3A_1692 = tpu.memref_slice %arg10[%dma_start3A_1683, %dma_start3A_1690, %dma_start3A_1691] : memref<2x128x128xf32, #tpu.memory_space<vmem>> -> memref<1x128x128xf32, #tpu.memory_space<vmem>>
            %dma_start3A_1693 = tpu.memref_squeeze %dma_start3A_1692 : memref<1x128x128xf32, #tpu.memory_space<vmem>> -> memref<128x128xf32, #tpu.memory_space<vmem>>
            %dma_start3A_1694 = arith.constant 0 : i32
            %dma_start3A_1695 = tpu.memref_slice %arg2[%multiple_of3A_1668, %dma_start3A_1694] : memref<100000x128xf32, #tpu.memory_space<hbm>> -> memref<128x128xf32, #tpu.memory_space<hbm>>
            tpu.enqueue_dma source(%dma_start3A_1695 : memref<128x128xf32, #tpu.memory_space<hbm>>) target(%dma_start3A_1693 : memref<128x128xf32, #tpu.memory_space<vmem>>) target_semaphore(%arg13 : memref<!tpu.dma_semaphore, #tpu.memory_space<semaphore_mem>>)
          } else {
          }
        } else {
        }
        %sub3A_1634 = arith.subi %sub3A_1606, %sub3A_1602 : i32
        %shift_right_logical3A_1635 = arith.constant 2 : i32
        %shift_right_logical3A_1636 = arith.shrui %sub3A_1634, %shift_right_logical3A_1635 : i32
        %while3A_1637 = arith.constant 0 : i32
        %while3A_1638 = arith.subi %shift_right_logical3A_1636, %while3A_1637 : i32
        %while3A_1639 = arith.addi %while3A_1637, %while3A_1638 : i32
        %while3A_1640 = arith.constant 1 : i32
        %while3A_1641 = arith.divsi %while3A_1638, %while3A_1640 : i32
        %while3A_1642 = arith.muli %while3A_1641, %while3A_1640 : i32
        %while3A_1643 = arith.addi %while3A_1637, %while3A_1642 : i32
        %while3A_1644 = arith.constant 1 : i32
        %while3A_1645:24 = scf.for %while3A_1661 = %while3A_1637 to %while3A_1643 step %while3A_1644 iter_args(%while3A_1662 = %while3A_1569, %while3A_1663 = %while3A_1570, %while3A_1664 = %while3A_1571, %while3A_1665 = %while3A_1572, %while3A_1666 = %while3A_1573, %while3A_1667 = %while3A_1574, %while3A_1668 = %while3A_1575, %while3A_1669 = %while3A_1576, %while3A_1670 = %while3A_1577, %while3A_1671 = %while3A_1578, %while3A_1672 = %while3A_1579, %while3A_1673 = %while3A_1580, %while3A_1674 = %while3A_1581, %while3A_1675 = %while3A_1582, %while3A_1676 = %while3A_1583, %while3A_1677 = %while3A_1584, %while3A_1678 = %while3A_1585, %while3A_1679 = %while3A_1586, %while3A_1680 = %while3A_1587, %while3A_1681 = %while3A_1588, %while3A_1682 = %while3A_1589, %while3A_1683 = %while3A_1590, %while3A_1684 = %while3A_1591, %while3A_1685 = %while3A_1592) -> (vector<16xf32>, vector<16xf32>, vector<16xf32>, vector<16xf32>, vector<16xf32>, vector<16xf32>, vector<16xf32>, vector<16xf32>, vector<16xf32>, vector<16xf32>, vector<16xf32>, vector<16xf32>, vector<16xf32>, vector<16xf32>, vector<16xf32>, vector<16xf32>, vector<16xf32>, vector<16xf32>, vector<16xf32>, vector<16xf32>, vector<16xf32>, vector<16xf32>, vector<16xf32>, vector<16xf32>)  : i32 {
          %mul3A_1686 = arith.constant 4 : i32
          %mul3A_1687 = arith.muli %while3A_1661, %mul3A_1686 : i32
          %add3A_1688 = arith.addi %sub3A_1602, %mul3A_1687 : i32
          %add3A_1689 = arith.constant 0 : i32
          %add3A_1690 = arith.addi %add3A_1688, %add3A_1689 : i32
          %get3A_1691 = arith.index_cast %and3A_1608 : i32 to index
          %get3A_1692 = arith.index_cast %add3A_1690 : i32 to index
          %get3A_1693 = arith.constant 0 : index
          %get3A_1694 = tpu.vector_load %arg10[%get3A_1691, %get3A_1692, %get3A_1693] {strides = array<i32>} : memref<2x128x128xf32, #tpu.memory_space<vmem>>, vector<16xf32>,
          %add3A_1695 = arith.addf %while3A_1662, %get3A_1694 : vector<16xf32>
          %mul3A_1696 = arith.mulf %get3A_1694, %get3A_1694 : vector<16xf32>
          %add3A_1697 = arith.addf %while3A_1670, %mul3A_1696 : vector<16xf32>
          %max3A_1698 = arith.maximumf %while3A_1678, %get3A_1694 : vector<16xf32>
          %get3A_1699 = arith.index_cast %and3A_1608 : i32 to index
          %get3A_1700 = arith.index_cast %add3A_1690 : i32 to index
          %get3A_1701 = arith.constant 16 : index
          %get3A_1702 = tpu.vector_load %arg10[%get3A_1699, %get3A_1700, %get3A_1701] {strides = array<i32>} : memref<2x128x128xf32, #tpu.memory_space<vmem>>, vector<16xf32>,
          %add3A_1703 = arith.addf %while3A_1663, %get3A_1702 : vector<16xf32>
          %mul3A_1704 = arith.mulf %get3A_1702, %get3A_1702 : vector<16xf32>
          %add3A_1705 = arith.addf %while3A_1671, %mul3A_1704 : vector<16xf32>
          %max3A_1706 = arith.maximumf %while3A_1679, %get3A_1702 : vector<16xf32>
          %get3A_1707 = arith.index_cast %and3A_1608 : i32 to index
          %get3A_1708 = arith.index_cast %add3A_1690 : i32 to index
          %get3A_1709 = arith.constant 32 : index
          %get3A_1710 = tpu.vector_load %arg10[%get3A_1707, %get3A_1708, %get3A_1709] {strides = array<i32>} : memref<2x128x128xf32, #tpu.memory_space<vmem>>, vector<16xf32>,
          %add3A_1711 = arith.addf %while3A_1664, %get3A_1710 : vector<16xf32>
          %mul3A_1712 = arith.mulf %get3A_1710, %get3A_1710 : vector<16xf32>
          %add3A_1713 = arith.addf %while3A_1672, %mul3A_1712 : vector<16xf32>
          %max3A_1714 = arith.maximumf %while3A_1680, %get3A_1710 : vector<16xf32>
          %get3A_1715 = arith.index_cast %and3A_1608 : i32 to index
          %get3A_1716 = arith.index_cast %add3A_1690 : i32 to index
          %get3A_1717 = arith.constant 48 : index
          %get3A_1718 = tpu.vector_load %arg10[%get3A_1715, %get3A_1716, %get3A_1717] {strides = array<i32>} : memref<2x128x128xf32, #tpu.memory_space<vmem>>, vector<16xf32>,
          %add3A_1719 = arith.addf %while3A_1665, %get3A_1718 : vector<16xf32>
          %mul3A_1720 = arith.mulf %get3A_1718, %get3A_1718 : vector<16xf32>
          %add3A_1721 = arith.addf %while3A_1673, %mul3A_1720 : vector<16xf32>
          %max3A_1722 = arith.maximumf %while3A_1681, %get3A_1718 : vector<16xf32>
          %get3A_1723 = arith.index_cast %and3A_1608 : i32 to index
          %get3A_1724 = arith.index_cast %add3A_1690 : i32 to index
          %get3A_1725 = arith.constant 64 : index
          %get3A_1726 = tpu.vector_load %arg10[%get3A_1723, %get3A_1724, %get3A_1725] {strides = array<i32>} : memref<2x128x128xf32, #tpu.memory_space<vmem>>, vector<16xf32>,
          %add3A_1727 = arith.addf %while3A_1666, %get3A_1726 : vector<16xf32>
          %mul3A_1728 = arith.mulf %get3A_1726, %get3A_1726 : vector<16xf32>
          %add3A_1729 = arith.addf %while3A_1674, %mul3A_1728 : vector<16xf32>
          %max3A_1730 = arith.maximumf %while3A_1682, %get3A_1726 : vector<16xf32>
          %get3A_1731 = arith.index_cast %and3A_1608 : i32 to index
          %get3A_1732 = arith.index_cast %add3A_1690 : i32 to index
          %get3A_1733 = arith.constant 80 : index
          %get3A_1734 = tpu.vector_load %arg10[%get3A_1731, %get3A_1732, %get3A_1733] {strides = array<i32>} : memref<2x128x128xf32, #tpu.memory_space<vmem>>, vector<16xf32>,
          %add3A_1735 = arith.addf %while3A_1667, %get3A_1734 : vector<16xf32>
          %mul3A_1736 = arith.mulf %get3A_1734, %get3A_1734 : vector<16xf32>
          %add3A_1737 = arith.addf %while3A_1675, %mul3A_1736 : vector<16xf32>
          %max3A_1738 = arith.maximumf %while3A_1683, %get3A_1734 : vector<16xf32>
          %get3A_1739 = arith.index_cast %and3A_1608 : i32 to index
          %get3A_1740 = arith.index_cast %add3A_1690 : i32 to index
          %get3A_1741 = arith.constant 96 : index
          %get3A_1742 = tpu.vector_load %arg10[%get3A_1739, %get3A_1740, %get3A_1741] {strides = array<i32>} : memref<2x128x128xf32, #tpu.memory_space<vmem>>, vector<16xf32>,
          %add3A_1743 = arith.addf %while3A_1668, %get3A_1742 : vector<16xf32>
          %mul3A_1744 = arith.mulf %get3A_1742, %get3A_1742 : vector<16xf32>
          %add3A_1745 = arith.addf %while3A_1676, %mul3A_1744 : vector<16xf32>
          %max3A_1746 = arith.maximumf %while3A_1684, %get3A_1742 : vector<16xf32>
          %get3A_1747 = arith.index_cast %and3A_1608 : i32 to index
          %get3A_1748 = arith.index_cast %add3A_1690 : i32 to index
          %get3A_1749 = arith.constant 112 : index
          %get3A_1750 = tpu.vector_load %arg10[%get3A_1747, %get3A_1748, %get3A_1749] {strides = array<i32>} : memref<2x128x128xf32, #tpu.memory_space<vmem>>, vector<16xf32>,
          %add3A_1751 = arith.addf %while3A_1669, %get3A_1750 : vector<16xf32>
          %mul3A_1752 = arith.mulf %get3A_1750, %get3A_1750 : vector<16xf32>
          %add3A_1753 = arith.addf %while3A_1677, %mul3A_1752 : vector<16xf32>
          %max3A_1754 = arith.maximumf %while3A_1685, %get3A_1750 : vector<16xf32>
          %add3A_1755 = arith.constant 1 : i32
          %add3A_1756 = arith.addi %add3A_1688, %add3A_1755 : i32
          %get3A_1757 = arith.index_cast %and3A_1608 : i32 to index
          %get3A_1758 = arith.index_cast %add3A_1756 : i32 to index
          %get3A_1759 = arith.constant 0 : index
          %get3A_1760 = tpu.vector_load %arg10[%get3A_1757, %get3A_1758, %get3A_1759] {strides = array<i32>} : memref<2x128x128xf32, #tpu.memory_space<vmem>>, vector<16xf32>,
          %add3A_1761 = arith.addf %add3A_1695, %get3A_1760 : vector<16xf32>
          %mul3A_1762 = arith.mulf %get3A_1760, %get3A_1760 : vector<16xf32>
          %add3A_1763 = arith.addf %add3A_1697, %mul3A_1762 : vector<16xf32>
          %max3A_1764 = arith.maximumf %max3A_1698, %get3A_1760 : vector<16xf32>
          %get3A_1765 = arith.index_cast %and3A_1608 : i32 to index
          %get3A_1766 = arith.index_cast %add3A_1756 : i32 to index
          %get3A_1767 = arith.constant 16 : index
          %get3A_1768 = tpu.vector_load %arg10[%get3A_1765, %get3A_1766, %get3A_1767] {strides = array<i32>} : memref<2x128x128xf32, #tpu.memory_space<vmem>>, vector<16xf32>,
          %add3A_1769 = arith.addf %add3A_1703, %get3A_1768 : vector<16xf32>
          %mul3A_1770 = arith.mulf %get3A_1768, %get3A_1768 : vector<16xf32>
          %add3A_1771 = arith.addf %add3A_1705, %mul3A_1770 : vector<16xf32>
          %max3A_1772 = arith.maximumf %max3A_1706, %get3A_1768 : vector<16xf32>
          %get3A_1773 = arith.index_cast %and3A_1608 : i32 to index
          %get3A_1774 = arith.index_cast %add3A_1756 : i32 to index
          %get3A_1775 = arith.constant 32 : index
          %get3A_1776 = tpu.vector_load %arg10[%get3A_1773, %get3A_1774, %get3A_1775] {strides = array<i32>} : memref<2x128x128xf32, #tpu.memory_space<vmem>>, vector<16xf32>,
          %add3A_1777 = arith.addf %add3A_1711, %get3A_1776 : vector<16xf32>
          %mul3A_1778 = arith.mulf %get3A_1776, %get3A_1776 : vector<16xf32>
          %add3A_1779 = arith.addf %add3A_1713, %mul3A_1778 : vector<16xf32>
          %max3A_1780 = arith.maximumf %max3A_1714, %get3A_1776 : vector<16xf32>
          %get3A_1781 = arith.index_cast %and3A_1608 : i32 to index
          %get3A_1782 = arith.index_cast %add3A_1756 : i32 to index
          %get3A_1783 = arith.constant 48 : index
          %get3A_1784 = tpu.vector_load %arg10[%get3A_1781, %get3A_1782, %get3A_1783] {strides = array<i32>} : memref<2x128x128xf32, #tpu.memory_space<vmem>>, vector<16xf32>,
          %add3A_1785 = arith.addf %add3A_1719, %get3A_1784 : vector<16xf32>
          %mul3A_1786 = arith.mulf %get3A_1784, %get3A_1784 : vector<16xf32>
          %add3A_1787 = arith.addf %add3A_1721, %mul3A_1786 : vector<16xf32>
          %max3A_1788 = arith.maximumf %max3A_1722, %get3A_1784 : vector<16xf32>
          %get3A_1789 = arith.index_cast %and3A_1608 : i32 to index
          %get3A_1790 = arith.index_cast %add3A_1756 : i32 to index
          %get3A_1791 = arith.constant 64 : index
          %get3A_1792 = tpu.vector_load %arg10[%get3A_1789, %get3A_1790, %get3A_1791] {strides = array<i32>} : memref<2x128x128xf32, #tpu.memory_space<vmem>>, vector<16xf32>,
          %add3A_1793 = arith.addf %add3A_1727, %get3A_1792 : vector<16xf32>
          %mul3A_1794 = arith.mulf %get3A_1792, %get3A_1792 : vector<16xf32>
          %add3A_1795 = arith.addf %add3A_1729, %mul3A_1794 : vector<16xf32>
          %max3A_1796 = arith.maximumf %max3A_1730, %get3A_1792 : vector<16xf32>
          %get3A_1797 = arith.index_cast %and3A_1608 : i32 to index
          %get3A_1798 = arith.index_cast %add3A_1756 : i32 to index
          %get3A_1799 = arith.constant 80 : index
          %get3A_1800 = tpu.vector_load %arg10[%get3A_1797, %get3A_1798, %get3A_1799] {strides = array<i32>} : memref<2x128x128xf32, #tpu.memory_space<vmem>>, vector<16xf32>,
          %add3A_1801 = arith.addf %add3A_1735, %get3A_1800 : vector<16xf32>
          %mul3A_1802 = arith.mulf %get3A_1800, %get3A_1800 : vector<16xf32>
          %add3A_1803 = arith.addf %add3A_1737, %mul3A_1802 : vector<16xf32>
          %max3A_1804 = arith.maximumf %max3A_1738, %get3A_1800 : vector<16xf32>
          %get3A_1805 = arith.index_cast %and3A_1608 : i32 to index
          %get3A_1806 = arith.index_cast %add3A_1756 : i32 to index
          %get3A_1807 = arith.constant 96 : index
          %get3A_1808 = tpu.vector_load %arg10[%get3A_1805, %get3A_1806, %get3A_1807] {strides = array<i32>} : memref<2x128x128xf32, #tpu.memory_space<vmem>>, vector<16xf32>,
          %add3A_1809 = arith.addf %add3A_1743, %get3A_1808 : vector<16xf32>
          %mul3A_1810 = arith.mulf %get3A_1808, %get3A_1808 : vector<16xf32>
          %add3A_1811 = arith.addf %add3A_1745, %mul3A_1810 : vector<16xf32>
          %max3A_1812 = arith.maximumf %max3A_1746, %get3A_1808 : vector<16xf32>
          %get3A_1813 = arith.index_cast %and3A_1608 : i32 to index
          %get3A_1814 = arith.index_cast %add3A_1756 : i32 to index
          %get3A_1815 = arith.constant 112 : index
          %get3A_1816 = tpu.vector_load %arg10[%get3A_1813, %get3A_1814, %get3A_1815] {strides = array<i32>} : memref<2x128x128xf32, #tpu.memory_space<vmem>>, vector<16xf32>,
          %add3A_1817 = arith.addf %add3A_1751, %get3A_1816 : vector<16xf32>
          %mul3A_1818 = arith.mulf %get3A_1816, %get3A_1816 : vector<16xf32>
          %add3A_1819 = arith.addf %add3A_1753, %mul3A_1818 : vector<16xf32>
          %max3A_1820 = arith.maximumf %max3A_1754, %get3A_1816 : vector<16xf32>
          %add3A_1821 = arith.constant 2 : i32
          %add3A_1822 = arith.addi %add3A_1688, %add3A_1821 : i32
          %get3A_1823 = arith.index_cast %and3A_1608 : i32 to index
          %get3A_1824 = arith.index_cast %add3A_1822 : i32 to index
          %get3A_1825 = arith.constant 0 : index
          %get3A_1826 = tpu.vector_load %arg10[%get3A_1823, %get3A_1824, %get3A_1825] {strides = array<i32>} : memref<2x128x128xf32, #tpu.memory_space<vmem>>, vector<16xf32>,
          %add3A_1827 = arith.addf %add3A_1761, %get3A_1826 : vector<16xf32>
          %mul3A_1828 = arith.mulf %get3A_1826, %get3A_1826 : vector<16xf32>
          %add3A_1829 = arith.addf %add3A_1763, %mul3A_1828 : vector<16xf32>
          %max3A_1830 = arith.maximumf %max3A_1764, %get3A_1826 : vector<16xf32>
          %get3A_1831 = arith.index_cast %and3A_1608 : i32 to index
          %get3A_1832 = arith.index_cast %add3A_1822 : i32 to index
          %get3A_1833 = arith.constant 16 : index
          %get3A_1834 = tpu.vector_load %arg10[%get3A_1831, %get3A_1832, %get3A_1833] {strides = array<i32>} : memref<2x128x128xf32, #tpu.memory_space<vmem>>, vector<16xf32>,
          %add3A_1835 = arith.addf %add3A_1769, %get3A_1834 : vector<16xf32>
          %mul3A_1836 = arith.mulf %get3A_1834, %get3A_1834 : vector<16xf32>
          %add3A_1837 = arith.addf %add3A_1771, %mul3A_1836 : vector<16xf32>
          %max3A_1838 = arith.maximumf %max3A_1772, %get3A_1834 : vector<16xf32>
          %get3A_1839 = arith.index_cast %and3A_1608 : i32 to index
          %get3A_1840 = arith.index_cast %add3A_1822 : i32 to index
          %get3A_1841 = arith.constant 32 : index
          %get3A_1842 = tpu.vector_load %arg10[%get3A_1839, %get3A_1840, %get3A_1841] {strides = array<i32>} : memref<2x128x128xf32, #tpu.memory_space<vmem>>, vector<16xf32>,
          %add3A_1843 = arith.addf %add3A_1777, %get3A_1842 : vector<16xf32>
          %mul3A_1844 = arith.mulf %get3A_1842, %get3A_1842 : vector<16xf32>
          %add3A_1845 = arith.addf %add3A_1779, %mul3A_1844 : vector<16xf32>
          %max3A_1846 = arith.maximumf %max3A_1780, %get3A_1842 : vector<16xf32>
          %get3A_1847 = arith.index_cast %and3A_1608 : i32 to index
          %get3A_1848 = arith.index_cast %add3A_1822 : i32 to index
          %get3A_1849 = arith.constant 48 : index
          %get3A_1850 = tpu.vector_load %arg10[%get3A_1847, %get3A_1848, %get3A_1849] {strides = array<i32>} : memref<2x128x128xf32, #tpu.memory_space<vmem>>, vector<16xf32>,
          %add3A_1851 = arith.addf %add3A_1785, %get3A_1850 : vector<16xf32>
          %mul3A_1852 = arith.mulf %get3A_1850, %get3A_1850 : vector<16xf32>
          %add3A_1853 = arith.addf %add3A_1787, %mul3A_1852 : vector<16xf32>
          %max3A_1854 = arith.maximumf %max3A_1788, %get3A_1850 : vector<16xf32>
          %get3A_1855 = arith.index_cast %and3A_1608 : i32 to index
          %get3A_1856 = arith.index_cast %add3A_1822 : i32 to index
          %get3A_1857 = arith.constant 64 : index
          %get3A_1858 = tpu.vector_load %arg10[%get3A_1855, %get3A_1856, %get3A_1857] {strides = array<i32>} : memref<2x128x128xf32, #tpu.memory_space<vmem>>, vector<16xf32>,
          %add3A_1859 = arith.addf %add3A_1793, %get3A_1858 : vector<16xf32>
          %mul3A_1860 = arith.mulf %get3A_1858, %get3A_1858 : vector<16xf32>
          %add3A_1861 = arith.addf %add3A_1795, %mul3A_1860 : vector<16xf32>
          %max3A_1862 = arith.maximumf %max3A_1796, %get3A_1858 : vector<16xf32>
          %get3A_1863 = arith.index_cast %and3A_1608 : i32 to index
          %get3A_1864 = arith.index_cast %add3A_1822 : i32 to index
          %get3A_1865 = arith.constant 80 : index
          %get3A_1866 = tpu.vector_load %arg10[%get3A_1863, %get3A_1864, %get3A_1865] {strides = array<i32>} : memref<2x128x128xf32, #tpu.memory_space<vmem>>, vector<16xf32>,
          %add3A_1867 = arith.addf %add3A_1801, %get3A_1866 : vector<16xf32>
          %mul3A_1868 = arith.mulf %get3A_1866, %get3A_1866 : vector<16xf32>
          %add3A_1869 = arith.addf %add3A_1803, %mul3A_1868 : vector<16xf32>
          %max3A_1870 = arith.maximumf %max3A_1804, %get3A_1866 : vector<16xf32>
          %get3A_1871 = arith.index_cast %and3A_1608 : i32 to index
          %get3A_1872 = arith.index_cast %add3A_1822 : i32 to index
          %get3A_1873 = arith.constant 96 : index
          %get3A_1874 = tpu.vector_load %arg10[%get3A_1871, %get3A_1872, %get3A_1873] {strides = array<i32>} : memref<2x128x128xf32, #tpu.memory_space<vmem>>, vector<16xf32>,
          %add3A_1875 = arith.addf %add3A_1809, %get3A_1874 : vector<16xf32>
          %mul3A_1876 = arith.mulf %get3A_1874, %get3A_1874 : vector<16xf32>
          %add3A_1877 = arith.addf %add3A_1811, %mul3A_1876 : vector<16xf32>
          %max3A_1878 = arith.maximumf %max3A_1812, %get3A_1874 : vector<16xf32>
          %get3A_1879 = arith.index_cast %and3A_1608 : i32 to index
          %get3A_1880 = arith.index_cast %add3A_1822 : i32 to index
          %get3A_1881 = arith.constant 112 : index
          %get3A_1882 = tpu.vector_load %arg10[%get3A_1879, %get3A_1880, %get3A_1881] {strides = array<i32>} : memref<2x128x128xf32, #tpu.memory_space<vmem>>, vector<16xf32>,
          %add3A_1883 = arith.addf %add3A_1817, %get3A_1882 : vector<16xf32>
          %mul3A_1884 = arith.mulf %get3A_1882, %get3A_1882 : vector<16xf32>
          %add3A_1885 = arith.addf %add3A_1819, %mul3A_1884 : vector<16xf32>
          %max3A_1886 = arith.maximumf %max3A_1820, %get3A_1882 : vector<16xf32>
          %add3A_1887 = arith.constant 3 : i32
          %add3A_1888 = arith.addi %add3A_1688, %add3A_1887 : i32
          %get3A_1889 = arith.index_cast %and3A_1608 : i32 to index
          %get3A_1890 = arith.index_cast %add3A_1888 : i32 to index
          %get3A_1891 = arith.constant 0 : index
          %get3A_1892 = tpu.vector_load %arg10[%get3A_1889, %get3A_1890, %get3A_1891] {strides = array<i32>} : memref<2x128x128xf32, #tpu.memory_space<vmem>>, vector<16xf32>,
          %add3A_1893 = arith.addf %add3A_1827, %get3A_1892 : vector<16xf32>
          %mul3A_1894 = arith.mulf %get3A_1892, %get3A_1892 : vector<16xf32>
          %add3A_1895 = arith.addf %add3A_1829, %mul3A_1894 : vector<16xf32>
          %max3A_1896 = arith.maximumf %max3A_1830, %get3A_1892 : vector<16xf32>
          %get3A_1897 = arith.index_cast %and3A_1608 : i32 to index
          %get3A_1898 = arith.index_cast %add3A_1888 : i32 to index
          %get3A_1899 = arith.constant 16 : index
          %get3A_1900 = tpu.vector_load %arg10[%get3A_1897, %get3A_1898, %get3A_1899] {strides = array<i32>} : memref<2x128x128xf32, #tpu.memory_space<vmem>>, vector<16xf32>,
          %add3A_1901 = arith.addf %add3A_1835, %get3A_1900 : vector<16xf32>
          %mul3A_1902 = arith.mulf %get3A_1900, %get3A_1900 : vector<16xf32>
          %add3A_1903 = arith.addf %add3A_1837, %mul3A_1902 : vector<16xf32>
          %max3A_1904 = arith.maximumf %max3A_1838, %get3A_1900 : vector<16xf32>
          %get3A_1905 = arith.index_cast %and3A_1608 : i32 to index
          %get3A_1906 = arith.index_cast %add3A_1888 : i32 to index
          %get3A_1907 = arith.constant 32 : index
          %get3A_1908 = tpu.vector_load %arg10[%get3A_1905, %get3A_1906, %get3A_1907] {strides = array<i32>} : memref<2x128x128xf32, #tpu.memory_space<vmem>>, vector<16xf32>,
          %add3A_1909 = arith.addf %add3A_1843, %get3A_1908 : vector<16xf32>
          %mul3A_1910 = arith.mulf %get3A_1908, %get3A_1908 : vector<16xf32>
          %add3A_1911 = arith.addf %add3A_1845, %mul3A_1910 : vector<16xf32>
          %max3A_1912 = arith.maximumf %max3A_1846, %get3A_1908 : vector<16xf32>
          %get3A_1913 = arith.index_cast %and3A_1608 : i32 to index
          %get3A_1914 = arith.index_cast %add3A_1888 : i32 to index
          %get3A_1915 = arith.constant 48 : index
          %get3A_1916 = tpu.vector_load %arg10[%get3A_1913, %get3A_1914, %get3A_1915] {strides = array<i32>} : memref<2x128x128xf32, #tpu.memory_space<vmem>>, vector<16xf32>,
          %add3A_1917 = arith.addf %add3A_1851, %get3A_1916 : vector<16xf32>
          %mul3A_1918 = arith.mulf %get3A_1916, %get3A_1916 : vector<16xf32>
          %add3A_1919 = arith.addf %add3A_1853, %mul3A_1918 : vector<16xf32>
          %max3A_1920 = arith.maximumf %max3A_1854, %get3A_1916 : vector<16xf32>
          %get3A_1921 = arith.index_cast %and3A_1608 : i32 to index
          %get3A_1922 = arith.index_cast %add3A_1888 : i32 to index
          %get3A_1923 = arith.constant 64 : index
          %get3A_1924 = tpu.vector_load %arg10[%get3A_1921, %get3A_1922, %get3A_1923] {strides = array<i32>} : memref<2x128x128xf32, #tpu.memory_space<vmem>>, vector<16xf32>,
          %add3A_1925 = arith.addf %add3A_1859, %get3A_1924 : vector<16xf32>
          %mul3A_1926 = arith.mulf %get3A_1924, %get3A_1924 : vector<16xf32>
          %add3A_1927 = arith.addf %add3A_1861, %mul3A_1926 : vector<16xf32>
          %max3A_1928 = arith.maximumf %max3A_1862, %get3A_1924 : vector<16xf32>
          %get3A_1929 = arith.index_cast %and3A_1608 : i32 to index
          %get3A_1930 = arith.index_cast %add3A_1888 : i32 to index
          %get3A_1931 = arith.constant 80 : index
          %get3A_1932 = tpu.vector_load %arg10[%get3A_1929, %get3A_1930, %get3A_1931] {strides = array<i32>} : memref<2x128x128xf32, #tpu.memory_space<vmem>>, vector<16xf32>,
          %add3A_1933 = arith.addf %add3A_1867, %get3A_1932 : vector<16xf32>
          %mul3A_1934 = arith.mulf %get3A_1932, %get3A_1932 : vector<16xf32>
          %add3A_1935 = arith.addf %add3A_1869, %mul3A_1934 : vector<16xf32>
          %max3A_1936 = arith.maximumf %max3A_1870, %get3A_1932 : vector<16xf32>
          %get3A_1937 = arith.index_cast %and3A_1608 : i32 to index
          %get3A_1938 = arith.index_cast %add3A_1888 : i32 to index
          %get3A_1939 = arith.constant 96 : index
          %get3A_1940 = tpu.vector_load %arg10[%get3A_1937, %get3A_1938, %get3A_1939] {strides = array<i32>} : memref<2x128x128xf32, #tpu.memory_space<vmem>>, vector<16xf32>,
          %add3A_1941 = arith.addf %add3A_1875, %get3A_1940 : vector<16xf32>
          %mul3A_1942 = arith.mulf %get3A_1940, %get3A_1940 : vector<16xf32>
          %add3A_1943 = arith.addf %add3A_1877, %mul3A_1942 : vector<16xf32>
          %max3A_1944 = arith.maximumf %max3A_1878, %get3A_1940 : vector<16xf32>
          %get3A_1945 = arith.index_cast %and3A_1608 : i32 to index
          %get3A_1946 = arith.index_cast %add3A_1888 : i32 to index
          %get3A_1947 = arith.constant 112 : index
          %get3A_1948 = tpu.vector_load %arg10[%get3A_1945, %get3A_1946, %get3A_1947] {strides = array<i32>} : memref<2x128x128xf32, #tpu.memory_space<vmem>>, vector<16xf32>,
          %add3A_1949 = arith.addf %add3A_1883, %get3A_1948 : vector<16xf32>
          %mul3A_1950 = arith.mulf %get3A_1948, %get3A_1948 : vector<16xf32>
          %add3A_1951 = arith.addf %add3A_1885, %mul3A_1950 : vector<16xf32>
          %max3A_1952 = arith.maximumf %max3A_1886, %get3A_1948 : vector<16xf32>
          scf.yield %add3A_1893, %add3A_1901, %add3A_1909, %add3A_1917, %add3A_1925, %add3A_1933, %add3A_1941, %add3A_1949, %add3A_1895, %add3A_1903, %add3A_1911, %add3A_1919, %add3A_1927, %add3A_1935, %add3A_1943, %add3A_1951, %max3A_1896, %max3A_1904, %max3A_1912, %max3A_1920, %max3A_1928, %max3A_1936, %max3A_1944, %max3A_1952 : vector<16xf32>, vector<16xf32>, vector<16xf32>, vector<16xf32>, vector<16xf32>, vector<16xf32>, vector<16xf32>, vector<16xf32>, vector<16xf32>, vector<16xf32>, vector<16xf32>, vector<16xf32>, vector<16xf32>, vector<16xf32>, vector<16xf32>, vector<16xf32>, vector<16xf32>, vector<16xf32>, vector<16xf32>, vector<16xf32>, vector<16xf32>, vector<16xf32>, vector<16xf32>, vector<16xf32>
        }
        %while3A_1646 = arith.constant 1 : i32
        %while3A_1647:24 = scf.for %while3A_1661 = %while3A_1643 to %while3A_1639 step %while3A_1646 iter_args(%while3A_1662 = %while3A_1645#0, %while3A_1663 = %while3A_1645#1, %while3A_1664 = %while3A_1645#2, %while3A_1665 = %while3A_1645#3, %while3A_1666 = %while3A_1645#4, %while3A_1667 = %while3A_1645#5, %while3A_1668 = %while3A_1645#6, %while3A_1669 = %while3A_1645#7, %while3A_1670 = %while3A_1645#8, %while3A_1671 = %while3A_1645#9, %while3A_1672 = %while3A_1645#10, %while3A_1673 = %while3A_1645#11, %while3A_1674 = %while3A_1645#12, %while3A_1675 = %while3A_1645#13, %while3A_1676 = %while3A_1645#14, %while3A_1677 = %while3A_1645#15, %while3A_1678 = %while3A_1645#16, %while3A_1679 = %while3A_1645#17, %while3A_1680 = %while3A_1645#18, %while3A_1681 = %while3A_1645#19, %while3A_1682 = %while3A_1645#20, %while3A_1683 = %while3A_1645#21, %while3A_1684 = %while3A_1645#22, %while3A_1685 = %while3A_1645#23) -> (vector<16xf32>, vector<16xf32>, vector<16xf32>, vector<16xf32>, vector<16xf32>, vector<16xf32>, vector<16xf32>, vector<16xf32>, vector<16xf32>, vector<16xf32>, vector<16xf32>, vector<16xf32>, vector<16xf32>, vector<16xf32>, vector<16xf32>, vector<16xf32>, vector<16xf32>, vector<16xf32>, vector<16xf32>, vector<16xf32>, vector<16xf32>, vector<16xf32>, vector<16xf32>, vector<16xf32>)  : i32 {
          %mul3A_1686 = arith.constant 4 : i32
          %mul3A_1687 = arith.muli %while3A_1661, %mul3A_1686 : i32
          %add3A_1688 = arith.addi %sub3A_1602, %mul3A_1687 : i32
          %add3A_1689 = arith.constant 0 : i32
          %add3A_1690 = arith.addi %add3A_1688, %add3A_1689 : i32
          %get3A_1691 = arith.index_cast %and3A_1608 : i32 to index
          %get3A_1692 = arith.index_cast %add3A_1690 : i32 to index
          %get3A_1693 = arith.constant 0 : index
          %get3A_1694 = tpu.vector_load %arg10[%get3A_1691, %get3A_1692, %get3A_1693] {strides = array<i32>} : memref<2x128x128xf32, #tpu.memory_space<vmem>>, vector<16xf32>,
          %add3A_1695 = arith.addf %while3A_1662, %get3A_1694 : vector<16xf32>
          %mul3A_1696 = arith.mulf %get3A_1694, %get3A_1694 : vector<16xf32>
          %add3A_1697 = arith.addf %while3A_1670, %mul3A_1696 : vector<16xf32>
          %max3A_1698 = arith.maximumf %while3A_1678, %get3A_1694 : vector<16xf32>
          %get3A_1699 = arith.index_cast %and3A_1608 : i32 to index
          %get3A_1700 = arith.index_cast %add3A_1690 : i32 to index
          %get3A_1701 = arith.constant 16 : index
          %get3A_1702 = tpu.vector_load %arg10[%get3A_1699, %get3A_1700, %get3A_1701] {strides = array<i32>} : memref<2x128x128xf32, #tpu.memory_space<vmem>>, vector<16xf32>,
          %add3A_1703 = arith.addf %while3A_1663, %get3A_1702 : vector<16xf32>
          %mul3A_1704 = arith.mulf %get3A_1702, %get3A_1702 : vector<16xf32>
          %add3A_1705 = arith.addf %while3A_1671, %mul3A_1704 : vector<16xf32>
          %max3A_1706 = arith.maximumf %while3A_1679, %get3A_1702 : vector<16xf32>
          %get3A_1707 = arith.index_cast %and3A_1608 : i32 to index
          %get3A_1708 = arith.index_cast %add3A_1690 : i32 to index
          %get3A_1709 = arith.constant 32 : index
          %get3A_1710 = tpu.vector_load %arg10[%get3A_1707, %get3A_1708, %get3A_1709] {strides = array<i32>} : memref<2x128x128xf32, #tpu.memory_space<vmem>>, vector<16xf32>,
          %add3A_1711 = arith.addf %while3A_1664, %get3A_1710 : vector<16xf32>
          %mul3A_1712 = arith.mulf %get3A_1710, %get3A_1710 : vector<16xf32>
          %add3A_1713 = arith.addf %while3A_1672, %mul3A_1712 : vector<16xf32>
          %max3A_1714 = arith.maximumf %while3A_1680, %get3A_1710 : vector<16xf32>
          %get3A_1715 = arith.index_cast %and3A_1608 : i32 to index
          %get3A_1716 = arith.index_cast %add3A_1690 : i32 to index
          %get3A_1717 = arith.constant 48 : index
          %get3A_1718 = tpu.vector_load %arg10[%get3A_1715, %get3A_1716, %get3A_1717] {strides = array<i32>} : memref<2x128x128xf32, #tpu.memory_space<vmem>>, vector<16xf32>,
          %add3A_1719 = arith.addf %while3A_1665, %get3A_1718 : vector<16xf32>
          %mul3A_1720 = arith.mulf %get3A_1718, %get3A_1718 : vector<16xf32>
          %add3A_1721 = arith.addf %while3A_1673, %mul3A_1720 : vector<16xf32>
          %max3A_1722 = arith.maximumf %while3A_1681, %get3A_1718 : vector<16xf32>
          %get3A_1723 = arith.index_cast %and3A_1608 : i32 to index
          %get3A_1724 = arith.index_cast %add3A_1690 : i32 to index
          %get3A_1725 = arith.constant 64 : index
          %get3A_1726 = tpu.vector_load %arg10[%get3A_1723, %get3A_1724, %get3A_1725] {strides = array<i32>} : memref<2x128x128xf32, #tpu.memory_space<vmem>>, vector<16xf32>,
          %add3A_1727 = arith.addf %while3A_1666, %get3A_1726 : vector<16xf32>
          %mul3A_1728 = arith.mulf %get3A_1726, %get3A_1726 : vector<16xf32>
          %add3A_1729 = arith.addf %while3A_1674, %mul3A_1728 : vector<16xf32>
          %max3A_1730 = arith.maximumf %while3A_1682, %get3A_1726 : vector<16xf32>
          %get3A_1731 = arith.index_cast %and3A_1608 : i32 to index
          %get3A_1732 = arith.index_cast %add3A_1690 : i32 to index
          %get3A_1733 = arith.constant 80 : index
          %get3A_1734 = tpu.vector_load %arg10[%get3A_1731, %get3A_1732, %get3A_1733] {strides = array<i32>} : memref<2x128x128xf32, #tpu.memory_space<vmem>>, vector<16xf32>,
          %add3A_1735 = arith.addf %while3A_1667, %get3A_1734 : vector<16xf32>
          %mul3A_1736 = arith.mulf %get3A_1734, %get3A_1734 : vector<16xf32>
          %add3A_1737 = arith.addf %while3A_1675, %mul3A_1736 : vector<16xf32>
          %max3A_1738 = arith.maximumf %while3A_1683, %get3A_1734 : vector<16xf32>
          %get3A_1739 = arith.index_cast %and3A_1608 : i32 to index
          %get3A_1740 = arith.index_cast %add3A_1690 : i32 to index
          %get3A_1741 = arith.constant 96 : index
          %get3A_1742 = tpu.vector_load %arg10[%get3A_1739, %get3A_1740, %get3A_1741] {strides = array<i32>} : memref<2x128x128xf32, #tpu.memory_space<vmem>>, vector<16xf32>,
          %add3A_1743 = arith.addf %while3A_1668, %get3A_1742 : vector<16xf32>
          %mul3A_1744 = arith.mulf %get3A_1742, %get3A_1742 : vector<16xf32>
          %add3A_1745 = arith.addf %while3A_1676, %mul3A_1744 : vector<16xf32>
          %max3A_1746 = arith.maximumf %while3A_1684, %get3A_1742 : vector<16xf32>
          %get3A_1747 = arith.index_cast %and3A_1608 : i32 to index
          %get3A_1748 = arith.index_cast %add3A_1690 : i32 to index
          %get3A_1749 = arith.constant 112 : index
          %get3A_1750 = tpu.vector_load %arg10[%get3A_1747, %get3A_1748, %get3A_1749] {strides = array<i32>} : memref<2x128x128xf32, #tpu.memory_space<vmem>>, vector<16xf32>,
          %add3A_1751 = arith.addf %while3A_1669, %get3A_1750 : vector<16xf32>
          %mul3A_1752 = arith.mulf %get3A_1750, %get3A_1750 : vector<16xf32>
          %add3A_1753 = arith.addf %while3A_1677, %mul3A_1752 : vector<16xf32>
          %max3A_1754 = arith.maximumf %while3A_1685, %get3A_1750 : vector<16xf32>
          %add3A_1755 = arith.constant 1 : i32
          %add3A_1756 = arith.addi %add3A_1688, %add3A_1755 : i32
          %get3A_1757 = arith.index_cast %and3A_1608 : i32 to index
          %get3A_1758 = arith.index_cast %add3A_1756 : i32 to index
          %get3A_1759 = arith.constant 0 : index
          %get3A_1760 = tpu.vector_load %arg10[%get3A_1757, %get3A_1758, %get3A_1759] {strides = array<i32>} : memref<2x128x128xf32, #tpu.memory_space<vmem>>, vector<16xf32>,
          %add3A_1761 = arith.addf %add3A_1695, %get3A_1760 : vector<16xf32>
          %mul3A_1762 = arith.mulf %get3A_1760, %get3A_1760 : vector<16xf32>
          %add3A_1763 = arith.addf %add3A_1697, %mul3A_1762 : vector<16xf32>
          %max3A_1764 = arith.maximumf %max3A_1698, %get3A_1760 : vector<16xf32>
          %get3A_1765 = arith.index_cast %and3A_1608 : i32 to index
          %get3A_1766 = arith.index_cast %add3A_1756 : i32 to index
          %get3A_1767 = arith.constant 16 : index
          %get3A_1768 = tpu.vector_load %arg10[%get3A_1765, %get3A_1766, %get3A_1767] {strides = array<i32>} : memref<2x128x128xf32, #tpu.memory_space<vmem>>, vector<16xf32>,
          %add3A_1769 = arith.addf %add3A_1703, %get3A_1768 : vector<16xf32>
          %mul3A_1770 = arith.mulf %get3A_1768, %get3A_1768 : vector<16xf32>
          %add3A_1771 = arith.addf %add3A_1705, %mul3A_1770 : vector<16xf32>
          %max3A_1772 = arith.maximumf %max3A_1706, %get3A_1768 : vector<16xf32>
          %get3A_1773 = arith.index_cast %and3A_1608 : i32 to index
          %get3A_1774 = arith.index_cast %add3A_1756 : i32 to index
          %get3A_1775 = arith.constant 32 : index
          %get3A_1776 = tpu.vector_load %arg10[%get3A_1773, %get3A_1774, %get3A_1775] {strides = array<i32>} : memref<2x128x128xf32, #tpu.memory_space<vmem>>, vector<16xf32>,
          %add3A_1777 = arith.addf %add3A_1711, %get3A_1776 : vector<16xf32>
          %mul3A_1778 = arith.mulf %get3A_1776, %get3A_1776 : vector<16xf32>
          %add3A_1779 = arith.addf %add3A_1713, %mul3A_1778 : vector<16xf32>
          %max3A_1780 = arith.maximumf %max3A_1714, %get3A_1776 : vector<16xf32>
          %get3A_1781 = arith.index_cast %and3A_1608 : i32 to index
          %get3A_1782 = arith.index_cast %add3A_1756 : i32 to index
          %get3A_1783 = arith.constant 48 : index
          %get3A_1784 = tpu.vector_load %arg10[%get3A_1781, %get3A_1782, %get3A_1783] {strides = array<i32>} : memref<2x128x128xf32, #tpu.memory_space<vmem>>, vector<16xf32>,
          %add3A_1785 = arith.addf %add3A_1719, %get3A_1784 : vector<16xf32>
          %mul3A_1786 = arith.mulf %get3A_1784, %get3A_1784 : vector<16xf32>
          %add3A_1787 = arith.addf %add3A_1721, %mul3A_1786 : vector<16xf32>
          %max3A_1788 = arith.maximumf %max3A_1722, %get3A_1784 : vector<16xf32>
          %get3A_1789 = arith.index_cast %and3A_1608 : i32 to index
          %get3A_1790 = arith.index_cast %add3A_1756 : i32 to index
          %get3A_1791 = arith.constant 64 : index
          %get3A_1792 = tpu.vector_load %arg10[%get3A_1789, %get3A_1790, %get3A_1791] {strides = array<i32>} : memref<2x128x128xf32, #tpu.memory_space<vmem>>, vector<16xf32>,
          %add3A_1793 = arith.addf %add3A_1727, %get3A_1792 : vector<16xf32>
          %mul3A_1794 = arith.mulf %get3A_1792, %get3A_1792 : vector<16xf32>
          %add3A_1795 = arith.addf %add3A_1729, %mul3A_1794 : vector<16xf32>
          %max3A_1796 = arith.maximumf %max3A_1730, %get3A_1792 : vector<16xf32>
          %get3A_1797 = arith.index_cast %and3A_1608 : i32 to index
          %get3A_1798 = arith.index_cast %add3A_1756 : i32 to index
          %get3A_1799 = arith.constant 80 : index
          %get3A_1800 = tpu.vector_load %arg10[%get3A_1797, %get3A_1798, %get3A_1799] {strides = array<i32>} : memref<2x128x128xf32, #tpu.memory_space<vmem>>, vector<16xf32>,
          %add3A_1801 = arith.addf %add3A_1735, %get3A_1800 : vector<16xf32>
          %mul3A_1802 = arith.mulf %get3A_1800, %get3A_1800 : vector<16xf32>
          %add3A_1803 = arith.addf %add3A_1737, %mul3A_1802 : vector<16xf32>
          %max3A_1804 = arith.maximumf %max3A_1738, %get3A_1800 : vector<16xf32>
          %get3A_1805 = arith.index_cast %and3A_1608 : i32 to index
          %get3A_1806 = arith.index_cast %add3A_1756 : i32 to index
          %get3A_1807 = arith.constant 96 : index
          %get3A_1808 = tpu.vector_load %arg10[%get3A_1805, %get3A_1806, %get3A_1807] {strides = array<i32>} : memref<2x128x128xf32, #tpu.memory_space<vmem>>, vector<16xf32>,
          %add3A_1809 = arith.addf %add3A_1743, %get3A_1808 : vector<16xf32>
          %mul3A_1810 = arith.mulf %get3A_1808, %get3A_1808 : vector<16xf32>
          %add3A_1811 = arith.addf %add3A_1745, %mul3A_1810 : vector<16xf32>
          %max3A_1812 = arith.maximumf %max3A_1746, %get3A_1808 : vector<16xf32>
          %get3A_1813 = arith.index_cast %and3A_1608 : i32 to index
          %get3A_1814 = arith.index_cast %add3A_1756 : i32 to index
          %get3A_1815 = arith.constant 112 : index
          %get3A_1816 = tpu.vector_load %arg10[%get3A_1813, %get3A_1814, %get3A_1815] {strides = array<i32>} : memref<2x128x128xf32, #tpu.memory_space<vmem>>, vector<16xf32>,
          %add3A_1817 = arith.addf %add3A_1751, %get3A_1816 : vector<16xf32>
          %mul3A_1818 = arith.mulf %get3A_1816, %get3A_1816 : vector<16xf32>
          %add3A_1819 = arith.addf %add3A_1753, %mul3A_1818 : vector<16xf32>
          %max3A_1820 = arith.maximumf %max3A_1754, %get3A_1816 : vector<16xf32>
          %add3A_1821 = arith.constant 2 : i32
          %add3A_1822 = arith.addi %add3A_1688, %add3A_1821 : i32
          %get3A_1823 = arith.index_cast %and3A_1608 : i32 to index
          %get3A_1824 = arith.index_cast %add3A_1822 : i32 to index
          %get3A_1825 = arith.constant 0 : index
          %get3A_1826 = tpu.vector_load %arg10[%get3A_1823, %get3A_1824, %get3A_1825] {strides = array<i32>} : memref<2x128x128xf32, #tpu.memory_space<vmem>>, vector<16xf32>,
          %add3A_1827 = arith.addf %add3A_1761, %get3A_1826 : vector<16xf32>
          %mul3A_1828 = arith.mulf %get3A_1826, %get3A_1826 : vector<16xf32>
          %add3A_1829 = arith.addf %add3A_1763, %mul3A_1828 : vector<16xf32>
          %max3A_1830 = arith.maximumf %max3A_1764, %get3A_1826 : vector<16xf32>
          %get3A_1831 = arith.index_cast %and3A_1608 : i32 to index
          %get3A_1832 = arith.index_cast %add3A_1822 : i32 to index
          %get3A_1833 = arith.constant 16 : index
          %get3A_1834 = tpu.vector_load %arg10[%get3A_1831, %get3A_1832, %get3A_1833] {strides = array<i32>} : memref<2x128x128xf32, #tpu.memory_space<vmem>>, vector<16xf32>,
          %add3A_1835 = arith.addf %add3A_1769, %get3A_1834 : vector<16xf32>
          %mul3A_1836 = arith.mulf %get3A_1834, %get3A_1834 : vector<16xf32>
          %add3A_1837 = arith.addf %add3A_1771, %mul3A_1836 : vector<16xf32>
          %max3A_1838 = arith.maximumf %max3A_1772, %get3A_1834 : vector<16xf32>
          %get3A_1839 = arith.index_cast %and3A_1608 : i32 to index
          %get3A_1840 = arith.index_cast %add3A_1822 : i32 to index
          %get3A_1841 = arith.constant 32 : index
          %get3A_1842 = tpu.vector_load %arg10[%get3A_1839, %get3A_1840, %get3A_1841] {strides = array<i32>} : memref<2x128x128xf32, #tpu.memory_space<vmem>>, vector<16xf32>,
          %add3A_1843 = arith.addf %add3A_1777, %get3A_1842 : vector<16xf32>
          %mul3A_1844 = arith.mulf %get3A_1842, %get3A_1842 : vector<16xf32>
          %add3A_1845 = arith.addf %add3A_1779, %mul3A_1844 : vector<16xf32>
          %max3A_1846 = arith.maximumf %max3A_1780, %get3A_1842 : vector<16xf32>
          %get3A_1847 = arith.index_cast %and3A_1608 : i32 to index
          %get3A_1848 = arith.index_cast %add3A_1822 : i32 to index
          %get3A_1849 = arith.constant 48 : index
          %get3A_1850 = tpu.vector_load %arg10[%get3A_1847, %get3A_1848, %get3A_1849] {strides = array<i32>} : memref<2x128x128xf32, #tpu.memory_space<vmem>>, vector<16xf32>,
          %add3A_1851 = arith.addf %add3A_1785, %get3A_1850 : vector<16xf32>
          %mul3A_1852 = arith.mulf %get3A_1850, %get3A_1850 : vector<16xf32>
          %add3A_1853 = arith.addf %add3A_1787, %mul3A_1852 : vector<16xf32>
          %max3A_1854 = arith.maximumf %max3A_1788, %get3A_1850 : vector<16xf32>
          %get3A_1855 = arith.index_cast %and3A_1608 : i32 to index
          %get3A_1856 = arith.index_cast %add3A_1822 : i32 to index
          %get3A_1857 = arith.constant 64 : index
          %get3A_1858 = tpu.vector_load %arg10[%get3A_1855, %get3A_1856, %get3A_1857] {strides = array<i32>} : memref<2x128x128xf32, #tpu.memory_space<vmem>>, vector<16xf32>,
          %add3A_1859 = arith.addf %add3A_1793, %get3A_1858 : vector<16xf32>
          %mul3A_1860 = arith.mulf %get3A_1858, %get3A_1858 : vector<16xf32>
          %add3A_1861 = arith.addf %add3A_1795, %mul3A_1860 : vector<16xf32>
          %max3A_1862 = arith.maximumf %max3A_1796, %get3A_1858 : vector<16xf32>
          %get3A_1863 = arith.index_cast %and3A_1608 : i32 to index
          %get3A_1864 = arith.index_cast %add3A_1822 : i32 to index
          %get3A_1865 = arith.constant 80 : index
          %get3A_1866 = tpu.vector_load %arg10[%get3A_1863, %get3A_1864, %get3A_1865] {strides = array<i32>} : memref<2x128x128xf32, #tpu.memory_space<vmem>>, vector<16xf32>,
          %add3A_1867 = arith.addf %add3A_1801, %get3A_1866 : vector<16xf32>
          %mul3A_1868 = arith.mulf %get3A_1866, %get3A_1866 : vector<16xf32>
          %add3A_1869 = arith.addf %add3A_1803, %mul3A_1868 : vector<16xf32>
          %max3A_1870 = arith.maximumf %max3A_1804, %get3A_1866 : vector<16xf32>
          %get3A_1871 = arith.index_cast %and3A_1608 : i32 to index
          %get3A_1872 = arith.index_cast %add3A_1822 : i32 to index
          %get3A_1873 = arith.constant 96 : index
          %get3A_1874 = tpu.vector_load %arg10[%get3A_1871, %get3A_1872, %get3A_1873] {strides = array<i32>} : memref<2x128x128xf32, #tpu.memory_space<vmem>>, vector<16xf32>,
          %add3A_1875 = arith.addf %add3A_1809, %get3A_1874 : vector<16xf32>
          %mul3A_1876 = arith.mulf %get3A_1874, %get3A_1874 : vector<16xf32>
          %add3A_1877 = arith.addf %add3A_1811, %mul3A_1876 : vector<16xf32>
          %max3A_1878 = arith.maximumf %max3A_1812, %get3A_1874 : vector<16xf32>
          %get3A_1879 = arith.index_cast %and3A_1608 : i32 to index
          %get3A_1880 = arith.index_cast %add3A_1822 : i32 to index
          %get3A_1881 = arith.constant 112 : index
          %get3A_1882 = tpu.vector_load %arg10[%get3A_1879, %get3A_1880, %get3A_1881] {strides = array<i32>} : memref<2x128x128xf32, #tpu.memory_space<vmem>>, vector<16xf32>,
          %add3A_1883 = arith.addf %add3A_1817, %get3A_1882 : vector<16xf32>
          %mul3A_1884 = arith.mulf %get3A_1882, %get3A_1882 : vector<16xf32>
          %add3A_1885 = arith.addf %add3A_1819, %mul3A_1884 : vector<16xf32>
          %max3A_1886 = arith.maximumf %max3A_1820, %get3A_1882 : vector<16xf32>
          %add3A_1887 = arith.constant 3 : i32
          %add3A_1888 = arith.addi %add3A_1688, %add3A_1887 : i32
          %get3A_1889 = arith.index_cast %and3A_1608 : i32 to index
          %get3A_1890 = arith.index_cast %add3A_1888 : i32 to index
          %get3A_1891 = arith.constant 0 : index
          %get3A_1892 = tpu.vector_load %arg10[%get3A_1889, %get3A_1890, %get3A_1891] {strides = array<i32>} : memref<2x128x128xf32, #tpu.memory_space<vmem>>, vector<16xf32>,
          %add3A_1893 = arith.addf %add3A_1827, %get3A_1892 : vector<16xf32>
          %mul3A_1894 = arith.mulf %get3A_1892, %get3A_1892 : vector<16xf32>
          %add3A_1895 = arith.addf %add3A_1829, %mul3A_1894 : vector<16xf32>
          %max3A_1896 = arith.maximumf %max3A_1830, %get3A_1892 : vector<16xf32>
          %get3A_1897 = arith.index_cast %and3A_1608 : i32 to index
          %get3A_1898 = arith.index_cast %add3A_1888 : i32 to index
          %get3A_1899 = arith.constant 16 : index
          %get3A_1900 = tpu.vector_load %arg10[%get3A_1897, %get3A_1898, %get3A_1899] {strides = array<i32>} : memref<2x128x128xf32, #tpu.memory_space<vmem>>, vector<16xf32>,
          %add3A_1901 = arith.addf %add3A_1835, %get3A_1900 : vector<16xf32>
          %mul3A_1902 = arith.mulf %get3A_1900, %get3A_1900 : vector<16xf32>
          %add3A_1903 = arith.addf %add3A_1837, %mul3A_1902 : vector<16xf32>
          %max3A_1904 = arith.maximumf %max3A_1838, %get3A_1900 : vector<16xf32>
          %get3A_1905 = arith.index_cast %and3A_1608 : i32 to index
          %get3A_1906 = arith.index_cast %add3A_1888 : i32 to index
          %get3A_1907 = arith.constant 32 : index
          %get3A_1908 = tpu.vector_load %arg10[%get3A_1905, %get3A_1906, %get3A_1907] {strides = array<i32>} : memref<2x128x128xf32, #tpu.memory_space<vmem>>, vector<16xf32>,
          %add3A_1909 = arith.addf %add3A_1843, %get3A_1908 : vector<16xf32>
          %mul3A_1910 = arith.mulf %get3A_1908, %get3A_1908 : vector<16xf32>
          %add3A_1911 = arith.addf %add3A_1845, %mul3A_1910 : vector<16xf32>
          %max3A_1912 = arith.maximumf %max3A_1846, %get3A_1908 : vector<16xf32>
          %get3A_1913 = arith.index_cast %and3A_1608 : i32 to index
          %get3A_1914 = arith.index_cast %add3A_1888 : i32 to index
          %get3A_1915 = arith.constant 48 : index
          %get3A_1916 = tpu.vector_load %arg10[%get3A_1913, %get3A_1914, %get3A_1915] {strides = array<i32>} : memref<2x128x128xf32, #tpu.memory_space<vmem>>, vector<16xf32>,
          %add3A_1917 = arith.addf %add3A_1851, %get3A_1916 : vector<16xf32>
          %mul3A_1918 = arith.mulf %get3A_1916, %get3A_1916 : vector<16xf32>
          %add3A_1919 = arith.addf %add3A_1853, %mul3A_1918 : vector<16xf32>
          %max3A_1920 = arith.maximumf %max3A_1854, %get3A_1916 : vector<16xf32>
          %get3A_1921 = arith.index_cast %and3A_1608 : i32 to index
          %get3A_1922 = arith.index_cast %add3A_1888 : i32 to index
          %get3A_1923 = arith.constant 64 : index
          %get3A_1924 = tpu.vector_load %arg10[%get3A_1921, %get3A_1922, %get3A_1923] {strides = array<i32>} : memref<2x128x128xf32, #tpu.memory_space<vmem>>, vector<16xf32>,
          %add3A_1925 = arith.addf %add3A_1859, %get3A_1924 : vector<16xf32>
          %mul3A_1926 = arith.mulf %get3A_1924, %get3A_1924 : vector<16xf32>
          %add3A_1927 = arith.addf %add3A_1861, %mul3A_1926 : vector<16xf32>
          %max3A_1928 = arith.maximumf %max3A_1862, %get3A_1924 : vector<16xf32>
          %get3A_1929 = arith.index_cast %and3A_1608 : i32 to index
          %get3A_1930 = arith.index_cast %add3A_1888 : i32 to index
          %get3A_1931 = arith.constant 80 : index
          %get3A_1932 = tpu.vector_load %arg10[%get3A_1929, %get3A_1930, %get3A_1931] {strides = array<i32>} : memref<2x128x128xf32, #tpu.memory_space<vmem>>, vector<16xf32>,
          %add3A_1933 = arith.addf %add3A_1867, %get3A_1932 : vector<16xf32>
          %mul3A_1934 = arith.mulf %get3A_1932, %get3A_1932 : vector<16xf32>
          %add3A_1935 = arith.addf %add3A_1869, %mul3A_1934 : vector<16xf32>
          %max3A_1936 = arith.maximumf %max3A_1870, %get3A_1932 : vector<16xf32>
          %get3A_1937 = arith.index_cast %and3A_1608 : i32 to index
          %get3A_1938 = arith.index_cast %add3A_1888 : i32 to index
          %get3A_1939 = arith.constant 96 : index
          %get3A_1940 = tpu.vector_load %arg10[%get3A_1937, %get3A_1938, %get3A_1939] {strides = array<i32>} : memref<2x128x128xf32, #tpu.memory_space<vmem>>, vector<16xf32>,
          %add3A_1941 = arith.addf %add3A_1875, %get3A_1940 : vector<16xf32>
          %mul3A_1942 = arith.mulf %get3A_1940, %get3A_1940 : vector<16xf32>
          %add3A_1943 = arith.addf %add3A_1877, %mul3A_1942 : vector<16xf32>
          %max3A_1944 = arith.maximumf %max3A_1878, %get3A_1940 : vector<16xf32>
          %get3A_1945 = arith.index_cast %and3A_1608 : i32 to index
          %get3A_1946 = arith.index_cast %add3A_1888 : i32 to index
          %get3A_1947 = arith.constant 112 : index
          %get3A_1948 = tpu.vector_load %arg10[%get3A_1945, %get3A_1946, %get3A_1947] {strides = array<i32>} : memref<2x128x128xf32, #tpu.memory_space<vmem>>, vector<16xf32>,
          %add3A_1949 = arith.addf %add3A_1883, %get3A_1948 : vector<16xf32>
          %mul3A_1950 = arith.mulf %get3A_1948, %get3A_1948 : vector<16xf32>
          %add3A_1951 = arith.addf %add3A_1885, %mul3A_1950 : vector<16xf32>
          %max3A_1952 = arith.maximumf %max3A_1886, %get3A_1948 : vector<16xf32>
          scf.yield %add3A_1893, %add3A_1901, %add3A_1909, %add3A_1917, %add3A_1925, %add3A_1933, %add3A_1941, %add3A_1949, %add3A_1895, %add3A_1903, %add3A_1911, %add3A_1919, %add3A_1927, %add3A_1935, %add3A_1943, %add3A_1951, %max3A_1896, %max3A_1904, %max3A_1912, %max3A_1920, %max3A_1928, %max3A_1936, %max3A_1944, %max3A_1952 : vector<16xf32>, vector<16xf32>, vector<16xf32>, vector<16xf32>, vector<16xf32>, vector<16xf32>, vector<16xf32>, vector<16xf32>, vector<16xf32>, vector<16xf32>, vector<16xf32>, vector<16xf32>, vector<16xf32>, vector<16xf32>, vector<16xf32>, vector<16xf32>, vector<16xf32>, vector<16xf32>, vector<16xf32>, vector<16xf32>, vector<16xf32>, vector<16xf32>, vector<16xf32>, vector<16xf32>
        }
        %mul3A_1648 = arith.constant 4 : i32
        %mul3A_1649 = arith.muli %shift_right_logical3A_1636, %mul3A_1648 : i32
        %add3A_1650 = arith.addi %sub3A_1602, %mul3A_1649 : i32
        %while3A_1651 = arith.subi %sub3A_1606, %add3A_1650 : i32
        %while3A_1652 = arith.addi %add3A_1650, %while3A_1651 : i32
        %while3A_1653 = arith.constant 1 : i32
        %while3A_1654 = arith.divsi %while3A_1651, %while3A_1653 : i32
        %while3A_1655 = arith.muli %while3A_1654, %while3A_1653 : i32
        %while3A_1656 = arith.addi %add3A_1650, %while3A_1655 : i32
        %while3A_1657 = arith.constant 1 : i32
        %while3A_1658:24 = scf.for %while3A_1661 = %add3A_1650 to %while3A_1656 step %while3A_1657 iter_args(%while3A_1662 = %while3A_1647#0, %while3A_1663 = %while3A_1647#1, %while3A_1664 = %while3A_1647#2, %while3A_1665 = %while3A_1647#3, %while3A_1666 = %while3A_1647#4, %while3A_1667 = %while3A_1647#5, %while3A_1668 = %while3A_1647#6, %while3A_1669 = %while3A_1647#7, %while3A_1670 = %while3A_1647#8, %while3A_1671 = %while3A_1647#9, %while3A_1672 = %while3A_1647#10, %while3A_1673 = %while3A_1647#11, %while3A_1674 = %while3A_1647#12, %while3A_1675 = %while3A_1647#13, %while3A_1676 = %while3A_1647#14, %while3A_1677 = %while3A_1647#15, %while3A_1678 = %while3A_1647#16, %while3A_1679 = %while3A_1647#17, %while3A_1680 = %while3A_1647#18, %while3A_1681 = %while3A_1647#19, %while3A_1682 = %while3A_1647#20, %while3A_1683 = %while3A_1647#21, %while3A_1684 = %while3A_1647#22, %while3A_1685 = %while3A_1647#23) -> (vector<16xf32>, vector<16xf32>, vector<16xf32>, vector<16xf32>, vector<16xf32>, vector<16xf32>, vector<16xf32>, vector<16xf32>, vector<16xf32>, vector<16xf32>, vector<16xf32>, vector<16xf32>, vector<16xf32>, vector<16xf32>, vector<16xf32>, vector<16xf32>, vector<16xf32>, vector<16xf32>, vector<16xf32>, vector<16xf32>, vector<16xf32>, vector<16xf32>, vector<16xf32>, vector<16xf32>)  : i32 {
          %get3A_1686 = arith.index_cast %and3A_1608 : i32 to index
          %get3A_1687 = arith.index_cast %while3A_1661 : i32 to index
          %get3A_1688 = arith.constant 0 : index
          %get3A_1689 = tpu.vector_load %arg10[%get3A_1686, %get3A_1687, %get3A_1688] {strides = array<i32>} : memref<2x128x128xf32, #tpu.memory_space<vmem>>, vector<16xf32>,
          %add3A_1690 = arith.addf %while3A_1662, %get3A_1689 : vector<16xf32>
          %mul3A_1691 = arith.mulf %get3A_1689, %get3A_1689 : vector<16xf32>
          %add3A_1692 = arith.addf %while3A_1670, %mul3A_1691 : vector<16xf32>
          %max3A_1693 = arith.maximumf %while3A_1678, %get3A_1689 : vector<16xf32>
          %get3A_1694 = arith.index_cast %and3A_1608 : i32 to index
          %get3A_1695 = arith.index_cast %while3A_1661 : i32 to index
          %get3A_1696 = arith.constant 16 : index
          %get3A_1697 = tpu.vector_load %arg10[%get3A_1694, %get3A_1695, %get3A_1696] {strides = array<i32>} : memref<2x128x128xf32, #tpu.memory_space<vmem>>, vector<16xf32>,
          %add3A_1698 = arith.addf %while3A_1663, %get3A_1697 : vector<16xf32>
          %mul3A_1699 = arith.mulf %get3A_1697, %get3A_1697 : vector<16xf32>
          %add3A_1700 = arith.addf %while3A_1671, %mul3A_1699 : vector<16xf32>
          %max3A_1701 = arith.maximumf %while3A_1679, %get3A_1697 : vector<16xf32>
          %get3A_1702 = arith.index_cast %and3A_1608 : i32 to index
          %get3A_1703 = arith.index_cast %while3A_1661 : i32 to index
          %get3A_1704 = arith.constant 32 : index
          %get3A_1705 = tpu.vector_load %arg10[%get3A_1702, %get3A_1703, %get3A_1704] {strides = array<i32>} : memref<2x128x128xf32, #tpu.memory_space<vmem>>, vector<16xf32>,
          %add3A_1706 = arith.addf %while3A_1664, %get3A_1705 : vector<16xf32>
          %mul3A_1707 = arith.mulf %get3A_1705, %get3A_1705 : vector<16xf32>
          %add3A_1708 = arith.addf %while3A_1672, %mul3A_1707 : vector<16xf32>
          %max3A_1709 = arith.maximumf %while3A_1680, %get3A_1705 : vector<16xf32>
          %get3A_1710 = arith.index_cast %and3A_1608 : i32 to index
          %get3A_1711 = arith.index_cast %while3A_1661 : i32 to index
          %get3A_1712 = arith.constant 48 : index
          %get3A_1713 = tpu.vector_load %arg10[%get3A_1710, %get3A_1711, %get3A_1712] {strides = array<i32>} : memref<2x128x128xf32, #tpu.memory_space<vmem>>, vector<16xf32>,
          %add3A_1714 = arith.addf %while3A_1665, %get3A_1713 : vector<16xf32>
          %mul3A_1715 = arith.mulf %get3A_1713, %get3A_1713 : vector<16xf32>
          %add3A_1716 = arith.addf %while3A_1673, %mul3A_1715 : vector<16xf32>
          %max3A_1717 = arith.maximumf %while3A_1681, %get3A_1713 : vector<16xf32>
          %get3A_1718 = arith.index_cast %and3A_1608 : i32 to index
          %get3A_1719 = arith.index_cast %while3A_1661 : i32 to index
          %get3A_1720 = arith.constant 64 : index
          %get3A_1721 = tpu.vector_load %arg10[%get3A_1718, %get3A_1719, %get3A_1720] {strides = array<i32>} : memref<2x128x128xf32, #tpu.memory_space<vmem>>, vector<16xf32>,
          %add3A_1722 = arith.addf %while3A_1666, %get3A_1721 : vector<16xf32>
          %mul3A_1723 = arith.mulf %get3A_1721, %get3A_1721 : vector<16xf32>
          %add3A_1724 = arith.addf %while3A_1674, %mul3A_1723 : vector<16xf32>
          %max3A_1725 = arith.maximumf %while3A_1682, %get3A_1721 : vector<16xf32>
          %get3A_1726 = arith.index_cast %and3A_1608 : i32 to index
          %get3A_1727 = arith.index_cast %while3A_1661 : i32 to index
          %get3A_1728 = arith.constant 80 : index
          %get3A_1729 = tpu.vector_load %arg10[%get3A_1726, %get3A_1727, %get3A_1728] {strides = array<i32>} : memref<2x128x128xf32, #tpu.memory_space<vmem>>, vector<16xf32>,
          %add3A_1730 = arith.addf %while3A_1667, %get3A_1729 : vector<16xf32>
          %mul3A_1731 = arith.mulf %get3A_1729, %get3A_1729 : vector<16xf32>
          %add3A_1732 = arith.addf %while3A_1675, %mul3A_1731 : vector<16xf32>
          %max3A_1733 = arith.maximumf %while3A_1683, %get3A_1729 : vector<16xf32>
          %get3A_1734 = arith.index_cast %and3A_1608 : i32 to index
          %get3A_1735 = arith.index_cast %while3A_1661 : i32 to index
          %get3A_1736 = arith.constant 96 : index
          %get3A_1737 = tpu.vector_load %arg10[%get3A_1734, %get3A_1735, %get3A_1736] {strides = array<i32>} : memref<2x128x128xf32, #tpu.memory_space<vmem>>, vector<16xf32>,
          %add3A_1738 = arith.addf %while3A_1668, %get3A_1737 : vector<16xf32>
          %mul3A_1739 = arith.mulf %get3A_1737, %get3A_1737 : vector<16xf32>
          %add3A_1740 = arith.addf %while3A_1676, %mul3A_1739 : vector<16xf32>
          %max3A_1741 = arith.maximumf %while3A_1684, %get3A_1737 : vector<16xf32>
          %get3A_1742 = arith.index_cast %and3A_1608 : i32 to index
          %get3A_1743 = arith.index_cast %while3A_1661 : i32 to index
          %get3A_1744 = arith.constant 112 : index
          %get3A_1745 = tpu.vector_load %arg10[%get3A_1742, %get3A_1743, %get3A_1744] {strides = array<i32>} : memref<2x128x128xf32, #tpu.memory_space<vmem>>, vector<16xf32>,
          %add3A_1746 = arith.addf %while3A_1669, %get3A_1745 : vector<16xf32>
          %mul3A_1747 = arith.mulf %get3A_1745, %get3A_1745 : vector<16xf32>
          %add3A_1748 = arith.addf %while3A_1677, %mul3A_1747 : vector<16xf32>
          %max3A_1749 = arith.maximumf %while3A_1685, %get3A_1745 : vector<16xf32>
          scf.yield %add3A_1690, %add3A_1698, %add3A_1706, %add3A_1714, %add3A_1722, %add3A_1730, %add3A_1738, %add3A_1746, %add3A_1692, %add3A_1700, %add3A_1708, %add3A_1716, %add3A_1724, %add3A_1732, %add3A_1740, %add3A_1748, %max3A_1693, %max3A_1701, %max3A_1709, %max3A_1717, %max3A_1725, %max3A_1733, %max3A_1741, %max3A_1749 : vector<16xf32>, vector<16xf32>, vector<16xf32>, vector<16xf32>, vector<16xf32>, vector<16xf32>, vector<16xf32>, vector<16xf32>, vector<16xf32>, vector<16xf32>, vector<16xf32>, vector<16xf32>, vector<16xf32>, vector<16xf32>, vector<16xf32>, vector<16xf32>, vector<16xf32>, vector<16xf32>, vector<16xf32>, vector<16xf32>, vector<16xf32>, vector<16xf32>, vector<16xf32>, vector<16xf32>
        }
        %while3A_1659 = arith.constant 1 : i32
        %while3A_1660:24 = scf.for %while3A_1661 = %while3A_1656 to %while3A_1652 step %while3A_1659 iter_args(%while3A_1662 = %while3A_1658#0, %while3A_1663 = %while3A_1658#1, %while3A_1664 = %while3A_1658#2, %while3A_1665 = %while3A_1658#3, %while3A_1666 = %while3A_1658#4, %while3A_1667 = %while3A_1658#5, %while3A_1668 = %while3A_1658#6, %while3A_1669 = %while3A_1658#7, %while3A_1670 = %while3A_1658#8, %while3A_1671 = %while3A_1658#9, %while3A_1672 = %while3A_1658#10, %while3A_1673 = %while3A_1658#11, %while3A_1674 = %while3A_1658#12, %while3A_1675 = %while3A_1658#13, %while3A_1676 = %while3A_1658#14, %while3A_1677 = %while3A_1658#15, %while3A_1678 = %while3A_1658#16, %while3A_1679 = %while3A_1658#17, %while3A_1680 = %while3A_1658#18, %while3A_1681 = %while3A_1658#19, %while3A_1682 = %while3A_1658#20, %while3A_1683 = %while3A_1658#21, %while3A_1684 = %while3A_1658#22, %while3A_1685 = %while3A_1658#23) -> (vector<16xf32>, vector<16xf32>, vector<16xf32>, vector<16xf32>, vector<16xf32>, vector<16xf32>, vector<16xf32>, vector<16xf32>, vector<16xf32>, vector<16xf32>, vector<16xf32>, vector<16xf32>, vector<16xf32>, vector<16xf32>, vector<16xf32>, vector<16xf32>, vector<16xf32>, vector<16xf32>, vector<16xf32>, vector<16xf32>, vector<16xf32>, vector<16xf32>, vector<16xf32>, vector<16xf32>)  : i32 {
          %get3A_1686 = arith.index_cast %and3A_1608 : i32 to index
          %get3A_1687 = arith.index_cast %while3A_1661 : i32 to index
          %get3A_1688 = arith.constant 0 : index
          %get3A_1689 = tpu.vector_load %arg10[%get3A_1686, %get3A_1687, %get3A_1688] {strides = array<i32>} : memref<2x128x128xf32, #tpu.memory_space<vmem>>, vector<16xf32>,
          %add3A_1690 = arith.addf %while3A_1662, %get3A_1689 : vector<16xf32>
          %mul3A_1691 = arith.mulf %get3A_1689, %get3A_1689 : vector<16xf32>
          %add3A_1692 = arith.addf %while3A_1670, %mul3A_1691 : vector<16xf32>
          %max3A_1693 = arith.maximumf %while3A_1678, %get3A_1689 : vector<16xf32>
          %get3A_1694 = arith.index_cast %and3A_1608 : i32 to index
          %get3A_1695 = arith.index_cast %while3A_1661 : i32 to index
          %get3A_1696 = arith.constant 16 : index
          %get3A_1697 = tpu.vector_load %arg10[%get3A_1694, %get3A_1695, %get3A_1696] {strides = array<i32>} : memref<2x128x128xf32, #tpu.memory_space<vmem>>, vector<16xf32>,
          %add3A_1698 = arith.addf %while3A_1663, %get3A_1697 : vector<16xf32>
          %mul3A_1699 = arith.mulf %get3A_1697, %get3A_1697 : vector<16xf32>
          %add3A_1700 = arith.addf %while3A_1671, %mul3A_1699 : vector<16xf32>
          %max3A_1701 = arith.maximumf %while3A_1679, %get3A_1697 : vector<16xf32>
          %get3A_1702 = arith.index_cast %and3A_1608 : i32 to index
          %get3A_1703 = arith.index_cast %while3A_1661 : i32 to index
          %get3A_1704 = arith.constant 32 : index
          %get3A_1705 = tpu.vector_load %arg10[%get3A_1702, %get3A_1703, %get3A_1704] {strides = array<i32>} : memref<2x128x128xf32, #tpu.memory_space<vmem>>, vector<16xf32>,
          %add3A_1706 = arith.addf %while3A_1664, %get3A_1705 : vector<16xf32>
          %mul3A_1707 = arith.mulf %get3A_1705, %get3A_1705 : vector<16xf32>
          %add3A_1708 = arith.addf %while3A_1672, %mul3A_1707 : vector<16xf32>
          %max3A_1709 = arith.maximumf %while3A_1680, %get3A_1705 : vector<16xf32>
          %get3A_1710 = arith.index_cast %and3A_1608 : i32 to index
          %get3A_1711 = arith.index_cast %while3A_1661 : i32 to index
          %get3A_1712 = arith.constant 48 : index
          %get3A_1713 = tpu.vector_load %arg10[%get3A_1710, %get3A_1711, %get3A_1712] {strides = array<i32>} : memref<2x128x128xf32, #tpu.memory_space<vmem>>, vector<16xf32>,
          %add3A_1714 = arith.addf %while3A_1665, %get3A_1713 : vector<16xf32>
          %mul3A_1715 = arith.mulf %get3A_1713, %get3A_1713 : vector<16xf32>
          %add3A_1716 = arith.addf %while3A_1673, %mul3A_1715 : vector<16xf32>
          %max3A_1717 = arith.maximumf %while3A_1681, %get3A_1713 : vector<16xf32>
          %get3A_1718 = arith.index_cast %and3A_1608 : i32 to index
          %get3A_1719 = arith.index_cast %while3A_1661 : i32 to index
          %get3A_1720 = arith.constant 64 : index
          %get3A_1721 = tpu.vector_load %arg10[%get3A_1718, %get3A_1719, %get3A_1720] {strides = array<i32>} : memref<2x128x128xf32, #tpu.memory_space<vmem>>, vector<16xf32>,
          %add3A_1722 = arith.addf %while3A_1666, %get3A_1721 : vector<16xf32>
          %mul3A_1723 = arith.mulf %get3A_1721, %get3A_1721 : vector<16xf32>
          %add3A_1724 = arith.addf %while3A_1674, %mul3A_1723 : vector<16xf32>
          %max3A_1725 = arith.maximumf %while3A_1682, %get3A_1721 : vector<16xf32>
          %get3A_1726 = arith.index_cast %and3A_1608 : i32 to index
          %get3A_1727 = arith.index_cast %while3A_1661 : i32 to index
          %get3A_1728 = arith.constant 80 : index
          %get3A_1729 = tpu.vector_load %arg10[%get3A_1726, %get3A_1727, %get3A_1728] {strides = array<i32>} : memref<2x128x128xf32, #tpu.memory_space<vmem>>, vector<16xf32>,
          %add3A_1730 = arith.addf %while3A_1667, %get3A_1729 : vector<16xf32>
          %mul3A_1731 = arith.mulf %get3A_1729, %get3A_1729 : vector<16xf32>
          %add3A_1732 = arith.addf %while3A_1675, %mul3A_1731 : vector<16xf32>
          %max3A_1733 = arith.maximumf %while3A_1683, %get3A_1729 : vector<16xf32>
          %get3A_1734 = arith.index_cast %and3A_1608 : i32 to index
          %get3A_1735 = arith.index_cast %while3A_1661 : i32 to index
          %get3A_1736 = arith.constant 96 : index
          %get3A_1737 = tpu.vector_load %arg10[%get3A_1734, %get3A_1735, %get3A_1736] {strides = array<i32>} : memref<2x128x128xf32, #tpu.memory_space<vmem>>, vector<16xf32>,
          %add3A_1738 = arith.addf %while3A_1668, %get3A_1737 : vector<16xf32>
          %mul3A_1739 = arith.mulf %get3A_1737, %get3A_1737 : vector<16xf32>
          %add3A_1740 = arith.addf %while3A_1676, %mul3A_1739 : vector<16xf32>
          %max3A_1741 = arith.maximumf %while3A_1684, %get3A_1737 : vector<16xf32>
          %get3A_1742 = arith.index_cast %and3A_1608 : i32 to index
          %get3A_1743 = arith.index_cast %while3A_1661 : i32 to index
          %get3A_1744 = arith.constant 112 : index
          %get3A_1745 = tpu.vector_load %arg10[%get3A_1742, %get3A_1743, %get3A_1744] {strides = array<i32>} : memref<2x128x128xf32, #tpu.memory_space<vmem>>, vector<16xf32>,
          %add3A_1746 = arith.addf %while3A_1669, %get3A_1745 : vector<16xf32>
          %mul3A_1747 = arith.mulf %get3A_1745, %get3A_1745 : vector<16xf32>
          %add3A_1748 = arith.addf %while3A_1677, %mul3A_1747 : vector<16xf32>
          %max3A_1749 = arith.maximumf %while3A_1685, %get3A_1745 : vector<16xf32>
          scf.yield %add3A_1690, %add3A_1698, %add3A_1706, %add3A_1714, %add3A_1722, %add3A_1730, %add3A_1738, %add3A_1746, %add3A_1692, %add3A_1700, %add3A_1708, %add3A_1716, %add3A_1724, %add3A_1732, %add3A_1740, %add3A_1748, %max3A_1693, %max3A_1701, %max3A_1709, %max3A_1717, %max3A_1725, %max3A_1733, %max3A_1741, %max3A_1749 : vector<16xf32>, vector<16xf32>, vector<16xf32>, vector<16xf32>, vector<16xf32>, vector<16xf32>, vector<16xf32>, vector<16xf32>, vector<16xf32>, vector<16xf32>, vector<16xf32>, vector<16xf32>, vector<16xf32>, vector<16xf32>, vector<16xf32>, vector<16xf32>, vector<16xf32>, vector<16xf32>, vector<16xf32>, vector<16xf32>, vector<16xf32>, vector<16xf32>, vector<16xf32>, vector<16xf32>
        }
        scf.yield %while3A_1660#0, %while3A_1660#1, %while3A_1660#2, %while3A_1660#3, %while3A_1660#4, %while3A_1660#5, %while3A_1660#6, %while3A_1660#7, %while3A_1660#8, %while3A_1660#9, %while3A_1660#10, %while3A_1660#11, %while3A_1660#12, %while3A_1660#13, %while3A_1660#14, %while3A_1660#15, %while3A_1660#16, %while3A_1660#17, %while3A_1660#18, %while3A_1660#19, %while3A_1660#20, %while3A_1660#21, %while3A_1660#22, %while3A_1660#23 : vector<16xf32>, vector<16xf32>, vector<16xf32>, vector<16xf32>, vector<16xf32>, vector<16xf32>, vector<16xf32>, vector<16xf32>, vector<16xf32>, vector<16xf32>, vector<16xf32>, vector<16xf32>, vector<16xf32>, vector<16xf32>, vector<16xf32>, vector<16xf32>, vector<16xf32>, vector<16xf32>, vector<16xf32>, vector<16xf32>, vector<16xf32>, vector<16xf32>, vector<16xf32>, vector<16xf32>
      }
      %sub3A_940 = arith.subi %squeeze3A_917, %squeeze3A : i32
      %convert_element_type3A_941 = arith.sitofp %sub3A_940 : i32 to f32
      %broadcast_in_dim3A_942 = arith.constant 0.000000e+00 : f32
      %broadcast_in_dim3A_943 = vector.broadcast %broadcast_in_dim3A_942 : f32 to vector<16xf32>
      %add3A_944 = vector.broadcast %convert_element_type3A_941 : f32 to vector<16xf32>
      %add3A_945 = arith.addf %broadcast_in_dim3A_943, %add3A_944 : vector<16xf32>
      %max3A = arith.constant 1.000000e+00 : f32
      %max3A_946 = vector.broadcast %max3A : f32 to vector<16xf32>
      %max3A_947 = arith.maximumf %add3A_945, %max3A_946 : vector<16xf32>
      %div3A = arith.constant 1.000000e+00 : f32
      %div3A_948 = vector.broadcast %div3A : f32 to vector<16xf32>
      %div3A_949 = arith.divf %div3A_948, %max3A_947 : vector<16xf32>
      %mul3A_950 = arith.constant 512 : i32
      %mul3A_951 = arith.muli %scan3A_908, %mul3A_950 : i32
      %mul3A_952 = arith.mulf %while3A_939#0, %div3A_949 : vector<16xf32>
      %mul3A_953 = arith.mulf %while3A_939#8, %div3A_949 : vector<16xf32>
      %mul3A_954 = arith.mulf %mul3A_952, %mul3A_952 : vector<16xf32>
      %sub3A_955 = arith.subf %mul3A_953, %mul3A_954 : vector<16xf32>
      %max3A_956 = arith.constant 0.000000e+00 : f32
      %max3A_957 = vector.broadcast %max3A_956 : f32 to vector<16xf32>
      %max3A_958 = arith.maximumf %sub3A_955, %max3A_957 : vector<16xf32>
      %add3A_959 = arith.constant 9.99999997E-7 : f32
      %add3A_960 = vector.broadcast %add3A_959 : f32 to vector<16xf32>
      %add3A_961 = arith.addf %max3A_958, %add3A_960 : vector<16xf32>
      %bitcast3A = vector.bitcast %add3A_961 : vector<16xf32> to vector<16xi32>
      %shift_right_logical3A_962 = arith.constant 1 : i32
      %shift_right_logical3A_963 = vector.broadcast %shift_right_logical3A_962 : i32 to vector<16xi32>
      %shift_right_logical3A_964 = arith.shrui %bitcast3A, %shift_right_logical3A_963 : vector<16xi32>
      %sub3A_965 = arith.constant 1597463007 : i32
      %sub3A_966 = vector.broadcast %sub3A_965 : i32 to vector<16xi32>
      %sub3A_967 = arith.subi %sub3A_966, %shift_right_logical3A_964 : vector<16xi32>
      %bitcast3A_968 = vector.bitcast %sub3A_967 : vector<16xi32> to vector<16xf32>
      %mul3A_969 = arith.constant 5.000000e-01 : f32
      %mul3A_970 = vector.broadcast %mul3A_969 : f32 to vector<16xf32>
      %mul3A_971 = arith.mulf %mul3A_970, %add3A_961 : vector<16xf32>
      %mul3A_972 = arith.mulf %mul3A_971, %bitcast3A_968 : vector<16xf32>
      %mul3A_973 = arith.mulf %mul3A_972, %bitcast3A_968 : vector<16xf32>
      %sub3A_974 = arith.constant 1.500000e+00 : f32
      %sub3A_975 = vector.broadcast %sub3A_974 : f32 to vector<16xf32>
      %sub3A_976 = arith.subf %sub3A_975, %mul3A_973 : vector<16xf32>
      %mul3A_977 = arith.mulf %bitcast3A_968, %sub3A_976 : vector<16xf32>
      %mul3A_978 = arith.constant 5.000000e-01 : f32
      %mul3A_979 = vector.broadcast %mul3A_978 : f32 to vector<16xf32>
      %mul3A_980 = arith.mulf %mul3A_979, %add3A_961 : vector<16xf32>
      %mul3A_981 = arith.mulf %mul3A_980, %mul3A_977 : vector<16xf32>
      %mul3A_982 = arith.mulf %mul3A_981, %mul3A_977 : vector<16xf32>
      %sub3A_983 = arith.constant 1.500000e+00 : f32
      %sub3A_984 = vector.broadcast %sub3A_983 : f32 to vector<16xf32>
      %sub3A_985 = arith.subf %sub3A_984, %mul3A_982 : vector<16xf32>
      %mul3A_986 = arith.mulf %mul3A_977, %sub3A_985 : vector<16xf32>
      %mul3A_987 = arith.constant 5.000000e-01 : f32
      %mul3A_988 = vector.broadcast %mul3A_987 : f32 to vector<16xf32>
      %mul3A_989 = arith.mulf %mul3A_988, %add3A_961 : vector<16xf32>
      %mul3A_990 = arith.mulf %mul3A_989, %mul3A_986 : vector<16xf32>
      %mul3A_991 = arith.mulf %mul3A_990, %mul3A_986 : vector<16xf32>
      %sub3A_992 = arith.constant 1.500000e+00 : f32
      %sub3A_993 = vector.broadcast %sub3A_992 : f32 to vector<16xf32>
      %sub3A_994 = arith.subf %sub3A_993, %mul3A_991 : vector<16xf32>
      %mul3A_995 = arith.mulf %mul3A_986, %sub3A_994 : vector<16xf32>
      %mul3A_996 = arith.constant 5.000000e-01 : f32
      %mul3A_997 = vector.broadcast %mul3A_996 : f32 to vector<16xf32>
      %mul3A_998 = arith.mulf %mul3A_997, %add3A_961 : vector<16xf32>
      %mul3A_999 = arith.mulf %mul3A_998, %mul3A_995 : vector<16xf32>
      %mul3A_1000 = arith.mulf %mul3A_999, %mul3A_995 : vector<16xf32>
      %sub3A_1001 = arith.constant 1.500000e+00 : f32
      %sub3A_1002 = vector.broadcast %sub3A_1001 : f32 to vector<16xf32>
      %sub3A_1003 = arith.subf %sub3A_1002, %mul3A_1000 : vector<16xf32>
      %mul3A_1004 = arith.mulf %mul3A_995, %sub3A_1003 : vector<16xf32>
      %mul3A_1005 = arith.mulf %add3A_961, %mul3A_1004 : vector<16xf32>
      %add3A_1006 = arith.constant 0 : i32
      %add3A_1007 = arith.addi %mul3A_951, %add3A_1006 : i32
      %swap3A_1008 = arith.index_cast %add3A_1007 : i32 to index
      %swap3A_1009 = tpu.vector_load %arg11[%swap3A_1008] {strides = array<i32>} : memref<8192xf32, #tpu.memory_space<vmem>>, vector<16xf32>,
      tpu.vector_store %arg11[%swap3A_1008], %mul3A_952 {strides = array<i32>} : memref<8192xf32, #tpu.memory_space<vmem>>, vector<16xf32>,
      %add3A_1010 = arith.constant 128 : i32
      %add3A_1011 = arith.addi %mul3A_951, %add3A_1010 : i32
      %add3A_1012 = arith.constant 0 : i32
      %add3A_1013 = arith.addi %add3A_1011, %add3A_1012 : i32
      %swap3A_1014 = arith.index_cast %add3A_1013 : i32 to index
      %swap3A_1015 = tpu.vector_load %arg11[%swap3A_1014] {strides = array<i32>} : memref<8192xf32, #tpu.memory_space<vmem>>, vector<16xf32>,
      tpu.vector_store %arg11[%swap3A_1014], %while3A_939#16 {strides = array<i32>} : memref<8192xf32, #tpu.memory_space<vmem>>, vector<16xf32>,
      %add3A_1016 = arith.constant 256 : i32
      %add3A_1017 = arith.addi %mul3A_951, %add3A_1016 : i32
      %add3A_1018 = arith.constant 0 : i32
      %add3A_1019 = arith.addi %add3A_1017, %add3A_1018 : i32
      %swap3A_1020 = arith.index_cast %add3A_1019 : i32 to index
      %swap3A_1021 = tpu.vector_load %arg11[%swap3A_1020] {strides = array<i32>} : memref<8192xf32, #tpu.memory_space<vmem>>, vector<16xf32>,
      tpu.vector_store %arg11[%swap3A_1020], %while3A_939#0 {strides = array<i32>} : memref<8192xf32, #tpu.memory_space<vmem>>, vector<16xf32>,
      %add3A_1022 = arith.constant 384 : i32
      %add3A_1023 = arith.addi %mul3A_951, %add3A_1022 : i32
      %add3A_1024 = arith.constant 0 : i32
      %add3A_1025 = arith.addi %add3A_1023, %add3A_1024 : i32
      %swap3A_1026 = arith.index_cast %add3A_1025 : i32 to index
      %swap3A_1027 = tpu.vector_load %arg11[%swap3A_1026] {strides = array<i32>} : memref<8192xf32, #tpu.memory_space<vmem>>, vector<16xf32>,
      tpu.vector_store %arg11[%swap3A_1026], %mul3A_1005 {strides = array<i32>} : memref<8192xf32, #tpu.memory_space<vmem>>, vector<16xf32>,
      %mul3A_1028 = arith.mulf %while3A_939#1, %div3A_949 : vector<16xf32>
      %mul3A_1029 = arith.mulf %while3A_939#9, %div3A_949 : vector<16xf32>
      %mul3A_1030 = arith.mulf %mul3A_1028, %mul3A_1028 : vector<16xf32>
      %sub3A_1031 = arith.subf %mul3A_1029, %mul3A_1030 : vector<16xf32>
      %max3A_1032 = arith.constant 0.000000e+00 : f32
      %max3A_1033 = vector.broadcast %max3A_1032 : f32 to vector<16xf32>
      %max3A_1034 = arith.maximumf %sub3A_1031, %max3A_1033 : vector<16xf32>
      %add3A_1035 = arith.constant 9.99999997E-7 : f32
      %add3A_1036 = vector.broadcast %add3A_1035 : f32 to vector<16xf32>
      %add3A_1037 = arith.addf %max3A_1034, %add3A_1036 : vector<16xf32>
      %bitcast3A_1038 = vector.bitcast %add3A_1037 : vector<16xf32> to vector<16xi32>
      %shift_right_logical3A_1039 = arith.constant 1 : i32
      %shift_right_logical3A_1040 = vector.broadcast %shift_right_logical3A_1039 : i32 to vector<16xi32>
      %shift_right_logical3A_1041 = arith.shrui %bitcast3A_1038, %shift_right_logical3A_1040 : vector<16xi32>
      %sub3A_1042 = arith.constant 1597463007 : i32
      %sub3A_1043 = vector.broadcast %sub3A_1042 : i32 to vector<16xi32>
      %sub3A_1044 = arith.subi %sub3A_1043, %shift_right_logical3A_1041 : vector<16xi32>
      %bitcast3A_1045 = vector.bitcast %sub3A_1044 : vector<16xi32> to vector<16xf32>
      %mul3A_1046 = arith.constant 5.000000e-01 : f32
      %mul3A_1047 = vector.broadcast %mul3A_1046 : f32 to vector<16xf32>
      %mul3A_1048 = arith.mulf %mul3A_1047, %add3A_1037 : vector<16xf32>
      %mul3A_1049 = arith.mulf %mul3A_1048, %bitcast3A_1045 : vector<16xf32>
      %mul3A_1050 = arith.mulf %mul3A_1049, %bitcast3A_1045 : vector<16xf32>
      %sub3A_1051 = arith.constant 1.500000e+00 : f32
      %sub3A_1052 = vector.broadcast %sub3A_1051 : f32 to vector<16xf32>
      %sub3A_1053 = arith.subf %sub3A_1052, %mul3A_1050 : vector<16xf32>
      %mul3A_1054 = arith.mulf %bitcast3A_1045, %sub3A_1053 : vector<16xf32>
      %mul3A_1055 = arith.constant 5.000000e-01 : f32
      %mul3A_1056 = vector.broadcast %mul3A_1055 : f32 to vector<16xf32>
      %mul3A_1057 = arith.mulf %mul3A_1056, %add3A_1037 : vector<16xf32>
      %mul3A_1058 = arith.mulf %mul3A_1057, %mul3A_1054 : vector<16xf32>
      %mul3A_1059 = arith.mulf %mul3A_1058, %mul3A_1054 : vector<16xf32>
      %sub3A_1060 = arith.constant 1.500000e+00 : f32
      %sub3A_1061 = vector.broadcast %sub3A_1060 : f32 to vector<16xf32>
      %sub3A_1062 = arith.subf %sub3A_1061, %mul3A_1059 : vector<16xf32>
      %mul3A_1063 = arith.mulf %mul3A_1054, %sub3A_1062 : vector<16xf32>
      %mul3A_1064 = arith.constant 5.000000e-01 : f32
      %mul3A_1065 = vector.broadcast %mul3A_1064 : f32 to vector<16xf32>
      %mul3A_1066 = arith.mulf %mul3A_1065, %add3A_1037 : vector<16xf32>
      %mul3A_1067 = arith.mulf %mul3A_1066, %mul3A_1063 : vector<16xf32>
      %mul3A_1068 = arith.mulf %mul3A_1067, %mul3A_1063 : vector<16xf32>
      %sub3A_1069 = arith.constant 1.500000e+00 : f32
      %sub3A_1070 = vector.broadcast %sub3A_1069 : f32 to vector<16xf32>
      %sub3A_1071 = arith.subf %sub3A_1070, %mul3A_1068 : vector<16xf32>
      %mul3A_1072 = arith.mulf %mul3A_1063, %sub3A_1071 : vector<16xf32>
      %mul3A_1073 = arith.constant 5.000000e-01 : f32
      %mul3A_1074 = vector.broadcast %mul3A_1073 : f32 to vector<16xf32>
      %mul3A_1075 = arith.mulf %mul3A_1074, %add3A_1037 : vector<16xf32>
      %mul3A_1076 = arith.mulf %mul3A_1075, %mul3A_1072 : vector<16xf32>
      %mul3A_1077 = arith.mulf %mul3A_1076, %mul3A_1072 : vector<16xf32>
      %sub3A_1078 = arith.constant 1.500000e+00 : f32
      %sub3A_1079 = vector.broadcast %sub3A_1078 : f32 to vector<16xf32>
      %sub3A_1080 = arith.subf %sub3A_1079, %mul3A_1077 : vector<16xf32>
      %mul3A_1081 = arith.mulf %mul3A_1072, %sub3A_1080 : vector<16xf32>
      %mul3A_1082 = arith.mulf %add3A_1037, %mul3A_1081 : vector<16xf32>
      %add3A_1083 = arith.constant 16 : i32
      %add3A_1084 = arith.addi %mul3A_951, %add3A_1083 : i32
      %swap3A_1085 = arith.index_cast %add3A_1084 : i32 to index
      %swap3A_1086 = tpu.vector_load %arg11[%swap3A_1085] {strides = array<i32>} : memref<8192xf32, #tpu.memory_space<vmem>>, vector<16xf32>,
      tpu.vector_store %arg11[%swap3A_1085], %mul3A_1028 {strides = array<i32>} : memref<8192xf32, #tpu.memory_space<vmem>>, vector<16xf32>,
      %add3A_1087 = arith.constant 128 : i32
      %add3A_1088 = arith.addi %mul3A_951, %add3A_1087 : i32
      %add3A_1089 = arith.constant 16 : i32
      %add3A_1090 = arith.addi %add3A_1088, %add3A_1089 : i32
      %swap3A_1091 = arith.index_cast %add3A_1090 : i32 to index
      %swap3A_1092 = tpu.vector_load %arg11[%swap3A_1091] {strides = array<i32>} : memref<8192xf32, #tpu.memory_space<vmem>>, vector<16xf32>,
      tpu.vector_store %arg11[%swap3A_1091], %while3A_939#17 {strides = array<i32>} : memref<8192xf32, #tpu.memory_space<vmem>>, vector<16xf32>,
      %add3A_1093 = arith.constant 256 : i32
      %add3A_1094 = arith.addi %mul3A_951, %add3A_1093 : i32
      %add3A_1095 = arith.constant 16 : i32
      %add3A_1096 = arith.addi %add3A_1094, %add3A_1095 : i32
      %swap3A_1097 = arith.index_cast %add3A_1096 : i32 to index
      %swap3A_1098 = tpu.vector_load %arg11[%swap3A_1097] {strides = array<i32>} : memref<8192xf32, #tpu.memory_space<vmem>>, vector<16xf32>,
      tpu.vector_store %arg11[%swap3A_1097], %while3A_939#1 {strides = array<i32>} : memref<8192xf32, #tpu.memory_space<vmem>>, vector<16xf32>,
      %add3A_1099 = arith.constant 384 : i32
      %add3A_1100 = arith.addi %mul3A_951, %add3A_1099 : i32
      %add3A_1101 = arith.constant 16 : i32
      %add3A_1102 = arith.addi %add3A_1100, %add3A_1101 : i32
      %swap3A_1103 = arith.index_cast %add3A_1102 : i32 to index
      %swap3A_1104 = tpu.vector_load %arg11[%swap3A_1103] {strides = array<i32>} : memref<8192xf32, #tpu.memory_space<vmem>>, vector<16xf32>,
      tpu.vector_store %arg11[%swap3A_1103], %mul3A_1082 {strides = array<i32>} : memref<8192xf32, #tpu.memory_space<vmem>>, vector<16xf32>,
      %mul3A_1105 = arith.mulf %while3A_939#2, %div3A_949 : vector<16xf32>
      %mul3A_1106 = arith.mulf %while3A_939#10, %div3A_949 : vector<16xf32>
      %mul3A_1107 = arith.mulf %mul3A_1105, %mul3A_1105 : vector<16xf32>
      %sub3A_1108 = arith.subf %mul3A_1106, %mul3A_1107 : vector<16xf32>
      %max3A_1109 = arith.constant 0.000000e+00 : f32
      %max3A_1110 = vector.broadcast %max3A_1109 : f32 to vector<16xf32>
      %max3A_1111 = arith.maximumf %sub3A_1108, %max3A_1110 : vector<16xf32>
      %add3A_1112 = arith.constant 9.99999997E-7 : f32
      %add3A_1113 = vector.broadcast %add3A_1112 : f32 to vector<16xf32>
      %add3A_1114 = arith.addf %max3A_1111, %add3A_1113 : vector<16xf32>
      %bitcast3A_1115 = vector.bitcast %add3A_1114 : vector<16xf32> to vector<16xi32>
      %shift_right_logical3A_1116 = arith.constant 1 : i32
      %shift_right_logical3A_1117 = vector.broadcast %shift_right_logical3A_1116 : i32 to vector<16xi32>
      %shift_right_logical3A_1118 = arith.shrui %bitcast3A_1115, %shift_right_logical3A_1117 : vector<16xi32>
      %sub3A_1119 = arith.constant 1597463007 : i32
      %sub3A_1120 = vector.broadcast %sub3A_1119 : i32 to vector<16xi32>
      %sub3A_1121 = arith.subi %sub3A_1120, %shift_right_logical3A_1118 : vector<16xi32>
      %bitcast3A_1122 = vector.bitcast %sub3A_1121 : vector<16xi32> to vector<16xf32>
      %mul3A_1123 = arith.constant 5.000000e-01 : f32
      %mul3A_1124 = vector.broadcast %mul3A_1123 : f32 to vector<16xf32>
      %mul3A_1125 = arith.mulf %mul3A_1124, %add3A_1114 : vector<16xf32>
      %mul3A_1126 = arith.mulf %mul3A_1125, %bitcast3A_1122 : vector<16xf32>
      %mul3A_1127 = arith.mulf %mul3A_1126, %bitcast3A_1122 : vector<16xf32>
      %sub3A_1128 = arith.constant 1.500000e+00 : f32
      %sub3A_1129 = vector.broadcast %sub3A_1128 : f32 to vector<16xf32>
      %sub3A_1130 = arith.subf %sub3A_1129, %mul3A_1127 : vector<16xf32>
      %mul3A_1131 = arith.mulf %bitcast3A_1122, %sub3A_1130 : vector<16xf32>
      %mul3A_1132 = arith.constant 5.000000e-01 : f32
      %mul3A_1133 = vector.broadcast %mul3A_1132 : f32 to vector<16xf32>
      %mul3A_1134 = arith.mulf %mul3A_1133, %add3A_1114 : vector<16xf32>
      %mul3A_1135 = arith.mulf %mul3A_1134, %mul3A_1131 : vector<16xf32>
      %mul3A_1136 = arith.mulf %mul3A_1135, %mul3A_1131 : vector<16xf32>
      %sub3A_1137 = arith.constant 1.500000e+00 : f32
      %sub3A_1138 = vector.broadcast %sub3A_1137 : f32 to vector<16xf32>
      %sub3A_1139 = arith.subf %sub3A_1138, %mul3A_1136 : vector<16xf32>
      %mul3A_1140 = arith.mulf %mul3A_1131, %sub3A_1139 : vector<16xf32>
      %mul3A_1141 = arith.constant 5.000000e-01 : f32
      %mul3A_1142 = vector.broadcast %mul3A_1141 : f32 to vector<16xf32>
      %mul3A_1143 = arith.mulf %mul3A_1142, %add3A_1114 : vector<16xf32>
      %mul3A_1144 = arith.mulf %mul3A_1143, %mul3A_1140 : vector<16xf32>
      %mul3A_1145 = arith.mulf %mul3A_1144, %mul3A_1140 : vector<16xf32>
      %sub3A_1146 = arith.constant 1.500000e+00 : f32
      %sub3A_1147 = vector.broadcast %sub3A_1146 : f32 to vector<16xf32>
      %sub3A_1148 = arith.subf %sub3A_1147, %mul3A_1145 : vector<16xf32>
      %mul3A_1149 = arith.mulf %mul3A_1140, %sub3A_1148 : vector<16xf32>
      %mul3A_1150 = arith.constant 5.000000e-01 : f32
      %mul3A_1151 = vector.broadcast %mul3A_1150 : f32 to vector<16xf32>
      %mul3A_1152 = arith.mulf %mul3A_1151, %add3A_1114 : vector<16xf32>
      %mul3A_1153 = arith.mulf %mul3A_1152, %mul3A_1149 : vector<16xf32>
      %mul3A_1154 = arith.mulf %mul3A_1153, %mul3A_1149 : vector<16xf32>
      %sub3A_1155 = arith.constant 1.500000e+00 : f32
      %sub3A_1156 = vector.broadcast %sub3A_1155 : f32 to vector<16xf32>
      %sub3A_1157 = arith.subf %sub3A_1156, %mul3A_1154 : vector<16xf32>
      %mul3A_1158 = arith.mulf %mul3A_1149, %sub3A_1157 : vector<16xf32>
      %mul3A_1159 = arith.mulf %add3A_1114, %mul3A_1158 : vector<16xf32>
      %add3A_1160 = arith.constant 32 : i32
      %add3A_1161 = arith.addi %mul3A_951, %add3A_1160 : i32
      %swap3A_1162 = arith.index_cast %add3A_1161 : i32 to index
      %swap3A_1163 = tpu.vector_load %arg11[%swap3A_1162] {strides = array<i32>} : memref<8192xf32, #tpu.memory_space<vmem>>, vector<16xf32>,
      tpu.vector_store %arg11[%swap3A_1162], %mul3A_1105 {strides = array<i32>} : memref<8192xf32, #tpu.memory_space<vmem>>, vector<16xf32>,
      %add3A_1164 = arith.constant 128 : i32
      %add3A_1165 = arith.addi %mul3A_951, %add3A_1164 : i32
      %add3A_1166 = arith.constant 32 : i32
      %add3A_1167 = arith.addi %add3A_1165, %add3A_1166 : i32
      %swap3A_1168 = arith.index_cast %add3A_1167 : i32 to index
      %swap3A_1169 = tpu.vector_load %arg11[%swap3A_1168] {strides = array<i32>} : memref<8192xf32, #tpu.memory_space<vmem>>, vector<16xf32>,
      tpu.vector_store %arg11[%swap3A_1168], %while3A_939#18 {strides = array<i32>} : memref<8192xf32, #tpu.memory_space<vmem>>, vector<16xf32>,
      %add3A_1170 = arith.constant 256 : i32
      %add3A_1171 = arith.addi %mul3A_951, %add3A_1170 : i32
      %add3A_1172 = arith.constant 32 : i32
      %add3A_1173 = arith.addi %add3A_1171, %add3A_1172 : i32
      %swap3A_1174 = arith.index_cast %add3A_1173 : i32 to index
      %swap3A_1175 = tpu.vector_load %arg11[%swap3A_1174] {strides = array<i32>} : memref<8192xf32, #tpu.memory_space<vmem>>, vector<16xf32>,
      tpu.vector_store %arg11[%swap3A_1174], %while3A_939#2 {strides = array<i32>} : memref<8192xf32, #tpu.memory_space<vmem>>, vector<16xf32>,
      %add3A_1176 = arith.constant 384 : i32
      %add3A_1177 = arith.addi %mul3A_951, %add3A_1176 : i32
      %add3A_1178 = arith.constant 32 : i32
      %add3A_1179 = arith.addi %add3A_1177, %add3A_1178 : i32
      %swap3A_1180 = arith.index_cast %add3A_1179 : i32 to index
      %swap3A_1181 = tpu.vector_load %arg11[%swap3A_1180] {strides = array<i32>} : memref<8192xf32, #tpu.memory_space<vmem>>, vector<16xf32>,
      tpu.vector_store %arg11[%swap3A_1180], %mul3A_1159 {strides = array<i32>} : memref<8192xf32, #tpu.memory_space<vmem>>, vector<16xf32>,
      %mul3A_1182 = arith.mulf %while3A_939#3, %div3A_949 : vector<16xf32>
      %mul3A_1183 = arith.mulf %while3A_939#11, %div3A_949 : vector<16xf32>
      %mul3A_1184 = arith.mulf %mul3A_1182, %mul3A_1182 : vector<16xf32>
      %sub3A_1185 = arith.subf %mul3A_1183, %mul3A_1184 : vector<16xf32>
      %max3A_1186 = arith.constant 0.000000e+00 : f32
      %max3A_1187 = vector.broadcast %max3A_1186 : f32 to vector<16xf32>
      %max3A_1188 = arith.maximumf %sub3A_1185, %max3A_1187 : vector<16xf32>
      %add3A_1189 = arith.constant 9.99999997E-7 : f32
      %add3A_1190 = vector.broadcast %add3A_1189 : f32 to vector<16xf32>
      %add3A_1191 = arith.addf %max3A_1188, %add3A_1190 : vector<16xf32>
      %bitcast3A_1192 = vector.bitcast %add3A_1191 : vector<16xf32> to vector<16xi32>
      %shift_right_logical3A_1193 = arith.constant 1 : i32
      %shift_right_logical3A_1194 = vector.broadcast %shift_right_logical3A_1193 : i32 to vector<16xi32>
      %shift_right_logical3A_1195 = arith.shrui %bitcast3A_1192, %shift_right_logical3A_1194 : vector<16xi32>
      %sub3A_1196 = arith.constant 1597463007 : i32
      %sub3A_1197 = vector.broadcast %sub3A_1196 : i32 to vector<16xi32>
      %sub3A_1198 = arith.subi %sub3A_1197, %shift_right_logical3A_1195 : vector<16xi32>
      %bitcast3A_1199 = vector.bitcast %sub3A_1198 : vector<16xi32> to vector<16xf32>
      %mul3A_1200 = arith.constant 5.000000e-01 : f32
      %mul3A_1201 = vector.broadcast %mul3A_1200 : f32 to vector<16xf32>
      %mul3A_1202 = arith.mulf %mul3A_1201, %add3A_1191 : vector<16xf32>
      %mul3A_1203 = arith.mulf %mul3A_1202, %bitcast3A_1199 : vector<16xf32>
      %mul3A_1204 = arith.mulf %mul3A_1203, %bitcast3A_1199 : vector<16xf32>
      %sub3A_1205 = arith.constant 1.500000e+00 : f32
      %sub3A_1206 = vector.broadcast %sub3A_1205 : f32 to vector<16xf32>
      %sub3A_1207 = arith.subf %sub3A_1206, %mul3A_1204 : vector<16xf32>
      %mul3A_1208 = arith.mulf %bitcast3A_1199, %sub3A_1207 : vector<16xf32>
      %mul3A_1209 = arith.constant 5.000000e-01 : f32
      %mul3A_1210 = vector.broadcast %mul3A_1209 : f32 to vector<16xf32>
      %mul3A_1211 = arith.mulf %mul3A_1210, %add3A_1191 : vector<16xf32>
      %mul3A_1212 = arith.mulf %mul3A_1211, %mul3A_1208 : vector<16xf32>
      %mul3A_1213 = arith.mulf %mul3A_1212, %mul3A_1208 : vector<16xf32>
      %sub3A_1214 = arith.constant 1.500000e+00 : f32
      %sub3A_1215 = vector.broadcast %sub3A_1214 : f32 to vector<16xf32>
      %sub3A_1216 = arith.subf %sub3A_1215, %mul3A_1213 : vector<16xf32>
      %mul3A_1217 = arith.mulf %mul3A_1208, %sub3A_1216 : vector<16xf32>
      %mul3A_1218 = arith.constant 5.000000e-01 : f32
      %mul3A_1219 = vector.broadcast %mul3A_1218 : f32 to vector<16xf32>
      %mul3A_1220 = arith.mulf %mul3A_1219, %add3A_1191 : vector<16xf32>
      %mul3A_1221 = arith.mulf %mul3A_1220, %mul3A_1217 : vector<16xf32>
      %mul3A_1222 = arith.mulf %mul3A_1221, %mul3A_1217 : vector<16xf32>
      %sub3A_1223 = arith.constant 1.500000e+00 : f32
      %sub3A_1224 = vector.broadcast %sub3A_1223 : f32 to vector<16xf32>
      %sub3A_1225 = arith.subf %sub3A_1224, %mul3A_1222 : vector<16xf32>
      %mul3A_1226 = arith.mulf %mul3A_1217, %sub3A_1225 : vector<16xf32>
      %mul3A_1227 = arith.constant 5.000000e-01 : f32
      %mul3A_1228 = vector.broadcast %mul3A_1227 : f32 to vector<16xf32>
      %mul3A_1229 = arith.mulf %mul3A_1228, %add3A_1191 : vector<16xf32>
      %mul3A_1230 = arith.mulf %mul3A_1229, %mul3A_1226 : vector<16xf32>
      %mul3A_1231 = arith.mulf %mul3A_1230, %mul3A_1226 : vector<16xf32>
      %sub3A_1232 = arith.constant 1.500000e+00 : f32
      %sub3A_1233 = vector.broadcast %sub3A_1232 : f32 to vector<16xf32>
      %sub3A_1234 = arith.subf %sub3A_1233, %mul3A_1231 : vector<16xf32>
      %mul3A_1235 = arith.mulf %mul3A_1226, %sub3A_1234 : vector<16xf32>
      %mul3A_1236 = arith.mulf %add3A_1191, %mul3A_1235 : vector<16xf32>
      %add3A_1237 = arith.constant 48 : i32
      %add3A_1238 = arith.addi %mul3A_951, %add3A_1237 : i32
      %swap3A_1239 = arith.index_cast %add3A_1238 : i32 to index
      %swap3A_1240 = tpu.vector_load %arg11[%swap3A_1239] {strides = array<i32>} : memref<8192xf32, #tpu.memory_space<vmem>>, vector<16xf32>,
      tpu.vector_store %arg11[%swap3A_1239], %mul3A_1182 {strides = array<i32>} : memref<8192xf32, #tpu.memory_space<vmem>>, vector<16xf32>,
      %add3A_1241 = arith.constant 128 : i32
      %add3A_1242 = arith.addi %mul3A_951, %add3A_1241 : i32
      %add3A_1243 = arith.constant 48 : i32
      %add3A_1244 = arith.addi %add3A_1242, %add3A_1243 : i32
      %swap3A_1245 = arith.index_cast %add3A_1244 : i32 to index
      %swap3A_1246 = tpu.vector_load %arg11[%swap3A_1245] {strides = array<i32>} : memref<8192xf32, #tpu.memory_space<vmem>>, vector<16xf32>,
      tpu.vector_store %arg11[%swap3A_1245], %while3A_939#19 {strides = array<i32>} : memref<8192xf32, #tpu.memory_space<vmem>>, vector<16xf32>,
      %add3A_1247 = arith.constant 256 : i32
      %add3A_1248 = arith.addi %mul3A_951, %add3A_1247 : i32
      %add3A_1249 = arith.constant 48 : i32
      %add3A_1250 = arith.addi %add3A_1248, %add3A_1249 : i32
      %swap3A_1251 = arith.index_cast %add3A_1250 : i32 to index
      %swap3A_1252 = tpu.vector_load %arg11[%swap3A_1251] {strides = array<i32>} : memref<8192xf32, #tpu.memory_space<vmem>>, vector<16xf32>,
      tpu.vector_store %arg11[%swap3A_1251], %while3A_939#3 {strides = array<i32>} : memref<8192xf32, #tpu.memory_space<vmem>>, vector<16xf32>,
      %add3A_1253 = arith.constant 384 : i32
      %add3A_1254 = arith.addi %mul3A_951, %add3A_1253 : i32
      %add3A_1255 = arith.constant 48 : i32
      %add3A_1256 = arith.addi %add3A_1254, %add3A_1255 : i32
      %swap3A_1257 = arith.index_cast %add3A_1256 : i32 to index
      %swap3A_1258 = tpu.vector_load %arg11[%swap3A_1257] {strides = array<i32>} : memref<8192xf32, #tpu.memory_space<vmem>>, vector<16xf32>,
      tpu.vector_store %arg11[%swap3A_1257], %mul3A_1236 {strides = array<i32>} : memref<8192xf32, #tpu.memory_space<vmem>>, vector<16xf32>,
      %mul3A_1259 = arith.mulf %while3A_939#4, %div3A_949 : vector<16xf32>
      %mul3A_1260 = arith.mulf %while3A_939#12, %div3A_949 : vector<16xf32>
      %mul3A_1261 = arith.mulf %mul3A_1259, %mul3A_1259 : vector<16xf32>
      %sub3A_1262 = arith.subf %mul3A_1260, %mul3A_1261 : vector<16xf32>
      %max3A_1263 = arith.constant 0.000000e+00 : f32
      %max3A_1264 = vector.broadcast %max3A_1263 : f32 to vector<16xf32>
      %max3A_1265 = arith.maximumf %sub3A_1262, %max3A_1264 : vector<16xf32>
      %add3A_1266 = arith.constant 9.99999997E-7 : f32
      %add3A_1267 = vector.broadcast %add3A_1266 : f32 to vector<16xf32>
      %add3A_1268 = arith.addf %max3A_1265, %add3A_1267 : vector<16xf32>
      %bitcast3A_1269 = vector.bitcast %add3A_1268 : vector<16xf32> to vector<16xi32>
      %shift_right_logical3A_1270 = arith.constant 1 : i32
      %shift_right_logical3A_1271 = vector.broadcast %shift_right_logical3A_1270 : i32 to vector<16xi32>
      %shift_right_logical3A_1272 = arith.shrui %bitcast3A_1269, %shift_right_logical3A_1271 : vector<16xi32>
      %sub3A_1273 = arith.constant 1597463007 : i32
      %sub3A_1274 = vector.broadcast %sub3A_1273 : i32 to vector<16xi32>
      %sub3A_1275 = arith.subi %sub3A_1274, %shift_right_logical3A_1272 : vector<16xi32>
      %bitcast3A_1276 = vector.bitcast %sub3A_1275 : vector<16xi32> to vector<16xf32>
      %mul3A_1277 = arith.constant 5.000000e-01 : f32
      %mul3A_1278 = vector.broadcast %mul3A_1277 : f32 to vector<16xf32>
      %mul3A_1279 = arith.mulf %mul3A_1278, %add3A_1268 : vector<16xf32>
      %mul3A_1280 = arith.mulf %mul3A_1279, %bitcast3A_1276 : vector<16xf32>
      %mul3A_1281 = arith.mulf %mul3A_1280, %bitcast3A_1276 : vector<16xf32>
      %sub3A_1282 = arith.constant 1.500000e+00 : f32
      %sub3A_1283 = vector.broadcast %sub3A_1282 : f32 to vector<16xf32>
      %sub3A_1284 = arith.subf %sub3A_1283, %mul3A_1281 : vector<16xf32>
      %mul3A_1285 = arith.mulf %bitcast3A_1276, %sub3A_1284 : vector<16xf32>
      %mul3A_1286 = arith.constant 5.000000e-01 : f32
      %mul3A_1287 = vector.broadcast %mul3A_1286 : f32 to vector<16xf32>
      %mul3A_1288 = arith.mulf %mul3A_1287, %add3A_1268 : vector<16xf32>
      %mul3A_1289 = arith.mulf %mul3A_1288, %mul3A_1285 : vector<16xf32>
      %mul3A_1290 = arith.mulf %mul3A_1289, %mul3A_1285 : vector<16xf32>
      %sub3A_1291 = arith.constant 1.500000e+00 : f32
      %sub3A_1292 = vector.broadcast %sub3A_1291 : f32 to vector<16xf32>
      %sub3A_1293 = arith.subf %sub3A_1292, %mul3A_1290 : vector<16xf32>
      %mul3A_1294 = arith.mulf %mul3A_1285, %sub3A_1293 : vector<16xf32>
      %mul3A_1295 = arith.constant 5.000000e-01 : f32
      %mul3A_1296 = vector.broadcast %mul3A_1295 : f32 to vector<16xf32>
      %mul3A_1297 = arith.mulf %mul3A_1296, %add3A_1268 : vector<16xf32>
      %mul3A_1298 = arith.mulf %mul3A_1297, %mul3A_1294 : vector<16xf32>
      %mul3A_1299 = arith.mulf %mul3A_1298, %mul3A_1294 : vector<16xf32>
      %sub3A_1300 = arith.constant 1.500000e+00 : f32
      %sub3A_1301 = vector.broadcast %sub3A_1300 : f32 to vector<16xf32>
      %sub3A_1302 = arith.subf %sub3A_1301, %mul3A_1299 : vector<16xf32>
      %mul3A_1303 = arith.mulf %mul3A_1294, %sub3A_1302 : vector<16xf32>
      %mul3A_1304 = arith.constant 5.000000e-01 : f32
      %mul3A_1305 = vector.broadcast %mul3A_1304 : f32 to vector<16xf32>
      %mul3A_1306 = arith.mulf %mul3A_1305, %add3A_1268 : vector<16xf32>
      %mul3A_1307 = arith.mulf %mul3A_1306, %mul3A_1303 : vector<16xf32>
      %mul3A_1308 = arith.mulf %mul3A_1307, %mul3A_1303 : vector<16xf32>
      %sub3A_1309 = arith.constant 1.500000e+00 : f32
      %sub3A_1310 = vector.broadcast %sub3A_1309 : f32 to vector<16xf32>
      %sub3A_1311 = arith.subf %sub3A_1310, %mul3A_1308 : vector<16xf32>
      %mul3A_1312 = arith.mulf %mul3A_1303, %sub3A_1311 : vector<16xf32>
      %mul3A_1313 = arith.mulf %add3A_1268, %mul3A_1312 : vector<16xf32>
      %add3A_1314 = arith.constant 64 : i32
      %add3A_1315 = arith.addi %mul3A_951, %add3A_1314 : i32
      %swap3A_1316 = arith.index_cast %add3A_1315 : i32 to index
      %swap3A_1317 = tpu.vector_load %arg11[%swap3A_1316] {strides = array<i32>} : memref<8192xf32, #tpu.memory_space<vmem>>, vector<16xf32>,
      tpu.vector_store %arg11[%swap3A_1316], %mul3A_1259 {strides = array<i32>} : memref<8192xf32, #tpu.memory_space<vmem>>, vector<16xf32>,
      %add3A_1318 = arith.constant 128 : i32
      %add3A_1319 = arith.addi %mul3A_951, %add3A_1318 : i32
      %add3A_1320 = arith.constant 64 : i32
      %add3A_1321 = arith.addi %add3A_1319, %add3A_1320 : i32
      %swap3A_1322 = arith.index_cast %add3A_1321 : i32 to index
      %swap3A_1323 = tpu.vector_load %arg11[%swap3A_1322] {strides = array<i32>} : memref<8192xf32, #tpu.memory_space<vmem>>, vector<16xf32>,
      tpu.vector_store %arg11[%swap3A_1322], %while3A_939#20 {strides = array<i32>} : memref<8192xf32, #tpu.memory_space<vmem>>, vector<16xf32>,
      %add3A_1324 = arith.constant 256 : i32
      %add3A_1325 = arith.addi %mul3A_951, %add3A_1324 : i32
      %add3A_1326 = arith.constant 64 : i32
      %add3A_1327 = arith.addi %add3A_1325, %add3A_1326 : i32
      %swap3A_1328 = arith.index_cast %add3A_1327 : i32 to index
      %swap3A_1329 = tpu.vector_load %arg11[%swap3A_1328] {strides = array<i32>} : memref<8192xf32, #tpu.memory_space<vmem>>, vector<16xf32>,
      tpu.vector_store %arg11[%swap3A_1328], %while3A_939#4 {strides = array<i32>} : memref<8192xf32, #tpu.memory_space<vmem>>, vector<16xf32>,
      %add3A_1330 = arith.constant 384 : i32
      %add3A_1331 = arith.addi %mul3A_951, %add3A_1330 : i32
      %add3A_1332 = arith.constant 64 : i32
      %add3A_1333 = arith.addi %add3A_1331, %add3A_1332 : i32
      %swap3A_1334 = arith.index_cast %add3A_1333 : i32 to index
      %swap3A_1335 = tpu.vector_load %arg11[%swap3A_1334] {strides = array<i32>} : memref<8192xf32, #tpu.memory_space<vmem>>, vector<16xf32>,
      tpu.vector_store %arg11[%swap3A_1334], %mul3A_1313 {strides = array<i32>} : memref<8192xf32, #tpu.memory_space<vmem>>, vector<16xf32>,
      %mul3A_1336 = arith.mulf %while3A_939#5, %div3A_949 : vector<16xf32>
      %mul3A_1337 = arith.mulf %while3A_939#13, %div3A_949 : vector<16xf32>
      %mul3A_1338 = arith.mulf %mul3A_1336, %mul3A_1336 : vector<16xf32>
      %sub3A_1339 = arith.subf %mul3A_1337, %mul3A_1338 : vector<16xf32>
      %max3A_1340 = arith.constant 0.000000e+00 : f32
      %max3A_1341 = vector.broadcast %max3A_1340 : f32 to vector<16xf32>
      %max3A_1342 = arith.maximumf %sub3A_1339, %max3A_1341 : vector<16xf32>
      %add3A_1343 = arith.constant 9.99999997E-7 : f32
      %add3A_1344 = vector.broadcast %add3A_1343 : f32 to vector<16xf32>
      %add3A_1345 = arith.addf %max3A_1342, %add3A_1344 : vector<16xf32>
      %bitcast3A_1346 = vector.bitcast %add3A_1345 : vector<16xf32> to vector<16xi32>
      %shift_right_logical3A_1347 = arith.constant 1 : i32
      %shift_right_logical3A_1348 = vector.broadcast %shift_right_logical3A_1347 : i32 to vector<16xi32>
      %shift_right_logical3A_1349 = arith.shrui %bitcast3A_1346, %shift_right_logical3A_1348 : vector<16xi32>
      %sub3A_1350 = arith.constant 1597463007 : i32
      %sub3A_1351 = vector.broadcast %sub3A_1350 : i32 to vector<16xi32>
      %sub3A_1352 = arith.subi %sub3A_1351, %shift_right_logical3A_1349 : vector<16xi32>
      %bitcast3A_1353 = vector.bitcast %sub3A_1352 : vector<16xi32> to vector<16xf32>
      %mul3A_1354 = arith.constant 5.000000e-01 : f32
      %mul3A_1355 = vector.broadcast %mul3A_1354 : f32 to vector<16xf32>
      %mul3A_1356 = arith.mulf %mul3A_1355, %add3A_1345 : vector<16xf32>
      %mul3A_1357 = arith.mulf %mul3A_1356, %bitcast3A_1353 : vector<16xf32>
      %mul3A_1358 = arith.mulf %mul3A_1357, %bitcast3A_1353 : vector<16xf32>
      %sub3A_1359 = arith.constant 1.500000e+00 : f32
      %sub3A_1360 = vector.broadcast %sub3A_1359 : f32 to vector<16xf32>
      %sub3A_1361 = arith.subf %sub3A_1360, %mul3A_1358 : vector<16xf32>
      %mul3A_1362 = arith.mulf %bitcast3A_1353, %sub3A_1361 : vector<16xf32>
      %mul3A_1363 = arith.constant 5.000000e-01 : f32
      %mul3A_1364 = vector.broadcast %mul3A_1363 : f32 to vector<16xf32>
      %mul3A_1365 = arith.mulf %mul3A_1364, %add3A_1345 : vector<16xf32>
      %mul3A_1366 = arith.mulf %mul3A_1365, %mul3A_1362 : vector<16xf32>
      %mul3A_1367 = arith.mulf %mul3A_1366, %mul3A_1362 : vector<16xf32>
      %sub3A_1368 = arith.constant 1.500000e+00 : f32
      %sub3A_1369 = vector.broadcast %sub3A_1368 : f32 to vector<16xf32>
      %sub3A_1370 = arith.subf %sub3A_1369, %mul3A_1367 : vector<16xf32>
      %mul3A_1371 = arith.mulf %mul3A_1362, %sub3A_1370 : vector<16xf32>
      %mul3A_1372 = arith.constant 5.000000e-01 : f32
      %mul3A_1373 = vector.broadcast %mul3A_1372 : f32 to vector<16xf32>
      %mul3A_1374 = arith.mulf %mul3A_1373, %add3A_1345 : vector<16xf32>
      %mul3A_1375 = arith.mulf %mul3A_1374, %mul3A_1371 : vector<16xf32>
      %mul3A_1376 = arith.mulf %mul3A_1375, %mul3A_1371 : vector<16xf32>
      %sub3A_1377 = arith.constant 1.500000e+00 : f32
      %sub3A_1378 = vector.broadcast %sub3A_1377 : f32 to vector<16xf32>
      %sub3A_1379 = arith.subf %sub3A_1378, %mul3A_1376 : vector<16xf32>
      %mul3A_1380 = arith.mulf %mul3A_1371, %sub3A_1379 : vector<16xf32>
      %mul3A_1381 = arith.constant 5.000000e-01 : f32
      %mul3A_1382 = vector.broadcast %mul3A_1381 : f32 to vector<16xf32>
      %mul3A_1383 = arith.mulf %mul3A_1382, %add3A_1345 : vector<16xf32>
      %mul3A_1384 = arith.mulf %mul3A_1383, %mul3A_1380 : vector<16xf32>
      %mul3A_1385 = arith.mulf %mul3A_1384, %mul3A_1380 : vector<16xf32>
      %sub3A_1386 = arith.constant 1.500000e+00 : f32
      %sub3A_1387 = vector.broadcast %sub3A_1386 : f32 to vector<16xf32>
      %sub3A_1388 = arith.subf %sub3A_1387, %mul3A_1385 : vector<16xf32>
      %mul3A_1389 = arith.mulf %mul3A_1380, %sub3A_1388 : vector<16xf32>
      %mul3A_1390 = arith.mulf %add3A_1345, %mul3A_1389 : vector<16xf32>
      %add3A_1391 = arith.constant 80 : i32
      %add3A_1392 = arith.addi %mul3A_951, %add3A_1391 : i32
      %swap3A_1393 = arith.index_cast %add3A_1392 : i32 to index
      %swap3A_1394 = tpu.vector_load %arg11[%swap3A_1393] {strides = array<i32>} : memref<8192xf32, #tpu.memory_space<vmem>>, vector<16xf32>,
      tpu.vector_store %arg11[%swap3A_1393], %mul3A_1336 {strides = array<i32>} : memref<8192xf32, #tpu.memory_space<vmem>>, vector<16xf32>,
      %add3A_1395 = arith.constant 128 : i32
      %add3A_1396 = arith.addi %mul3A_951, %add3A_1395 : i32
      %add3A_1397 = arith.constant 80 : i32
      %add3A_1398 = arith.addi %add3A_1396, %add3A_1397 : i32
      %swap3A_1399 = arith.index_cast %add3A_1398 : i32 to index
      %swap3A_1400 = tpu.vector_load %arg11[%swap3A_1399] {strides = array<i32>} : memref<8192xf32, #tpu.memory_space<vmem>>, vector<16xf32>,
      tpu.vector_store %arg11[%swap3A_1399], %while3A_939#21 {strides = array<i32>} : memref<8192xf32, #tpu.memory_space<vmem>>, vector<16xf32>,
      %add3A_1401 = arith.constant 256 : i32
      %add3A_1402 = arith.addi %mul3A_951, %add3A_1401 : i32
      %add3A_1403 = arith.constant 80 : i32
      %add3A_1404 = arith.addi %add3A_1402, %add3A_1403 : i32
      %swap3A_1405 = arith.index_cast %add3A_1404 : i32 to index
      %swap3A_1406 = tpu.vector_load %arg11[%swap3A_1405] {strides = array<i32>} : memref<8192xf32, #tpu.memory_space<vmem>>, vector<16xf32>,
      tpu.vector_store %arg11[%swap3A_1405], %while3A_939#5 {strides = array<i32>} : memref<8192xf32, #tpu.memory_space<vmem>>, vector<16xf32>,
      %add3A_1407 = arith.constant 384 : i32
      %add3A_1408 = arith.addi %mul3A_951, %add3A_1407 : i32
      %add3A_1409 = arith.constant 80 : i32
      %add3A_1410 = arith.addi %add3A_1408, %add3A_1409 : i32
      %swap3A_1411 = arith.index_cast %add3A_1410 : i32 to index
      %swap3A_1412 = tpu.vector_load %arg11[%swap3A_1411] {strides = array<i32>} : memref<8192xf32, #tpu.memory_space<vmem>>, vector<16xf32>,
      tpu.vector_store %arg11[%swap3A_1411], %mul3A_1390 {strides = array<i32>} : memref<8192xf32, #tpu.memory_space<vmem>>, vector<16xf32>,
      %mul3A_1413 = arith.mulf %while3A_939#6, %div3A_949 : vector<16xf32>
      %mul3A_1414 = arith.mulf %while3A_939#14, %div3A_949 : vector<16xf32>
      %mul3A_1415 = arith.mulf %mul3A_1413, %mul3A_1413 : vector<16xf32>
      %sub3A_1416 = arith.subf %mul3A_1414, %mul3A_1415 : vector<16xf32>
      %max3A_1417 = arith.constant 0.000000e+00 : f32
      %max3A_1418 = vector.broadcast %max3A_1417 : f32 to vector<16xf32>
      %max3A_1419 = arith.maximumf %sub3A_1416, %max3A_1418 : vector<16xf32>
      %add3A_1420 = arith.constant 9.99999997E-7 : f32
      %add3A_1421 = vector.broadcast %add3A_1420 : f32 to vector<16xf32>
      %add3A_1422 = arith.addf %max3A_1419, %add3A_1421 : vector<16xf32>
      %bitcast3A_1423 = vector.bitcast %add3A_1422 : vector<16xf32> to vector<16xi32>
      %shift_right_logical3A_1424 = arith.constant 1 : i32
      %shift_right_logical3A_1425 = vector.broadcast %shift_right_logical3A_1424 : i32 to vector<16xi32>
      %shift_right_logical3A_1426 = arith.shrui %bitcast3A_1423, %shift_right_logical3A_1425 : vector<16xi32>
      %sub3A_1427 = arith.constant 1597463007 : i32
      %sub3A_1428 = vector.broadcast %sub3A_1427 : i32 to vector<16xi32>
      %sub3A_1429 = arith.subi %sub3A_1428, %shift_right_logical3A_1426 : vector<16xi32>
      %bitcast3A_1430 = vector.bitcast %sub3A_1429 : vector<16xi32> to vector<16xf32>
      %mul3A_1431 = arith.constant 5.000000e-01 : f32
      %mul3A_1432 = vector.broadcast %mul3A_1431 : f32 to vector<16xf32>
      %mul3A_1433 = arith.mulf %mul3A_1432, %add3A_1422 : vector<16xf32>
      %mul3A_1434 = arith.mulf %mul3A_1433, %bitcast3A_1430 : vector<16xf32>
      %mul3A_1435 = arith.mulf %mul3A_1434, %bitcast3A_1430 : vector<16xf32>
      %sub3A_1436 = arith.constant 1.500000e+00 : f32
      %sub3A_1437 = vector.broadcast %sub3A_1436 : f32 to vector<16xf32>
      %sub3A_1438 = arith.subf %sub3A_1437, %mul3A_1435 : vector<16xf32>
      %mul3A_1439 = arith.mulf %bitcast3A_1430, %sub3A_1438 : vector<16xf32>
      %mul3A_1440 = arith.constant 5.000000e-01 : f32
      %mul3A_1441 = vector.broadcast %mul3A_1440 : f32 to vector<16xf32>
      %mul3A_1442 = arith.mulf %mul3A_1441, %add3A_1422 : vector<16xf32>
      %mul3A_1443 = arith.mulf %mul3A_1442, %mul3A_1439 : vector<16xf32>
      %mul3A_1444 = arith.mulf %mul3A_1443, %mul3A_1439 : vector<16xf32>
      %sub3A_1445 = arith.constant 1.500000e+00 : f32
      %sub3A_1446 = vector.broadcast %sub3A_1445 : f32 to vector<16xf32>
      %sub3A_1447 = arith.subf %sub3A_1446, %mul3A_1444 : vector<16xf32>
      %mul3A_1448 = arith.mulf %mul3A_1439, %sub3A_1447 : vector<16xf32>
      %mul3A_1449 = arith.constant 5.000000e-01 : f32
      %mul3A_1450 = vector.broadcast %mul3A_1449 : f32 to vector<16xf32>
      %mul3A_1451 = arith.mulf %mul3A_1450, %add3A_1422 : vector<16xf32>
      %mul3A_1452 = arith.mulf %mul3A_1451, %mul3A_1448 : vector<16xf32>
      %mul3A_1453 = arith.mulf %mul3A_1452, %mul3A_1448 : vector<16xf32>
      %sub3A_1454 = arith.constant 1.500000e+00 : f32
      %sub3A_1455 = vector.broadcast %sub3A_1454 : f32 to vector<16xf32>
      %sub3A_1456 = arith.subf %sub3A_1455, %mul3A_1453 : vector<16xf32>
      %mul3A_1457 = arith.mulf %mul3A_1448, %sub3A_1456 : vector<16xf32>
      %mul3A_1458 = arith.constant 5.000000e-01 : f32
      %mul3A_1459 = vector.broadcast %mul3A_1458 : f32 to vector<16xf32>
      %mul3A_1460 = arith.mulf %mul3A_1459, %add3A_1422 : vector<16xf32>
      %mul3A_1461 = arith.mulf %mul3A_1460, %mul3A_1457 : vector<16xf32>
      %mul3A_1462 = arith.mulf %mul3A_1461, %mul3A_1457 : vector<16xf32>
      %sub3A_1463 = arith.constant 1.500000e+00 : f32
      %sub3A_1464 = vector.broadcast %sub3A_1463 : f32 to vector<16xf32>
      %sub3A_1465 = arith.subf %sub3A_1464, %mul3A_1462 : vector<16xf32>
      %mul3A_1466 = arith.mulf %mul3A_1457, %sub3A_1465 : vector<16xf32>
      %mul3A_1467 = arith.mulf %add3A_1422, %mul3A_1466 : vector<16xf32>
      %add3A_1468 = arith.constant 96 : i32
      %add3A_1469 = arith.addi %mul3A_951, %add3A_1468 : i32
      %swap3A_1470 = arith.index_cast %add3A_1469 : i32 to index
      %swap3A_1471 = tpu.vector_load %arg11[%swap3A_1470] {strides = array<i32>} : memref<8192xf32, #tpu.memory_space<vmem>>, vector<16xf32>,
      tpu.vector_store %arg11[%swap3A_1470], %mul3A_1413 {strides = array<i32>} : memref<8192xf32, #tpu.memory_space<vmem>>, vector<16xf32>,
      %add3A_1472 = arith.constant 128 : i32
      %add3A_1473 = arith.addi %mul3A_951, %add3A_1472 : i32
      %add3A_1474 = arith.constant 96 : i32
      %add3A_1475 = arith.addi %add3A_1473, %add3A_1474 : i32
      %swap3A_1476 = arith.index_cast %add3A_1475 : i32 to index
      %swap3A_1477 = tpu.vector_load %arg11[%swap3A_1476] {strides = array<i32>} : memref<8192xf32, #tpu.memory_space<vmem>>, vector<16xf32>,
      tpu.vector_store %arg11[%swap3A_1476], %while3A_939#22 {strides = array<i32>} : memref<8192xf32, #tpu.memory_space<vmem>>, vector<16xf32>,
      %add3A_1478 = arith.constant 256 : i32
      %add3A_1479 = arith.addi %mul3A_951, %add3A_1478 : i32
      %add3A_1480 = arith.constant 96 : i32
      %add3A_1481 = arith.addi %add3A_1479, %add3A_1480 : i32
      %swap3A_1482 = arith.index_cast %add3A_1481 : i32 to index
      %swap3A_1483 = tpu.vector_load %arg11[%swap3A_1482] {strides = array<i32>} : memref<8192xf32, #tpu.memory_space<vmem>>, vector<16xf32>,
      tpu.vector_store %arg11[%swap3A_1482], %while3A_939#6 {strides = array<i32>} : memref<8192xf32, #tpu.memory_space<vmem>>, vector<16xf32>,
      %add3A_1484 = arith.constant 384 : i32
      %add3A_1485 = arith.addi %mul3A_951, %add3A_1484 : i32
      %add3A_1486 = arith.constant 96 : i32
      %add3A_1487 = arith.addi %add3A_1485, %add3A_1486 : i32
      %swap3A_1488 = arith.index_cast %add3A_1487 : i32 to index
      %swap3A_1489 = tpu.vector_load %arg11[%swap3A_1488] {strides = array<i32>} : memref<8192xf32, #tpu.memory_space<vmem>>, vector<16xf32>,
      tpu.vector_store %arg11[%swap3A_1488], %mul3A_1467 {strides = array<i32>} : memref<8192xf32, #tpu.memory_space<vmem>>, vector<16xf32>,
      %mul3A_1490 = arith.mulf %while3A_939#7, %div3A_949 : vector<16xf32>
      %mul3A_1491 = arith.mulf %while3A_939#15, %div3A_949 : vector<16xf32>
      %mul3A_1492 = arith.mulf %mul3A_1490, %mul3A_1490 : vector<16xf32>
      %sub3A_1493 = arith.subf %mul3A_1491, %mul3A_1492 : vector<16xf32>
      %max3A_1494 = arith.constant 0.000000e+00 : f32
      %max3A_1495 = vector.broadcast %max3A_1494 : f32 to vector<16xf32>
      %max3A_1496 = arith.maximumf %sub3A_1493, %max3A_1495 : vector<16xf32>
      %add3A_1497 = arith.constant 9.99999997E-7 : f32
      %add3A_1498 = vector.broadcast %add3A_1497 : f32 to vector<16xf32>
      %add3A_1499 = arith.addf %max3A_1496, %add3A_1498 : vector<16xf32>
      %bitcast3A_1500 = vector.bitcast %add3A_1499 : vector<16xf32> to vector<16xi32>
      %shift_right_logical3A_1501 = arith.constant 1 : i32
      %shift_right_logical3A_1502 = vector.broadcast %shift_right_logical3A_1501 : i32 to vector<16xi32>
      %shift_right_logical3A_1503 = arith.shrui %bitcast3A_1500, %shift_right_logical3A_1502 : vector<16xi32>
      %sub3A_1504 = arith.constant 1597463007 : i32
      %sub3A_1505 = vector.broadcast %sub3A_1504 : i32 to vector<16xi32>
      %sub3A_1506 = arith.subi %sub3A_1505, %shift_right_logical3A_1503 : vector<16xi32>
      %bitcast3A_1507 = vector.bitcast %sub3A_1506 : vector<16xi32> to vector<16xf32>
      %mul3A_1508 = arith.constant 5.000000e-01 : f32
      %mul3A_1509 = vector.broadcast %mul3A_1508 : f32 to vector<16xf32>
      %mul3A_1510 = arith.mulf %mul3A_1509, %add3A_1499 : vector<16xf32>
      %mul3A_1511 = arith.mulf %mul3A_1510, %bitcast3A_1507 : vector<16xf32>
      %mul3A_1512 = arith.mulf %mul3A_1511, %bitcast3A_1507 : vector<16xf32>
      %sub3A_1513 = arith.constant 1.500000e+00 : f32
      %sub3A_1514 = vector.broadcast %sub3A_1513 : f32 to vector<16xf32>
      %sub3A_1515 = arith.subf %sub3A_1514, %mul3A_1512 : vector<16xf32>
      %mul3A_1516 = arith.mulf %bitcast3A_1507, %sub3A_1515 : vector<16xf32>
      %mul3A_1517 = arith.constant 5.000000e-01 : f32
      %mul3A_1518 = vector.broadcast %mul3A_1517 : f32 to vector<16xf32>
      %mul3A_1519 = arith.mulf %mul3A_1518, %add3A_1499 : vector<16xf32>
      %mul3A_1520 = arith.mulf %mul3A_1519, %mul3A_1516 : vector<16xf32>
      %mul3A_1521 = arith.mulf %mul3A_1520, %mul3A_1516 : vector<16xf32>
      %sub3A_1522 = arith.constant 1.500000e+00 : f32
      %sub3A_1523 = vector.broadcast %sub3A_1522 : f32 to vector<16xf32>
      %sub3A_1524 = arith.subf %sub3A_1523, %mul3A_1521 : vector<16xf32>
      %mul3A_1525 = arith.mulf %mul3A_1516, %sub3A_1524 : vector<16xf32>
      %mul3A_1526 = arith.constant 5.000000e-01 : f32
      %mul3A_1527 = vector.broadcast %mul3A_1526 : f32 to vector<16xf32>
      %mul3A_1528 = arith.mulf %mul3A_1527, %add3A_1499 : vector<16xf32>
      %mul3A_1529 = arith.mulf %mul3A_1528, %mul3A_1525 : vector<16xf32>
      %mul3A_1530 = arith.mulf %mul3A_1529, %mul3A_1525 : vector<16xf32>
      %sub3A_1531 = arith.constant 1.500000e+00 : f32
      %sub3A_1532 = vector.broadcast %sub3A_1531 : f32 to vector<16xf32>
      %sub3A_1533 = arith.subf %sub3A_1532, %mul3A_1530 : vector<16xf32>
      %mul3A_1534 = arith.mulf %mul3A_1525, %sub3A_1533 : vector<16xf32>
      %mul3A_1535 = arith.constant 5.000000e-01 : f32
      %mul3A_1536 = vector.broadcast %mul3A_1535 : f32 to vector<16xf32>
      %mul3A_1537 = arith.mulf %mul3A_1536, %add3A_1499 : vector<16xf32>
      %mul3A_1538 = arith.mulf %mul3A_1537, %mul3A_1534 : vector<16xf32>
      %mul3A_1539 = arith.mulf %mul3A_1538, %mul3A_1534 : vector<16xf32>
      %sub3A_1540 = arith.constant 1.500000e+00 : f32
      %sub3A_1541 = vector.broadcast %sub3A_1540 : f32 to vector<16xf32>
      %sub3A_1542 = arith.subf %sub3A_1541, %mul3A_1539 : vector<16xf32>
      %mul3A_1543 = arith.mulf %mul3A_1534, %sub3A_1542 : vector<16xf32>
      %mul3A_1544 = arith.mulf %add3A_1499, %mul3A_1543 : vector<16xf32>
      %add3A_1545 = arith.constant 112 : i32
      %add3A_1546 = arith.addi %mul3A_951, %add3A_1545 : i32
      %swap3A_1547 = arith.index_cast %add3A_1546 : i32 to index
      %swap3A_1548 = tpu.vector_load %arg11[%swap3A_1547] {strides = array<i32>} : memref<8192xf32, #tpu.memory_space<vmem>>, vector<16xf32>,
      tpu.vector_store %arg11[%swap3A_1547], %mul3A_1490 {strides = array<i32>} : memref<8192xf32, #tpu.memory_space<vmem>>, vector<16xf32>,
      %add3A_1549 = arith.constant 128 : i32
      %add3A_1550 = arith.addi %mul3A_951, %add3A_1549 : i32
      %add3A_1551 = arith.constant 112 : i32
      %add3A_1552 = arith.addi %add3A_1550, %add3A_1551 : i32
      %swap3A_1553 = arith.index_cast %add3A_1552 : i32 to index
      %swap3A_1554 = tpu.vector_load %arg11[%swap3A_1553] {strides = array<i32>} : memref<8192xf32, #tpu.memory_space<vmem>>, vector<16xf32>,
      tpu.vector_store %arg11[%swap3A_1553], %while3A_939#23 {strides = array<i32>} : memref<8192xf32, #tpu.memory_space<vmem>>, vector<16xf32>,
      %add3A_1555 = arith.constant 256 : i32
      %add3A_1556 = arith.addi %mul3A_951, %add3A_1555 : i32
      %add3A_1557 = arith.constant 112 : i32
      %add3A_1558 = arith.addi %add3A_1556, %add3A_1557 : i32
      %swap3A_1559 = arith.index_cast %add3A_1558 : i32 to index
      %swap3A_1560 = tpu.vector_load %arg11[%swap3A_1559] {strides = array<i32>} : memref<8192xf32, #tpu.memory_space<vmem>>, vector<16xf32>,
      tpu.vector_store %arg11[%swap3A_1559], %while3A_939#7 {strides = array<i32>} : memref<8192xf32, #tpu.memory_space<vmem>>, vector<16xf32>,
      %add3A_1561 = arith.constant 384 : i32
      %add3A_1562 = arith.addi %mul3A_951, %add3A_1561 : i32
      %add3A_1563 = arith.constant 112 : i32
      %add3A_1564 = arith.addi %add3A_1562, %add3A_1563 : i32
      %swap3A_1565 = arith.index_cast %add3A_1564 : i32 to index
      %swap3A_1566 = tpu.vector_load %arg11[%swap3A_1565] {strides = array<i32>} : memref<8192xf32, #tpu.memory_space<vmem>>, vector<16xf32>,
      tpu.vector_store %arg11[%swap3A_1565], %mul3A_1544 {strides = array<i32>} : memref<8192xf32, #tpu.memory_space<vmem>>, vector<16xf32>,
      %scan3A_1567 = arith.constant 0 : i32
      scf.yield %scan3A_1567 : i32
    }
    %scan3A_901 = arith.constant 16 : i32
    %mul3A_902 = arith.constant 16 : i32
    %mul3A_903 = arith.muli %add3A, %mul3A_902 : i32
    %mul3A_904 = arith.constant 4 : i32
    %mul3A_905 = arith.muli %mul3A_903, %mul3A_904 : i32
    %mul3A_906 = arith.constant 128 : i32
    %mul3A_907 = arith.muli %mul3A_905, %mul3A_906 : i32
    "tpu.region"() ({
      %run_scoped3A = tpu.sem_alloc : memref<!tpu.dma_semaphore, #tpu.memory_space<semaphore_mem>>
      %dma_start3A_908 = tpu.memref_slice %arg4[%mul3A_907] : memref<262144xf32, #tpu.memory_space<hbm>> -> memref<8192xf32, #tpu.memory_space<hbm>>
      %dma_start3A_909 = tpu.memref_slice %arg4[%mul3A_907] : memref<262144xf32, #tpu.memory_space<hbm>> -> memref<8192xf32, #tpu.memory_space<hbm>>
      tpu.enqueue_dma source(%arg11 : memref<8192xf32, #tpu.memory_space<vmem>>) target(%dma_start3A_909 : memref<8192xf32, #tpu.memory_space<hbm>>) target_semaphore(%run_scoped3A : memref<!tpu.dma_semaphore, #tpu.memory_space<semaphore_mem>>)
      %dma_wait3A_910 = tpu.memref_slice %arg4[%mul3A_907] : memref<262144xf32, #tpu.memory_space<hbm>> -> memref<8192xf32, #tpu.memory_space<hbm>>
      %dma_wait3A_911 = tpu.memref_slice %arg4[%mul3A_907] : memref<262144xf32, #tpu.memory_space<hbm>> -> memref<8192xf32, #tpu.memory_space<hbm>>
      tpu.wait_dma2 semaphore(%run_scoped3A : memref<!tpu.dma_semaphore, #tpu.memory_space<semaphore_mem>>) src(%arg11 : memref<8192xf32, #tpu.memory_space<vmem>>) dst(%dma_wait3A_911 : memref<8192xf32, #tpu.memory_space<hbm>>)
      tpu.yield
    }) : () -> ()
    return
  }
}

</mosaic_0001>

<sc_bundles>
// kernel: kernel.3.cloned.1.call-start
scs
__scs_entry_jumppad:
0x0: {  	(pc) =	sbr.rel $0x88, $3  }
0x1: {  	(tag) =	ssettag $0x0;
	lr =	simm.s32 $0x1  }
0x2: {  	[smem:$0x3F9F] =	sst lr;
	_ =	strace $0xD0000000  }
0x3: {  	_ = 	snop  }
0x4: {  	_ = 	snop  }
0x5: {  	_ = 	snop  }
0x6: {  	_ = 	snop  }
0x7: {  	_ = 	snop  }
__scs_overlays_trampoline_lowered:
0x8: {  	[smem:$0x3FAE] =	sst s0  }
0x9: {  	[smem:$0x3FAF] =	sst s1  }
0xa: {  	[smem:$0x3FB0] =	sst s2  }
0xb: {  	[smem:$0x3FB1] =	sst s3  }
0xc: {  	[smem:$0x3FB2] =	sst s4  }
0xd: {  	[smem:$0x3FB3] =	sst s5  }
0xe: {  	[smem:$0x3FB4] =	sst s6  }
0xf: {  	[smem:$0x3FB5] =	sst s7  }
0x10: {  	[smem:$0x3FB6] =	sst s8  }
0x11: {  	[smem:$0x3FB7] =	sst s9;
	s0 =	simm.s32 @!p0 $0x0  }
0x12: {  	s1 =	sld [smem:$0x3F9D];
	s0 =	simm.s32 @p0 $0x1  }
0x13: {  	[smem:$0x3FB8] =	sst s0;
	s0 =	simm.s32 @!p1 $0x0  }
0x14: {  	s2 =	sld [smem:$0x3F9C];
	s0 =	simm.s32 @p1 $0x1  }
0x15: {  	[smem:$0x3FB9] =	sst s0;
	s0 =	simm.s32 @!p2 $0x0  }
0x16: {  	s3 =	sld [smem:$0x3FDB];
	s0 =	simm.s32 @p2 $0x1  }
0x17: {  	s4 =	simm.s32 $0x1BF5;
	[smem:$0x3FBB] =	sst s0  }
0x18: {  	s0 =	sld [smem:$0x3F9E];
	_ =	swait.ge [sflag:s4], $0x0  }
0x19: {  	s7 =	sld [smem:$0x3F9F]  }
0x1a: {  	s8 =	sadd.s32 $0xFFFFE003, lr  }
0x1b: {  	s9 =	sadd.s32 $0xFFFFFEF7, lr;
	s5 =	simm.s32 $0xFFFFFFFF;
	p2 =	slt.u32 s8, $0xFFFFF086  }
0x1c: {  	p1 =	slt.u32 s9, $0xF7A;
	s5 =	simm.s32 @!p2 $0x0  }
0x1d: {  	s5 =	simm.s32 @p1 $0x1;
	p0 =	seq.s32 s7, s2  }
0x1e: {  	s7 =	smul.u32 @!p0 $0xF7A, s2;
	p2 =	seq.s32 @!p0 s5, $0x0  }
0x1f: {  	s9 =	smul.u32 $0xF7A, s1;
	s8 =	simm.s32 @!p0 $0x1BF5;
	p2 =	por !p2, p0  }
0x20: {  	[sflag:s8] =	ssyncset.s32 @!p0 $0xFFFFF086;
	s6 =	sadd.s32 @!p0 s3, s7;
	s7 =	simm.s32 @!p0 $0x108  }
0x21: {  	s3 =	sadd.s32 s3, s9;
	s6 =	sadd.s32 @!p0 $0x88, s6;
	s7 =	simm.s32 @p2 $0x1082  }
0x22: {  	[simem:s7], [sflag:s8] =	dma.local @!p0 [hbm:s6], $0xF7A  }
0x23: {  	s9 =	sor.u32 $0xD0000000, s2;
	s6 =	simm.s32 $0x108;
	_ =	swait.ge @!p0 [sflag:s8], $0x0  }
0x24: {  	s3 =	sadd.s32 $0x88, s3;
	s6 =	simm.s32 @!p1 $0x1082;
	[sflag:s4] =	ssyncset.s32 $0xFFFFF086  }
0x25: {  	[simem:s6], [sflag:s4] =	dma.local [hbm:s3], $0xF7A  }
0x26: {  	[smem:$0x3F9F] =	sst s1;
	(tag) =	ssettag s2;
	_ =	strace s9  }
0x27: {  	s1 =	sld [smem:$0x3FAF]  }
0x28: {  	s2 =	sld [smem:$0x3FB0]  }
0x29: {  	s4 =	sld [smem:$0x3FB2]  }
0x2a: {  	p0 =	seq.s32 s5, $0x0;
	s5 =	sld [smem:$0x3FB3]  }
0x2b: {  	s6 =	sld [smem:$0x3FB4]  }
0x2c: {  	s7 =	sld [smem:$0x3FB5]  }
0x2d: {  	s3 =	simm.s32 $0x108;
	s8 =	sld [smem:$0x3FB6]  }
0x2e: {  	s3 =	simm.s32 @!p0 $0x1082;
	s9 =	sld [smem:$0x3FB7]  }
0x2f: {  	lr =	sadd.s32 s0, s3;
	s0 =	sld [smem:$0x3FAE]  }
0x30: {  	s3 =	sld [smem:$0x3FB1]  }
0x31: {  	[smem:$0x3FBA] =	sst s10  }
0x32: {  	s10 =	sld [smem:$0x3FB8];
	_ =	sdelay $0x3  }
0x33: {  	p0 =	seq.s32 s10, $0x1;
	s10 =	sld [smem:$0x3FBA];
	_ =	sdelay $0x3  }
0x34: {  	[smem:$0x3FBA] =	sst s10  }
0x35: {  	s10 =	sld [smem:$0x3FB9];
	_ =	sdelay $0x3  }
0x36: {  	p1 =	seq.s32 s10, $0x1;
	s10 =	sld [smem:$0x3FBA];
	_ =	sdelay $0x3  }
0x37: {  	[smem:$0x3FBA] =	sst s10  }
0x38: {  	s10 =	sld [smem:$0x3FBB]  }
0x39: {  	_ = 	snop;
	(pc) =	sbr.ind lr, $3  }
0x3a: {  	_ = 	snop  }
0x3b: {  	_ = 	snop  }
0x3c: {  	p2 =	seq.s32 s10, $0x1;
	s10 =	sld [smem:$0x3FBA]  }
0x3d: {  	_ =	shalt  }
0x3e: {  	_ =	shalt  }
0x3f: {  	_ =	shalt  }
0x40: {  	_ =	shalt  }
0x41: {  	_ =	shalt  }
0x42: {  	_ =	shalt  }
0x43: {  	_ =	shalt  }
0x44: {  	_ =	shalt  }
0x45: {  	_ =	shalt  }
0x46: {  	_ =	shalt  }
0x47: {  	_ =	shalt  }
0x48: {  	_ =	shalt  }
0x49: {  	_ =	shalt  }
0x4a: {  	_ =	shalt  }
0x4b: {  	_ =	shalt  }
0x4c: {  	_ =	shalt  }
0x4d: {  	_ =	shalt  }
0x4e: {  	_ =	shalt  }
0x4f: {  	_ =	shalt  }
0x50: {  	_ =	shalt  }
0x51: {  	_ =	shalt  }
0x52: {  	_ =	shalt  }
0x53: {  	_ =	shalt  }
0x54: {  	_ =	shalt  }
0x55: {  	_ =	shalt  }
0x56: {  	_ =	shalt  }
0x57: {  	_ =	shalt  }
0x58: {  	_ =	shalt  }
0x59: {  	_ =	shalt  }
0x5a: {  	_ =	shalt  }
0x5b: {  	_ =	shalt  }
0x5c: {  	_ =	shalt  }
0x5d: {  	_ =	shalt  }
0x5e: {  	_ =	shalt  }
0x5f: {  	_ =	shalt  }
0x60: {  	_ =	shalt  }
0x61: {  	_ =	shalt  }
0x62: {  	_ =	shalt  }
0x63: {  	_ =	shalt  }
0x64: {  	_ =	shalt  }
0x65: {  	_ =	shalt  }
0x66: {  	_ =	shalt  }
0x67: {  	_ =	shalt  }
0x68: {  	_ =	shalt  }
0x69: {  	_ =	shalt  }
0x6a: {  	_ =	shalt  }
0x6b: {  	_ =	shalt  }
0x6c: {  	_ =	shalt  }
0x6d: {  	_ =	shalt  }
0x6e: {  	_ =	shalt  }
0x6f: {  	_ =	shalt  }
0x70: {  	_ =	shalt  }
0x71: {  	_ =	shalt  }
0x72: {  	_ =	shalt  }
0x73: {  	_ =	shalt  }
0x74: {  	_ =	shalt  }
0x75: {  	_ =	shalt  }
0x76: {  	_ =	shalt  }
0x77: {  	_ =	shalt  }
0x78: {  	_ =	shalt  }
0x79: {  	_ =	shalt  }
0x7a: {  	_ =	shalt  }
0x7b: {  	_ =	shalt  }
0x7c: {  	_ =	shalt  }
0x7d: {  	_ =	shalt  }
0x7e: {  	_ =	shalt  }
0x7f: {  	_ =	shalt  }
0x80: {  	_ =	shalt  }
0x81: {  	_ =	shalt  }
0x82: {  	_ =	shalt  }
0x83: {  	_ =	shalt  }
0x84: {  	_ =	shalt  }
0x85: {  	_ =	shalt  }
0x86: {  	_ =	shalt  }
0x87: {  	_ =	shalt  }
.Lfunc_end0:
.L_simem_size_0:
called_computation_lowered:
.L_overlay_start_0:
0x88: {  	s2 =	sld [smem:$0x3FD9]  }
0x89: {  	s3 =	sld [smem:$0x3FFE];
	_ =	sdelay $0x1  }
0x8a: {  	s1 =	srdreg.scid  }
0x8b: {  	s0 =	sand.u32 $0x1, s1  }
0x8c: {  	s17 =	sshll.u32 s0, $0xA;
	s2 =	sadd.s32 s3, s2  }
0x8d: {  	s2 =	sadd.s32 s2, s17  }
0x8e: {  	[smem:$0x3FC6] =	sst s2  }
0x8f: {  	_ = 	snop  }
0x90: {  	s2 =	sld [smem:$0x3FC9]  }
0x91: {  	s18 =	sld [smem:$0x3FC8];
	(tm) =	ssettm $0x1  }
0x92: {  	s4 =	sld [smem:$0x3FFB];
	_ =	sdelay $0x3  }
0x93: {  	_ =	strace s4  }
0x94: {  	s4 =	sld [smem:$0x3FFC];
	_ =	sdelay $0x3  }
0x95: {  	_ =	strace s4  }
0x96: {  	s4 =	sld [smem:$0x3FFD];
	_ =	sdelay $0x3  }
0x97: {  	_ =	strace s4  }
0x98: {  	_ =	strace $0x8FFFFFFF  }
0x99: {  	s19 =	sld [smem:$0x3FDB];
	_ =	sdelay $0x1  }
0x9a: {  	s5 =	simm.s32 $_scs_section_size  }
0x9b: {  	s6 =	simm.s32 $_size__tile_overlayer_lowered;
	s7 =	simm.s32 $_tile_overlayer_lowered  }
0x9c: {  	s22 =	simm.s32 $0x1BFF;
	s21 =	sshll.u32 s7, $0x1;
	s4 =	sadd.s32 s5, s19  }
0x9d: {  	s8 =	simm.s32 $0x0;
	s20 =	sshll.u32 s6, $0x1;
	s6 =	sadd.s32 s21, s4  }
0x9e: {  	[timem:s8], [sflag:s22] =	dma.local [hbm:s6], s20  }
0x9f: {  	_ =	swait.ge [sflag:s22], s20  }
0xa0: {  	s5 =	ssub.s32 $0x0, s20;
	[sflag:s22] =	ssyncset.done $0x0  }
0xa1: {  	[sflag:s22] =	ssyncadd.s32 s5;
	_ =	sdelay $0x1  }
0xa2: {  	s23 =	simm.s32 $0x1B8B  }
0xa3: {  	_ =	swait.ge [sflag:s23], $0x1  }
0xa4: {  	[sflag:s23] =	ssyncset.done $0x0  }
0xa5: {  	s25 =	simm.s32 $0x1B8E;
	s24 =	sld [smem:$0x3FFE];
	[sflag:s23] =	ssyncadd.s32 $0xFFFFFFFF  }
0xa6: {  	s26 =	simm.s32 $execute0_lowered;
	[smem:$0x3FD2] =	sst s25  }
0xa7: {  	s6 =	sshll.u32 s26, $0x1;
	_ =	strace $0x80000046;
	[dreg:$0x1] =	wrdreg $0xFFFFFFFF  }
0xa8: {  	s28 =	simm.s32 $_size_execute0_lowered;
	s4 =	sadd.s32 s4, s6;
	[dreg:$0x0] =	wrdreg $0x0  }
0xa9: {  	s6 =	sshll.u32 s28, $0x1;
	[dreg:$0x2] =	wrdreg s4  }
0xaa: {  	[dreg:$0x3] =	wrdreg s6  }
0xab: {  	[dreg:$0x4] =	wrdreg $0xC0  }
0xac: {  	_ =	task [dreg:s8], $0x5FFFF  }
0xad: {  	[dreg:$0x1] =	wrdreg $0xFFFFFFFF  }
0xae: {  	[dreg:$0x0] =	wrdreg $0x60  }
0xaf: {  	[dreg:$0x2] =	wrdreg s2  }
0xb0: {  	[dreg:$0x3] =	wrdreg s18  }
0xb1: {  	[dreg:$0x4] =	wrdreg s24  }
0xb2: {  	[dreg:$0x5] =	wrdreg $0x9  }
0xb3: {  	_ =	task.clear_ibuf [dreg:s8], $0x6FFFF;
	_ =	strace $0x90000046  }
0xb4: {  	s29 =	simm.s32 $0x9;
	_ =	strace $0x80000048  }
0xb5: {  	_ =	swait.ge [sflag:s29], $0x1  }
0xb6: {  	[sflag:s29] =	ssyncadd.s32 $0xFFFFFFFF  }
0xb7: {  	_ =	strace $0x90000048  }
0xb8: {  	_ =	sfence  }
0xb9: {  	s30 =	sld [smem:$0x0];
	_ =	sdelay $0x2  }
0xba: {  	s31 =	sshll.u32 s1, $0xD;
	s1 =	sshrl.u32 s1, $0x2  }
0xbb: {  	s3 =	sand.u32 $0x4000, s31;
	s1 =	sadd.s32 s1, s30  }
0xbc: {  	s0 =	sor.u32 s3, s0;
	s1 =	sshll.u32 s1, $0x11  }
0xbd: {  	s0 =	sor.u32 s1, s0  }
0xbe: {  	s0 =	sadd.s32 $0x8F2B, s0  }
0xbf: {  	[sflag:s0] =	ssyncadd.remote.s32 $0x1  }
0xc0: {  	_ =	sfence.sel $0xFFFF  }
0xc1: {  	[dreg:$0x0] =	wrdreg $0xFFFFFFFF;
	(pc) =	sbr.abs _section_cstart, $3  }
0xc2: {  	[dreg:$0x1] =	wrdreg $0xFFFFFFFF  }
0xc3: {  	_ =	task.clear_ibuf [dreg:s8], $0x2FFFF;
	_ =	strace $0x9FFFFFFF  }
0xc4: {  	(tm) =	ssettm $0x7FFFFFFF  }
0xc5: {  	_ =	shalt  }
tec
execute0_lowered:
.L_overlay_start_1:
0x0: {  	(tag) =	ssettag $0x1  }
0x1: {  	s1 =	rddreg [dreg:$0x0]  }
0x2: {  	s3 =	rddreg [dreg:$0x1]  }
0x3: {  	s0 =	srdreg.scid;
	s4 =	stileid.u32  }
0x4: {  	s2 =	rddreg [dreg:$0x2];
	s7 =	simm.s32 $0x10;
	s8 =	simm.s32 $0x80  }
0x5: {  	s9 =	simm.s32 $0x100;
	s10 =	simm.s32 $0x180;
	s11 =	simm.s32 $0x1  }
0x6: {  	s12 =	simm.s32 $0x2;
	s14 =	simm.s32 $0x3;
	s15 =	simm.s32 $0x280  }
0x7: {  	s16 =	simm.s32 $0x4280;
	s0 =	sand.u32 $0x1, s0;
	s5 =	sshll.u32 s4, $0x1  }
.Ltmp0:
0x8: {  	s4 =	simm.s32 $0x0;
	s5 =	sor.u32 s0, s5;
	(pc) =	sbr.rel .LBB2_1-.Ltmp0, $4  }
0x9: {  	v0 =	vlaneseq.u32;
	s0 =	ssub.s32 $0x2, s0;
	s6 =	sshll.u32 s5, $0xA;
	s5 =	sshll.u32 s5, $0x4  }
0xa: {  	[smem:$0x7FF] =	sst s4;
	s31 =	sshrl.u32 s0, $0x1;
	s2 =	sadd.s32 s6, s2;
	v1 =	vmov s5;
	v0 =	vor.u32 s5, v0  }
0xb: {  	_ =	strace $0x80000047;
	s0 =	ssub.s32 s0, s31;
	s2 =	sadd.s32 $0x400, s2;
	[tilespmem:$0x1FFE0] =	vst v0;
	v63 =	vadd.s32 $0x10, v1  }
0xc: {  	s17 =	simm.s32 $0x0;
	s6 =	smax.u32 s0, $0x1;
	[dreg:$0x4] =	wrdreg s2;
	[tilespmem:$0x1FFF0] =	vst v63  }
.LBB2_5:
0xd: {  	s17 =	sadd.s32 $0x1, s17  }
0xe: {  	p0 =	sne.s32 s17, s6  }
.Ltmp1:
0xf: {  	s0 =	rddreg [dreg:$0x4];
	s2 =	simm.s32 $0x8280;
	(pc) =	sbr.rel @!p0 .LBB2_6-.Ltmp1, $4  }
0x10: {  	[hbm4b:s0+s4] =	stream.linear.scatter [tilespmem:s2], [sflag:$0x3], $0x2000, $0x38;
	[tilespmem:$0xA280] =	vst v63  }
0x11: {  	_ =	swait.ge [sflag:s14], $0x2000  }
0x12: {  	[sflag:s14] =	ssyncset.done $0x0  }
0x13: {  	[sflag:s14] =	ssyncadd.s32 $0xFFFFE000  }
.LBB2_1:
0x14: {  	v2 =	vimm.s32 $0xC350  }
0x15: {  	[tilespmem:$0x0] =	vst v2  }
0x16: {  	[tilespmem:$0x100] =	vst v2  }
0x17: {  	[tilespmem:s8], [sflag:$0x1] =	stream.indirect.gather [hbm4b:s3+s7], $0x1, s4, s7, $0xb8;
	[tilespmem:$0xA280] =	vst v63  }
0x18: {  	_ = 	snop  }
0x19: {  	[tilespmem:s10], [sflag:$0x2] =	stream.indirect.gather [hbm4b:s3+s7], $0x1, s9, s7, $0xb8;
	[tilespmem:$0xA280] =	vst v63  }
0x1a: {  	_ =	swait.ge [sflag:s11], $0x10  }
0x1b: {  	[sflag:s11] =	ssyncset.done $0x0  }
0x1c: {  	[sflag:s11] =	ssyncadd.s32 $0xFFFFFFF0  }
0x1d: {  	_ =	swait.ge [sflag:s12], $0x10  }
0x1e: {  	[sflag:s12] =	ssyncset.done $0x0;
	v0 =	vld [tilespmem:$0x1FFE0]  }
0x1f: {  	v1 =	vld [tilespmem:$0x1FFF0];
	[sflag:s12] =	ssyncadd.s32 $0xFFFFFFF0  }
0x20: {  	v5 =	vld [tilespmem:$0x80]  }
0x21: {  	v6 =	vld [tilespmem:$0x180];
	_ =	sdelay $0x3  }
0x22: {  	v3 =	vimm.s32 $0x61A8;
	vm0 =	vlt.s32 v5, v0  }
0x23: {  	vm1 =	vlt.s32 v6, v1;
	v5 =	vsel vm0, $0x124F8, v3  }
0x24: {  	v6 =	vsel vm1, $0x124F8, v3;
	[tilespmem:$0x0] =	vst v5  }
0x25: {  	[tilespmem:$0x100] =	vst v6  }
0x26: {  	[tilespmem:s8], [sflag:$0x1] =	stream.indirect.gather [hbm4b:s3+s7], $0x1, s4, s7, $0xb8;
	[tilespmem:$0xA280] =	vst v63  }
0x27: {  	_ = 	snop  }
0x28: {  	[tilespmem:s10], [sflag:$0x2] =	stream.indirect.gather [hbm4b:s3+s7], $0x1, s9, s7, $0xb8;
	[tilespmem:$0xA280] =	vst v63  }
0x29: {  	_ =	swait.ge [sflag:s11], $0x10  }
0x2a: {  	[sflag:s11] =	ssyncset.done $0x0  }
0x2b: {  	[sflag:s11] =	ssyncadd.s32 $0xFFFFFFF0  }
0x2c: {  	_ =	swait.ge [sflag:s12], $0x10  }
0x2d: {  	[sflag:s12] =	ssyncset.done $0x0  }
0x2e: {  	[sflag:s12] =	ssyncadd.s32 $0xFFFFFFF0  }
0x2f: {  	v7 =	vld [tilespmem:$0x80]  }
0x30: {  	v8 =	vld [tilespmem:$0x180];
	_ =	sdelay $0x1  }
0x31: {  	v28 =	vimm.s32 $0x0  }
0x32: {  	v9 =	vsel vm0, $0xC351, v28;
	v10 =	vsel vm0, $0x186A0, v2;
	v11 =	vsel vm1, $0xC351, v28  }
0x33: {  	v12 =	vsel vm1, $0x186A0, v2;
	v29 =	vor.u32 $0x1, v5;
	vm4 =	vlt.s32 v7, v0  }
0x34: {  	v30 =	vor.u32 $0x1, v6;
	vm5 =	vlt.s32 v8, v1;
	v5 =	vsel vm4, v10, v5  }
0x35: {  	v7 =	vsel vm4, v29, v9;
	v6 =	vsel vm5, v12, v6;
	v31 =	vadd.s32 $0xFFFFFFFF, v5  }
0x36: {  	v8 =	vsel vm5, v30, v11;
	v33 =	vadd.s32 $0xFFFFFFFF, v6;
	v32 =	vxor.u32 v31, v7  }
0x37: {  	v9 =	vor.u32 v31, v7;
	v34 =	vxor.u32 v33, v8;
	v10 =	vshrl.u32 v32, $0x1  }
0x38: {  	v35 =	vor.u32 v33, v8;
	v36 =	vshrl.u32 v34, $0x1;
	v9 =	vsub.s32 v9, v10  }
0x39: {  	v10 =	vsub.s32 v35, v36;
	[tilespmem:$0x0] =	vst v9  }
0x3a: {  	[tilespmem:$0x100] =	vst v10  }
0x3b: {  	[tilespmem:s8], [sflag:$0x1] =	stream.indirect.gather [hbm4b:s3+s7], $0x1, s4, s7, $0xb8;
	[tilespmem:$0xA280] =	vst v63  }
0x3c: {  	_ = 	snop  }
0x3d: {  	[tilespmem:s10], [sflag:$0x2] =	stream.indirect.gather [hbm4b:s3+s7], $0x1, s9, s7, $0xb8;
	[tilespmem:$0xA280] =	vst v63  }
0x3e: {  	_ =	swait.ge [sflag:s11], $0x10  }
0x3f: {  	[sflag:s11] =	ssyncset.done $0x0  }
0x40: {  	[sflag:s11] =	ssyncadd.s32 $0xFFFFFFF0  }
0x41: {  	_ =	swait.ge [sflag:s12], $0x10  }
0x42: {  	[sflag:s12] =	ssyncset.done $0x0  }
0x43: {  	[sflag:s12] =	ssyncadd.s32 $0xFFFFFFF0  }
0x44: {  	v37 =	vld [tilespmem:$0x80]  }
0x45: {  	v38 =	vld [tilespmem:$0x180];
	_ =	sdelay $0x3  }
0x46: {  	vm0 =	vlt.u32 v7, v5;
	vm1 =	vlt.u32 v8, v6;
	vm2 =	vlt.s32 v37, v0  }
0x47: {  	v39 =	vor.u32 $0x1, v9;
	vm3 =	vlt.s32 v38, v1;
	vm2 =	vmand vm0, vm2  }
0x48: {  	v40 =	vor.u32 $0x1, v10;
	vm3 =	vmand vm1, vm3;
	vm0 =	vmxor vm0, vm2  }
0x49: {  	v7 =	vsel vm2, v39, v7;
	vm6 =	vmxor vm1, vm3;
	v5 =	vsel vm0, v9, v5  }
0x4a: {  	v8 =	vsel vm3, v40, v8;
	v6 =	vsel vm6, v10, v6;
	v41 =	vxor.u32 v7, v5  }
0x4b: {  	v42 =	vand.u32 v7, v5;
	v43 =	vxor.u32 v8, v6;
	v9 =	vshrl.u32 v41, $0x1  }
0x4c: {  	v44 =	vand.u32 v8, v6;
	v11 =	vshrl.u32 v43, $0x1;
	v9 =	vadd.s32 v9, v42  }
0x4d: {  	v10 =	vadd.s32 v11, v44;
	[tilespmem:$0x0] =	vst v9  }
0x4e: {  	[tilespmem:$0x100] =	vst v10  }
0x4f: {  	[tilespmem:s8], [sflag:$0x1] =	stream.indirect.gather [hbm4b:s3+s7], $0x1, s4, s7, $0xb8;
	[tilespmem:$0xA280] =	vst v63  }
0x50: {  	_ = 	snop  }
0x51: {  	[tilespmem:s10], [sflag:$0x2] =	stream.indirect.gather [hbm4b:s3+s7], $0x1, s9, s7, $0xb8;
	[tilespmem:$0xA280] =	vst v63  }
0x52: {  	_ =	swait.ge [sflag:s11], $0x10  }
0x53: {  	[sflag:s11] =	ssyncset.done $0x0  }
0x54: {  	[sflag:s11] =	ssyncadd.s32 $0xFFFFFFF0  }
0x55: {  	_ =	swait.ge [sflag:s12], $0x10  }
0x56: {  	[sflag:s12] =	ssyncset.done $0x0  }
0x57: {  	[sflag:s12] =	ssyncadd.s32 $0xFFFFFFF0  }
0x58: {  	v45 =	vld [tilespmem:$0x80]  }
0x59: {  	v46 =	vld [tilespmem:$0x180];
	_ =	sdelay $0x3  }
0x5a: {  	vm7 =	vlt.u32 v7, v5;
	vm8 =	vlt.u32 v8, v6;
	vm9 =	vlt.s32 v45, v0  }
0x5b: {  	v47 =	vadd.s32 $0x1, v9;
	vm10 =	vlt.s32 v46, v1;
	vm2 =	vmand vm7, vm9  }
0x5c: {  	v48 =	vadd.s32 $0x1, v10;
	vm3 =	vmand vm8, vm10;
	vm0 =	vmxor vm7, vm2  }
0x5d: {  	v7 =	vsel vm2, v47, v7;
	vm11 =	vmxor vm8, vm3;
	v5 =	vsel vm0, v9, v5  }
0x5e: {  	v8 =	vsel vm3, v48, v8;
	v6 =	vsel vm11, v10, v6;
	v49 =	vadd.s32 v7, v5  }
0x5f: {  	v10 =	vadd.s32 v8, v6;
	v9 =	vshrl.u32 v49, $0x1  }
0x60: {  	v10 =	vshrl.u32 v10, $0x1;
	[tilespmem:$0x0] =	vst v9  }
0x61: {  	[tilespmem:$0x100] =	vst v10  }
0x62: {  	[tilespmem:s8], [sflag:$0x1] =	stream.indirect.gather [hbm4b:s3+s7], $0x1, s4, s7, $0xb8;
	[tilespmem:$0xA280] =	vst v63  }
0x63: {  	_ = 	snop  }
0x64: {  	[tilespmem:s10], [sflag:$0x2] =	stream.indirect.gather [hbm4b:s3+s7], $0x1, s9, s7, $0xb8;
	[tilespmem:$0xA280] =	vst v63  }
0x65: {  	_ =	swait.ge [sflag:s11], $0x10  }
0x66: {  	[sflag:s11] =	ssyncset.done $0x0  }
0x67: {  	[sflag:s11] =	ssyncadd.s32 $0xFFFFFFF0  }
0x68: {  	_ =	swait.ge [sflag:s12], $0x10  }
0x69: {  	[sflag:s12] =	ssyncset.done $0x0  }
0x6a: {  	[sflag:s12] =	ssyncadd.s32 $0xFFFFFFF0  }
0x6b: {  	v50 =	vld [tilespmem:$0x80]  }
0x6c: {  	v51 =	vld [tilespmem:$0x180];
	_ =	sdelay $0x3  }
0x6d: {  	vm12 =	vlt.u32 v7, v5;
	vm13 =	vlt.u32 v8, v6;
	vm14 =	vlt.s32 v50, v0  }
0x6e: {  	v52 =	vadd.s32 $0x1, v9;
	vm15 =	vlt.s32 v51, v1;
	vm2 =	vmand vm12, vm14  }
0x6f: {  	v53 =	vadd.s32 $0x1, v10;
	vm3 =	vmand vm13, vm15;
	vm0 =	vmxor vm12, vm2  }
0x70: {  	v7 =	vsel vm2, v52, v7;
	vm6 =	vmxor vm13, vm3;
	v5 =	vsel vm0, v9, v5  }
0x71: {  	v8 =	vsel vm3, v53, v8;
	v6 =	vsel vm6, v10, v6;
	v54 =	vadd.s32 v7, v5  }
0x72: {  	v10 =	vadd.s32 v8, v6;
	v9 =	vshrl.u32 v54, $0x1  }
0x73: {  	v10 =	vshrl.u32 v10, $0x1;
	[tilespmem:$0x0] =	vst v9  }
0x74: {  	[tilespmem:$0x100] =	vst v10  }
0x75: {  	[tilespmem:s8], [sflag:$0x1] =	stream.indirect.gather [hbm4b:s3+s7], $0x1, s4, s7, $0xb8;
	[tilespmem:$0xA280] =	vst v63  }
0x76: {  	_ = 	snop  }
0x77: {  	[tilespmem:s10], [sflag:$0x2] =	stream.indirect.gather [hbm4b:s3+s7], $0x1, s9, s7, $0xb8;
	[tilespmem:$0xA280] =	vst v63  }
0x78: {  	_ =	swait.ge [sflag:s11], $0x10  }
0x79: {  	[sflag:s11] =	ssyncset.done $0x0  }
0x7a: {  	[sflag:s11] =	ssyncadd.s32 $0xFFFFFFF0  }
0x7b: {  	_ =	swait.ge [sflag:s12], $0x10  }
0x7c: {  	[sflag:s12] =	ssyncset.done $0x0  }
0x7d: {  	[sflag:s12] =	ssyncadd.s32 $0xFFFFFFF0  }
0x7e: {  	v55 =	vld [tilespmem:$0x80]  }
0x7f: {  	v56 =	vld [tilespmem:$0x180];
	_ =	sdelay $0x3  }
0x80: {  	vm7 =	vlt.u32 v7, v5;
	vm8 =	vlt.u32 v8, v6;
	vm9 =	vlt.s32 v55, v0  }
0x81: {  	v57 =	vadd.s32 $0x1, v9;
	vm10 =	vlt.s32 v56, v1;
	vm2 =	vmand vm7, vm9  }
0x82: {  	v58 =	vadd.s32 $0x1, v10;
	vm3 =	vmand vm8, vm10;
	vm0 =	vmxor vm7, vm2  }
0x83: {  	v7 =	vsel vm2, v57, v7;
	vm11 =	vmxor vm8, vm3;
	v5 =	vsel vm0, v9, v5  }
0x84: {  	v8 =	vsel vm3, v58, v8;
	v6 =	vsel vm11, v10, v6;
	v59 =	vadd.s32 v7, v5  }
0x85: {  	v10 =	vadd.s32 v8, v6;
	v9 =	vshrl.u32 v59, $0x1  }
0x86: {  	v10 =	vshrl.u32 v10, $0x1;
	[tilespmem:$0x0] =	vst v9  }
0x87: {  	[tilespmem:$0x100] =	vst v10  }
0x88: {  	[tilespmem:s8], [sflag:$0x1] =	stream.indirect.gather [hbm4b:s3+s7], $0x1, s4, s7, $0xb8;
	[tilespmem:$0xA280] =	vst v63  }
0x89: {  	_ = 	snop  }
0x8a: {  	[tilespmem:s10], [sflag:$0x2] =	stream.indirect.gather [hbm4b:s3+s7], $0x1, s9, s7, $0xb8;
	[tilespmem:$0xA280] =	vst v63  }
0x8b: {  	_ =	swait.ge [sflag:s11], $0x10  }
0x8c: {  	[sflag:s11] =	ssyncset.done $0x0  }
0x8d: {  	[sflag:s11] =	ssyncadd.s32 $0xFFFFFFF0  }
0x8e: {  	_ =	swait.ge [sflag:s12], $0x10  }
0x8f: {  	[sflag:s12] =	ssyncset.done $0x0  }
0x90: {  	[sflag:s12] =	ssyncadd.s32 $0xFFFFFFF0  }
0x91: {  	v60 =	vld [tilespmem:$0x80]  }
0x92: {  	v61 =	vld [tilespmem:$0x180];
	_ =	sdelay $0x3  }
0x93: {  	vm12 =	vlt.u32 v7, v5;
	vm13 =	vlt.u32 v8, v6;
	vm14 =	vlt.s32 v60, v0  }
0x94: {  	v62 =	vadd.s32 $0x1, v9;
	vm15 =	vlt.s32 v61, v1;
	vm2 =	vmand vm12, vm14  }
0x95: {  	v63 =	vadd.s32 $0x1, v10;
	vm3 =	vmand vm13, vm15;
	vm0 =	vmxor vm12, vm2  }
0x96: {  	v7 =	vsel vm2, v62, v7;
	vm6 =	vmxor vm13, vm3;
	v5 =	vsel vm0, v9, v5  }
0x97: {  	v8 =	vsel vm3, v63, v8;
	v6 =	vsel vm6, v10, v6;
	v2 =	vadd.s32 v7, v5  }
0x98: {  	v10 =	vadd.s32 v8, v6;
	v9 =	vshrl.u32 v2, $0x1  }
0x99: {  	v10 =	vshrl.u32 v10, $0x1;
	[tilespmem:$0x0] =	vst v9  }
0x9a: {  	[tilespmem:$0x100] =	vst v10  }
0x9b: {  	[tilespmem:s8], [sflag:$0x1] =	stream.indirect.gather [hbm4b:s3+s7], $0x1, s4, s7, $0xb8;
	[tilespmem:$0xA280] =	vst v63  }
0x9c: {  	_ = 	snop  }
0x9d: {  	[tilespmem:s10], [sflag:$0x2] =	stream.indirect.gather [hbm4b:s3+s7], $0x1, s9, s7, $0xb8;
	[tilespmem:$0xA280] =	vst v63  }
0x9e: {  	_ =	swait.ge [sflag:s11], $0x10  }
0x9f: {  	[sflag:s11] =	ssyncset.done $0x0  }
0xa0: {  	[sflag:s11] =	ssyncadd.s32 $0xFFFFFFF0  }
0xa1: {  	_ =	swait.ge [sflag:s12], $0x10  }
0xa2: {  	[sflag:s12] =	ssyncset.done $0x0  }
0xa3: {  	[sflag:s12] =	ssyncadd.s32 $0xFFFFFFF0  }
0xa4: {  	v3 =	vld [tilespmem:$0x80]  }
0xa5: {  	v4 =	vld [tilespmem:$0x180];
	_ =	sdelay $0x3  }
0xa6: {  	vm7 =	vlt.u32 v7, v5;
	vm8 =	vlt.u32 v8, v6;
	vm9 =	vlt.s32 v3, v0  }
0xa7: {  	v15 =	vadd.s32 $0x1, v9;
	vm10 =	vlt.s32 v4, v1;
	vm2 =	vmand vm7, vm9  }
0xa8: {  	v16 =	vadd.s32 $0x1, v10;
	vm3 =	vmand vm8, vm10;
	vm0 =	vmxor vm7, vm2  }
0xa9: {  	v7 =	vsel vm2, v15, v7;
	vm11 =	vmxor vm8, vm3;
	v5 =	vsel vm0, v9, v5  }
0xaa: {  	v8 =	vsel vm3, v16, v8;
	v6 =	vsel vm11, v10, v6;
	v17 =	vadd.s32 v7, v5  }
0xab: {  	v10 =	vadd.s32 v8, v6;
	v9 =	vshrl.u32 v17, $0x1  }
0xac: {  	v10 =	vshrl.u32 v10, $0x1;
	[tilespmem:$0x0] =	vst v9  }
0xad: {  	[tilespmem:$0x100] =	vst v10  }
0xae: {  	[tilespmem:s8], [sflag:$0x1] =	stream.indirect.gather [hbm4b:s3+s7], $0x1, s4, s7, $0xb8;
	[tilespmem:$0xA280] =	vst v63  }
0xaf: {  	_ = 	snop  }
0xb0: {  	[tilespmem:s10], [sflag:$0x2] =	stream.indirect.gather [hbm4b:s3+s7], $0x1, s9, s7, $0xb8;
	[tilespmem:$0xA280] =	vst v63  }
0xb1: {  	_ =	swait.ge [sflag:s11], $0x10  }
0xb2: {  	[sflag:s11] =	ssyncset.done $0x0  }
0xb3: {  	[sflag:s11] =	ssyncadd.s32 $0xFFFFFFF0  }
0xb4: {  	_ =	swait.ge [sflag:s12], $0x10  }
0xb5: {  	[sflag:s12] =	ssyncset.done $0x0  }
0xb6: {  	[sflag:s12] =	ssyncadd.s32 $0xFFFFFFF0  }
0xb7: {  	v18 =	vld [tilespmem:$0x80]  }
0xb8: {  	v19 =	vld [tilespmem:$0x180];
	_ =	sdelay $0x3  }
0xb9: {  	vm12 =	vlt.u32 v7, v5;
	vm13 =	vlt.u32 v8, v6;
	vm14 =	vlt.s32 v18, v0  }
0xba: {  	v20 =	vadd.s32 $0x1, v9;
	vm15 =	vlt.s32 v19, v1;
	vm2 =	vmand vm12, vm14  }
0xbb: {  	v21 =	vadd.s32 $0x1, v10;
	vm3 =	vmand vm13, vm15;
	vm0 =	vmxor vm12, vm2  }
0xbc: {  	v7 =	vsel vm2, v20, v7;
	vm6 =	vmxor vm13, vm3;
	v5 =	vsel vm0, v9, v5  }
0xbd: {  	v8 =	vsel vm3, v21, v8;
	v6 =	vsel vm6, v10, v6;
	v22 =	vadd.s32 v7, v5  }
0xbe: {  	v10 =	vadd.s32 v8, v6;
	v9 =	vshrl.u32 v22, $0x1  }
0xbf: {  	v10 =	vshrl.u32 v10, $0x1;
	[tilespmem:$0x0] =	vst v9  }
0xc0: {  	[tilespmem:$0x100] =	vst v10  }
0xc1: {  	[tilespmem:s8], [sflag:$0x1] =	stream.indirect.gather [hbm4b:s3+s7], $0x1, s4, s7, $0xb8;
	[tilespmem:$0xA280] =	vst v63  }
0xc2: {  	_ = 	snop  }
0xc3: {  	[tilespmem:s10], [sflag:$0x2] =	stream.indirect.gather [hbm4b:s3+s7], $0x1, s9, s7, $0xb8;
	[tilespmem:$0xA280] =	vst v63  }
0xc4: {  	_ =	swait.ge [sflag:s11], $0x10  }
0xc5: {  	[sflag:s11] =	ssyncset.done $0x0  }
0xc6: {  	[sflag:s11] =	ssyncadd.s32 $0xFFFFFFF0  }
0xc7: {  	_ =	swait.ge [sflag:s12], $0x10  }
0xc8: {  	[sflag:s12] =	ssyncset.done $0x0  }
0xc9: {  	[sflag:s12] =	ssyncadd.s32 $0xFFFFFFF0  }
0xca: {  	v23 =	vld [tilespmem:$0x80]  }
0xcb: {  	v24 =	vld [tilespmem:$0x180];
	_ =	sdelay $0x3  }
0xcc: {  	vm7 =	vlt.u32 v7, v5;
	vm8 =	vlt.u32 v8, v6;
	vm9 =	vlt.s32 v23, v0  }
0xcd: {  	v25 =	vadd.s32 $0x1, v9;
	vm10 =	vlt.s32 v24, v1;
	vm2 =	vmand vm7, vm9  }
0xce: {  	v26 =	vadd.s32 $0x1, v10;
	vm3 =	vmand vm8, vm10;
	vm0 =	vmxor vm7, vm2  }
0xcf: {  	v7 =	vsel vm2, v25, v7;
	vm11 =	vmxor vm8, vm3;
	v5 =	vsel vm0, v9, v5  }
0xd0: {  	v8 =	vsel vm3, v26, v8;
	v6 =	vsel vm11, v10, v6;
	v27 =	vadd.s32 v7, v5  }
0xd1: {  	v10 =	vadd.s32 v8, v6;
	v9 =	vshrl.u32 v27, $0x1  }
0xd2: {  	v10 =	vshrl.u32 v10, $0x1;
	[tilespmem:$0x0] =	vst v9  }
0xd3: {  	[tilespmem:$0x100] =	vst v10  }
0xd4: {  	[tilespmem:s8], [sflag:$0x1] =	stream.indirect.gather [hbm4b:s3+s7], $0x1, s4, s7, $0xb8;
	[tilespmem:$0xA280] =	vst v63  }
0xd5: {  	_ = 	snop  }
0xd6: {  	[tilespmem:s10], [sflag:$0x2] =	stream.indirect.gather [hbm4b:s3+s7], $0x1, s9, s7, $0xb8;
	[tilespmem:$0xA280] =	vst v63  }
0xd7: {  	_ =	swait.ge [sflag:s11], $0x10  }
0xd8: {  	[sflag:s11] =	ssyncset.done $0x0  }
0xd9: {  	[sflag:s11] =	ssyncadd.s32 $0xFFFFFFF0  }
0xda: {  	_ =	swait.ge [sflag:s12], $0x10  }
0xdb: {  	[sflag:s12] =	ssyncset.done $0x0  }
0xdc: {  	[sflag:s12] =	ssyncadd.s32 $0xFFFFFFF0  }
0xdd: {  	v28 =	vld [tilespmem:$0x80]  }
0xde: {  	v29 =	vld [tilespmem:$0x180];
	_ =	sdelay $0x3  }
0xdf: {  	vm12 =	vlt.u32 v7, v5;
	vm13 =	vlt.u32 v8, v6;
	vm14 =	vlt.s32 v28, v0  }
0xe0: {  	v30 =	vadd.s32 $0x1, v9;
	vm15 =	vlt.s32 v29, v1;
	vm2 =	vmand vm12, vm14  }
0xe1: {  	v31 =	vadd.s32 $0x1, v10;
	vm3 =	vmand vm13, vm15;
	vm0 =	vmxor vm12, vm2  }
0xe2: {  	v7 =	vsel vm2, v30, v7;
	vm6 =	vmxor vm13, vm3;
	v5 =	vsel vm0, v9, v5  }
0xe3: {  	v8 =	vsel vm3, v31, v8;
	v6 =	vsel vm6, v10, v6;
	v32 =	vadd.s32 v7, v5  }
0xe4: {  	v10 =	vadd.s32 v8, v6;
	v9 =	vshrl.u32 v32, $0x1  }
0xe5: {  	v10 =	vshrl.u32 v10, $0x1;
	[tilespmem:$0x0] =	vst v9  }
0xe6: {  	[tilespmem:$0x100] =	vst v10  }
0xe7: {  	[tilespmem:s8], [sflag:$0x1] =	stream.indirect.gather [hbm4b:s3+s7], $0x1, s4, s7, $0xb8;
	[tilespmem:$0xA280] =	vst v63  }
0xe8: {  	_ = 	snop  }
0xe9: {  	[tilespmem:s10], [sflag:$0x2] =	stream.indirect.gather [hbm4b:s3+s7], $0x1, s9, s7, $0xb8;
	[tilespmem:$0xA280] =	vst v63  }
0xea: {  	_ =	swait.ge [sflag:s11], $0x10  }
0xeb: {  	[sflag:s11] =	ssyncset.done $0x0  }
0xec: {  	[sflag:s11] =	ssyncadd.s32 $0xFFFFFFF0  }
0xed: {  	_ =	swait.ge [sflag:s12], $0x10  }
0xee: {  	[sflag:s12] =	ssyncset.done $0x0  }
0xef: {  	[sflag:s12] =	ssyncadd.s32 $0xFFFFFFF0  }
0xf0: {  	v33 =	vld [tilespmem:$0x80]  }
0xf1: {  	v34 =	vld [tilespmem:$0x180];
	_ =	sdelay $0x3  }
0xf2: {  	vm7 =	vlt.u32 v7, v5;
	vm8 =	vlt.u32 v8, v6;
	vm9 =	vlt.s32 v33, v0  }
0xf3: {  	v35 =	vadd.s32 $0x1, v9;
	vm10 =	vlt.s32 v34, v1;
	vm2 =	vmand vm7, vm9  }
0xf4: {  	v36 =	vadd.s32 $0x1, v10;
	vm3 =	vmand vm8, vm10;
	vm0 =	vmxor vm7, vm2  }
0xf5: {  	v7 =	vsel vm2, v35, v7;
	vm11 =	vmxor vm8, vm3;
	v5 =	vsel vm0, v9, v5  }
0xf6: {  	v8 =	vsel vm3, v36, v8;
	v6 =	vsel vm11, v10, v6;
	v37 =	vadd.s32 v7, v5  }
0xf7: {  	v10 =	vadd.s32 v8, v6;
	v9 =	vshrl.u32 v37, $0x1  }
0xf8: {  	v10 =	vshrl.u32 v10, $0x1;
	[tilespmem:$0x0] =	vst v9  }
0xf9: {  	[tilespmem:$0x100] =	vst v10  }
0xfa: {  	[tilespmem:s8], [sflag:$0x1] =	stream.indirect.gather [hbm4b:s3+s7], $0x1, s4, s7, $0xb8;
	[tilespmem:$0xA280] =	vst v63  }
0xfb: {  	_ = 	snop  }
0xfc: {  	[tilespmem:s10], [sflag:$0x2] =	stream.indirect.gather [hbm4b:s3+s7], $0x1, s9, s7, $0xb8;
	[tilespmem:$0xA280] =	vst v63  }
0xfd: {  	_ =	swait.ge [sflag:s11], $0x10  }
0xfe: {  	[sflag:s11] =	ssyncset.done $0x0  }
0xff: {  	[sflag:s11] =	ssyncadd.s32 $0xFFFFFFF0  }
0x100: {  	_ =	swait.ge [sflag:s12], $0x10  }
0x101: {  	[sflag:s12] =	ssyncset.done $0x0  }
0x102: {  	[sflag:s12] =	ssyncadd.s32 $0xFFFFFFF0  }
0x103: {  	v38 =	vld [tilespmem:$0x80]  }
0x104: {  	v39 =	vld [tilespmem:$0x180];
	_ =	sdelay $0x3  }
0x105: {  	vm12 =	vlt.u32 v7, v5;
	vm13 =	vlt.u32 v8, v6;
	vm14 =	vlt.s32 v38, v0  }
0x106: {  	v40 =	vadd.s32 $0x1, v9;
	vm15 =	vlt.s32 v39, v1;
	vm2 =	vmand vm12, vm14  }
0x107: {  	v41 =	vadd.s32 $0x1, v10;
	vm3 =	vmand vm13, vm15;
	vm0 =	vmxor vm12, vm2  }
0x108: {  	v7 =	vsel vm2, v40, v7;
	vm6 =	vmxor vm13, vm3;
	v5 =	vsel vm0, v9, v5  }
0x109: {  	v8 =	vsel vm3, v41, v8;
	v6 =	vsel vm6, v10, v6;
	v42 =	vadd.s32 v7, v5  }
0x10a: {  	v10 =	vadd.s32 v8, v6;
	v9 =	vshrl.u32 v42, $0x1  }
0x10b: {  	v10 =	vshrl.u32 v10, $0x1;
	[tilespmem:$0x0] =	vst v9  }
0x10c: {  	[tilespmem:$0x100] =	vst v10  }
0x10d: {  	[tilespmem:s8], [sflag:$0x1] =	stream.indirect.gather [hbm4b:s3+s7], $0x1, s4, s7, $0xb8;
	[tilespmem:$0xA280] =	vst v63  }
0x10e: {  	_ = 	snop  }
0x10f: {  	[tilespmem:s10], [sflag:$0x2] =	stream.indirect.gather [hbm4b:s3+s7], $0x1, s9, s7, $0xb8;
	[tilespmem:$0xA280] =	vst v63  }
0x110: {  	_ =	swait.ge [sflag:s11], $0x10  }
0x111: {  	[sflag:s11] =	ssyncset.done $0x0  }
0x112: {  	[sflag:s11] =	ssyncadd.s32 $0xFFFFFFF0  }
0x113: {  	_ =	swait.ge [sflag:s12], $0x10  }
0x114: {  	[sflag:s12] =	ssyncset.done $0x0  }
0x115: {  	[sflag:s12] =	ssyncadd.s32 $0xFFFFFFF0  }
0x116: {  	v43 =	vld [tilespmem:$0x80]  }
0x117: {  	v44 =	vld [tilespmem:$0x180];
	_ =	sdelay $0x3  }
0x118: {  	vm7 =	vlt.u32 v7, v5;
	vm8 =	vlt.u32 v8, v6;
	vm9 =	vlt.s32 v43, v0  }
0x119: {  	v45 =	vadd.s32 $0x1, v9;
	vm10 =	vlt.s32 v44, v1;
	vm2 =	vmand vm7, vm9  }
0x11a: {  	v46 =	vadd.s32 $0x1, v10;
	vm3 =	vmand vm8, vm10;
	vm0 =	vmxor vm7, vm2  }
0x11b: {  	v7 =	vsel vm2, v45, v7;
	vm11 =	vmxor vm8, vm3;
	v5 =	vsel vm0, v9, v5  }
0x11c: {  	v8 =	vsel vm3, v46, v8;
	v6 =	vsel vm11, v10, v6;
	v47 =	vadd.s32 v7, v5  }
0x11d: {  	v10 =	vadd.s32 v8, v6;
	v9 =	vshrl.u32 v47, $0x1  }
0x11e: {  	v10 =	vshrl.u32 v10, $0x1;
	[tilespmem:$0x0] =	vst v9  }
0x11f: {  	[tilespmem:$0x100] =	vst v10  }
0x120: {  	[tilespmem:s8], [sflag:$0x1] =	stream.indirect.gather [hbm4b:s3+s7], $0x1, s4, s7, $0xb8;
	[tilespmem:$0xA280] =	vst v63  }
0x121: {  	_ = 	snop  }
0x122: {  	[tilespmem:s10], [sflag:$0x2] =	stream.indirect.gather [hbm4b:s3+s7], $0x1, s9, s7, $0xb8;
	[tilespmem:$0xA280] =	vst v63  }
0x123: {  	_ =	swait.ge [sflag:s11], $0x10  }
0x124: {  	[sflag:s11] =	ssyncset.done $0x0  }
0x125: {  	[sflag:s11] =	ssyncadd.s32 $0xFFFFFFF0  }
0x126: {  	_ =	swait.ge [sflag:s12], $0x10  }
0x127: {  	[sflag:s12] =	ssyncset.done $0x0  }
0x128: {  	[sflag:s12] =	ssyncadd.s32 $0xFFFFFFF0  }
0x129: {  	v48 =	vld [tilespmem:$0x80]  }
0x12a: {  	v49 =	vld [tilespmem:$0x180];
	_ =	sdelay $0x3  }
0x12b: {  	vm12 =	vlt.u32 v7, v5;
	vm13 =	vlt.u32 v8, v6;
	vm14 =	vlt.s32 v48, v0  }
0x12c: {  	v50 =	vadd.s32 $0x1, v9;
	vm15 =	vlt.s32 v49, v1;
	vm2 =	vmand vm12, vm14  }
0x12d: {  	v51 =	vadd.s32 $0x1, v10;
	vm3 =	vmand vm13, vm15;
	vm0 =	vmxor vm12, vm2  }
0x12e: {  	v7 =	vsel vm2, v50, v7;
	vm6 =	vmxor vm13, vm3;
	v5 =	vsel vm0, v9, v5  }
0x12f: {  	v8 =	vsel vm3, v51, v8;
	v6 =	vsel vm6, v10, v6;
	v52 =	vadd.s32 v7, v5  }
0x130: {  	v10 =	vadd.s32 v8, v6;
	v9 =	vshrl.u32 v52, $0x1  }
0x131: {  	v10 =	vshrl.u32 v10, $0x1;
	[tilespmem:$0x0] =	vst v9  }
0x132: {  	[tilespmem:$0x100] =	vst v10  }
0x133: {  	[tilespmem:s8], [sflag:$0x1] =	stream.indirect.gather [hbm4b:s3+s7], $0x1, s4, s7, $0xb8;
	[tilespmem:$0xA280] =	vst v63  }
0x134: {  	_ = 	snop  }
0x135: {  	[tilespmem:s10], [sflag:$0x2] =	stream.indirect.gather [hbm4b:s3+s7], $0x1, s9, s7, $0xb8;
	[tilespmem:$0xA280] =	vst v63  }
0x136: {  	_ =	swait.ge [sflag:s11], $0x10  }
0x137: {  	[sflag:s11] =	ssyncset.done $0x0  }
0x138: {  	[sflag:s11] =	ssyncadd.s32 $0xFFFFFFF0  }
0x139: {  	_ =	swait.ge [sflag:s12], $0x10  }
0x13a: {  	[sflag:s12] =	ssyncset.done $0x0  }
0x13b: {  	[sflag:s12] =	ssyncadd.s32 $0xFFFFFFF0  }
0x13c: {  	v53 =	vld [tilespmem:$0x80]  }
0x13d: {  	v54 =	vld [tilespmem:$0x180];
	_ =	sdelay $0x3  }
0x13e: {  	vm7 =	vlt.u32 v7, v5;
	vm8 =	vlt.u32 v8, v6;
	vm9 =	vlt.s32 v53, v0  }
0x13f: {  	v55 =	vadd.s32 $0x1, v9;
	vm10 =	vlt.s32 v54, v1;
	vm2 =	vmand vm7, vm9  }
0x140: {  	v56 =	vadd.s32 $0x1, v10;
	vm3 =	vmand vm8, vm10;
	vm0 =	vmxor vm7, vm2  }
0x141: {  	v7 =	vsel vm2, v55, v7;
	vm11 =	vmxor vm8, vm3;
	v5 =	vsel vm0, v9, v5  }
0x142: {  	v8 =	vsel vm3, v56, v8;
	v6 =	vsel vm11, v10, v6;
	v57 =	vadd.s32 v7, v5  }
0x143: {  	v10 =	vadd.s32 v8, v6;
	v9 =	vshrl.u32 v57, $0x1  }
0x144: {  	v10 =	vshrl.u32 v10, $0x1;
	v58 =	vmin.u32 v9, $0x1869F  }
0x145: {  	v59 =	vmin.u32 v10, $0x1869F;
	[tilespmem:$0x0] =	vst v58  }
0x146: {  	[tilespmem:$0x100] =	vst v59  }
0x147: {  	[tilespmem:s8], [sflag:$0x1] =	stream.indirect.gather [hbm4b:s3+s7], $0x1, s4, s7, $0xb8;
	[tilespmem:$0xA280] =	vst v63  }
0x148: {  	_ = 	snop  }
0x149: {  	[tilespmem:s10], [sflag:$0x2] =	stream.indirect.gather [hbm4b:s3+s7], $0x1, s9, s7, $0xb8;
	[tilespmem:$0xA280] =	vst v63  }
0x14a: {  	_ =	swait.ge [sflag:s11], $0x10  }
0x14b: {  	[sflag:s11] =	ssyncset.done $0x0  }
0x14c: {  	[sflag:s11] =	ssyncadd.s32 $0xFFFFFFF0  }
0x14d: {  	_ =	swait.ge [sflag:s12], $0x10  }
0x14e: {  	[sflag:s12] =	ssyncset.done $0x0  }
0x14f: {  	[sflag:s12] =	ssyncadd.s32 $0xFFFFFFF0  }
0x150: {  	v60 =	vld [tilespmem:$0x80]  }
0x151: {  	v61 =	vld [tilespmem:$0x180];
	_ =	sdelay $0x3  }
.Ltmp2:
0x152: {  	vm12 =	vlt.u32 v7, v5;
	vm13 =	vlt.u32 v8, v6;
	vm14 =	vlt.s32 v60, v0;
	(pc) =	sbr.rel .LBB2_2-.Ltmp2, $4  }
0x153: {  	v62 =	vadd.s32 $0x1, v9;
	vm15 =	vlt.s32 v61, v1;
	vm0 =	vmand vm12, vm14  }
0x154: {  	v63 =	vadd.s32 $0x1, v10;
	vm1 =	vmand vm13, vm15;
	v5 =	vsel vm0, v62, v7  }
0x155: {  	v6 =	vsel vm1, v63, v8;
	[tilespmem:$0x200] =	vst v5  }
0x156: {  	s18 =	simm.s32 $0x0;
	[tilespmem:$0x210] =	vst v6  }
.LBB2_3:
0x157: {  	v22 =	vimm.f32 $-Inf;
	v25 =	vimm.f32 $0.0e+00;
	v14 =	vimm.f32 $0.0e+00  }
0x158: {  	v12 =	vimm.f32 $0.0e+00;
	v11 =	vimm.f32 $0.0e+00;
	v20 =	vimm.f32 $0.0e+00  }
0x159: {  	v10 =	vimm.f32 $0.0e+00;
	v8 =	vimm.f32 $0.0e+00;
	v7 =	vimm.f32 $0.0e+00  }
0x15a: {  	v32 =	vimm.f32 $0.0e+00;
	v23 =	vimm.f32 $0.0e+00;
	v28 =	vimm.f32 $0.0e+00  }
0x15b: {  	v18 =	vimm.f32 $0.0e+00;
	v17 =	vimm.f32 $0.0e+00;
	v26 =	vimm.f32 $0.0e+00  }
0x15c: {  	v16 =	vimm.f32 $0.0e+00;
	v15 =	vimm.f32 $0.0e+00;
	v13 =	vimm.f32 $-Inf  }
0x15d: {  	v21 =	vimm.f32 $-Inf;
	v9 =	vimm.f32 $-Inf;
	v19 =	vimm.f32 $-Inf  }
0x15e: {  	v6 =	vimm.f32 $-Inf;
	v24 =	vimm.f32 $-Inf;
	v5 =	vimm.f32 $-Inf  }
.LBB2_4:
0x15f: {  	s0 =	ssub.s32 s20, s19  }
0x160: {  	s0 =	scvt.s32.f32 s0;
	_ =	sdelay $0x1  }
0x161: {  	v0 =	vmov s0  }
0x162: {  	v0 =	vmax.f32 v0, $1.000000000e+00  }
0x163: {  	v0 =	vbroadcast v0, $0x0;
	_ =	sdelay $0x1  }
0x164: {  	(erf) = vrcp.f32 v0;
	_ =	sdelay $0x8  }
0x165: {  	v0 =	vpop (erf)  }
0x166: {  	v30 =	vmul.f32 v25, v0;
	_ =	sdelay $0x1  }
0x167: {  	v1 =	vmul.f32 v32, v0;
	v2 =	vmul.f32 v30, v30;
	_ =	sdelay $0x1  }
0x168: {  	v1 =	vsub.f32 v1, v2  }
0x169: {  	v27 =	vmul.f32 v14, v0  }
0x16a: {  	v1 =	vmax.f32 v1, $0.0e+00  }
0x16b: {  	v37 =	vmul.f32 v23, v0;
	v3 =	vmul.f32 v27, v27;
	v1 =	vadd.f32 $9.999999970e-07, v1;
	_ =	sdelay $0x1  }
0x16c: {  	v2 =	vsub.f32 v37, v3;
	v4 =	vshrl.u32 v1, $0x1;
	v31 =	vmul.f32 $5.000000000e-01, v1  }
0x16d: {  	v4 =	vsub.s32 $0x5F3759DF, v4  }
0x16e: {  	v2 =	vmax.f32 v2, $0.0e+00;
	v38 =	vmul.f32 v4, v31  }
0x16f: {  	v2 =	vadd.f32 $9.999999970e-07, v2  }
0x170: {  	v3 =	vmul.f32 v4, v38  }
0x171: {  	v39 =	vshrl.u32 v2, $0x1;
	v40 =	vmul.f32 $5.000000000e-01, v2  }
0x172: {  	v23 =	vsub.s32 $0x5F3759DF, v39;
	v3 =	vsub.f32 $1.500000000e+00, v3  }
0x173: {  	v41 =	vmul.f32 v23, v40  }
0x174: {  	v3 =	vmul.f32 v4, v3  }
0x175: {  	v4 =	vmul.f32 v23, v41  }
0x176: {  	v29 =	vmul.f32 v3, v31  }
0x177: {  	v4 =	vsub.f32 $1.500000000e+00, v4  }
0x178: {  	v29 =	vmul.f32 v29, v3  }
0x179: {  	v4 =	vmul.f32 v23, v4  }
0x17a: {  	v33 =	vsub.f32 $1.500000000e+00, v29  }
0x17b: {  	v29 =	vmul.f32 v12, v0;
	v23 =	vmul.f32 v4, v40  }
0x17c: {  	v28 =	vmul.f32 v28, v0;
	v3 =	vmul.f32 v33, v3  }
0x17d: {  	v42 =	vmul.f32 v29, v29;
	v23 =	vmul.f32 v23, v4  }
0x17e: {  	v34 =	vmul.f32 v3, v31  }
0x17f: {  	v28 =	vsub.f32 v28, v42;
	v44 =	vsub.f32 $1.500000000e+00, v23;
	v23 =	vmul.f32 v11, v0  }
0x180: {  	v18 =	vmul.f32 v18, v0;
	v43 =	vmul.f32 v34, v3  }
0x181: {  	v28 =	vmax.f32 v28, $0.0e+00;
	v4 =	vmul.f32 v44, v4;
	v45 =	vmul.f32 v23, v23  }
0x182: {  	v28 =	vadd.f32 $9.999999970e-07, v28;
	v33 =	vsub.f32 $1.500000000e+00, v43  }
0x183: {  	v36 =	vmul.f32 v4, v40;
	v18 =	vsub.f32 v18, v45  }
0x184: {  	v46 =	vshrl.u32 v28, $0x1;
	v35 =	vmul.f32 $5.000000000e-01, v28;
	v3 =	vmul.f32 v33, v3  }
0x185: {  	v33 =	vsub.s32 $0x5F3759DF, v46;
	v36 =	vmul.f32 v36, v4;
	v18 =	vmax.f32 v18, $0.0e+00  }
0x186: {  	v39 =	vmul.f32 v17, v0;
	v47 =	vmul.f32 v33, v35;
	v18 =	vadd.f32 $9.999999970e-07, v18  }
0x187: {  	v17 =	vmul.f32 v10, v0;
	v31 =	vmul.f32 v3, v31;
	v36 =	vsub.f32 $1.500000000e+00, v36  }
0x188: {  	v34 =	vmul.f32 v33, v47;
	v37 =	vshrl.u32 v18, $0x1;
	v38 =	vmul.f32 $5.000000000e-01, v18  }
0x189: {  	v31 =	vmul.f32 v31, v3;
	v4 =	vmul.f32 v36, v4;
	v48 =	vsub.s32 $0x5F3759DF, v37  }
0x18a: {  	v26 =	vmul.f32 v26, v0;
	v34 =	vsub.f32 $1.500000000e+00, v34;
	v49 =	vmul.f32 v48, v38  }
0x18b: {  	v54 =	vmul.f32 v17, v17;
	v31 =	vsub.f32 $1.500000000e+00, v31;
	v50 =	vmul.f32 v4, v40  }
0x18c: {  	v33 =	vmul.f32 v33, v34;
	v34 =	vmul.f32 v48, v49  }
0x18d: {  	v3 =	vmul.f32 v31, v3;
	v31 =	vmul.f32 v20, v0  }
0x18e: {  	v16 =	vmul.f32 v16, v0;
	v26 =	vsub.f32 v26, v54;
	v52 =	vmul.f32 v50, v4  }
0x18f: {  	v51 =	vmul.f32 v33, v35;
	v34 =	vsub.f32 $1.500000000e+00, v34;
	v40 =	vmul.f32 v31, v31  }
0x190: {  	v26 =	vmax.f32 v26, $0.0e+00;
	v37 =	vsub.f32 $1.500000000e+00, v52;
	v1 =	vmul.f32 v3, v1  }
0x191: {  	v32 =	vmul.f32 v51, v33;
	v34 =	vmul.f32 v48, v34;
	v53 =	vsub.f32 v39, v40  }
0x192: {  	v4 =	vmul.f32 v37, v4;
	v39 =	vadd.f32 $9.999999970e-07, v26;
	v26 =	vmul.f32 v8, v0  }
0x193: {  	v32 =	vsub.f32 $1.500000000e+00, v32;
	v55 =	vmul.f32 v34, v38;
	v36 =	vmax.f32 v53, $0.0e+00  }
0x194: {  	v2 =	vmul.f32 v4, v2;
	v41 =	vmul.f32 $5.000000000e-01, v39;
	v3 =	vadd.f32 $9.999999970e-07, v36  }
0x195: {  	v42 =	vshrl.u32 v39, $0x1;
	v43 =	vmul.f32 v26, v26;
	v32 =	vmul.f32 v32, v33  }
0x196: {  	v33 =	vmul.f32 v55, v34;
	v36 =	vshrl.u32 v3, $0x1;
	v37 =	vmul.f32 $5.000000000e-01, v3  }
0x197: {  	v58 =	vsub.s32 $0x5F3759DF, v42;
	v42 =	vmul.f32 v7, v0;
	v36 =	vsub.s32 $0x5F3759DF, v36  }
0x198: {  	v0 =	vmul.f32 v15, v0;
	v16 =	vsub.f32 v16, v43;
	v57 =	vmul.f32 v36, v37  }
0x199: {  	v44 =	vmul.f32 v58, v41;
	v56 =	vmul.f32 v32, v35;
	v33 =	vsub.f32 $1.500000000e+00, v33  }
0x19a: {  	v59 =	vmul.f32 v42, v42;
	v16 =	vmax.f32 v16, $0.0e+00;
	v40 =	vmul.f32 v36, v57  }
0x19b: {  	v60 =	vmul.f32 v58, v44;
	v4 =	vmul.f32 v56, v32;
	v16 =	vadd.f32 $9.999999970e-07, v16  }
0x19c: {  	v33 =	vmul.f32 v33, v34;
	v0 =	vsub.f32 v0, v59;
	v40 =	vsub.f32 $1.500000000e+00, v40  }
0x19d: {  	v63 =	vsub.f32 $1.500000000e+00, v60;
	v48 =	vshrl.u32 v16, $0x1;
	v43 =	vmul.f32 $5.000000000e-01, v16  }
0x19e: {  	v0 =	vmax.f32 v0, $0.0e+00;
	v62 =	vmul.f32 v36, v40;
	v40 =	vsub.s32 $0x5F3759DF, v48  }
0x19f: {  	v0 =	vadd.f32 $9.999999970e-07, v0;
	v50 =	vmul.f32 v40, v43  }
0x1a0: {  	v4 =	vsub.f32 $1.500000000e+00, v4;
	v61 =	vmul.f32 v33, v38;
	v34 =	vmul.f32 v58, v63  }
0x1a1: {  	v45 =	vshrl.u32 v0, $0x1;
	v46 =	vmul.f32 $5.000000000e-01, v0;
	v36 =	vmul.f32 v40, v50  }
0x1a2: {  	v47 =	vmul.f32 v34, v41;
	v45 =	vsub.s32 $0x5F3759DF, v45;
	v49 =	vmul.f32 v62, v37  }
0x1a3: {  	v4 =	vmul.f32 v4, v32;
	v48 =	vmul.f32 v45, v46;
	v36 =	vsub.f32 $1.500000000e+00, v36  }
0x1a4: {  	s31 =	sshll.u32 s18, $0x9;
	v47 =	vmul.f32 v47, v34;
	v44 =	vmul.f32 v49, v62  }
0x1a5: {  	s0 =	sand.u32 $0x3FFFFE00, s31;
	v51 =	vmul.f32 v45, v48;
	v36 =	vmul.f32 v40, v36  }
0x1a6: {  	[tilespmem:s0+$0x8300] =	vst v22;
	v15 =	vmul.f32 v61, v33;
	v52 =	vsub.f32 $1.500000000e+00, v47;
	v44 =	vsub.f32 $1.500000000e+00, v44  }
0x1a7: {  	[tilespmem:s0+$0x8380] =	vst v25;
	v35 =	vmul.f32 v4, v35;
	v54 =	vsub.f32 $1.500000000e+00, v51;
	v56 =	vmul.f32 v36, v43  }
0x1a8: {  	[tilespmem:s0+$0x8310] =	vst v13;
	v15 =	vsub.f32 $1.500000000e+00, v15;
	v55 =	vmul.f32 v52, v34;
	v32 =	vmul.f32 v44, v62  }
0x1a9: {  	[tilespmem:s0+$0x8390] =	vst v14;
	v57 =	vmul.f32 v45, v54;
	v34 =	vmul.f32 v56, v36  }
0x1aa: {  	[tilespmem:s0+$0x8320] =	vst v21;
	v15 =	vmul.f32 v15, v33;
	v53 =	vmul.f32 v32, v37  }
0x1ab: {  	[tilespmem:s0+$0x83A0] =	vst v12;
	v35 =	vmul.f32 v35, v4;
	v63 =	vmul.f32 v57, v46;
	v62 =	vsub.f32 $1.500000000e+00, v34  }
0x1ac: {  	[tilespmem:s0+$0x8280] =	vst v30;
	v59 =	vmul.f32 v15, v38;
	v30 =	vmul.f32 v53, v32  }
0x1ad: {  	[tilespmem:s0+$0x8330] =	vst v9;
	v58 =	vsub.f32 $1.500000000e+00, v35;
	v35 =	vmul.f32 v62, v36;
	v36 =	vmul.f32 v63, v57  }
0x1ae: {  	[tilespmem:s0+$0x83B0] =	vst v11;
	v60 =	vsub.f32 $1.500000000e+00, v30  }
0x1af: {  	[tilespmem:s0+$0x8400] =	vst v1;
	v1 =	vmul.f32 v59, v15;
	v13 =	vsub.f32 $1.500000000e+00, v36  }
0x1b0: {  	[tilespmem:s0+$0x8340] =	vst v19;
	v61 =	vmul.f32 v55, v41;
	v32 =	vmul.f32 v60, v32  }
0x1b1: {  	[tilespmem:s0+$0x83C0] =	vst v20;
	v40 =	vmul.f32 v35, v43;
	v47 =	vmul.f32 v13, v57  }
0x1b2: {  	[tilespmem:s0+$0x8350] =	vst v6;
	v34 =	vmul.f32 v61, v55;
	v38 =	vmul.f32 v32, v37  }
0x1b3: {  	[tilespmem:s0+$0x83D0] =	vst v10;
	v48 =	vmul.f32 v40, v35;
	v52 =	vmul.f32 v47, v46  }
0x1b4: {  	[tilespmem:s0+$0x8290] =	vst v27;
	v27 =	vsub.f32 $1.500000000e+00, v34;
	v45 =	vmul.f32 v38, v32  }
0x1b5: {  	[tilespmem:s0+$0x8360] =	vst v24;
	v1 =	vsub.f32 $1.500000000e+00, v1;
	v51 =	vsub.f32 $1.500000000e+00, v48;
	v56 =	vmul.f32 v52, v47  }
0x1b6: {  	[tilespmem:s0+$0x83E0] =	vst v8;
	v4 =	vmul.f32 v58, v4;
	v44 =	vmul.f32 v27, v55;
	v49 =	vsub.f32 $1.500000000e+00, v45  }
0x1b7: {  	[tilespmem:s0+$0x8410] =	vst v2;
	v1 =	vmul.f32 v1, v15;
	v55 =	vmul.f32 v51, v35;
	v2 =	vsub.f32 $1.500000000e+00, v56  }
0x1b8: {  	[tilespmem:s0+$0x8370] =	vst v5;
	v50 =	vmul.f32 v44, v41;
	v53 =	vmul.f32 v49, v32  }
0x1b9: {  	[tilespmem:s0+$0x83F0] =	vst v7;
	v58 =	vmul.f32 v55, v43;
	v2 =	vmul.f32 v2, v47  }
0x1ba: {  	[tilespmem:s0+$0x82D0] =	vst v17;
	v54 =	vmul.f32 v50, v44;
	v3 =	vmul.f32 v53, v3  }
0x1bb: {  	[tilespmem:s0+$0x82A0] =	vst v29;
	v59 =	vmul.f32 v58, v55;
	v61 =	vmul.f32 v2, v46  }
0x1bc: {  	[tilespmem:s0+$0x82B0] =	vst v23;
	v1 =	vmul.f32 v1, v18  }
0x1bd: {  	v57 =	vsub.f32 $1.500000000e+00, v54;
	[tilespmem:s0+$0x8440] =	vst v3;
	v3 =	vsub.f32 $1.500000000e+00, v59;
	v62 =	vmul.f32 v61, v2  }
0x1be: {  	[tilespmem:s0+$0x82C0] =	vst v31  }
0x1bf: {  	s18 =	sadd.s32 $0x1, s18;
	[tilespmem:s0+$0x8430] =	vst v1;
	v9 =	vmul.f32 v57, v44;
	v1 =	vmul.f32 v3, v55;
	v3 =	vsub.f32 $1.500000000e+00, v62  }
0x1c0: {  	p0 =	sne.s32 s18, $0x10;
	[tilespmem:s0+$0x82E0] =	vst v26;
	v4 =	vmul.f32 v4, v28  }
.Ltmp3:
0x1c1: {  	[tilespmem:s0+$0x82F0] =	vst v42;
	v60 =	vmul.f32 v9, v39;
	v63 =	vmul.f32 v3, v2;
	(pc) =	sbr.rel @!p0 .LBB2_5-.Ltmp3, $4  }
0x1c2: {  	[tilespmem:s0+$0x8420] =	vst v4;
	v1 =	vmul.f32 v1, v16  }
0x1c3: {  	[tilespmem:s0+$0x8450] =	vst v60;
	v0 =	vmul.f32 v63, v0  }
0x1c4: {  	[tilespmem:s0+$0x8460] =	vst v1  }
0x1c5: {  	[tilespmem:s0+$0x8470] =	vst v0  }
.LBB2_2:
0x1c6: {  	v5 =	vld [tilespmem:s18+$0x200]  }
0x1c7: {  	v6 =	vld [tilespmem:s18+$0x201];
	_ =	sdelay $0x3  }
0x1c8: {  	(v2sf) =	vpush v5, $0x0  }
0x1c9: {  	(v2sf) =	vpush v6, $0x0;
	_ =	sdelay $0xd  }
0x1ca: {  	s19 =	spop (v2sf)  }
0x1cb: {  	s20 =	spop (v2sf);
	s21 =	sand.u32 $0xFFFFFFF8, s19  }
0x1cc: {  	s0 =	ssub.s32 s20, s21  }
0x1cd: {  	s0 =	sadd.s32 $0x7F, s0  }
0x1ce: {  	s22 =	sshrl.u32 s0, $0x7  }
0x1cf: {  	p0 =	seq.s32 s22, $0x0  }
.Ltmp4:
0x1d0: {  	_ = 	snop;
	(pc) =	sbr.rel @p0 .LBB2_3-.Ltmp4, $1  }
0x1d1: {  	_ =	sdelay $0x3  }
0x1d2: {  	v15 =	vimm.f32 $0.0e+00;
	v5 =	vimm.f32 $-Inf;
	v24 =	vimm.f32 $-Inf  }
0x1d3: {  	v6 =	vimm.f32 $-Inf;
	v19 =	vimm.f32 $-Inf;
	v9 =	vimm.f32 $-Inf  }
0x1d4: {  	v21 =	vimm.f32 $-Inf;
	v13 =	vimm.f32 $-Inf;
	v22 =	vimm.f32 $-Inf  }
.Ltmp5:
0x1d5: {  	p0 =	slt.s32 s21, $0x18620;
	s0 =	smov.u32 s21;
	v16 =	vimm.f32 $0.0e+00;
	v26 =	vimm.f32 $0.0e+00;
	v17 =	vimm.f32 $0.0e+00;
	(pc) =	sbr.rel .LBB2_9-.Ltmp5, $4  }
0x1d6: {  	v18 =	vimm.f32 $0.0e+00;
	v28 =	vimm.f32 $0.0e+00;
	v23 =	vimm.f32 $0.0e+00;
	s0 =	simm.s32 @!p0 $0x18620  }
0x1d7: {  	s23 =	simm.s32 $0x0;
	v32 =	vimm.f32 $0.0e+00;
	v7 =	vimm.f32 $0.0e+00;
	v8 =	vimm.f32 $0.0e+00;
	s24 =	sadd.s32 $0x80, s21;
	s0 =	sshll.u32 s0, $0x4  }
0x1d8: {  	v10 =	vimm.f32 $0.0e+00;
	v20 =	vimm.f32 $0.0e+00;
	v11 =	vimm.f32 $0.0e+00;
	s25 =	smov.u32 s21;
	p0 =	por $0x0, $0x0;
	s0 =	sadd.s32 s1, s0  }
0x1d9: {  	v12 =	vimm.f32 $0.0e+00;
	v14 =	vimm.f32 $0.0e+00;
	v25 =	vimm.f32 $0.0e+00;
	[tilespmem:s15], [sflag:$0x1] =	stream.linear.gather [hbm4b:s0+s23], $0x4000, $0x38;
	[tilespmem:$0xA280] =	vst v63  }
.LBB2_16:
0x1da: {  	v0 =	vmul.f32 v30, v30;
	v1 =	vmul.f32 v31, v31  }
0x1db: {  	v22 =	vmax.f32 v22, v31;
	v20 =	vadd.f32 v29, v20;
	v17 =	vadd.f32 v34, v17  }
0x1dc: {  	v19 =	vmax.f32 v19, v29;
	v25 =	vadd.f32 v31, v25;
	v26 =	vadd.f32 v33, v26  }
0x1dd: {  	v6 =	vmax.f32 v6, v27;
	v10 =	vadd.f32 v27, v10;
	v8 =	vadd.f32 v30, v8  }
0x1de: {  	v24 =	vmax.f32 v24, v30;
	v16 =	vadd.f32 v0, v16;
	v32 =	vadd.f32 v1, v32  }
.LBB2_8:
0x1df: {  	p1 =	seq.s32 s23, s22  }
.Ltmp6:
0x1e0: {  	_ = 	snop;
	(pc) =	sbr.rel @p1 .LBB2_4-.Ltmp6, $2  }
0x1e1: {  	_ =	sdelay $0x2  }
0x1e2: {  	s25 =	sadd.s32 $0x80, s25;
	s24 =	sadd.s32 $0x80, s24;
	p0 =	por !p0, !p0  }
.LBB2_9:
0x1e3: {  	s0 =	smov.u32 s23;
	s23 =	sadd.s32 $0x1, s23  }
0x1e4: {  	p1 =	sge.u32 s23, s22  }
0x1e5: {  	s5 =	sand.u32 $0x1, s0;
	s2 =	sshll.u32 @!p1 s23, $0x7  }
0x1e6: {  	s13 =	simm.s32 $0x2;
	p2 =	seq.s32 s5, $0x1;
	s2 =	sadd.s32 @!p1 s21, s2  }
0x1e7: {  	s13 =	simm.s32 @!p2 $0x1;
	p2 =	slt.s32 @!p1 s2, $0x18620  }
0x1e8: {  	s26 =	sand.u32 @!p1 $0x1, s23;
	_ =	swait.ge [sflag:s13], $0x4000;
	p2 =	por !p2, p1  }
0x1e9: {  	[sflag:s13] =	ssyncset.done $0x0;
	s2 =	simm.s32 @p2 $0x18620;
	p2 =	seq.s32 @!p1 s26, $0x1  }
0x1ea: {  	[sflag:s13] =	ssyncadd.s32 $0xFFFFC000;
	s2 =	sshll.u32 @!p1 s2, $0x4;
	p3 =	por p2, p1  }
0x1eb: {  	s2 =	sadd.s32 @!p1 s1, s2;
	s13 =	simm.s32 @!p3 $0x0;
	s26 =	simm.s32 @!p3 $0x280  }
0x1ec: {  	[tilespmem:s26], [sflag:$0x1] =	stream.linear.gather @!p3 [hbm4b:s2+s13], $0x4000, $0x38;
	[tilespmem:$0xA280] =	vst v63  }
0x1ed: {  	p3 =	sne.s32 @!p3 s5, $0x0  }
0x1ee: {  	s0 =	sshll.u32 s0, $0x7;
	p2 =	por @!p1 p2, !p3  }
0x1ef: {  	s0 =	sadd.s32 s21, s0;
	p1 =	por p1, !p2  }
0x1f0: {  	[tilespmem:s16], [sflag:$0x2] =	stream.linear.gather @!p1 [hbm4b:s2+s4], $0x4000, $0x38;
	[tilespmem:$0xA280] =	vst v63  }
0x1f1: {  	s13 =	sadd.s32 $0x80, s0;
	p1 =	slt.s32 s0, $0x18620;
	s2 =	smov.u32 s0  }
0x1f2: {  	p2 =	slt.s32 s20, s13;
	s2 =	simm.s32 @!p1 $0x18620;
	p1 =	sgt.s32 s19, s0  }
0x1f3: {  	s13 =	smov.u32 @p2 s20;
	s0 =	smov.u32 @p1 s19  }
0x1f4: {  	s26 =	ssub.s32 s13, s2;
	s29 =	ssub.s32 s0, s2  }
0x1f5: {  	s2 =	ssub.s32 s26, s29  }
0x1f6: {  	p2 =	slt.u32 s2, $0x4  }
.Ltmp7:
0x1f7: {  	s28 =	smov.u32 s25;
	(pc) =	sbr.rel @p2 .LBB2_13-.Ltmp7, $4  }
0x1f8: {  	s30 =	smov.u32 s25;
	s5 =	simm.s32 $0x1;
	p1 =	sgt.s32 s19, s25  }
0x1f9: {  	s28 =	smov.u32 @p1 s19;
	p1 =	slt.s32 s20, s24;
	s0 =	smov.u32 s24  }
0x1fa: {  	s5 =	simm.s32 @!p0 $0x0;
	s0 =	smov.u32 @p1 s20;
	p1 =	slt.s32 s25, $0x18620  }
0x1fb: {  	s31 =	sshll.u32 s5, $0x10;
	s30 =	simm.s32 @!p1 $0x18620;
	s0 =	ssub.s32 s0, s28  }
0x1fc: {  	s5 =	sshll.u32 s28, $0x9  }
0x1fd: {  	s13 =	sshll.u32 s30, $0x9;
	s5 =	sadd.s32 s5, s31  }
0x1fe: {  	s5 =	ssub.s32 s5, s13  }
0x1ff: {  	s5 =	sshra.s32 s5, $0x2  }
0x200: {  	s5 =	sadd.s32 $0x380, s5  }
0x201: {  	v35 =	vld [tilespmem:s5+$0xFFFFFF10]  }
0x202: {  	v33 =	vld [tilespmem:s5+$0xC0]  }
0x203: {  	v30 =	vld [tilespmem:s5+$0x40]  }
0x204: {  	v31 =	vld [tilespmem:s5+$0xE0]  }
0x205: {  	v34 =	vld [tilespmem:s5+$0x20]  }
0x206: {  	v39 =	vld [tilespmem:s5+$0x90]  }
0x207: {  	v40 =	vld [tilespmem:s5+$0xFFFFFF90]  }
0x208: {  	v41 =	vld [tilespmem:s5+$0x10]  }
0x209: {  	v38 =	vld [tilespmem:s5+$0xFFFFFFC0]  }
0x20a: {  	v36 =	vld [tilespmem:s5+$0x50]  }
0x20b: {  	v43 =	vld [tilespmem:s5+$0xFFFFFFE0]  }
0x20c: {  	v44 =	vld [tilespmem:s5+$0xFFFFFF60]  }
0x20d: {  	v47 =	vld [tilespmem:s5+$0xFFFFFF30]  }
0x20e: {  	v50 =	vld [tilespmem:s5+$0x70];
	v37 =	vmul.f32 v35, v35;
	v14 =	vadd.f32 v35, v14;
	v42 =	vmul.f32 v40, v40  }
0x20f: {  	v51 =	vld [tilespmem:s5+$0x30];
	v13 =	vmax.f32 v13, v35;
	v48 =	vmul.f32 v31, v31;
	v35 =	vmul.f32 v34, v34  }
0x210: {  	v53 =	vld [tilespmem:s5+$0xFFFFFF40];
	v62 =	vmul.f32 v41, v41;
	v49 =	vmul.f32 v30, v30  }
0x211: {  	v54 =	vld [tilespmem:s5+$0xFFFFFF70];
	v63 =	vmul.f32 v39, v39;
	v52 =	vmul.f32 v38, v38  }
0x212: {  	v46 =	vld [tilespmem:s5+$0xFFFFFFB0];
	v0 =	vmul.f32 v44, v44;
	v1 =	vmul.f32 v43, v43  }
0x213: {  	v59 =	vld [tilespmem:s5+$0xFFFFFFF0];
	v55 =	vmul.f32 v33, v33;
	v56 =	vmul.f32 v50, v50  }
0x214: {  	v8 =	vadd.f32 v44, v8;
	v57 =	vmul.f32 v51, v51;
	v45 =	vmul.f32 v36, v36  }
0x215: {  	v27 =	vld [tilespmem:s5+$0x80];
	v24 =	vmax.f32 v24, v44;
	v60 =	vmul.f32 v47, v47;
	v61 =	vmul.f32 v53, v53  }
0x216: {  	v11 =	vadd.f32 v47, v11;
	v9 =	vmax.f32 v9, v47;
	v7 =	vadd.f32 v54, v7  }
0x217: {  	v5 =	vmax.f32 v5, v54;
	v19 =	vmax.f32 v19, v53;
	v13 =	vmax.f32 v13, v40  }
0x218: {  	v24 =	vmax.f32 v24, v43;
	v9 =	vmax.f32 v9, v46;
	v5 =	vmax.f32 v5, v59  }
0x219: {  	v3 =	vld [tilespmem:s5+$0xB0];
	v23 =	vadd.f32 v37, v23;
	v14 =	vadd.f32 v40, v14;
	v13 =	vmax.f32 v13, v41  }
0x21a: {  	v29 =	vld [tilespmem:s5+$0xA0];
	v16 =	vadd.f32 v0, v16;
	v8 =	vadd.f32 v43, v8;
	v43 =	vmul.f32 v27, v27  }
0x21b: {  	v18 =	vadd.f32 v60, v18;
	v60 =	vmul.f32 v46, v46;
	v11 =	vadd.f32 v46, v11  }
0x21c: {  	v44 =	vld [tilespmem:s5+$0xFFFFFFD0];
	v17 =	vadd.f32 v61, v17;
	v9 =	vmax.f32 v9, v51;
	v7 =	vadd.f32 v59, v7  }
0x21d: {  	v5 =	vmax.f32 v5, v50;
	v13 =	vmax.f32 v13, v39;
	v23 =	vadd.f32 v42, v23  }
0x21e: {  	v47 =	vld [tilespmem:s5+$0xFFFFFF50];
	v9 =	vmax.f32 v9, v3;
	v14 =	vadd.f32 v41, v14;
	v16 =	vadd.f32 v1, v16  }
0x21f: {  	v37 =	vld [tilespmem:s5+$0x60];
	v41 =	vmul.f32 v29, v29;
	v18 =	vadd.f32 v60, v18;
	v11 =	vadd.f32 v51, v11  }
0x220: {  	v40 =	vld [tilespmem:s5+$0x0];
	v60 =	vmul.f32 v59, v59;
	v17 =	vadd.f32 v52, v17;
	v7 =	vadd.f32 v50, v7  }
0x221: {  	v42 =	vld [tilespmem:s5+$0xFFFFFF20];
	v0 =	vmul.f32 v44, v44;
	v23 =	vadd.f32 v62, v23;
	v14 =	vadd.f32 v39, v14  }
0x222: {  	v1 =	vld [tilespmem:s5+$0xFFFFFF00];
	v62 =	vmul.f32 v54, v54;
	v18 =	vadd.f32 v57, v18;
	v57 =	vmul.f32 v3, v3  }
0x223: {  	v11 =	vadd.f32 v3, v11;
	v3 =	vmul.f32 v47, v47;
	v17 =	vadd.f32 v49, v17  }
0x224: {  	v39 =	vld [tilespmem:s5+$0xFFFFFF80];
	v2 =	vmul.f32 v37, v37;
	v8 =	vadd.f32 v37, v8;
	v23 =	vadd.f32 v63, v23  }
0x225: {  	v46 =	vld [tilespmem:s5+$0xFFFFFFA0];
	v4 =	vmul.f32 v40, v40;
	v18 =	vadd.f32 v57, v18;
	v3 =	vadd.f32 v3, v26  }
0x226: {  	v15 =	vadd.f32 v62, v15;
	v17 =	vadd.f32 v55, v17;
	v58 =	vmul.f32 v42, v42  }
0x227: {  	v16 =	vadd.f32 v2, v16;
	v8 =	vadd.f32 v31, v8;
	v2 =	vld [tilespmem:s5+$0xF0];
	v61 =	vmul.f32 v1, v1  }
0x228: {  	s13 =	sshrl.u32 s0, $0x2;
	v57 =	vmax.f32 v21, v42;
	v25 =	vadd.f32 v1, v25;
	v21 =	vadd.f32 v53, v20  }
0x229: {  	p1 =	sne.s32 s13, $0x1;
	v15 =	vadd.f32 v60, v15;
	v50 =	vadd.f32 v0, v3;
	v63 =	vmul.f32 v39, v39  }
.Ltmp8:
0x22a: {  	v16 =	vadd.f32 v48, v16;
	v61 =	vadd.f32 v61, v32;
	v32 =	vmul.f32 v46, v46;
	(pc) =	sbr.rel @!p1 .LBB2_12-.Ltmp8, $4  }
0x22b: {  	v48 =	vadd.f32 v58, v28;
	v26 =	vadd.f32 v39, v25;
	v25 =	vmax.f32 v57, v46  }
0x22c: {  	v15 =	vadd.f32 v56, v15;
	v20 =	vadd.f32 v63, v61;
	v51 =	vmul.f32 v2, v2  }
0x22d: {  	v49 =	vmax.f32 v25, v34;
	v25 =	vmax.f32 v22, v1;
	v7 =	vadd.f32 v2, v7  }
0x22e: {  	s13 =	sadd.s32 $0xFFFFFFFF, s13;
	v28 =	vld [tilespmem:s5+$0xD0];
	s5 =	sadd.s32 $0x200, s5;
	v5 =	vmax.f32 v5, v2;
	v20 =	vadd.f32 v4, v20;
	v15 =	vadd.f32 v51, v15  }
.LBB2_11:
0x22f: {  	v0 =	vld [tilespmem:s5+$0xFFFFFF10]  }
0x230: {  	v4 =	vld [tilespmem:s5+$0x80]  }
0x231: {  	v1 =	vadd.f32 v47, v10;
	v12 =	vadd.f32 v42, v12;
	v59 =	vld [tilespmem:s5+$0x20]  }
0x232: {  	v24 =	vmax.f32 v24, v37;
	v37 =	vld [tilespmem:s5+$0x60];
	v3 =	vadd.f32 v45, v50;
	v56 =	vadd.f32 v32, v48  }
0x233: {  	v10 =	vmax.f32 v19, v38;
	v51 =	vld [tilespmem:s5+$0x70];
	v22 =	vadd.f32 v43, v20;
	v61 =	vadd.f32 v40, v26  }
0x234: {  	v52 =	vld [tilespmem:s5+$0x30];
	v10 =	vmax.f32 v10, v30;
	v1 =	vadd.f32 v44, v1;
	v12 =	vadd.f32 v46, v12  }
0x235: {  	v62 =	vld [tilespmem:s5+$0xFFFFFF90];
	v20 =	vmax.f32 v10, v33;
	v2 =	vmax.f32 v6, v47;
	v6 =	vadd.f32 v38, v21  }
0x236: {  	v45 =	vld [tilespmem:s5+$0xFFFFFFE0];
	v21 =	vmax.f32 v49, v29;
	v1 =	vadd.f32 v36, v1;
	v10 =	vmul.f32 v28, v28  }
0x237: {  	v50 =	vld [tilespmem:s5+$0xFFFFFF30];
	v12 =	vadd.f32 v34, v12;
	v2 =	vmax.f32 v2, v44;
	v57 =	vmul.f32 v0, v0  }
0x238: {  	v32 =	vld [tilespmem:s5+$0xFFFFFF70];
	v14 =	vadd.f32 v0, v14;
	v0 =	vmax.f32 v13, v0;
	v53 =	vmul.f32 v37, v37  }
0x239: {  	v58 =	vld [tilespmem:s5+$0xE0];
	v54 =	vmul.f32 v51, v51;
	v55 =	vmul.f32 v52, v52;
	v2 =	vmax.f32 v2, v36  }
0x23a: {  	v63 =	vld [tilespmem:s5+$0x10];
	v19 =	vadd.f32 v30, v6;
	v26 =	vadd.f32 v10, v3;
	v3 =	vmax.f32 v24, v31  }
0x23b: {  	v46 =	vld [tilespmem:s5+$0xFFFFFFB0];
	v34 =	vmovc v59;
	v24 =	vmax.f32 v25, v39;
	v10 =	vadd.f32 v28, v1;
	v12 =	vadd.f32 v29, v12  }
0x23c: {  	v60 =	vld [tilespmem:s5+$0x90];
	v6 =	vmul.f32 v59, v34;
	v0 =	vmax.f32 v0, v62;
	v59 =	vmul.f32 v45, v45  }
0x23d: {  	v42 =	vld [tilespmem:s5+$0xFFFFFF20];
	v11 =	vadd.f32 v50, v11;
	v9 =	vmax.f32 v9, v50;
	v7 =	vadd.f32 v32, v7  }
0x23e: {  	v47 =	vld [tilespmem:s5+$0xA0];
	v31 =	vmovc v58;
	v5 =	vmax.f32 v5, v32;
	v2 =	vmax.f32 v2, v28;
	v23 =	vadd.f32 v57, v23  }
0x23f: {  	v38 =	vld [tilespmem:s5+$0xFFFFFFC0];
	v13 =	vmax.f32 v24, v40;
	v28 =	vadd.f32 v27, v61;
	v48 =	vmul.f32 v58, v31  }
0x240: {  	v44 =	vld [tilespmem:s5+$0xC0];
	v0 =	vmax.f32 v0, v63;
	v9 =	vmax.f32 v9, v46;
	[tilespmem:$0x1FFD0] =	vst v2;
	v2 =	vadd.f32 v35, v56  }
0x241: {  	v30 =	vld [tilespmem:s5+$0x40];
	v25 =	vmax.f32 v13, v27;
	v13 =	vadd.f32 v62, v14;
	v14 =	vmul.f32 v62, v62  }
0x242: {  	v24 =	vld [tilespmem:s5+$0xFFFFFF60];
	v19 =	vadd.f32 v33, v19;
	v27 =	vmovc v4;
	v11 =	vadd.f32 v46, v11;
	v9 =	vmax.f32 v9, v52  }
0x243: {  	v40 =	vld [tilespmem:s5+$0x0];
	v43 =	vmul.f32 v4, v27;
	v2 =	vadd.f32 v41, v2;
	v14 =	vadd.f32 v14, v23  }
0x244: {  	v36 =	vld [tilespmem:s5+$0x50];
	v29 =	vmovc v47;
	v23 =	vmul.f32 v63, v63;
	v56 =	vadd.f32 v63, v13;
	v13 =	vmax.f32 v0, v60  }
0x245: {  	v62 =	vld [tilespmem:s5+$0xF0];
	v0 =	vmul.f32 v38, v38;
	v41 =	vmul.f32 v47, v29;
	v11 =	vadd.f32 v52, v11  }
0x246: {  	v63 =	vld [tilespmem:s5+$0xFFFFFF00];
	v49 =	vmul.f32 v30, v30;
	v57 =	vadd.f32 v23, v14;
	v23 =	vmul.f32 v60, v60  }
0x247: {  	v39 =	vld [tilespmem:s5+$0xFFFFFF80];
	v14 =	vadd.f32 v60, v56;
	v8 =	vadd.f32 v24, v8;
	v58 =	vmul.f32 v24, v24  }
0x248: {  	v33 =	vmovc v44;
	v3 =	vmax.f32 v3, v24;
	v56 =	vmul.f32 v42, v42;
	v60 =	vld [tilespmem:s5+$0xB0];
	v61 =	vmul.f32 v40, v40  }
0x249: {  	v1 =	vld [tilespmem:s5+$0xFFFFFF40];
	v24 =	vmax.f32 v3, v45;
	v3 =	vmul.f32 v44, v33;
	v23 =	vadd.f32 v23, v57  }
0x24a: {  	v52 =	vmul.f32 v62, v62;
	v16 =	vadd.f32 v58, v16;
	v8 =	vadd.f32 v45, v8;
	v57 =	vld [tilespmem:s5+$0xFFFFFFF0]  }
0x24b: {  	v45 =	vmul.f32 v36, v36;
	v58 =	vmul.f32 v32, v32;
	v25 =	vmax.f32 v25, v63  }
0x24c: {  	v4 =	vadd.f32 v59, v16;
	v8 =	vadd.f32 v37, v8;
	v16 =	vmul.f32 v50, v50  }
0x24d: {  	v59 =	vmul.f32 v39, v39;
	v15 =	vadd.f32 v58, v15;
	v11 =	vadd.f32 v60, v11  }
0x24e: {  	v47 =	vld [tilespmem:s5+$0xFFFFFF50];
	v4 =	vadd.f32 v53, v4;
	v16 =	vadd.f32 v16, v18;
	v18 =	vmul.f32 v46, v46  }
0x24f: {  	v53 =	vmul.f32 v1, v1;
	v8 =	vadd.f32 v31, v8;
	v35 =	vmul.f32 v57, v57  }
0x250: {  	v44 =	vld [tilespmem:s5+$0xFFFFFFD0];
	v5 =	vmax.f32 v5, v57;
	v57 =	vadd.f32 v57, v7;
	v18 =	vadd.f32 v18, v16  }
0x251: {  	v9 =	vmax.f32 v9, v60;
	v16 =	vadd.f32 v48, v4;
	v4 =	vadd.f32 v53, v17  }
0x252: {  	v48 =	vadd.f32 v56, v2;
	v17 =	vadd.f32 v55, v18;
	v18 =	vmul.f32 v60, v60  }
0x253: {  	v0 =	vadd.f32 v0, v4;
	v4 =	vmul.f32 v47, v47;
	v60 =	vmax.f32 v21, v42  }
0x254: {  	v46 =	vld [tilespmem:s5+$0xFFFFFFA0];
	v21 =	vadd.f32 v1, v19;
	v18 =	vadd.f32 v18, v17;
	v17 =	vmul.f32 v63, v63  }
0x255: {  	v50 =	vmul.f32 v44, v44;
	v4 =	vadd.f32 v4, v26;
	v0 =	vadd.f32 v49, v0  }
0x256: {  	p1 =	sne.s32 s13, $0x1;
	v58 =	vmax.f32 v5, v51;
	v26 =	vadd.f32 v63, v28;
	v22 =	vadd.f32 v17, v22  }
.Ltmp9:
0x257: {  	v5 =	vmax.f32 v58, v62;
	v17 =	vadd.f32 v3, v0;
	v3 =	vadd.f32 v35, v15;
	(pc) =	sbr.rel @p1 .LBB2_11-.Ltmp9, $4  }
0x258: {  	v19 =	vmax.f32 v20, v1;
	v26 =	vadd.f32 v39, v26;
	v0 =	vadd.f32 v51, v57  }
0x259: {  	v32 =	vmul.f32 v46, v46;
	v59 =	vadd.f32 v59, v22;
	v3 =	vadd.f32 v54, v3  }
0x25a: {  	v60 =	vmax.f32 v60, v46;
	v28 =	vld [tilespmem:s5+$0xD0];
	v50 =	vadd.f32 v50, v4;
	v7 =	vadd.f32 v62, v0  }
0x25b: {  	s13 =	sadd.s32 $0xFFFFFFFF, s13;
	v49 =	vmax.f32 v60, v34;
	s5 =	sadd.s32 $0x200, s5;
	v35 =	vmovc v6;
	v6 =	vld [tilespmem:$0x1FFD0];
	v20 =	vadd.f32 v61, v59;
	v15 =	vadd.f32 v52, v3  }
.LBB2_12:
0x25c: {  	v2 =	vadd.f32 v45, v50;
	v3 =	vadd.f32 v38, v21;
	v4 =	vmax.f32 v19, v38  }
0x25d: {  	v21 =	vmax.f32 v49, v29;
	v61 =	vadd.f32 v32, v48;
	v0 =	vadd.f32 v47, v10  }
0x25e: {  	v62 =	vmax.f32 v25, v39;
	v10 =	vadd.f32 v42, v12;
	v32 =	vadd.f32 v43, v20  }
0x25f: {  	v4 =	vmax.f32 v4, v30;
	v12 =	vadd.f32 v40, v26;
	v3 =	vadd.f32 v30, v3  }
0x260: {  	v63 =	vmax.f32 v62, v40;
	v19 =	vmax.f32 v4, v33;
	v0 =	vadd.f32 v44, v0  }
0x261: {  	v1 =	vmax.f32 v6, v47;
	v20 =	vadd.f32 v33, v3;
	v3 =	vmul.f32 v28, v28  }
0x262: {  	v4 =	vmax.f32 v24, v37;
	v10 =	vadd.f32 v46, v10;
	v1 =	vmax.f32 v1, v44  }
0x263: {  	v0 =	vadd.f32 v36, v0;
	v1 =	vmax.f32 v1, v36;
	v26 =	vadd.f32 v3, v2  }
0x264: {  	v3 =	vadd.f32 v34, v10;
	v6 =	vmax.f32 v1, v28;
	v1 =	vadd.f32 v35, v61  }
0x265: {  	v22 =	vmax.f32 v63, v27;
	v25 =	vadd.f32 v27, v12;
	v10 =	vadd.f32 v28, v0  }
0x266: {  	v24 =	vmax.f32 v4, v31;
	v12 =	vadd.f32 v29, v3;
	v28 =	vadd.f32 v41, v1  }
.LBB2_13:
0x267: {  	s2 =	sand.u32 $0xFFFFFFFC, s2  }
0x268: {  	s2 =	sadd.s32 s29, s2  }
0x269: {  	p1 =	sge.s32 s2, s26  }
.Ltmp10:
0x26a: {  	_ = 	snop;
	(pc) =	sbr.rel @p1 .LBB2_8-.Ltmp10, $1  }
0x26b: {  	_ =	sdelay $0x3  }
0x26c: {  	s0 =	sand.u32 $0x7FFFFC, s0  }
0x26d: {  	s0 =	sadd.s32 s0, s28  }
0x26e: {  	s0 =	ssub.s32 s0, s30  }
0x26f: {  	s0 =	sshll.u32 s0, $0x9  }
0x270: {  	s0 =	sadd.s32 s0, s31  }
0x271: {  	s0 =	sshra.s32 s0, $0x2  }
0x272: {  	s5 =	sadd.s32 $0x2C0, s0  }
0x273: {  	v0 =	vld [tilespmem:s5+$0x30]  }
0x274: {  	v1 =	vld [tilespmem:s5+$0xFFFFFFD0]  }
0x275: {  	v2 =	vld [tilespmem:s5+$0xFFFFFFE0]  }
0x276: {  	v3 =	vld [tilespmem:s5+$0xFFFFFFF0]  }
0x277: {  	v29 =	vld [tilespmem:s5+$0x0]  }
0x278: {  	s0 =	sadd.s32 $0x1, s2;
	v27 =	vld [tilespmem:s5+$0x10]  }
0x279: {  	p1 =	slt.s32 s0, s26;
	v30 =	vld [tilespmem:s5+$0x20];
	v7 =	vadd.f32 v0, v7;
	v4 =	vmul.f32 v0, v0;
	v5 =	vmax.f32 v5, v0  }
.Ltmp11:
0x27a: {  	v31 =	vld [tilespmem:s5+$0xFFFFFFC0];
	v14 =	vadd.f32 v1, v14;
	v61 =	vmul.f32 v1, v1;
	v13 =	vmax.f32 v13, v1;
	(pc) =	sbr.rel @!p1 .LBB2_16-.Ltmp11, $4  }
0x27b: {  	v12 =	vadd.f32 v2, v12;
	v62 =	vmul.f32 v2, v2;
	v21 =	vmax.f32 v21, v2  }
0x27c: {  	v63 =	vmul.f32 v3, v3;
	v11 =	vadd.f32 v3, v11;
	v34 =	vmul.f32 v29, v29  }
0x27d: {  	v9 =	vmax.f32 v9, v3;
	v15 =	vadd.f32 v4, v15;
	v23 =	vadd.f32 v61, v23  }
0x27e: {  	s2 =	sadd.s32 $0x80, s5;
	v33 =	vmul.f32 v27, v27;
	v28 =	vadd.f32 v62, v28;
	v18 =	vadd.f32 v63, v18  }
.LBB2_15:
0x27f: {  	v0 =	vld [tilespmem:s2+$0x30];
	s0 =	sadd.s32 $0x1, s0;
	v20 =	vadd.f32 v29, v20;
	v17 =	vadd.f32 v34, v17;
	v1 =	vmul.f32 v30, v30  }
0x280: {  	v25 =	vadd.f32 v31, v25;
	v3 =	vmul.f32 v31, v31;
	v26 =	vadd.f32 v33, v26;
	v2 =	vld [tilespmem:s2+$0xFFFFFFD0];
	p1 =	slt.s32 s0, s26  }
0x281: {  	v22 =	vmax.f32 v22, v31;
	v19 =	vmax.f32 v19, v29;
	v4 =	vld [tilespmem:s2+$0xFFFFFFE0];
	v16 =	vadd.f32 v1, v16  }
0x282: {  	v10 =	vadd.f32 v27, v10;
	v6 =	vmax.f32 v6, v27;
	v32 =	vadd.f32 v3, v32;
	v1 =	vld [tilespmem:s2+$0xFFFFFFF0]  }
0x283: {  	v8 =	vadd.f32 v30, v8;
	v24 =	vmax.f32 v24, v30;
	v29 =	vld [tilespmem:s2+$0x0]  }
0x284: {  	v27 =	vld [tilespmem:s2+$0x10];
	v7 =	vadd.f32 v0, v7;
	v3 =	vmul.f32 v0, v0;
	v5 =	vmax.f32 v5, v0  }
.Ltmp12:
0x285: {  	v14 =	vadd.f32 v2, v14;
	v0 =	vmul.f32 v2, v2;
	v13 =	vmax.f32 v13, v2;
	v30 =	vld [tilespmem:s2+$0x20];
	(pc) =	sbr.rel @p1 .LBB2_15-.Ltmp12, $4  }
0x286: {  	v31 =	vld [tilespmem:s2+$0xFFFFFFC0];
	v12 =	vadd.f32 v4, v12;
	v2 =	vmul.f32 v4, v4;
	v15 =	vadd.f32 v3, v15  }
0x287: {  	v21 =	vmax.f32 v21, v4;
	v23 =	vadd.f32 v0, v23;
	v0 =	vmul.f32 v1, v1  }
0x288: {  	v11 =	vadd.f32 v1, v11;
	v28 =	vadd.f32 v2, v28;
	v34 =	vmul.f32 v29, v29  }
0x289: {  	s2 =	sadd.s32 $0x80, s2;
	v9 =	vmax.f32 v9, v1;
	v18 =	vadd.f32 v0, v18;
	v33 =	vmul.f32 v27, v27  }
.Ltmp13:
0x28a: {  	_ = 	snop;
	(pc) =	sbr.rel .LBB2_16-.Ltmp13, $1  }
0x28b: {  	_ =	sdelay $0x3  }
.LBB2_6:
0x28c: {  	_ =	sfence.sel $0x180000  }
0x28d: {  	[bflag:$0x0] =	sbarrier.arrive $0xFFFF  }
0x28e: {  	_ =	strace $0x90000047  }
0x28f: {  	s0 =	stileid.u32;
	[bflag:$0x2] =	sbarrier.arrive $0xFFFF  }
0x290: {  	p0 =	sne.s32 s0, $0x0;
	s0 =	rddreg [dreg:$0x3]  }
0x291: {  	s0 =	sadd.s32 @!p0 $0x100000, s0  }
0x292: {  	[sflag:s0] =	ssyncadd.tile.s32 @!p0 $0x1;
	_ =	shalt  }
.Lfunc_end2:
_tile_overlayer_lowered:
.L_overlay_start_2:
0x293: {  	(tag) =	ssettag $0x2  }
0x294: {  	s0 =	rddreg [dreg:$0x0];
	s2 =	stileid.u32  }
0x295: {  	s1 =	rddreg [dreg:$0x1];
	p0 =	sne.s32 s2, $0x0  }
0x296: {  	s3 =	rddreg [dreg:$0x2];
	[bflag:$0x3] =	sbarrier.arrive $0xFFFF;
	s2 =	simm.s32 @!p0 $0x1C03  }
0x297: {  	[timem:s3], [sflag:s2] =	dma.local @!p0 [hbm:s0], s1  }
0x298: {  	s0 =	simm.s32 @!p0 $0x3  }
0x299: {  	_ =	swait.ge @!p0 [sflag:s0], s1  }
0x29a: {  	s1 =	ssub.s32 @!p0 $0x0, s1;
	[sflag:s0] =	ssyncset.done @!p0 $0x0  }
0x29b: {  	[sflag:s0] =	ssyncadd.s32 @!p0 s1  }
0x29c: {  	[bflag:$0x3] =	sbarrier.arrive $0xFFFF  }
0x29d: {  	_ =	shalt  }

</sc_bundles>
